<compile_context>
chip_gen: v7x
topology: tpu7x:2x2x1
jax: 0.10.2.dev20260603
libtpu: 0.0.44.dev20260713+nightly
codegen_flags: <defaults>
</compile_context>

<pallas_src>
import functools

import jax
import jax.numpy as jnp
from jax import lax
from jax.experimental import pallas as pl
from jax.experimental.pallas import tpu as pltpu
from jax.experimental.pallas import tpu_sc as plsc

N = 10000
D = 128
E = 320000

NC = 2
NS = 16
NW = NC * NS

CHUNK = 128
NCHUNK = 79
SB = 40
E_TILE = NCHUNK * CHUNK
E_PAD = NW * E_TILE
N_PAD = 10240
ROWS_TILE = N_PAD // NS
ROW_CHUNKS = [(i * CHUNK, CHUNK) for i in range(ROWS_TILE // CHUNK)]

_mesh = plsc.VectorSubcoreMesh(core_axis_name="c", subcore_axis_name="s")


@functools.partial(
    pl.kernel,
    out_type=jax.ShapeDtypeStruct((NC, N_PAD, D), jnp.float32),
    scratch_types=[
        pltpu.VMEM((SB, CHUNK), jnp.int32),
        pltpu.VMEM((SB, CHUNK), jnp.int32),
        pltpu.VMEM((CHUNK, D), jnp.float32),
        pltpu.VMEM((CHUNK, D), jnp.float32),
        pltpu.VMEM_SHARED((N_PAD, D), jnp.float32),
        pltpu.SemaphoreType.DMA,
        pltpu.SemaphoreType.DMA,
    ],
    mesh=_mesh,
)
def _prop_kernel(y_hbm, src_hbm, dst_hbm, out_hbm,
                 src_v, dst_v, rows_a, rows_b, acc_sh, sem_a, sem_b):
    c = lax.axis_index("c")
    s = lax.axis_index("s")
    wid = c * NS + s
    base_row = s * ROWS_TILE

    def fill_zero(i, carry):
        for j in range(D // 16):
            rows_a[i, pl.ds(j * 16, 16)] = jnp.zeros((16,), jnp.float32)
        return carry

    lax.fori_loop(0, CHUNK, fill_zero, 0)
    for off, sz in ROW_CHUNKS:
        pltpu.sync_copy(rows_a.at[pl.ds(0, sz)],
                        acc_sh.at[pl.ds(base_row + off, sz)])

    plsc.subcore_barrier()

    for sb_base, n_sb in ((0, SB), (SB, NCHUNK - SB)):
        pltpu.sync_copy(src_hbm.at[wid, pl.ds(sb_base, n_sb)],
                        src_v.at[pl.ds(0, n_sb)])
        pltpu.sync_copy(dst_hbm.at[wid, pl.ds(sb_base, n_sb)],
                        dst_v.at[pl.ds(0, n_sb)])
        pltpu.async_copy(y_hbm.at[src_v.at[0]], rows_a, sem_a)

        def body(j, carry):
            @pl.when(j % 2 == 0)
            def _():
                pltpu.async_copy(y_hbm.at[src_v.at[j + 1]], rows_b, sem_b)
                pltpu.make_async_copy(y_hbm.at[src_v.at[j]],
                                      rows_a, sem_a).wait()
                pltpu.sync_copy(rows_a, acc_sh.at[dst_v.at[j]], add=True)

            @pl.when(j % 2 == 1)
            def _():
                pltpu.async_copy(y_hbm.at[src_v.at[j + 1]], rows_a, sem_a)
                pltpu.make_async_copy(y_hbm.at[src_v.at[j]],
                                      rows_b, sem_b).wait()
                pltpu.sync_copy(rows_b, acc_sh.at[dst_v.at[j]], add=True)

            return carry

        lax.fori_loop(0, n_sb - 1, body, 0)
        last = n_sb - 1
        buf, sem = (rows_a, sem_a) if last % 2 == 0 else (rows_b, sem_b)
        pltpu.make_async_copy(y_hbm.at[src_v.at[last]], buf, sem).wait()
        pltpu.sync_copy(buf, acc_sh.at[dst_v.at[last]], add=True)

    plsc.subcore_barrier()

    for off, sz in ROW_CHUNKS:
        pltpu.sync_copy(acc_sh.at[pl.ds(base_row + off, sz)],
                        rows_a.at[pl.ds(0, sz)])
        pltpu.sync_copy(rows_a.at[pl.ds(0, sz)],
                        out_hbm.at[c, pl.ds(base_row + off, sz)])


R = 2560
GRID = N_PAD // R


def _dinv_block(parts_ref):
    deg = parts_ref[0, :, 0:1] + parts_ref[1, :, 0:1] + 1.0
    return lax.rsqrt(deg)


def _mm_first_body(parts_ref, x_ref, w_ref, y_ref):
    dinv = _dinv_block(parts_ref)
    y_ref[...] = dinv * jnp.dot(x_ref[...], w_ref[...],
                                preferred_element_type=jnp.float32)


def _mm_mid_body(parts_ref, p0_ref, p1_ref, y_ref, w_ref, b_ref, y2_ref):
    dinv = _dinv_block(parts_ref)
    pre = dinv * (p0_ref[...] + p1_ref[...] + y_ref[...]) + b_ref[...]
    h = jnp.maximum(pre, 0.0)
    y2_ref[...] = dinv * jnp.dot(h, w_ref[...],
                                 preferred_element_type=jnp.float32)


def _final_body(parts_ref, q0_ref, q1_ref, y2_ref, b_ref, out_ref):
    dinv = _dinv_block(parts_ref)
    out_ref[...] = dinv * (q0_ref[...] + q1_ref[...] + y2_ref[...]) + b_ref[...]


_parts_spec = pl.BlockSpec((NC, R, D), lambda i: (0, i, 0))
_row_spec = pl.BlockSpec((R, D), lambda i: (i, 0))
_w_spec = pl.BlockSpec((D, D), lambda i: (0, 0))
_b_spec = pl.BlockSpec((1, D), lambda i: (0, 0))
_row_out = jax.ShapeDtypeStruct((N_PAD, D), jnp.float32)

_mm_first = pl.pallas_call(
    _mm_first_body, grid=(GRID,),
    in_specs=[_parts_spec, _row_spec, _w_spec],
    out_specs=_row_spec, out_shape=_row_out)

_mm_mid = pl.pallas_call(
    _mm_mid_body, grid=(GRID,),
    in_specs=[_parts_spec, _row_spec, _row_spec, _row_spec, _w_spec, _b_spec],
    out_specs=_row_spec, out_shape=_row_out)

_final = pl.pallas_call(
    _final_body, grid=(GRID,),
    in_specs=[_parts_spec, _row_spec, _row_spec, _row_spec, _b_spec],
    out_specs=_row_spec, out_shape=_row_out)


def kernel(x, edge_index, W1, b1, W2, b2):
    src = edge_index[0].astype(jnp.int32)
    dst = edge_index[1].astype(jnp.int32)
    pad = jnp.full((E_PAD - E,), N, jnp.int32)
    src_p = jnp.concatenate([src, pad]).reshape(NW, NCHUNK, CHUNK)
    dst_p = jnp.concatenate([dst, pad]).reshape(NW, NCHUNK, CHUNK)
    x_p = jnp.pad(x, ((0, N_PAD - N), (0, 0)))
    b1r = b1.reshape(1, D)
    b2r = b2.reshape(1, D)

    ones_y = jnp.concatenate(
        [jnp.ones((N, D), jnp.float32), jnp.zeros((N_PAD - N, D), jnp.float32)])
    parts = _prop_kernel(ones_y, src_p, dst_p)
    y1 = _mm_first(parts, x_p, W1)
    p = _prop_kernel(y1, src_p, dst_p)
    y2 = _mm_mid(parts, p[0], p[1], y1, W2, b1r)
    q = _prop_kernel(y2, src_p, dst_p)
    out = _final(parts, q[0], q[1], y2, b2r)
    return out[:N]

# --- scband reference (transcript-rebuilt; emitter-appended) ---
"""Pipeline reference for scband-gcn-43611097924207 (READ-ONLY COPY).

The authoritative reference and input builder live on the scoring server;
editing this copy changes nothing except your own understanding.
"""

import jax, jax.numpy as jnp
import numpy as np

N_NODES = 10000
D_IN = 128
D_HID = 128
D_OUT = 128
N_EDGES = 320000


def gcn_conv(x, edge_index, W, b):
    num_nodes = x.shape[0]
    src = edge_index[0]
    dst = edge_index[1]
    # add self-loops (GCNConv default)
    loop = jnp.arange(num_nodes, dtype=edge_index.dtype)
    src = jnp.concatenate([src, loop])
    dst = jnp.concatenate([dst, loop])
    ew = jnp.ones(src.shape[0], dtype=x.dtype)
    # symmetric normalization: D^{-1/2} (A+I) D^{-1/2}
    deg = jnp.zeros((num_nodes,), dtype=x.dtype).at[dst].add(ew)
    deg_inv_sqrt = jnp.where(deg > 0, 1.0 / jnp.sqrt(deg), 0.0)
    norm = deg_inv_sqrt[src] * ew * deg_inv_sqrt[dst]
    # linear transform then propagate
    xw = x @ W
    msg = xw[src] * norm[:, None]
    out = jnp.zeros((num_nodes, W.shape[1]), dtype=x.dtype).at[dst].add(msg)
    return out + b


def setup_inputs(seed: int = 0) -> dict:
    key = jax.random.key(seed)
    k_x, k_e, k_w1, k_b1, k_w2, k_b2 = jax.random.split(key, 6)
    x = jax.random.normal(k_x, (N_NODES, D_IN), dtype=jnp.float32)
    edge_index = jax.random.randint(k_e, (2, N_EDGES), 0, N_NODES, dtype=jnp.int64) if jax.config.jax_enable_x64 else jax.random.randint(k_e, (2, N_EDGES), 0, N_NODES, dtype=jnp.int32)
    # glorot init like GCNConv
    s1 = float(np.sqrt(6.0 / (D_IN + D_HID)))
    s2 = float(np.sqrt(6.0 / (D_HID + D_OUT)))
    W1 = jax.random.uniform(k_w1, (D_IN, D_HID), dtype=jnp.float32, minval=-s1, maxval=s1)
    b1 = jnp.zeros((D_HID,), dtype=jnp.float32)
    W2 = jax.random.uniform(k_w2, (D_HID, D_OUT), dtype=jnp.float32, minval=-s2, maxval=s2)
    b2 = jnp.zeros((D_OUT,), dtype=jnp.float32)
    return {"x": x, "edge_index": edge_index, "W1": W1, "b1": b1, "W2": W2, "b2": b2}


def reference(x, edge_index, W1, b1, W2, b2):
    h = gcn_conv(x, edge_index, W1, b1)
    h = jax.nn.relu(h)
    out = gcn_conv(h, edge_index, W2, b2)
    return out

if __name__ == "__main__":
    import jax
    _d = setup_inputs()
    print(jax.jit(kernel)(*tuple(_d.values())))

</pallas_src>

<mosaic_0001>
#map = affine_map<(d0, d1) -> (0, 0)>
#map1 = affine_map<(d0, d1) -> (0, 0, 0)>
module attributes {stable_mosaic.version = 14 : i64} {
  func.func @_prop_kernel(%arg0: i32, %arg1: i32, %arg2: memref<10240x128xf32, #tpu.memory_space<hbm>>, %arg3: memref<32x79x128xi32, #tpu.memory_space<hbm>>, %arg4: memref<32x79x128xi32, #tpu.memory_space<hbm>>, %arg5: memref<2x10240x128xf32, #tpu.memory_space<hbm>>, %arg6: memref<40x128xi32, #tpu.memory_space<vmem>>, %arg7: memref<40x128xi32, #tpu.memory_space<vmem>>, %arg8: memref<128x128xf32, #tpu.memory_space<vmem>>, %arg9: memref<128x128xf32, #tpu.memory_space<vmem>>, %arg10: memref<10240x128xf32, #tpu.memory_space<vmem_shared>>, %arg11: memref<!tpu.dma_semaphore, #tpu.memory_space<semaphore_mem>>, %arg12: memref<!tpu.dma_semaphore, #tpu.memory_space<semaphore_mem>>) attributes {dimension_semantics = [#tpu.dimension_semantics<core_parallel>, #tpu.dimension_semantics<subcore_parallel>], iteration_bounds = array<i64: 2, 16>, scalar_prefetch = 0 : i64, scratch_operands = 7 : i64, tpu.core_type = #tpu.core_type<sc_vector_subcore>, window_params = [{transform_indices = #map}, {transform_indices = #map1}, {transform_indices = #map1}, {transform_indices = #map1}]} {
    %mul3A = arith.constant 16 : i32
    %mul3A_0 = arith.muli %arg0, %mul3A : i32
    %add3A = arith.addi %mul3A_0, %arg1 : i32
    %mul3A_1 = arith.constant 640 : i32
    %mul3A_2 = arith.muli %arg1, %mul3A_1 : i32
    %scan3A = arith.constant 0 : i32
    %scan3A_3 = arith.constant 0 : i32
    %scan3A_4 = arith.constant 128 : i32
    %scan3A_5 = arith.addi %scan3A_3, %scan3A_4 : i32
    %scan3A_6 = arith.constant 1 : i32
    scf.for %scan3A_78 = %scan3A_3 to %scan3A_5 step %scan3A_6  : i32 {
      %broadcast_in_dim3A = arith.constant 0.000000e+00 : f32
      %broadcast_in_dim3A_79 = vector.broadcast %broadcast_in_dim3A : f32 to vector<16xf32>
      %swap3A = arith.index_cast %scan3A_78 : i32 to index
      %swap3A_80 = arith.constant 0 : index
      %swap3A_81 = tpu.vector_load %arg8[%swap3A, %swap3A_80] {strides = array<i32>} : memref<128x128xf32, #tpu.memory_space<vmem>>, vector<1x16xf32>,
      %swap3A_82 = vector.shape_cast %swap3A_81 : vector<1x16xf32> to vector<16xf32>
      %swap3A_83 = vector.shape_cast %broadcast_in_dim3A_79 : vector<16xf32> to vector<1x16xf32>
      tpu.vector_store %arg8[%swap3A, %swap3A_80], %swap3A_83 {strides = array<i32>} : memref<128x128xf32, #tpu.memory_space<vmem>>, vector<1x16xf32>,
      %broadcast_in_dim3A_84 = arith.constant 0.000000e+00 : f32
      %broadcast_in_dim3A_85 = vector.broadcast %broadcast_in_dim3A_84 : f32 to vector<16xf32>
      %swap3A_86 = arith.index_cast %scan3A_78 : i32 to index
      %swap3A_87 = arith.constant 16 : index
      %swap3A_88 = tpu.vector_load %arg8[%swap3A_86, %swap3A_87] {strides = array<i32>} : memref<128x128xf32, #tpu.memory_space<vmem>>, vector<1x16xf32>,
      %swap3A_89 = vector.shape_cast %swap3A_88 : vector<1x16xf32> to vector<16xf32>
      %swap3A_90 = vector.shape_cast %broadcast_in_dim3A_85 : vector<16xf32> to vector<1x16xf32>
      tpu.vector_store %arg8[%swap3A_86, %swap3A_87], %swap3A_90 {strides = array<i32>} : memref<128x128xf32, #tpu.memory_space<vmem>>, vector<1x16xf32>,
      %broadcast_in_dim3A_91 = arith.constant 0.000000e+00 : f32
      %broadcast_in_dim3A_92 = vector.broadcast %broadcast_in_dim3A_91 : f32 to vector<16xf32>
      %swap3A_93 = arith.index_cast %scan3A_78 : i32 to index
      %swap3A_94 = arith.constant 32 : index
      %swap3A_95 = tpu.vector_load %arg8[%swap3A_93, %swap3A_94] {strides = array<i32>} : memref<128x128xf32, #tpu.memory_space<vmem>>, vector<1x16xf32>,
      %swap3A_96 = vector.shape_cast %swap3A_95 : vector<1x16xf32> to vector<16xf32>
      %swap3A_97 = vector.shape_cast %broadcast_in_dim3A_92 : vector<16xf32> to vector<1x16xf32>
      tpu.vector_store %arg8[%swap3A_93, %swap3A_94], %swap3A_97 {strides = array<i32>} : memref<128x128xf32, #tpu.memory_space<vmem>>, vector<1x16xf32>,
      %broadcast_in_dim3A_98 = arith.constant 0.000000e+00 : f32
      %broadcast_in_dim3A_99 = vector.broadcast %broadcast_in_dim3A_98 : f32 to vector<16xf32>
      %swap3A_100 = arith.index_cast %scan3A_78 : i32 to index
      %swap3A_101 = arith.constant 48 : index
      %swap3A_102 = tpu.vector_load %arg8[%swap3A_100, %swap3A_101] {strides = array<i32>} : memref<128x128xf32, #tpu.memory_space<vmem>>, vector<1x16xf32>,
      %swap3A_103 = vector.shape_cast %swap3A_102 : vector<1x16xf32> to vector<16xf32>
      %swap3A_104 = vector.shape_cast %broadcast_in_dim3A_99 : vector<16xf32> to vector<1x16xf32>
      tpu.vector_store %arg8[%swap3A_100, %swap3A_101], %swap3A_104 {strides = array<i32>} : memref<128x128xf32, #tpu.memory_space<vmem>>, vector<1x16xf32>,
      %broadcast_in_dim3A_105 = arith.constant 0.000000e+00 : f32
      %broadcast_in_dim3A_106 = vector.broadcast %broadcast_in_dim3A_105 : f32 to vector<16xf32>
      %swap3A_107 = arith.index_cast %scan3A_78 : i32 to index
      %swap3A_108 = arith.constant 64 : index
      %swap3A_109 = tpu.vector_load %arg8[%swap3A_107, %swap3A_108] {strides = array<i32>} : memref<128x128xf32, #tpu.memory_space<vmem>>, vector<1x16xf32>,
      %swap3A_110 = vector.shape_cast %swap3A_109 : vector<1x16xf32> to vector<16xf32>
      %swap3A_111 = vector.shape_cast %broadcast_in_dim3A_106 : vector<16xf32> to vector<1x16xf32>
      tpu.vector_store %arg8[%swap3A_107, %swap3A_108], %swap3A_111 {strides = array<i32>} : memref<128x128xf32, #tpu.memory_space<vmem>>, vector<1x16xf32>,
      %broadcast_in_dim3A_112 = arith.constant 0.000000e+00 : f32
      %broadcast_in_dim3A_113 = vector.broadcast %broadcast_in_dim3A_112 : f32 to vector<16xf32>
      %swap3A_114 = arith.index_cast %scan3A_78 : i32 to index
      %swap3A_115 = arith.constant 80 : index
      %swap3A_116 = tpu.vector_load %arg8[%swap3A_114, %swap3A_115] {strides = array<i32>} : memref<128x128xf32, #tpu.memory_space<vmem>>, vector<1x16xf32>,
      %swap3A_117 = vector.shape_cast %swap3A_116 : vector<1x16xf32> to vector<16xf32>
      %swap3A_118 = vector.shape_cast %broadcast_in_dim3A_113 : vector<16xf32> to vector<1x16xf32>
      tpu.vector_store %arg8[%swap3A_114, %swap3A_115], %swap3A_118 {strides = array<i32>} : memref<128x128xf32, #tpu.memory_space<vmem>>, vector<1x16xf32>,
      %broadcast_in_dim3A_119 = arith.constant 0.000000e+00 : f32
      %broadcast_in_dim3A_120 = vector.broadcast %broadcast_in_dim3A_119 : f32 to vector<16xf32>
      %swap3A_121 = arith.index_cast %scan3A_78 : i32 to index
      %swap3A_122 = arith.constant 96 : index
      %swap3A_123 = tpu.vector_load %arg8[%swap3A_121, %swap3A_122] {strides = array<i32>} : memref<128x128xf32, #tpu.memory_space<vmem>>, vector<1x16xf32>,
      %swap3A_124 = vector.shape_cast %swap3A_123 : vector<1x16xf32> to vector<16xf32>
      %swap3A_125 = vector.shape_cast %broadcast_in_dim3A_120 : vector<16xf32> to vector<1x16xf32>
      tpu.vector_store %arg8[%swap3A_121, %swap3A_122], %swap3A_125 {strides = array<i32>} : memref<128x128xf32, #tpu.memory_space<vmem>>, vector<1x16xf32>,
      %broadcast_in_dim3A_126 = arith.constant 0.000000e+00 : f32
      %broadcast_in_dim3A_127 = vector.broadcast %broadcast_in_dim3A_126 : f32 to vector<16xf32>
      %swap3A_128 = arith.index_cast %scan3A_78 : i32 to index
      %swap3A_129 = arith.constant 112 : index
      %swap3A_130 = tpu.vector_load %arg8[%swap3A_128, %swap3A_129] {strides = array<i32>} : memref<128x128xf32, #tpu.memory_space<vmem>>, vector<1x16xf32>,
      %swap3A_131 = vector.shape_cast %swap3A_130 : vector<1x16xf32> to vector<16xf32>
      %swap3A_132 = vector.shape_cast %broadcast_in_dim3A_127 : vector<16xf32> to vector<1x16xf32>
      tpu.vector_store %arg8[%swap3A_128, %swap3A_129], %swap3A_132 {strides = array<i32>} : memref<128x128xf32, #tpu.memory_space<vmem>>, vector<1x16xf32>,
    }
    %scan3A_7 = arith.constant 128 : i32
    %add3A_8 = arith.constant 0 : i32
    %add3A_9 = arith.addi %mul3A_2, %add3A_8 : i32
    "tpu.region"() ({
      %run_scoped3A_78 = tpu.sem_alloc : memref<!tpu.dma_semaphore, #tpu.memory_space<semaphore_mem>>
      %dma_start3A_79 = arith.constant 0 : i32
      %dma_start3A_80 = arith.constant 0 : i32
      %dma_start3A_81 = tpu.memref_slice %arg8[%dma_start3A_79, %dma_start3A_80] : memref<128x128xf32, #tpu.memory_space<vmem>> -> memref<128x128xf32, #tpu.memory_space<vmem>>
      %dma_start3A_82 = arith.constant 0 : i32
      %dma_start3A_83 = tpu.memref_slice %arg10[%add3A_9, %dma_start3A_82] : memref<10240x128xf32, #tpu.memory_space<vmem_shared>> -> memref<128x128xf32, #tpu.memory_space<vmem_shared>>
      %dma_start3A_84 = arith.constant 0 : i32
      %dma_start3A_85 = tpu.memref_slice %arg10[%add3A_9, %dma_start3A_84] : memref<10240x128xf32, #tpu.memory_space<vmem_shared>> -> memref<128x128xf32, #tpu.memory_space<vmem_shared>>
      %dma_start3A_86 = arith.constant 0 : i32
      %dma_start3A_87 = arith.constant 0 : i32
      %dma_start3A_88 = tpu.memref_slice %arg8[%dma_start3A_86, %dma_start3A_87] : memref<128x128xf32, #tpu.memory_space<vmem>> -> memref<128x128xf32, #tpu.memory_space<vmem>>
      tpu.enqueue_dma source(%dma_start3A_88 : memref<128x128xf32, #tpu.memory_space<vmem>>) target(%dma_start3A_85 : memref<128x128xf32, #tpu.memory_space<vmem_shared>>) target_semaphore(%run_scoped3A_78 : memref<!tpu.dma_semaphore, #tpu.memory_space<semaphore_mem>>)
      %dma_wait3A_89 = arith.constant 0 : i32
      %dma_wait3A_90 = arith.constant 0 : i32
      %dma_wait3A_91 = tpu.memref_slice %arg8[%dma_wait3A_89, %dma_wait3A_90] : memref<128x128xf32, #tpu.memory_space<vmem>> -> memref<128x128xf32, #tpu.memory_space<vmem>>
      %dma_wait3A_92 = arith.constant 0 : i32
      %dma_wait3A_93 = tpu.memref_slice %arg10[%add3A_9, %dma_wait3A_92] : memref<10240x128xf32, #tpu.memory_space<vmem_shared>> -> memref<128x128xf32, #tpu.memory_space<vmem_shared>>
      %dma_wait3A_94 = arith.constant 0 : i32
      %dma_wait3A_95 = tpu.memref_slice %arg10[%add3A_9, %dma_wait3A_94] : memref<10240x128xf32, #tpu.memory_space<vmem_shared>> -> memref<128x128xf32, #tpu.memory_space<vmem_shared>>
      %dma_wait3A_96 = arith.constant 0 : i32
      %dma_wait3A_97 = arith.constant 0 : i32
      %dma_wait3A_98 = tpu.memref_slice %arg8[%dma_wait3A_96, %dma_wait3A_97] : memref<128x128xf32, #tpu.memory_space<vmem>> -> memref<128x128xf32, #tpu.memory_space<vmem>>
      tpu.wait_dma2 semaphore(%run_scoped3A_78 : memref<!tpu.dma_semaphore, #tpu.memory_space<semaphore_mem>>) src(%dma_wait3A_98 : memref<128x128xf32, #tpu.memory_space<vmem>>) dst(%dma_wait3A_95 : memref<128x128xf32, #tpu.memory_space<vmem_shared>>)
      tpu.yield
    }) : () -> ()
    %add3A_10 = arith.constant 128 : i32
    %add3A_11 = arith.addi %mul3A_2, %add3A_10 : i32
    "tpu.region"() ({
      %run_scoped3A_78 = tpu.sem_alloc : memref<!tpu.dma_semaphore, #tpu.memory_space<semaphore_mem>>
      %dma_start3A_79 = arith.constant 0 : i32
      %dma_start3A_80 = arith.constant 0 : i32
      %dma_start3A_81 = tpu.memref_slice %arg8[%dma_start3A_79, %dma_start3A_80] : memref<128x128xf32, #tpu.memory_space<vmem>> -> memref<128x128xf32, #tpu.memory_space<vmem>>
      %dma_start3A_82 = arith.constant 0 : i32
      %dma_start3A_83 = tpu.memref_slice %arg10[%add3A_11, %dma_start3A_82] : memref<10240x128xf32, #tpu.memory_space<vmem_shared>> -> memref<128x128xf32, #tpu.memory_space<vmem_shared>>
      %dma_start3A_84 = arith.constant 0 : i32
      %dma_start3A_85 = tpu.memref_slice %arg10[%add3A_11, %dma_start3A_84] : memref<10240x128xf32, #tpu.memory_space<vmem_shared>> -> memref<128x128xf32, #tpu.memory_space<vmem_shared>>
      %dma_start3A_86 = arith.constant 0 : i32
      %dma_start3A_87 = arith.constant 0 : i32
      %dma_start3A_88 = tpu.memref_slice %arg8[%dma_start3A_86, %dma_start3A_87] : memref<128x128xf32, #tpu.memory_space<vmem>> -> memref<128x128xf32, #tpu.memory_space<vmem>>
      tpu.enqueue_dma source(%dma_start3A_88 : memref<128x128xf32, #tpu.memory_space<vmem>>) target(%dma_start3A_85 : memref<128x128xf32, #tpu.memory_space<vmem_shared>>) target_semaphore(%run_scoped3A_78 : memref<!tpu.dma_semaphore, #tpu.memory_space<semaphore_mem>>)
      %dma_wait3A_89 = arith.constant 0 : i32
      %dma_wait3A_90 = arith.constant 0 : i32
      %dma_wait3A_91 = tpu.memref_slice %arg8[%dma_wait3A_89, %dma_wait3A_90] : memref<128x128xf32, #tpu.memory_space<vmem>> -> memref<128x128xf32, #tpu.memory_space<vmem>>
      %dma_wait3A_92 = arith.constant 0 : i32
      %dma_wait3A_93 = tpu.memref_slice %arg10[%add3A_11, %dma_wait3A_92] : memref<10240x128xf32, #tpu.memory_space<vmem_shared>> -> memref<128x128xf32, #tpu.memory_space<vmem_shared>>
      %dma_wait3A_94 = arith.constant 0 : i32
      %dma_wait3A_95 = tpu.memref_slice %arg10[%add3A_11, %dma_wait3A_94] : memref<10240x128xf32, #tpu.memory_space<vmem_shared>> -> memref<128x128xf32, #tpu.memory_space<vmem_shared>>
      %dma_wait3A_96 = arith.constant 0 : i32
      %dma_wait3A_97 = arith.constant 0 : i32
      %dma_wait3A_98 = tpu.memref_slice %arg8[%dma_wait3A_96, %dma_wait3A_97] : memref<128x128xf32, #tpu.memory_space<vmem>> -> memref<128x128xf32, #tpu.memory_space<vmem>>
      tpu.wait_dma2 semaphore(%run_scoped3A_78 : memref<!tpu.dma_semaphore, #tpu.memory_space<semaphore_mem>>) src(%dma_wait3A_98 : memref<128x128xf32, #tpu.memory_space<vmem>>) dst(%dma_wait3A_95 : memref<128x128xf32, #tpu.memory_space<vmem_shared>>)
      tpu.yield
    }) : () -> ()
    %add3A_12 = arith.constant 256 : i32
    %add3A_13 = arith.addi %mul3A_2, %add3A_12 : i32
    "tpu.region"() ({
      %run_scoped3A_78 = tpu.sem_alloc : memref<!tpu.dma_semaphore, #tpu.memory_space<semaphore_mem>>
      %dma_start3A_79 = arith.constant 0 : i32
      %dma_start3A_80 = arith.constant 0 : i32
      %dma_start3A_81 = tpu.memref_slice %arg8[%dma_start3A_79, %dma_start3A_80] : memref<128x128xf32, #tpu.memory_space<vmem>> -> memref<128x128xf32, #tpu.memory_space<vmem>>
      %dma_start3A_82 = arith.constant 0 : i32
      %dma_start3A_83 = tpu.memref_slice %arg10[%add3A_13, %dma_start3A_82] : memref<10240x128xf32, #tpu.memory_space<vmem_shared>> -> memref<128x128xf32, #tpu.memory_space<vmem_shared>>
      %dma_start3A_84 = arith.constant 0 : i32
      %dma_start3A_85 = tpu.memref_slice %arg10[%add3A_13, %dma_start3A_84] : memref<10240x128xf32, #tpu.memory_space<vmem_shared>> -> memref<128x128xf32, #tpu.memory_space<vmem_shared>>
      %dma_start3A_86 = arith.constant 0 : i32
      %dma_start3A_87 = arith.constant 0 : i32
      %dma_start3A_88 = tpu.memref_slice %arg8[%dma_start3A_86, %dma_start3A_87] : memref<128x128xf32, #tpu.memory_space<vmem>> -> memref<128x128xf32, #tpu.memory_space<vmem>>
      tpu.enqueue_dma source(%dma_start3A_88 : memref<128x128xf32, #tpu.memory_space<vmem>>) target(%dma_start3A_85 : memref<128x128xf32, #tpu.memory_space<vmem_shared>>) target_semaphore(%run_scoped3A_78 : memref<!tpu.dma_semaphore, #tpu.memory_space<semaphore_mem>>)
      %dma_wait3A_89 = arith.constant 0 : i32
      %dma_wait3A_90 = arith.constant 0 : i32
      %dma_wait3A_91 = tpu.memref_slice %arg8[%dma_wait3A_89, %dma_wait3A_90] : memref<128x128xf32, #tpu.memory_space<vmem>> -> memref<128x128xf32, #tpu.memory_space<vmem>>
      %dma_wait3A_92 = arith.constant 0 : i32
      %dma_wait3A_93 = tpu.memref_slice %arg10[%add3A_13, %dma_wait3A_92] : memref<10240x128xf32, #tpu.memory_space<vmem_shared>> -> memref<128x128xf32, #tpu.memory_space<vmem_shared>>
      %dma_wait3A_94 = arith.constant 0 : i32
      %dma_wait3A_95 = tpu.memref_slice %arg10[%add3A_13, %dma_wait3A_94] : memref<10240x128xf32, #tpu.memory_space<vmem_shared>> -> memref<128x128xf32, #tpu.memory_space<vmem_shared>>
      %dma_wait3A_96 = arith.constant 0 : i32
      %dma_wait3A_97 = arith.constant 0 : i32
      %dma_wait3A_98 = tpu.memref_slice %arg8[%dma_wait3A_96, %dma_wait3A_97] : memref<128x128xf32, #tpu.memory_space<vmem>> -> memref<128x128xf32, #tpu.memory_space<vmem>>
      tpu.wait_dma2 semaphore(%run_scoped3A_78 : memref<!tpu.dma_semaphore, #tpu.memory_space<semaphore_mem>>) src(%dma_wait3A_98 : memref<128x128xf32, #tpu.memory_space<vmem>>) dst(%dma_wait3A_95 : memref<128x128xf32, #tpu.memory_space<vmem_shared>>)
      tpu.yield
    }) : () -> ()
    %add3A_14 = arith.constant 384 : i32
    %add3A_15 = arith.addi %mul3A_2, %add3A_14 : i32
    "tpu.region"() ({
      %run_scoped3A_78 = tpu.sem_alloc : memref<!tpu.dma_semaphore, #tpu.memory_space<semaphore_mem>>
      %dma_start3A_79 = arith.constant 0 : i32
      %dma_start3A_80 = arith.constant 0 : i32
      %dma_start3A_81 = tpu.memref_slice %arg8[%dma_start3A_79, %dma_start3A_80] : memref<128x128xf32, #tpu.memory_space<vmem>> -> memref<128x128xf32, #tpu.memory_space<vmem>>
      %dma_start3A_82 = arith.constant 0 : i32
      %dma_start3A_83 = tpu.memref_slice %arg10[%add3A_15, %dma_start3A_82] : memref<10240x128xf32, #tpu.memory_space<vmem_shared>> -> memref<128x128xf32, #tpu.memory_space<vmem_shared>>
      %dma_start3A_84 = arith.constant 0 : i32
      %dma_start3A_85 = tpu.memref_slice %arg10[%add3A_15, %dma_start3A_84] : memref<10240x128xf32, #tpu.memory_space<vmem_shared>> -> memref<128x128xf32, #tpu.memory_space<vmem_shared>>
      %dma_start3A_86 = arith.constant 0 : i32
      %dma_start3A_87 = arith.constant 0 : i32
      %dma_start3A_88 = tpu.memref_slice %arg8[%dma_start3A_86, %dma_start3A_87] : memref<128x128xf32, #tpu.memory_space<vmem>> -> memref<128x128xf32, #tpu.memory_space<vmem>>
      tpu.enqueue_dma source(%dma_start3A_88 : memref<128x128xf32, #tpu.memory_space<vmem>>) target(%dma_start3A_85 : memref<128x128xf32, #tpu.memory_space<vmem_shared>>) target_semaphore(%run_scoped3A_78 : memref<!tpu.dma_semaphore, #tpu.memory_space<semaphore_mem>>)
      %dma_wait3A_89 = arith.constant 0 : i32
      %dma_wait3A_90 = arith.constant 0 : i32
      %dma_wait3A_91 = tpu.memref_slice %arg8[%dma_wait3A_89, %dma_wait3A_90] : memref<128x128xf32, #tpu.memory_space<vmem>> -> memref<128x128xf32, #tpu.memory_space<vmem>>
      %dma_wait3A_92 = arith.constant 0 : i32
      %dma_wait3A_93 = tpu.memref_slice %arg10[%add3A_15, %dma_wait3A_92] : memref<10240x128xf32, #tpu.memory_space<vmem_shared>> -> memref<128x128xf32, #tpu.memory_space<vmem_shared>>
      %dma_wait3A_94 = arith.constant 0 : i32
      %dma_wait3A_95 = tpu.memref_slice %arg10[%add3A_15, %dma_wait3A_94] : memref<10240x128xf32, #tpu.memory_space<vmem_shared>> -> memref<128x128xf32, #tpu.memory_space<vmem_shared>>
      %dma_wait3A_96 = arith.constant 0 : i32
      %dma_wait3A_97 = arith.constant 0 : i32
      %dma_wait3A_98 = tpu.memref_slice %arg8[%dma_wait3A_96, %dma_wait3A_97] : memref<128x128xf32, #tpu.memory_space<vmem>> -> memref<128x128xf32, #tpu.memory_space<vmem>>
      tpu.wait_dma2 semaphore(%run_scoped3A_78 : memref<!tpu.dma_semaphore, #tpu.memory_space<semaphore_mem>>) src(%dma_wait3A_98 : memref<128x128xf32, #tpu.memory_space<vmem>>) dst(%dma_wait3A_95 : memref<128x128xf32, #tpu.memory_space<vmem_shared>>)
      tpu.yield
    }) : () -> ()
    %add3A_16 = arith.constant 512 : i32
    %add3A_17 = arith.addi %mul3A_2, %add3A_16 : i32
    "tpu.region"() ({
      %run_scoped3A_78 = tpu.sem_alloc : memref<!tpu.dma_semaphore, #tpu.memory_space<semaphore_mem>>
      %dma_start3A_79 = arith.constant 0 : i32
      %dma_start3A_80 = arith.constant 0 : i32
      %dma_start3A_81 = tpu.memref_slice %arg8[%dma_start3A_79, %dma_start3A_80] : memref<128x128xf32, #tpu.memory_space<vmem>> -> memref<128x128xf32, #tpu.memory_space<vmem>>
      %dma_start3A_82 = arith.constant 0 : i32
      %dma_start3A_83 = tpu.memref_slice %arg10[%add3A_17, %dma_start3A_82] : memref<10240x128xf32, #tpu.memory_space<vmem_shared>> -> memref<128x128xf32, #tpu.memory_space<vmem_shared>>
      %dma_start3A_84 = arith.constant 0 : i32
      %dma_start3A_85 = tpu.memref_slice %arg10[%add3A_17, %dma_start3A_84] : memref<10240x128xf32, #tpu.memory_space<vmem_shared>> -> memref<128x128xf32, #tpu.memory_space<vmem_shared>>
      %dma_start3A_86 = arith.constant 0 : i32
      %dma_start3A_87 = arith.constant 0 : i32
      %dma_start3A_88 = tpu.memref_slice %arg8[%dma_start3A_86, %dma_start3A_87] : memref<128x128xf32, #tpu.memory_space<vmem>> -> memref<128x128xf32, #tpu.memory_space<vmem>>
      tpu.enqueue_dma source(%dma_start3A_88 : memref<128x128xf32, #tpu.memory_space<vmem>>) target(%dma_start3A_85 : memref<128x128xf32, #tpu.memory_space<vmem_shared>>) target_semaphore(%run_scoped3A_78 : memref<!tpu.dma_semaphore, #tpu.memory_space<semaphore_mem>>)
      %dma_wait3A_89 = arith.constant 0 : i32
      %dma_wait3A_90 = arith.constant 0 : i32
      %dma_wait3A_91 = tpu.memref_slice %arg8[%dma_wait3A_89, %dma_wait3A_90] : memref<128x128xf32, #tpu.memory_space<vmem>> -> memref<128x128xf32, #tpu.memory_space<vmem>>
      %dma_wait3A_92 = arith.constant 0 : i32
      %dma_wait3A_93 = tpu.memref_slice %arg10[%add3A_17, %dma_wait3A_92] : memref<10240x128xf32, #tpu.memory_space<vmem_shared>> -> memref<128x128xf32, #tpu.memory_space<vmem_shared>>
      %dma_wait3A_94 = arith.constant 0 : i32
      %dma_wait3A_95 = tpu.memref_slice %arg10[%add3A_17, %dma_wait3A_94] : memref<10240x128xf32, #tpu.memory_space<vmem_shared>> -> memref<128x128xf32, #tpu.memory_space<vmem_shared>>
      %dma_wait3A_96 = arith.constant 0 : i32
      %dma_wait3A_97 = arith.constant 0 : i32
      %dma_wait3A_98 = tpu.memref_slice %arg8[%dma_wait3A_96, %dma_wait3A_97] : memref<128x128xf32, #tpu.memory_space<vmem>> -> memref<128x128xf32, #tpu.memory_space<vmem>>
      tpu.wait_dma2 semaphore(%run_scoped3A_78 : memref<!tpu.dma_semaphore, #tpu.memory_space<semaphore_mem>>) src(%dma_wait3A_98 : memref<128x128xf32, #tpu.memory_space<vmem>>) dst(%dma_wait3A_95 : memref<128x128xf32, #tpu.memory_space<vmem_shared>>)
      tpu.yield
    }) : () -> ()
    %barrier3A = arith.constant 0 : index
    tpu.barrier barrier_id(%barrier3A)
    "tpu.region"() ({
      %run_scoped3A_78 = tpu.sem_alloc : memref<!tpu.dma_semaphore, #tpu.memory_space<semaphore_mem>>
      %dma_start3A_79 = arith.constant 0 : i32
      %dma_start3A_80 = arith.constant 0 : i32
      %dma_start3A_81 = tpu.memref_slice %arg6[%dma_start3A_79, %dma_start3A_80] : memref<40x128xi32, #tpu.memory_space<vmem>> -> memref<40x128xi32, #tpu.memory_space<vmem>>
      %dma_start3A_82 = arith.constant 0 : i32
      %dma_start3A_83 = arith.constant 0 : i32
      %dma_start3A_84 = tpu.memref_slice %arg3[%add3A, %dma_start3A_82, %dma_start3A_83] : memref<32x79x128xi32, #tpu.memory_space<hbm>> -> memref<1x40x128xi32, #tpu.memory_space<hbm>>
      %dma_start3A_85 = tpu.memref_squeeze %dma_start3A_84 : memref<1x40x128xi32, #tpu.memory_space<hbm>> -> memref<40x128xi32, #tpu.memory_space<hbm>>
      %dma_start3A_86 = arith.constant 0 : i32
      %dma_start3A_87 = arith.constant 0 : i32
      %dma_start3A_88 = tpu.memref_slice %arg6[%dma_start3A_86, %dma_start3A_87] : memref<40x128xi32, #tpu.memory_space<vmem>> -> memref<40x128xi32, #tpu.memory_space<vmem>>
      %dma_start3A_89 = arith.constant 0 : i32
      %dma_start3A_90 = arith.constant 0 : i32
      %dma_start3A_91 = tpu.memref_slice %arg3[%add3A, %dma_start3A_89, %dma_start3A_90] : memref<32x79x128xi32, #tpu.memory_space<hbm>> -> memref<1x40x128xi32, #tpu.memory_space<hbm>>
      %dma_start3A_92 = tpu.memref_squeeze %dma_start3A_91 : memref<1x40x128xi32, #tpu.memory_space<hbm>> -> memref<40x128xi32, #tpu.memory_space<hbm>>
      tpu.enqueue_dma source(%dma_start3A_92 : memref<40x128xi32, #tpu.memory_space<hbm>>) target(%dma_start3A_88 : memref<40x128xi32, #tpu.memory_space<vmem>>) target_semaphore(%run_scoped3A_78 : memref<!tpu.dma_semaphore, #tpu.memory_space<semaphore_mem>>)
      %dma_wait3A_93 = arith.constant 0 : i32
      %dma_wait3A_94 = arith.constant 0 : i32
      %dma_wait3A_95 = tpu.memref_slice %arg6[%dma_wait3A_93, %dma_wait3A_94] : memref<40x128xi32, #tpu.memory_space<vmem>> -> memref<40x128xi32, #tpu.memory_space<vmem>>
      %dma_wait3A_96 = arith.constant 0 : i32
      %dma_wait3A_97 = arith.constant 0 : i32
      %dma_wait3A_98 = tpu.memref_slice %arg3[%add3A, %dma_wait3A_96, %dma_wait3A_97] : memref<32x79x128xi32, #tpu.memory_space<hbm>> -> memref<1x40x128xi32, #tpu.memory_space<hbm>>
      %dma_wait3A_99 = tpu.memref_squeeze %dma_wait3A_98 : memref<1x40x128xi32, #tpu.memory_space<hbm>> -> memref<40x128xi32, #tpu.memory_space<hbm>>
      %dma_wait3A_100 = arith.constant 0 : i32
      %dma_wait3A_101 = arith.constant 0 : i32
      %dma_wait3A_102 = tpu.memref_slice %arg6[%dma_wait3A_100, %dma_wait3A_101] : memref<40x128xi32, #tpu.memory_space<vmem>> -> memref<40x128xi32, #tpu.memory_space<vmem>>
      %dma_wait3A_103 = arith.constant 0 : i32
      %dma_wait3A_104 = arith.constant 0 : i32
      %dma_wait3A_105 = tpu.memref_slice %arg3[%add3A, %dma_wait3A_103, %dma_wait3A_104] : memref<32x79x128xi32, #tpu.memory_space<hbm>> -> memref<1x40x128xi32, #tpu.memory_space<hbm>>
      %dma_wait3A_106 = tpu.memref_squeeze %dma_wait3A_105 : memref<1x40x128xi32, #tpu.memory_space<hbm>> -> memref<40x128xi32, #tpu.memory_space<hbm>>
      tpu.wait_dma2 semaphore(%run_scoped3A_78 : memref<!tpu.dma_semaphore, #tpu.memory_space<semaphore_mem>>) src(%dma_wait3A_106 : memref<40x128xi32, #tpu.memory_space<hbm>>) dst(%dma_wait3A_102 : memref<40x128xi32, #tpu.memory_space<vmem>>)
      tpu.yield
    }) : () -> ()
    "tpu.region"() ({
      %run_scoped3A_78 = tpu.sem_alloc : memref<!tpu.dma_semaphore, #tpu.memory_space<semaphore_mem>>
      %dma_start3A_79 = arith.constant 0 : i32
      %dma_start3A_80 = arith.constant 0 : i32
      %dma_start3A_81 = tpu.memref_slice %arg7[%dma_start3A_79, %dma_start3A_80] : memref<40x128xi32, #tpu.memory_space<vmem>> -> memref<40x128xi32, #tpu.memory_space<vmem>>
      %dma_start3A_82 = arith.constant 0 : i32
      %dma_start3A_83 = arith.constant 0 : i32
      %dma_start3A_84 = tpu.memref_slice %arg4[%add3A, %dma_start3A_82, %dma_start3A_83] : memref<32x79x128xi32, #tpu.memory_space<hbm>> -> memref<1x40x128xi32, #tpu.memory_space<hbm>>
      %dma_start3A_85 = tpu.memref_squeeze %dma_start3A_84 : memref<1x40x128xi32, #tpu.memory_space<hbm>> -> memref<40x128xi32, #tpu.memory_space<hbm>>
      %dma_start3A_86 = arith.constant 0 : i32
      %dma_start3A_87 = arith.constant 0 : i32
      %dma_start3A_88 = tpu.memref_slice %arg7[%dma_start3A_86, %dma_start3A_87] : memref<40x128xi32, #tpu.memory_space<vmem>> -> memref<40x128xi32, #tpu.memory_space<vmem>>
      %dma_start3A_89 = arith.constant 0 : i32
      %dma_start3A_90 = arith.constant 0 : i32
      %dma_start3A_91 = tpu.memref_slice %arg4[%add3A, %dma_start3A_89, %dma_start3A_90] : memref<32x79x128xi32, #tpu.memory_space<hbm>> -> memref<1x40x128xi32, #tpu.memory_space<hbm>>
      %dma_start3A_92 = tpu.memref_squeeze %dma_start3A_91 : memref<1x40x128xi32, #tpu.memory_space<hbm>> -> memref<40x128xi32, #tpu.memory_space<hbm>>
      tpu.enqueue_dma source(%dma_start3A_92 : memref<40x128xi32, #tpu.memory_space<hbm>>) target(%dma_start3A_88 : memref<40x128xi32, #tpu.memory_space<vmem>>) target_semaphore(%run_scoped3A_78 : memref<!tpu.dma_semaphore, #tpu.memory_space<semaphore_mem>>)
      %dma_wait3A_93 = arith.constant 0 : i32
      %dma_wait3A_94 = arith.constant 0 : i32
      %dma_wait3A_95 = tpu.memref_slice %arg7[%dma_wait3A_93, %dma_wait3A_94] : memref<40x128xi32, #tpu.memory_space<vmem>> -> memref<40x128xi32, #tpu.memory_space<vmem>>
      %dma_wait3A_96 = arith.constant 0 : i32
      %dma_wait3A_97 = arith.constant 0 : i32
      %dma_wait3A_98 = tpu.memref_slice %arg4[%add3A, %dma_wait3A_96, %dma_wait3A_97] : memref<32x79x128xi32, #tpu.memory_space<hbm>> -> memref<1x40x128xi32, #tpu.memory_space<hbm>>
      %dma_wait3A_99 = tpu.memref_squeeze %dma_wait3A_98 : memref<1x40x128xi32, #tpu.memory_space<hbm>> -> memref<40x128xi32, #tpu.memory_space<hbm>>
      %dma_wait3A_100 = arith.constant 0 : i32
      %dma_wait3A_101 = arith.constant 0 : i32
      %dma_wait3A_102 = tpu.memref_slice %arg7[%dma_wait3A_100, %dma_wait3A_101] : memref<40x128xi32, #tpu.memory_space<vmem>> -> memref<40x128xi32, #tpu.memory_space<vmem>>
      %dma_wait3A_103 = arith.constant 0 : i32
      %dma_wait3A_104 = arith.constant 0 : i32
      %dma_wait3A_105 = tpu.memref_slice %arg4[%add3A, %dma_wait3A_103, %dma_wait3A_104] : memref<32x79x128xi32, #tpu.memory_space<hbm>> -> memref<1x40x128xi32, #tpu.memory_space<hbm>>
      %dma_wait3A_106 = tpu.memref_squeeze %dma_wait3A_105 : memref<1x40x128xi32, #tpu.memory_space<hbm>> -> memref<40x128xi32, #tpu.memory_space<hbm>>
      tpu.wait_dma2 semaphore(%run_scoped3A_78 : memref<!tpu.dma_semaphore, #tpu.memory_space<semaphore_mem>>) src(%dma_wait3A_106 : memref<40x128xi32, #tpu.memory_space<hbm>>) dst(%dma_wait3A_102 : memref<40x128xi32, #tpu.memory_space<vmem>>)
      tpu.yield
    }) : () -> ()
    %dma_start3A = arith.constant 0 : i32
    %dma_start3A_18 = arith.constant 0 : i32
    %dma_start3A_19 = tpu.memref_slice %arg6[%dma_start3A, %dma_start3A_18] : memref<40x128xi32, #tpu.memory_space<vmem>> -> memref<1x128xi32, #tpu.memory_space<vmem>>
    %dma_start3A_20 = tpu.memref_squeeze %dma_start3A_19 : memref<1x128xi32, #tpu.memory_space<vmem>> -> memref<128xi32, #tpu.memory_space<vmem>>
    %dma_start3A_21 = arith.constant 0 : i32
    %dma_start3A_22 = arith.constant 0 : i32
    %dma_start3A_23 = tpu.memref_slice %arg2[%dma_start3A_21, %dma_start3A_22] : memref<10240x128xf32, #tpu.memory_space<hbm>> -> memref<10240x128xf32, #tpu.memory_space<hbm>>
    tpu.enqueue_indirect_dma source(%dma_start3A_23 : memref<10240x128xf32, #tpu.memory_space<hbm>>) target(%arg8 : memref<128x128xf32, #tpu.memory_space<vmem>>) offsets(%dma_start3A_20 : memref<128xi32, #tpu.memory_space<vmem>>) semaphore(%arg11 : memref<!tpu.dma_semaphore, #tpu.memory_space<semaphore_mem>>)
    %scan3A_24 = arith.constant 0 : i32
    %scan3A_25 = arith.constant 0 : i32
    %scan3A_26 = arith.constant 39 : i32
    %scan3A_27 = arith.addi %scan3A_25, %scan3A_26 : i32
    %scan3A_28 = arith.constant 1 : i32
    scf.for %scan3A_78 = %scan3A_25 to %scan3A_27 step %scan3A_28  : i32 {
      %jit3A = arith.constant 2 : i32
      %eq3A = arith.constant 0 : i32
      %eq3A_79 = arith.cmpi eq, %jit3A, %eq3A : i32
      %jit3A_80 = arith.constant 1 : i32
      %select_n3A = arith.select %eq3A_79, %jit3A_80, %jit3A : i32
      %rem3A = arith.remsi %scan3A_78, %select_n3A : i32
      %ne3A = arith.constant 0 : i32
      %ne3A_81 = arith.cmpi ne, %rem3A, %ne3A : i32
      %lt3A = arith.constant 0 : i32
      %lt3A_82 = arith.cmpi slt, %rem3A, %lt3A : i32
      %lt3A_83 = arith.constant 0 : i32
      %lt3A_84 = arith.cmpi slt, %select_n3A, %lt3A_83 : i32
      %ne3A_85 = arith.xori %lt3A_82, %lt3A_84 : i1
      %and3A = arith.andi %ne3A_85, %ne3A_81 : i1
      %add3A_86 = arith.addi %rem3A, %select_n3A : i32
      %select_n3A_87 = arith.select %and3A, %add3A_86, %rem3A : i32
      %eq3A_88 = arith.constant 0 : i32
      %eq3A_89 = arith.cmpi eq, %select_n3A_87, %eq3A_88 : i32
      %convert_element_type3A = arith.extui %eq3A_89 : i1 to i32
      %cond3A = arith.constant 0 : i32
      %cond3A_90 = arith.cmpi ne, %convert_element_type3A, %cond3A : i32
      scf.if %cond3A_90 {
        %add3A_112 = arith.constant 1 : i32
        %add3A_113 = arith.addi %scan3A_78, %add3A_112 : i32
        %dma_start3A_114 = arith.constant 0 : i32
        %dma_start3A_115 = tpu.memref_slice %arg6[%add3A_113, %dma_start3A_114] : memref<40x128xi32, #tpu.memory_space<vmem>> -> memref<1x128xi32, #tpu.memory_space<vmem>>
        %dma_start3A_116 = tpu.memref_squeeze %dma_start3A_115 : memref<1x128xi32, #tpu.memory_space<vmem>> -> memref<128xi32, #tpu.memory_space<vmem>>
        %dma_start3A_117 = arith.constant 0 : i32
        %dma_start3A_118 = arith.constant 0 : i32
        %dma_start3A_119 = tpu.memref_slice %arg2[%dma_start3A_117, %dma_start3A_118] : memref<10240x128xf32, #tpu.memory_space<hbm>> -> memref<10240x128xf32, #tpu.memory_space<hbm>>
        tpu.enqueue_indirect_dma source(%dma_start3A_119 : memref<10240x128xf32, #tpu.memory_space<hbm>>) target(%arg9 : memref<128x128xf32, #tpu.memory_space<vmem>>) offsets(%dma_start3A_116 : memref<128xi32, #tpu.memory_space<vmem>>) semaphore(%arg12 : memref<!tpu.dma_semaphore, #tpu.memory_space<semaphore_mem>>)
        %dma_wait3A_120 = arith.constant 0 : i32
        %dma_wait3A_121 = tpu.memref_slice %arg6[%scan3A_78, %dma_wait3A_120] : memref<40x128xi32, #tpu.memory_space<vmem>> -> memref<1x128xi32, #tpu.memory_space<vmem>>
        %dma_wait3A_122 = tpu.memref_squeeze %dma_wait3A_121 : memref<1x128xi32, #tpu.memory_space<vmem>> -> memref<128xi32, #tpu.memory_space<vmem>>
        %dma_wait3A_123 = arith.constant 0 : i32
        %dma_wait3A_124 = arith.constant 0 : i32
        %dma_wait3A_125 = tpu.memref_slice %arg2[%dma_wait3A_123, %dma_wait3A_124] : memref<10240x128xf32, #tpu.memory_space<hbm>> -> memref<10240x128xf32, #tpu.memory_space<hbm>>
        tpu.wait_indirect_dma semaphore(%arg11 : memref<!tpu.dma_semaphore, #tpu.memory_space<semaphore_mem>>) src(%dma_wait3A_125 : memref<10240x128xf32, #tpu.memory_space<hbm>>) dst(%arg8 : memref<128x128xf32, #tpu.memory_space<vmem>>)
        "tpu.region"() ({
          %run_scoped3A_126 = tpu.sem_alloc : memref<!tpu.dma_semaphore, #tpu.memory_space<semaphore_mem>>
          %dma_start3A_127 = arith.constant 0 : i32
          %dma_start3A_128 = tpu.memref_slice %arg7[%scan3A_78, %dma_start3A_127] : memref<40x128xi32, #tpu.memory_space<vmem>> -> memref<1x128xi32, #tpu.memory_space<vmem>>
          %dma_start3A_129 = tpu.memref_squeeze %dma_start3A_128 : memref<1x128xi32, #tpu.memory_space<vmem>> -> memref<128xi32, #tpu.memory_space<vmem>>
          %dma_start3A_130 = arith.constant 0 : i32
          %dma_start3A_131 = arith.constant 0 : i32
          %dma_start3A_132 = tpu.memref_slice %arg10[%dma_start3A_130, %dma_start3A_131] : memref<10240x128xf32, #tpu.memory_space<vmem_shared>> -> memref<10240x128xf32, #tpu.memory_space<vmem_shared>>
          tpu.enqueue_indirect_dma source(%arg8 : memref<128x128xf32, #tpu.memory_space<vmem>>) target(%dma_start3A_132 : memref<10240x128xf32, #tpu.memory_space<vmem_shared>>) offsets(%dma_start3A_129 : memref<128xi32, #tpu.memory_space<vmem>>) semaphore(%run_scoped3A_126 : memref<!tpu.dma_semaphore, #tpu.memory_space<semaphore_mem>>) {add = true}
          %dma_wait3A_133 = arith.constant 0 : i32
          %dma_wait3A_134 = tpu.memref_slice %arg7[%scan3A_78, %dma_wait3A_133] : memref<40x128xi32, #tpu.memory_space<vmem>> -> memref<1x128xi32, #tpu.memory_space<vmem>>
          %dma_wait3A_135 = tpu.memref_squeeze %dma_wait3A_134 : memref<1x128xi32, #tpu.memory_space<vmem>> -> memref<128xi32, #tpu.memory_space<vmem>>
          %dma_wait3A_136 = arith.constant 0 : i32
          %dma_wait3A_137 = arith.constant 0 : i32
          %dma_wait3A_138 = tpu.memref_slice %arg10[%dma_wait3A_136, %dma_wait3A_137] : memref<10240x128xf32, #tpu.memory_space<vmem_shared>> -> memref<10240x128xf32, #tpu.memory_space<vmem_shared>>
          tpu.wait_indirect_dma semaphore(%run_scoped3A_126 : memref<!tpu.dma_semaphore, #tpu.memory_space<semaphore_mem>>) src(%arg8 : memref<128x128xf32, #tpu.memory_space<vmem>>) dst(%dma_wait3A_138 : memref<10240x128xf32, #tpu.memory_space<vmem_shared>>)
          tpu.yield
        }) : () -> ()
      } else {
      }
      %jit3A_91 = arith.constant 2 : i32
      %eq3A_92 = arith.constant 0 : i32
      %eq3A_93 = arith.cmpi eq, %jit3A_91, %eq3A_92 : i32
      %jit3A_94 = arith.constant 1 : i32
      %select_n3A_95 = arith.select %eq3A_93, %jit3A_94, %jit3A_91 : i32
      %rem3A_96 = arith.remsi %scan3A_78, %select_n3A_95 : i32
      %ne3A_97 = arith.constant 0 : i32
      %ne3A_98 = arith.cmpi ne, %rem3A_96, %ne3A_97 : i32
      %lt3A_99 = arith.constant 0 : i32
      %lt3A_100 = arith.cmpi slt, %rem3A_96, %lt3A_99 : i32
      %lt3A_101 = arith.constant 0 : i32
      %lt3A_102 = arith.cmpi slt, %select_n3A_95, %lt3A_101 : i32
      %ne3A_103 = arith.xori %lt3A_100, %lt3A_102 : i1
      %and3A_104 = arith.andi %ne3A_103, %ne3A_98 : i1
      %add3A_105 = arith.addi %rem3A_96, %select_n3A_95 : i32
      %select_n3A_106 = arith.select %and3A_104, %add3A_105, %rem3A_96 : i32
      %eq3A_107 = arith.constant 1 : i32
      %eq3A_108 = arith.cmpi eq, %select_n3A_106, %eq3A_107 : i32
      %convert_element_type3A_109 = arith.extui %eq3A_108 : i1 to i32
      %cond3A_110 = arith.constant 0 : i32
      %cond3A_111 = arith.cmpi ne, %convert_element_type3A_109, %cond3A_110 : i32
      scf.if %cond3A_111 {
        %add3A_112 = arith.constant 1 : i32
        %add3A_113 = arith.addi %scan3A_78, %add3A_112 : i32
        %dma_start3A_114 = arith.constant 0 : i32
        %dma_start3A_115 = tpu.memref_slice %arg6[%add3A_113, %dma_start3A_114] : memref<40x128xi32, #tpu.memory_space<vmem>> -> memref<1x128xi32, #tpu.memory_space<vmem>>
        %dma_start3A_116 = tpu.memref_squeeze %dma_start3A_115 : memref<1x128xi32, #tpu.memory_space<vmem>> -> memref<128xi32, #tpu.memory_space<vmem>>
        %dma_start3A_117 = arith.constant 0 : i32
        %dma_start3A_118 = arith.constant 0 : i32
        %dma_start3A_119 = tpu.memref_slice %arg2[%dma_start3A_117, %dma_start3A_118] : memref<10240x128xf32, #tpu.memory_space<hbm>> -> memref<10240x128xf32, #tpu.memory_space<hbm>>
        tpu.enqueue_indirect_dma source(%dma_start3A_119 : memref<10240x128xf32, #tpu.memory_space<hbm>>) target(%arg8 : memref<128x128xf32, #tpu.memory_space<vmem>>) offsets(%dma_start3A_116 : memref<128xi32, #tpu.memory_space<vmem>>) semaphore(%arg11 : memref<!tpu.dma_semaphore, #tpu.memory_space<semaphore_mem>>)
        %dma_wait3A_120 = arith.constant 0 : i32
        %dma_wait3A_121 = tpu.memref_slice %arg6[%scan3A_78, %dma_wait3A_120] : memref<40x128xi32, #tpu.memory_space<vmem>> -> memref<1x128xi32, #tpu.memory_space<vmem>>
        %dma_wait3A_122 = tpu.memref_squeeze %dma_wait3A_121 : memref<1x128xi32, #tpu.memory_space<vmem>> -> memref<128xi32, #tpu.memory_space<vmem>>
        %dma_wait3A_123 = arith.constant 0 : i32
        %dma_wait3A_124 = arith.constant 0 : i32
        %dma_wait3A_125 = tpu.memref_slice %arg2[%dma_wait3A_123, %dma_wait3A_124] : memref<10240x128xf32, #tpu.memory_space<hbm>> -> memref<10240x128xf32, #tpu.memory_space<hbm>>
        tpu.wait_indirect_dma semaphore(%arg12 : memref<!tpu.dma_semaphore, #tpu.memory_space<semaphore_mem>>) src(%dma_wait3A_125 : memref<10240x128xf32, #tpu.memory_space<hbm>>) dst(%arg9 : memref<128x128xf32, #tpu.memory_space<vmem>>)
        "tpu.region"() ({
          %run_scoped3A_126 = tpu.sem_alloc : memref<!tpu.dma_semaphore, #tpu.memory_space<semaphore_mem>>
          %dma_start3A_127 = arith.constant 0 : i32
          %dma_start3A_128 = tpu.memref_slice %arg7[%scan3A_78, %dma_start3A_127] : memref<40x128xi32, #tpu.memory_space<vmem>> -> memref<1x128xi32, #tpu.memory_space<vmem>>
          %dma_start3A_129 = tpu.memref_squeeze %dma_start3A_128 : memref<1x128xi32, #tpu.memory_space<vmem>> -> memref<128xi32, #tpu.memory_space<vmem>>
          %dma_start3A_130 = arith.constant 0 : i32
          %dma_start3A_131 = arith.constant 0 : i32
          %dma_start3A_132 = tpu.memref_slice %arg10[%dma_start3A_130, %dma_start3A_131] : memref<10240x128xf32, #tpu.memory_space<vmem_shared>> -> memref<10240x128xf32, #tpu.memory_space<vmem_shared>>
          tpu.enqueue_indirect_dma source(%arg9 : memref<128x128xf32, #tpu.memory_space<vmem>>) target(%dma_start3A_132 : memref<10240x128xf32, #tpu.memory_space<vmem_shared>>) offsets(%dma_start3A_129 : memref<128xi32, #tpu.memory_space<vmem>>) semaphore(%run_scoped3A_126 : memref<!tpu.dma_semaphore, #tpu.memory_space<semaphore_mem>>) {add = true}
          %dma_wait3A_133 = arith.constant 0 : i32
          %dma_wait3A_134 = tpu.memref_slice %arg7[%scan3A_78, %dma_wait3A_133] : memref<40x128xi32, #tpu.memory_space<vmem>> -> memref<1x128xi32, #tpu.memory_space<vmem>>
          %dma_wait3A_135 = tpu.memref_squeeze %dma_wait3A_134 : memref<1x128xi32, #tpu.memory_space<vmem>> -> memref<128xi32, #tpu.memory_space<vmem>>
          %dma_wait3A_136 = arith.constant 0 : i32
          %dma_wait3A_137 = arith.constant 0 : i32
          %dma_wait3A_138 = tpu.memref_slice %arg10[%dma_wait3A_136, %dma_wait3A_137] : memref<10240x128xf32, #tpu.memory_space<vmem_shared>> -> memref<10240x128xf32, #tpu.memory_space<vmem_shared>>
          tpu.wait_indirect_dma semaphore(%run_scoped3A_126 : memref<!tpu.dma_semaphore, #tpu.memory_space<semaphore_mem>>) src(%arg9 : memref<128x128xf32, #tpu.memory_space<vmem>>) dst(%dma_wait3A_138 : memref<10240x128xf32, #tpu.memory_space<vmem_shared>>)
          tpu.yield
        }) : () -> ()
      } else {
      }
    }
    %scan3A_29 = arith.constant 39 : i32
    %dma_wait3A = arith.constant 39 : i32
    %dma_wait3A_30 = arith.constant 0 : i32
    %dma_wait3A_31 = tpu.memref_slice %arg6[%dma_wait3A, %dma_wait3A_30] : memref<40x128xi32, #tpu.memory_space<vmem>> -> memref<1x128xi32, #tpu.memory_space<vmem>>
    %dma_wait3A_32 = tpu.memref_squeeze %dma_wait3A_31 : memref<1x128xi32, #tpu.memory_space<vmem>> -> memref<128xi32, #tpu.memory_space<vmem>>
    %dma_wait3A_33 = arith.constant 0 : i32
    %dma_wait3A_34 = arith.constant 0 : i32
    %dma_wait3A_35 = tpu.memref_slice %arg2[%dma_wait3A_33, %dma_wait3A_34] : memref<10240x128xf32, #tpu.memory_space<hbm>> -> memref<10240x128xf32, #tpu.memory_space<hbm>>
    tpu.wait_indirect_dma semaphore(%arg12 : memref<!tpu.dma_semaphore, #tpu.memory_space<semaphore_mem>>) src(%dma_wait3A_35 : memref<10240x128xf32, #tpu.memory_space<hbm>>) dst(%arg9 : memref<128x128xf32, #tpu.memory_space<vmem>>)
    %run_scoped3A = arith.constant 39 : i32
    "tpu.region"() ({
      %run_scoped3A_78 = tpu.sem_alloc : memref<!tpu.dma_semaphore, #tpu.memory_space<semaphore_mem>>
      %dma_start3A_79 = arith.constant 0 : i32
      %dma_start3A_80 = tpu.memref_slice %arg7[%run_scoped3A, %dma_start3A_79] : memref<40x128xi32, #tpu.memory_space<vmem>> -> memref<1x128xi32, #tpu.memory_space<vmem>>
      %dma_start3A_81 = tpu.memref_squeeze %dma_start3A_80 : memref<1x128xi32, #tpu.memory_space<vmem>> -> memref<128xi32, #tpu.memory_space<vmem>>
      %dma_start3A_82 = arith.constant 0 : i32
      %dma_start3A_83 = arith.constant 0 : i32
      %dma_start3A_84 = tpu.memref_slice %arg10[%dma_start3A_82, %dma_start3A_83] : memref<10240x128xf32, #tpu.memory_space<vmem_shared>> -> memref<10240x128xf32, #tpu.memory_space<vmem_shared>>
      tpu.enqueue_indirect_dma source(%arg9 : memref<128x128xf32, #tpu.memory_space<vmem>>) target(%dma_start3A_84 : memref<10240x128xf32, #tpu.memory_space<vmem_shared>>) offsets(%dma_start3A_81 : memref<128xi32, #tpu.memory_space<vmem>>) semaphore(%run_scoped3A_78 : memref<!tpu.dma_semaphore, #tpu.memory_space<semaphore_mem>>) {add = true}
      %dma_wait3A_85 = arith.constant 0 : i32
      %dma_wait3A_86 = tpu.memref_slice %arg7[%run_scoped3A, %dma_wait3A_85] : memref<40x128xi32, #tpu.memory_space<vmem>> -> memref<1x128xi32, #tpu.memory_space<vmem>>
      %dma_wait3A_87 = tpu.memref_squeeze %dma_wait3A_86 : memref<1x128xi32, #tpu.memory_space<vmem>> -> memref<128xi32, #tpu.memory_space<vmem>>
      %dma_wait3A_88 = arith.constant 0 : i32
      %dma_wait3A_89 = arith.constant 0 : i32
      %dma_wait3A_90 = tpu.memref_slice %arg10[%dma_wait3A_88, %dma_wait3A_89] : memref<10240x128xf32, #tpu.memory_space<vmem_shared>> -> memref<10240x128xf32, #tpu.memory_space<vmem_shared>>
      tpu.wait_indirect_dma semaphore(%run_scoped3A_78 : memref<!tpu.dma_semaphore, #tpu.memory_space<semaphore_mem>>) src(%arg9 : memref<128x128xf32, #tpu.memory_space<vmem>>) dst(%dma_wait3A_90 : memref<10240x128xf32, #tpu.memory_space<vmem_shared>>)
      tpu.yield
    }) : () -> ()
    "tpu.region"() ({
      %run_scoped3A_78 = tpu.sem_alloc : memref<!tpu.dma_semaphore, #tpu.memory_space<semaphore_mem>>
      %dma_start3A_79 = arith.constant 0 : i32
      %dma_start3A_80 = arith.constant 0 : i32
      %dma_start3A_81 = tpu.memref_slice %arg6[%dma_start3A_79, %dma_start3A_80] : memref<40x128xi32, #tpu.memory_space<vmem>> -> memref<39x128xi32, #tpu.memory_space<vmem>>
      %dma_start3A_82 = arith.constant 40 : i32
      %dma_start3A_83 = arith.constant 0 : i32
      %dma_start3A_84 = tpu.memref_slice %arg3[%add3A, %dma_start3A_82, %dma_start3A_83] : memref<32x79x128xi32, #tpu.memory_space<hbm>> -> memref<1x39x128xi32, #tpu.memory_space<hbm>>
      %dma_start3A_85 = tpu.memref_squeeze %dma_start3A_84 : memref<1x39x128xi32, #tpu.memory_space<hbm>> -> memref<39x128xi32, #tpu.memory_space<hbm>>
      %dma_start3A_86 = arith.constant 0 : i32
      %dma_start3A_87 = arith.constant 0 : i32
      %dma_start3A_88 = tpu.memref_slice %arg6[%dma_start3A_86, %dma_start3A_87] : memref<40x128xi32, #tpu.memory_space<vmem>> -> memref<39x128xi32, #tpu.memory_space<vmem>>
      %dma_start3A_89 = arith.constant 40 : i32
      %dma_start3A_90 = arith.constant 0 : i32
      %dma_start3A_91 = tpu.memref_slice %arg3[%add3A, %dma_start3A_89, %dma_start3A_90] : memref<32x79x128xi32, #tpu.memory_space<hbm>> -> memref<1x39x128xi32, #tpu.memory_space<hbm>>
      %dma_start3A_92 = tpu.memref_squeeze %dma_start3A_91 : memref<1x39x128xi32, #tpu.memory_space<hbm>> -> memref<39x128xi32, #tpu.memory_space<hbm>>
      tpu.enqueue_dma source(%dma_start3A_92 : memref<39x128xi32, #tpu.memory_space<hbm>>) target(%dma_start3A_88 : memref<39x128xi32, #tpu.memory_space<vmem>>) target_semaphore(%run_scoped3A_78 : memref<!tpu.dma_semaphore, #tpu.memory_space<semaphore_mem>>)
      %dma_wait3A_93 = arith.constant 0 : i32
      %dma_wait3A_94 = arith.constant 0 : i32
      %dma_wait3A_95 = tpu.memref_slice %arg6[%dma_wait3A_93, %dma_wait3A_94] : memref<40x128xi32, #tpu.memory_space<vmem>> -> memref<39x128xi32, #tpu.memory_space<vmem>>
      %dma_wait3A_96 = arith.constant 40 : i32
      %dma_wait3A_97 = arith.constant 0 : i32
      %dma_wait3A_98 = tpu.memref_slice %arg3[%add3A, %dma_wait3A_96, %dma_wait3A_97] : memref<32x79x128xi32, #tpu.memory_space<hbm>> -> memref<1x39x128xi32, #tpu.memory_space<hbm>>
      %dma_wait3A_99 = tpu.memref_squeeze %dma_wait3A_98 : memref<1x39x128xi32, #tpu.memory_space<hbm>> -> memref<39x128xi32, #tpu.memory_space<hbm>>
      %dma_wait3A_100 = arith.constant 0 : i32
      %dma_wait3A_101 = arith.constant 0 : i32
      %dma_wait3A_102 = tpu.memref_slice %arg6[%dma_wait3A_100, %dma_wait3A_101] : memref<40x128xi32, #tpu.memory_space<vmem>> -> memref<39x128xi32, #tpu.memory_space<vmem>>
      %dma_wait3A_103 = arith.constant 40 : i32
      %dma_wait3A_104 = arith.constant 0 : i32
      %dma_wait3A_105 = tpu.memref_slice %arg3[%add3A, %dma_wait3A_103, %dma_wait3A_104] : memref<32x79x128xi32, #tpu.memory_space<hbm>> -> memref<1x39x128xi32, #tpu.memory_space<hbm>>
      %dma_wait3A_106 = tpu.memref_squeeze %dma_wait3A_105 : memref<1x39x128xi32, #tpu.memory_space<hbm>> -> memref<39x128xi32, #tpu.memory_space<hbm>>
      tpu.wait_dma2 semaphore(%run_scoped3A_78 : memref<!tpu.dma_semaphore, #tpu.memory_space<semaphore_mem>>) src(%dma_wait3A_106 : memref<39x128xi32, #tpu.memory_space<hbm>>) dst(%dma_wait3A_102 : memref<39x128xi32, #tpu.memory_space<vmem>>)
      tpu.yield
    }) : () -> ()
    "tpu.region"() ({
      %run_scoped3A_78 = tpu.sem_alloc : memref<!tpu.dma_semaphore, #tpu.memory_space<semaphore_mem>>
      %dma_start3A_79 = arith.constant 0 : i32
      %dma_start3A_80 = arith.constant 0 : i32
      %dma_start3A_81 = tpu.memref_slice %arg7[%dma_start3A_79, %dma_start3A_80] : memref<40x128xi32, #tpu.memory_space<vmem>> -> memref<39x128xi32, #tpu.memory_space<vmem>>
      %dma_start3A_82 = arith.constant 40 : i32
      %dma_start3A_83 = arith.constant 0 : i32
      %dma_start3A_84 = tpu.memref_slice %arg4[%add3A, %dma_start3A_82, %dma_start3A_83] : memref<32x79x128xi32, #tpu.memory_space<hbm>> -> memref<1x39x128xi32, #tpu.memory_space<hbm>>
      %dma_start3A_85 = tpu.memref_squeeze %dma_start3A_84 : memref<1x39x128xi32, #tpu.memory_space<hbm>> -> memref<39x128xi32, #tpu.memory_space<hbm>>
      %dma_start3A_86 = arith.constant 0 : i32
      %dma_start3A_87 = arith.constant 0 : i32
      %dma_start3A_88 = tpu.memref_slice %arg7[%dma_start3A_86, %dma_start3A_87] : memref<40x128xi32, #tpu.memory_space<vmem>> -> memref<39x128xi32, #tpu.memory_space<vmem>>
      %dma_start3A_89 = arith.constant 40 : i32
      %dma_start3A_90 = arith.constant 0 : i32
      %dma_start3A_91 = tpu.memref_slice %arg4[%add3A, %dma_start3A_89, %dma_start3A_90] : memref<32x79x128xi32, #tpu.memory_space<hbm>> -> memref<1x39x128xi32, #tpu.memory_space<hbm>>
      %dma_start3A_92 = tpu.memref_squeeze %dma_start3A_91 : memref<1x39x128xi32, #tpu.memory_space<hbm>> -> memref<39x128xi32, #tpu.memory_space<hbm>>
      tpu.enqueue_dma source(%dma_start3A_92 : memref<39x128xi32, #tpu.memory_space<hbm>>) target(%dma_start3A_88 : memref<39x128xi32, #tpu.memory_space<vmem>>) target_semaphore(%run_scoped3A_78 : memref<!tpu.dma_semaphore, #tpu.memory_space<semaphore_mem>>)
      %dma_wait3A_93 = arith.constant 0 : i32
      %dma_wait3A_94 = arith.constant 0 : i32
      %dma_wait3A_95 = tpu.memref_slice %arg7[%dma_wait3A_93, %dma_wait3A_94] : memref<40x128xi32, #tpu.memory_space<vmem>> -> memref<39x128xi32, #tpu.memory_space<vmem>>
      %dma_wait3A_96 = arith.constant 40 : i32
      %dma_wait3A_97 = arith.constant 0 : i32
      %dma_wait3A_98 = tpu.memref_slice %arg4[%add3A, %dma_wait3A_96, %dma_wait3A_97] : memref<32x79x128xi32, #tpu.memory_space<hbm>> -> memref<1x39x128xi32, #tpu.memory_space<hbm>>
      %dma_wait3A_99 = tpu.memref_squeeze %dma_wait3A_98 : memref<1x39x128xi32, #tpu.memory_space<hbm>> -> memref<39x128xi32, #tpu.memory_space<hbm>>
      %dma_wait3A_100 = arith.constant 0 : i32
      %dma_wait3A_101 = arith.constant 0 : i32
      %dma_wait3A_102 = tpu.memref_slice %arg7[%dma_wait3A_100, %dma_wait3A_101] : memref<40x128xi32, #tpu.memory_space<vmem>> -> memref<39x128xi32, #tpu.memory_space<vmem>>
      %dma_wait3A_103 = arith.constant 40 : i32
      %dma_wait3A_104 = arith.constant 0 : i32
      %dma_wait3A_105 = tpu.memref_slice %arg4[%add3A, %dma_wait3A_103, %dma_wait3A_104] : memref<32x79x128xi32, #tpu.memory_space<hbm>> -> memref<1x39x128xi32, #tpu.memory_space<hbm>>
      %dma_wait3A_106 = tpu.memref_squeeze %dma_wait3A_105 : memref<1x39x128xi32, #tpu.memory_space<hbm>> -> memref<39x128xi32, #tpu.memory_space<hbm>>
      tpu.wait_dma2 semaphore(%run_scoped3A_78 : memref<!tpu.dma_semaphore, #tpu.memory_space<semaphore_mem>>) src(%dma_wait3A_106 : memref<39x128xi32, #tpu.memory_space<hbm>>) dst(%dma_wait3A_102 : memref<39x128xi32, #tpu.memory_space<vmem>>)
      tpu.yield
    }) : () -> ()
    %dma_start3A_36 = arith.constant 0 : i32
    %dma_start3A_37 = arith.constant 0 : i32
    %dma_start3A_38 = tpu.memref_slice %arg6[%dma_start3A_36, %dma_start3A_37] : memref<40x128xi32, #tpu.memory_space<vmem>> -> memref<1x128xi32, #tpu.memory_space<vmem>>
    %dma_start3A_39 = tpu.memref_squeeze %dma_start3A_38 : memref<1x128xi32, #tpu.memory_space<vmem>> -> memref<128xi32, #tpu.memory_space<vmem>>
    %dma_start3A_40 = arith.constant 0 : i32
    %dma_start3A_41 = arith.constant 0 : i32
    %dma_start3A_42 = tpu.memref_slice %arg2[%dma_start3A_40, %dma_start3A_41] : memref<10240x128xf32, #tpu.memory_space<hbm>> -> memref<10240x128xf32, #tpu.memory_space<hbm>>
    tpu.enqueue_indirect_dma source(%dma_start3A_42 : memref<10240x128xf32, #tpu.memory_space<hbm>>) target(%arg8 : memref<128x128xf32, #tpu.memory_space<vmem>>) offsets(%dma_start3A_39 : memref<128xi32, #tpu.memory_space<vmem>>) semaphore(%arg11 : memref<!tpu.dma_semaphore, #tpu.memory_space<semaphore_mem>>)
    %scan3A_43 = arith.constant 0 : i32
    %scan3A_44 = arith.constant 0 : i32
    %scan3A_45 = arith.constant 38 : i32
    %scan3A_46 = arith.addi %scan3A_44, %scan3A_45 : i32
    %scan3A_47 = arith.constant 1 : i32
    scf.for %scan3A_78 = %scan3A_44 to %scan3A_46 step %scan3A_47  : i32 {
      %jit3A = arith.constant 2 : i32
      %eq3A = arith.constant 0 : i32
      %eq3A_79 = arith.cmpi eq, %jit3A, %eq3A : i32
      %jit3A_80 = arith.constant 1 : i32
      %select_n3A = arith.select %eq3A_79, %jit3A_80, %jit3A : i32
      %rem3A = arith.remsi %scan3A_78, %select_n3A : i32
      %ne3A = arith.constant 0 : i32
      %ne3A_81 = arith.cmpi ne, %rem3A, %ne3A : i32
      %lt3A = arith.constant 0 : i32
      %lt3A_82 = arith.cmpi slt, %rem3A, %lt3A : i32
      %lt3A_83 = arith.constant 0 : i32
      %lt3A_84 = arith.cmpi slt, %select_n3A, %lt3A_83 : i32
      %ne3A_85 = arith.xori %lt3A_82, %lt3A_84 : i1
      %and3A = arith.andi %ne3A_85, %ne3A_81 : i1
      %add3A_86 = arith.addi %rem3A, %select_n3A : i32
      %select_n3A_87 = arith.select %and3A, %add3A_86, %rem3A : i32
      %eq3A_88 = arith.constant 0 : i32
      %eq3A_89 = arith.cmpi eq, %select_n3A_87, %eq3A_88 : i32
      %convert_element_type3A = arith.extui %eq3A_89 : i1 to i32
      %cond3A = arith.constant 0 : i32
      %cond3A_90 = arith.cmpi ne, %convert_element_type3A, %cond3A : i32
      scf.if %cond3A_90 {
        %add3A_112 = arith.constant 1 : i32
        %add3A_113 = arith.addi %scan3A_78, %add3A_112 : i32
        %dma_start3A_114 = arith.constant 0 : i32
        %dma_start3A_115 = tpu.memref_slice %arg6[%add3A_113, %dma_start3A_114] : memref<40x128xi32, #tpu.memory_space<vmem>> -> memref<1x128xi32, #tpu.memory_space<vmem>>
        %dma_start3A_116 = tpu.memref_squeeze %dma_start3A_115 : memref<1x128xi32, #tpu.memory_space<vmem>> -> memref<128xi32, #tpu.memory_space<vmem>>
        %dma_start3A_117 = arith.constant 0 : i32
        %dma_start3A_118 = arith.constant 0 : i32
        %dma_start3A_119 = tpu.memref_slice %arg2[%dma_start3A_117, %dma_start3A_118] : memref<10240x128xf32, #tpu.memory_space<hbm>> -> memref<10240x128xf32, #tpu.memory_space<hbm>>
        tpu.enqueue_indirect_dma source(%dma_start3A_119 : memref<10240x128xf32, #tpu.memory_space<hbm>>) target(%arg9 : memref<128x128xf32, #tpu.memory_space<vmem>>) offsets(%dma_start3A_116 : memref<128xi32, #tpu.memory_space<vmem>>) semaphore(%arg12 : memref<!tpu.dma_semaphore, #tpu.memory_space<semaphore_mem>>)
        %dma_wait3A_120 = arith.constant 0 : i32
        %dma_wait3A_121 = tpu.memref_slice %arg6[%scan3A_78, %dma_wait3A_120] : memref<40x128xi32, #tpu.memory_space<vmem>> -> memref<1x128xi32, #tpu.memory_space<vmem>>
        %dma_wait3A_122 = tpu.memref_squeeze %dma_wait3A_121 : memref<1x128xi32, #tpu.memory_space<vmem>> -> memref<128xi32, #tpu.memory_space<vmem>>
        %dma_wait3A_123 = arith.constant 0 : i32
        %dma_wait3A_124 = arith.constant 0 : i32
        %dma_wait3A_125 = tpu.memref_slice %arg2[%dma_wait3A_123, %dma_wait3A_124] : memref<10240x128xf32, #tpu.memory_space<hbm>> -> memref<10240x128xf32, #tpu.memory_space<hbm>>
        tpu.wait_indirect_dma semaphore(%arg11 : memref<!tpu.dma_semaphore, #tpu.memory_space<semaphore_mem>>) src(%dma_wait3A_125 : memref<10240x128xf32, #tpu.memory_space<hbm>>) dst(%arg8 : memref<128x128xf32, #tpu.memory_space<vmem>>)
        "tpu.region"() ({
          %run_scoped3A_126 = tpu.sem_alloc : memref<!tpu.dma_semaphore, #tpu.memory_space<semaphore_mem>>
          %dma_start3A_127 = arith.constant 0 : i32
          %dma_start3A_128 = tpu.memref_slice %arg7[%scan3A_78, %dma_start3A_127] : memref<40x128xi32, #tpu.memory_space<vmem>> -> memref<1x128xi32, #tpu.memory_space<vmem>>
          %dma_start3A_129 = tpu.memref_squeeze %dma_start3A_128 : memref<1x128xi32, #tpu.memory_space<vmem>> -> memref<128xi32, #tpu.memory_space<vmem>>
          %dma_start3A_130 = arith.constant 0 : i32
          %dma_start3A_131 = arith.constant 0 : i32
          %dma_start3A_132 = tpu.memref_slice %arg10[%dma_start3A_130, %dma_start3A_131] : memref<10240x128xf32, #tpu.memory_space<vmem_shared>> -> memref<10240x128xf32, #tpu.memory_space<vmem_shared>>
          tpu.enqueue_indirect_dma source(%arg8 : memref<128x128xf32, #tpu.memory_space<vmem>>) target(%dma_start3A_132 : memref<10240x128xf32, #tpu.memory_space<vmem_shared>>) offsets(%dma_start3A_129 : memref<128xi32, #tpu.memory_space<vmem>>) semaphore(%run_scoped3A_126 : memref<!tpu.dma_semaphore, #tpu.memory_space<semaphore_mem>>) {add = true}
          %dma_wait3A_133 = arith.constant 0 : i32
          %dma_wait3A_134 = tpu.memref_slice %arg7[%scan3A_78, %dma_wait3A_133] : memref<40x128xi32, #tpu.memory_space<vmem>> -> memref<1x128xi32, #tpu.memory_space<vmem>>
          %dma_wait3A_135 = tpu.memref_squeeze %dma_wait3A_134 : memref<1x128xi32, #tpu.memory_space<vmem>> -> memref<128xi32, #tpu.memory_space<vmem>>
          %dma_wait3A_136 = arith.constant 0 : i32
          %dma_wait3A_137 = arith.constant 0 : i32
          %dma_wait3A_138 = tpu.memref_slice %arg10[%dma_wait3A_136, %dma_wait3A_137] : memref<10240x128xf32, #tpu.memory_space<vmem_shared>> -> memref<10240x128xf32, #tpu.memory_space<vmem_shared>>
          tpu.wait_indirect_dma semaphore(%run_scoped3A_126 : memref<!tpu.dma_semaphore, #tpu.memory_space<semaphore_mem>>) src(%arg8 : memref<128x128xf32, #tpu.memory_space<vmem>>) dst(%dma_wait3A_138 : memref<10240x128xf32, #tpu.memory_space<vmem_shared>>)
          tpu.yield
        }) : () -> ()
      } else {
      }
      %jit3A_91 = arith.constant 2 : i32
      %eq3A_92 = arith.constant 0 : i32
      %eq3A_93 = arith.cmpi eq, %jit3A_91, %eq3A_92 : i32
      %jit3A_94 = arith.constant 1 : i32
      %select_n3A_95 = arith.select %eq3A_93, %jit3A_94, %jit3A_91 : i32
      %rem3A_96 = arith.remsi %scan3A_78, %select_n3A_95 : i32
      %ne3A_97 = arith.constant 0 : i32
      %ne3A_98 = arith.cmpi ne, %rem3A_96, %ne3A_97 : i32
      %lt3A_99 = arith.constant 0 : i32
      %lt3A_100 = arith.cmpi slt, %rem3A_96, %lt3A_99 : i32
      %lt3A_101 = arith.constant 0 : i32
      %lt3A_102 = arith.cmpi slt, %select_n3A_95, %lt3A_101 : i32
      %ne3A_103 = arith.xori %lt3A_100, %lt3A_102 : i1
      %and3A_104 = arith.andi %ne3A_103, %ne3A_98 : i1
      %add3A_105 = arith.addi %rem3A_96, %select_n3A_95 : i32
      %select_n3A_106 = arith.select %and3A_104, %add3A_105, %rem3A_96 : i32
      %eq3A_107 = arith.constant 1 : i32
      %eq3A_108 = arith.cmpi eq, %select_n3A_106, %eq3A_107 : i32
      %convert_element_type3A_109 = arith.extui %eq3A_108 : i1 to i32
      %cond3A_110 = arith.constant 0 : i32
      %cond3A_111 = arith.cmpi ne, %convert_element_type3A_109, %cond3A_110 : i32
      scf.if %cond3A_111 {
        %add3A_112 = arith.constant 1 : i32
        %add3A_113 = arith.addi %scan3A_78, %add3A_112 : i32
        %dma_start3A_114 = arith.constant 0 : i32
        %dma_start3A_115 = tpu.memref_slice %arg6[%add3A_113, %dma_start3A_114] : memref<40x128xi32, #tpu.memory_space<vmem>> -> memref<1x128xi32, #tpu.memory_space<vmem>>
        %dma_start3A_116 = tpu.memref_squeeze %dma_start3A_115 : memref<1x128xi32, #tpu.memory_space<vmem>> -> memref<128xi32, #tpu.memory_space<vmem>>
        %dma_start3A_117 = arith.constant 0 : i32
        %dma_start3A_118 = arith.constant 0 : i32
        %dma_start3A_119 = tpu.memref_slice %arg2[%dma_start3A_117, %dma_start3A_118] : memref<10240x128xf32, #tpu.memory_space<hbm>> -> memref<10240x128xf32, #tpu.memory_space<hbm>>
        tpu.enqueue_indirect_dma source(%dma_start3A_119 : memref<10240x128xf32, #tpu.memory_space<hbm>>) target(%arg8 : memref<128x128xf32, #tpu.memory_space<vmem>>) offsets(%dma_start3A_116 : memref<128xi32, #tpu.memory_space<vmem>>) semaphore(%arg11 : memref<!tpu.dma_semaphore, #tpu.memory_space<semaphore_mem>>)
        %dma_wait3A_120 = arith.constant 0 : i32
        %dma_wait3A_121 = tpu.memref_slice %arg6[%scan3A_78, %dma_wait3A_120] : memref<40x128xi32, #tpu.memory_space<vmem>> -> memref<1x128xi32, #tpu.memory_space<vmem>>
        %dma_wait3A_122 = tpu.memref_squeeze %dma_wait3A_121 : memref<1x128xi32, #tpu.memory_space<vmem>> -> memref<128xi32, #tpu.memory_space<vmem>>
        %dma_wait3A_123 = arith.constant 0 : i32
        %dma_wait3A_124 = arith.constant 0 : i32
        %dma_wait3A_125 = tpu.memref_slice %arg2[%dma_wait3A_123, %dma_wait3A_124] : memref<10240x128xf32, #tpu.memory_space<hbm>> -> memref<10240x128xf32, #tpu.memory_space<hbm>>
        tpu.wait_indirect_dma semaphore(%arg12 : memref<!tpu.dma_semaphore, #tpu.memory_space<semaphore_mem>>) src(%dma_wait3A_125 : memref<10240x128xf32, #tpu.memory_space<hbm>>) dst(%arg9 : memref<128x128xf32, #tpu.memory_space<vmem>>)
        "tpu.region"() ({
          %run_scoped3A_126 = tpu.sem_alloc : memref<!tpu.dma_semaphore, #tpu.memory_space<semaphore_mem>>
          %dma_start3A_127 = arith.constant 0 : i32
          %dma_start3A_128 = tpu.memref_slice %arg7[%scan3A_78, %dma_start3A_127] : memref<40x128xi32, #tpu.memory_space<vmem>> -> memref<1x128xi32, #tpu.memory_space<vmem>>
          %dma_start3A_129 = tpu.memref_squeeze %dma_start3A_128 : memref<1x128xi32, #tpu.memory_space<vmem>> -> memref<128xi32, #tpu.memory_space<vmem>>
          %dma_start3A_130 = arith.constant 0 : i32
          %dma_start3A_131 = arith.constant 0 : i32
          %dma_start3A_132 = tpu.memref_slice %arg10[%dma_start3A_130, %dma_start3A_131] : memref<10240x128xf32, #tpu.memory_space<vmem_shared>> -> memref<10240x128xf32, #tpu.memory_space<vmem_shared>>
          tpu.enqueue_indirect_dma source(%arg9 : memref<128x128xf32, #tpu.memory_space<vmem>>) target(%dma_start3A_132 : memref<10240x128xf32, #tpu.memory_space<vmem_shared>>) offsets(%dma_start3A_129 : memref<128xi32, #tpu.memory_space<vmem>>) semaphore(%run_scoped3A_126 : memref<!tpu.dma_semaphore, #tpu.memory_space<semaphore_mem>>) {add = true}
          %dma_wait3A_133 = arith.constant 0 : i32
          %dma_wait3A_134 = tpu.memref_slice %arg7[%scan3A_78, %dma_wait3A_133] : memref<40x128xi32, #tpu.memory_space<vmem>> -> memref<1x128xi32, #tpu.memory_space<vmem>>
          %dma_wait3A_135 = tpu.memref_squeeze %dma_wait3A_134 : memref<1x128xi32, #tpu.memory_space<vmem>> -> memref<128xi32, #tpu.memory_space<vmem>>
          %dma_wait3A_136 = arith.constant 0 : i32
          %dma_wait3A_137 = arith.constant 0 : i32
          %dma_wait3A_138 = tpu.memref_slice %arg10[%dma_wait3A_136, %dma_wait3A_137] : memref<10240x128xf32, #tpu.memory_space<vmem_shared>> -> memref<10240x128xf32, #tpu.memory_space<vmem_shared>>
          tpu.wait_indirect_dma semaphore(%run_scoped3A_126 : memref<!tpu.dma_semaphore, #tpu.memory_space<semaphore_mem>>) src(%arg9 : memref<128x128xf32, #tpu.memory_space<vmem>>) dst(%dma_wait3A_138 : memref<10240x128xf32, #tpu.memory_space<vmem_shared>>)
          tpu.yield
        }) : () -> ()
      } else {
      }
    }
    %scan3A_48 = arith.constant 38 : i32
    %dma_wait3A_49 = arith.constant 38 : i32
    %dma_wait3A_50 = arith.constant 0 : i32
    %dma_wait3A_51 = tpu.memref_slice %arg6[%dma_wait3A_49, %dma_wait3A_50] : memref<40x128xi32, #tpu.memory_space<vmem>> -> memref<1x128xi32, #tpu.memory_space<vmem>>
    %dma_wait3A_52 = tpu.memref_squeeze %dma_wait3A_51 : memref<1x128xi32, #tpu.memory_space<vmem>> -> memref<128xi32, #tpu.memory_space<vmem>>
    %dma_wait3A_53 = arith.constant 0 : i32
    %dma_wait3A_54 = arith.constant 0 : i32
    %dma_wait3A_55 = tpu.memref_slice %arg2[%dma_wait3A_53, %dma_wait3A_54] : memref<10240x128xf32, #tpu.memory_space<hbm>> -> memref<10240x128xf32, #tpu.memory_space<hbm>>
    tpu.wait_indirect_dma semaphore(%arg11 : memref<!tpu.dma_semaphore, #tpu.memory_space<semaphore_mem>>) src(%dma_wait3A_55 : memref<10240x128xf32, #tpu.memory_space<hbm>>) dst(%arg8 : memref<128x128xf32, #tpu.memory_space<vmem>>)
    %run_scoped3A_56 = arith.constant 38 : i32
    "tpu.region"() ({
      %run_scoped3A_78 = tpu.sem_alloc : memref<!tpu.dma_semaphore, #tpu.memory_space<semaphore_mem>>
      %dma_start3A_79 = arith.constant 0 : i32
      %dma_start3A_80 = tpu.memref_slice %arg7[%run_scoped3A_56, %dma_start3A_79] : memref<40x128xi32, #tpu.memory_space<vmem>> -> memref<1x128xi32, #tpu.memory_space<vmem>>
      %dma_start3A_81 = tpu.memref_squeeze %dma_start3A_80 : memref<1x128xi32, #tpu.memory_space<vmem>> -> memref<128xi32, #tpu.memory_space<vmem>>
      %dma_start3A_82 = arith.constant 0 : i32
      %dma_start3A_83 = arith.constant 0 : i32
      %dma_start3A_84 = tpu.memref_slice %arg10[%dma_start3A_82, %dma_start3A_83] : memref<10240x128xf32, #tpu.memory_space<vmem_shared>> -> memref<10240x128xf32, #tpu.memory_space<vmem_shared>>
      tpu.enqueue_indirect_dma source(%arg8 : memref<128x128xf32, #tpu.memory_space<vmem>>) target(%dma_start3A_84 : memref<10240x128xf32, #tpu.memory_space<vmem_shared>>) offsets(%dma_start3A_81 : memref<128xi32, #tpu.memory_space<vmem>>) semaphore(%run_scoped3A_78 : memref<!tpu.dma_semaphore, #tpu.memory_space<semaphore_mem>>) {add = true}
      %dma_wait3A_85 = arith.constant 0 : i32
      %dma_wait3A_86 = tpu.memref_slice %arg7[%run_scoped3A_56, %dma_wait3A_85] : memref<40x128xi32, #tpu.memory_space<vmem>> -> memref<1x128xi32, #tpu.memory_space<vmem>>
      %dma_wait3A_87 = tpu.memref_squeeze %dma_wait3A_86 : memref<1x128xi32, #tpu.memory_space<vmem>> -> memref<128xi32, #tpu.memory_space<vmem>>
      %dma_wait3A_88 = arith.constant 0 : i32
      %dma_wait3A_89 = arith.constant 0 : i32
      %dma_wait3A_90 = tpu.memref_slice %arg10[%dma_wait3A_88, %dma_wait3A_89] : memref<10240x128xf32, #tpu.memory_space<vmem_shared>> -> memref<10240x128xf32, #tpu.memory_space<vmem_shared>>
      tpu.wait_indirect_dma semaphore(%run_scoped3A_78 : memref<!tpu.dma_semaphore, #tpu.memory_space<semaphore_mem>>) src(%arg8 : memref<128x128xf32, #tpu.memory_space<vmem>>) dst(%dma_wait3A_90 : memref<10240x128xf32, #tpu.memory_space<vmem_shared>>)
      tpu.yield
    }) : () -> ()
    %barrier3A_57 = arith.constant 0 : index
    tpu.barrier barrier_id(%barrier3A_57)
    %add3A_58 = arith.constant 0 : i32
    %add3A_59 = arith.addi %mul3A_2, %add3A_58 : i32
    "tpu.region"() ({
      %run_scoped3A_78 = tpu.sem_alloc : memref<!tpu.dma_semaphore, #tpu.memory_space<semaphore_mem>>
      %dma_start3A_79 = arith.constant 0 : i32
      %dma_start3A_80 = arith.constant 0 : i32
      %dma_start3A_81 = tpu.memref_slice %arg8[%dma_start3A_79, %dma_start3A_80] : memref<128x128xf32, #tpu.memory_space<vmem>> -> memref<128x128xf32, #tpu.memory_space<vmem>>
      %dma_start3A_82 = arith.constant 0 : i32
      %dma_start3A_83 = tpu.memref_slice %arg10[%add3A_59, %dma_start3A_82] : memref<10240x128xf32, #tpu.memory_space<vmem_shared>> -> memref<128x128xf32, #tpu.memory_space<vmem_shared>>
      %dma_start3A_84 = arith.constant 0 : i32
      %dma_start3A_85 = arith.constant 0 : i32
      %dma_start3A_86 = tpu.memref_slice %arg8[%dma_start3A_84, %dma_start3A_85] : memref<128x128xf32, #tpu.memory_space<vmem>> -> memref<128x128xf32, #tpu.memory_space<vmem>>
      %dma_start3A_87 = arith.constant 0 : i32
      %dma_start3A_88 = tpu.memref_slice %arg10[%add3A_59, %dma_start3A_87] : memref<10240x128xf32, #tpu.memory_space<vmem_shared>> -> memref<128x128xf32, #tpu.memory_space<vmem_shared>>
      tpu.enqueue_dma source(%dma_start3A_88 : memref<128x128xf32, #tpu.memory_space<vmem_shared>>) target(%dma_start3A_86 : memref<128x128xf32, #tpu.memory_space<vmem>>) target_semaphore(%run_scoped3A_78 : memref<!tpu.dma_semaphore, #tpu.memory_space<semaphore_mem>>)
      %dma_wait3A_89 = arith.constant 0 : i32
      %dma_wait3A_90 = arith.constant 0 : i32
      %dma_wait3A_91 = tpu.memref_slice %arg8[%dma_wait3A_89, %dma_wait3A_90] : memref<128x128xf32, #tpu.memory_space<vmem>> -> memref<128x128xf32, #tpu.memory_space<vmem>>
      %dma_wait3A_92 = arith.constant 0 : i32
      %dma_wait3A_93 = tpu.memref_slice %arg10[%add3A_59, %dma_wait3A_92] : memref<10240x128xf32, #tpu.memory_space<vmem_shared>> -> memref<128x128xf32, #tpu.memory_space<vmem_shared>>
      %dma_wait3A_94 = arith.constant 0 : i32
      %dma_wait3A_95 = arith.constant 0 : i32
      %dma_wait3A_96 = tpu.memref_slice %arg8[%dma_wait3A_94, %dma_wait3A_95] : memref<128x128xf32, #tpu.memory_space<vmem>> -> memref<128x128xf32, #tpu.memory_space<vmem>>
      %dma_wait3A_97 = arith.constant 0 : i32
      %dma_wait3A_98 = tpu.memref_slice %arg10[%add3A_59, %dma_wait3A_97] : memref<10240x128xf32, #tpu.memory_space<vmem_shared>> -> memref<128x128xf32, #tpu.memory_space<vmem_shared>>
      tpu.wait_dma2 semaphore(%run_scoped3A_78 : memref<!tpu.dma_semaphore, #tpu.memory_space<semaphore_mem>>) src(%dma_wait3A_98 : memref<128x128xf32, #tpu.memory_space<vmem_shared>>) dst(%dma_wait3A_96 : memref<128x128xf32, #tpu.memory_space<vmem>>)
      tpu.yield
    }) : () -> ()
    %add3A_60 = arith.constant 0 : i32
    %add3A_61 = arith.addi %mul3A_2, %add3A_60 : i32
    "tpu.region"() ({
      %run_scoped3A_78 = tpu.sem_alloc : memref<!tpu.dma_semaphore, #tpu.memory_space<semaphore_mem>>
      %dma_start3A_79 = arith.constant 0 : i32
      %dma_start3A_80 = arith.constant 0 : i32
      %dma_start3A_81 = tpu.memref_slice %arg8[%dma_start3A_79, %dma_start3A_80] : memref<128x128xf32, #tpu.memory_space<vmem>> -> memref<128x128xf32, #tpu.memory_space<vmem>>
      %dma_start3A_82 = arith.constant 0 : i32
      %dma_start3A_83 = tpu.memref_slice %arg5[%arg0, %add3A_61, %dma_start3A_82] : memref<2x10240x128xf32, #tpu.memory_space<hbm>> -> memref<1x128x128xf32, #tpu.memory_space<hbm>>
      %dma_start3A_84 = tpu.memref_squeeze %dma_start3A_83 : memref<1x128x128xf32, #tpu.memory_space<hbm>> -> memref<128x128xf32, #tpu.memory_space<hbm>>
      %dma_start3A_85 = arith.constant 0 : i32
      %dma_start3A_86 = tpu.memref_slice %arg5[%arg0, %add3A_61, %dma_start3A_85] : memref<2x10240x128xf32, #tpu.memory_space<hbm>> -> memref<1x128x128xf32, #tpu.memory_space<hbm>>
      %dma_start3A_87 = tpu.memref_squeeze %dma_start3A_86 : memref<1x128x128xf32, #tpu.memory_space<hbm>> -> memref<128x128xf32, #tpu.memory_space<hbm>>
      %dma_start3A_88 = arith.constant 0 : i32
      %dma_start3A_89 = arith.constant 0 : i32
      %dma_start3A_90 = tpu.memref_slice %arg8[%dma_start3A_88, %dma_start3A_89] : memref<128x128xf32, #tpu.memory_space<vmem>> -> memref<128x128xf32, #tpu.memory_space<vmem>>
      tpu.enqueue_dma source(%dma_start3A_90 : memref<128x128xf32, #tpu.memory_space<vmem>>) target(%dma_start3A_87 : memref<128x128xf32, #tpu.memory_space<hbm>>) target_semaphore(%run_scoped3A_78 : memref<!tpu.dma_semaphore, #tpu.memory_space<semaphore_mem>>)
      %dma_wait3A_91 = arith.constant 0 : i32
      %dma_wait3A_92 = arith.constant 0 : i32
      %dma_wait3A_93 = tpu.memref_slice %arg8[%dma_wait3A_91, %dma_wait3A_92] : memref<128x128xf32, #tpu.memory_space<vmem>> -> memref<128x128xf32, #tpu.memory_space<vmem>>
      %dma_wait3A_94 = arith.constant 0 : i32
      %dma_wait3A_95 = tpu.memref_slice %arg5[%arg0, %add3A_61, %dma_wait3A_94] : memref<2x10240x128xf32, #tpu.memory_space<hbm>> -> memref<1x128x128xf32, #tpu.memory_space<hbm>>
      %dma_wait3A_96 = tpu.memref_squeeze %dma_wait3A_95 : memref<1x128x128xf32, #tpu.memory_space<hbm>> -> memref<128x128xf32, #tpu.memory_space<hbm>>
      %dma_wait3A_97 = arith.constant 0 : i32
      %dma_wait3A_98 = tpu.memref_slice %arg5[%arg0, %add3A_61, %dma_wait3A_97] : memref<2x10240x128xf32, #tpu.memory_space<hbm>> -> memref<1x128x128xf32, #tpu.memory_space<hbm>>
      %dma_wait3A_99 = tpu.memref_squeeze %dma_wait3A_98 : memref<1x128x128xf32, #tpu.memory_space<hbm>> -> memref<128x128xf32, #tpu.memory_space<hbm>>
      %dma_wait3A_100 = arith.constant 0 : i32
      %dma_wait3A_101 = arith.constant 0 : i32
      %dma_wait3A_102 = tpu.memref_slice %arg8[%dma_wait3A_100, %dma_wait3A_101] : memref<128x128xf32, #tpu.memory_space<vmem>> -> memref<128x128xf32, #tpu.memory_space<vmem>>
      tpu.wait_dma2 semaphore(%run_scoped3A_78 : memref<!tpu.dma_semaphore, #tpu.memory_space<semaphore_mem>>) src(%dma_wait3A_102 : memref<128x128xf32, #tpu.memory_space<vmem>>) dst(%dma_wait3A_99 : memref<128x128xf32, #tpu.memory_space<hbm>>)
      tpu.yield
    }) : () -> ()
    %add3A_62 = arith.constant 128 : i32
    %add3A_63 = arith.addi %mul3A_2, %add3A_62 : i32
    "tpu.region"() ({
      %run_scoped3A_78 = tpu.sem_alloc : memref<!tpu.dma_semaphore, #tpu.memory_space<semaphore_mem>>
      %dma_start3A_79 = arith.constant 0 : i32
      %dma_start3A_80 = arith.constant 0 : i32
      %dma_start3A_81 = tpu.memref_slice %arg8[%dma_start3A_79, %dma_start3A_80] : memref<128x128xf32, #tpu.memory_space<vmem>> -> memref<128x128xf32, #tpu.memory_space<vmem>>
      %dma_start3A_82 = arith.constant 0 : i32
      %dma_start3A_83 = tpu.memref_slice %arg10[%add3A_63, %dma_start3A_82] : memref<10240x128xf32, #tpu.memory_space<vmem_shared>> -> memref<128x128xf32, #tpu.memory_space<vmem_shared>>
      %dma_start3A_84 = arith.constant 0 : i32
      %dma_start3A_85 = arith.constant 0 : i32
      %dma_start3A_86 = tpu.memref_slice %arg8[%dma_start3A_84, %dma_start3A_85] : memref<128x128xf32, #tpu.memory_space<vmem>> -> memref<128x128xf32, #tpu.memory_space<vmem>>
      %dma_start3A_87 = arith.constant 0 : i32
      %dma_start3A_88 = tpu.memref_slice %arg10[%add3A_63, %dma_start3A_87] : memref<10240x128xf32, #tpu.memory_space<vmem_shared>> -> memref<128x128xf32, #tpu.memory_space<vmem_shared>>
      tpu.enqueue_dma source(%dma_start3A_88 : memref<128x128xf32, #tpu.memory_space<vmem_shared>>) target(%dma_start3A_86 : memref<128x128xf32, #tpu.memory_space<vmem>>) target_semaphore(%run_scoped3A_78 : memref<!tpu.dma_semaphore, #tpu.memory_space<semaphore_mem>>)
      %dma_wait3A_89 = arith.constant 0 : i32
      %dma_wait3A_90 = arith.constant 0 : i32
      %dma_wait3A_91 = tpu.memref_slice %arg8[%dma_wait3A_89, %dma_wait3A_90] : memref<128x128xf32, #tpu.memory_space<vmem>> -> memref<128x128xf32, #tpu.memory_space<vmem>>
      %dma_wait3A_92 = arith.constant 0 : i32
      %dma_wait3A_93 = tpu.memref_slice %arg10[%add3A_63, %dma_wait3A_92] : memref<10240x128xf32, #tpu.memory_space<vmem_shared>> -> memref<128x128xf32, #tpu.memory_space<vmem_shared>>
      %dma_wait3A_94 = arith.constant 0 : i32
      %dma_wait3A_95 = arith.constant 0 : i32
      %dma_wait3A_96 = tpu.memref_slice %arg8[%dma_wait3A_94, %dma_wait3A_95] : memref<128x128xf32, #tpu.memory_space<vmem>> -> memref<128x128xf32, #tpu.memory_space<vmem>>
      %dma_wait3A_97 = arith.constant 0 : i32
      %dma_wait3A_98 = tpu.memref_slice %arg10[%add3A_63, %dma_wait3A_97] : memref<10240x128xf32, #tpu.memory_space<vmem_shared>> -> memref<128x128xf32, #tpu.memory_space<vmem_shared>>
      tpu.wait_dma2 semaphore(%run_scoped3A_78 : memref<!tpu.dma_semaphore, #tpu.memory_space<semaphore_mem>>) src(%dma_wait3A_98 : memref<128x128xf32, #tpu.memory_space<vmem_shared>>) dst(%dma_wait3A_96 : memref<128x128xf32, #tpu.memory_space<vmem>>)
      tpu.yield
    }) : () -> ()
    %add3A_64 = arith.constant 128 : i32
    %add3A_65 = arith.addi %mul3A_2, %add3A_64 : i32
    "tpu.region"() ({
      %run_scoped3A_78 = tpu.sem_alloc : memref<!tpu.dma_semaphore, #tpu.memory_space<semaphore_mem>>
      %dma_start3A_79 = arith.constant 0 : i32
      %dma_start3A_80 = arith.constant 0 : i32
      %dma_start3A_81 = tpu.memref_slice %arg8[%dma_start3A_79, %dma_start3A_80] : memref<128x128xf32, #tpu.memory_space<vmem>> -> memref<128x128xf32, #tpu.memory_space<vmem>>
      %dma_start3A_82 = arith.constant 0 : i32
      %dma_start3A_83 = tpu.memref_slice %arg5[%arg0, %add3A_65, %dma_start3A_82] : memref<2x10240x128xf32, #tpu.memory_space<hbm>> -> memref<1x128x128xf32, #tpu.memory_space<hbm>>
      %dma_start3A_84 = tpu.memref_squeeze %dma_start3A_83 : memref<1x128x128xf32, #tpu.memory_space<hbm>> -> memref<128x128xf32, #tpu.memory_space<hbm>>
      %dma_start3A_85 = arith.constant 0 : i32
      %dma_start3A_86 = tpu.memref_slice %arg5[%arg0, %add3A_65, %dma_start3A_85] : memref<2x10240x128xf32, #tpu.memory_space<hbm>> -> memref<1x128x128xf32, #tpu.memory_space<hbm>>
      %dma_start3A_87 = tpu.memref_squeeze %dma_start3A_86 : memref<1x128x128xf32, #tpu.memory_space<hbm>> -> memref<128x128xf32, #tpu.memory_space<hbm>>
      %dma_start3A_88 = arith.constant 0 : i32
      %dma_start3A_89 = arith.constant 0 : i32
      %dma_start3A_90 = tpu.memref_slice %arg8[%dma_start3A_88, %dma_start3A_89] : memref<128x128xf32, #tpu.memory_space<vmem>> -> memref<128x128xf32, #tpu.memory_space<vmem>>
      tpu.enqueue_dma source(%dma_start3A_90 : memref<128x128xf32, #tpu.memory_space<vmem>>) target(%dma_start3A_87 : memref<128x128xf32, #tpu.memory_space<hbm>>) target_semaphore(%run_scoped3A_78 : memref<!tpu.dma_semaphore, #tpu.memory_space<semaphore_mem>>)
      %dma_wait3A_91 = arith.constant 0 : i32
      %dma_wait3A_92 = arith.constant 0 : i32
      %dma_wait3A_93 = tpu.memref_slice %arg8[%dma_wait3A_91, %dma_wait3A_92] : memref<128x128xf32, #tpu.memory_space<vmem>> -> memref<128x128xf32, #tpu.memory_space<vmem>>
      %dma_wait3A_94 = arith.constant 0 : i32
      %dma_wait3A_95 = tpu.memref_slice %arg5[%arg0, %add3A_65, %dma_wait3A_94] : memref<2x10240x128xf32, #tpu.memory_space<hbm>> -> memref<1x128x128xf32, #tpu.memory_space<hbm>>
      %dma_wait3A_96 = tpu.memref_squeeze %dma_wait3A_95 : memref<1x128x128xf32, #tpu.memory_space<hbm>> -> memref<128x128xf32, #tpu.memory_space<hbm>>
      %dma_wait3A_97 = arith.constant 0 : i32
      %dma_wait3A_98 = tpu.memref_slice %arg5[%arg0, %add3A_65, %dma_wait3A_97] : memref<2x10240x128xf32, #tpu.memory_space<hbm>> -> memref<1x128x128xf32, #tpu.memory_space<hbm>>
      %dma_wait3A_99 = tpu.memref_squeeze %dma_wait3A_98 : memref<1x128x128xf32, #tpu.memory_space<hbm>> -> memref<128x128xf32, #tpu.memory_space<hbm>>
      %dma_wait3A_100 = arith.constant 0 : i32
      %dma_wait3A_101 = arith.constant 0 : i32
      %dma_wait3A_102 = tpu.memref_slice %arg8[%dma_wait3A_100, %dma_wait3A_101] : memref<128x128xf32, #tpu.memory_space<vmem>> -> memref<128x128xf32, #tpu.memory_space<vmem>>
      tpu.wait_dma2 semaphore(%run_scoped3A_78 : memref<!tpu.dma_semaphore, #tpu.memory_space<semaphore_mem>>) src(%dma_wait3A_102 : memref<128x128xf32, #tpu.memory_space<vmem>>) dst(%dma_wait3A_99 : memref<128x128xf32, #tpu.memory_space<hbm>>)
      tpu.yield
    }) : () -> ()
    %add3A_66 = arith.constant 256 : i32
    %add3A_67 = arith.addi %mul3A_2, %add3A_66 : i32
    "tpu.region"() ({
      %run_scoped3A_78 = tpu.sem_alloc : memref<!tpu.dma_semaphore, #tpu.memory_space<semaphore_mem>>
      %dma_start3A_79 = arith.constant 0 : i32
      %dma_start3A_80 = arith.constant 0 : i32
      %dma_start3A_81 = tpu.memref_slice %arg8[%dma_start3A_79, %dma_start3A_80] : memref<128x128xf32, #tpu.memory_space<vmem>> -> memref<128x128xf32, #tpu.memory_space<vmem>>
      %dma_start3A_82 = arith.constant 0 : i32
      %dma_start3A_83 = tpu.memref_slice %arg10[%add3A_67, %dma_start3A_82] : memref<10240x128xf32, #tpu.memory_space<vmem_shared>> -> memref<128x128xf32, #tpu.memory_space<vmem_shared>>
      %dma_start3A_84 = arith.constant 0 : i32
      %dma_start3A_85 = arith.constant 0 : i32
      %dma_start3A_86 = tpu.memref_slice %arg8[%dma_start3A_84, %dma_start3A_85] : memref<128x128xf32, #tpu.memory_space<vmem>> -> memref<128x128xf32, #tpu.memory_space<vmem>>
      %dma_start3A_87 = arith.constant 0 : i32
      %dma_start3A_88 = tpu.memref_slice %arg10[%add3A_67, %dma_start3A_87] : memref<10240x128xf32, #tpu.memory_space<vmem_shared>> -> memref<128x128xf32, #tpu.memory_space<vmem_shared>>
      tpu.enqueue_dma source(%dma_start3A_88 : memref<128x128xf32, #tpu.memory_space<vmem_shared>>) target(%dma_start3A_86 : memref<128x128xf32, #tpu.memory_space<vmem>>) target_semaphore(%run_scoped3A_78 : memref<!tpu.dma_semaphore, #tpu.memory_space<semaphore_mem>>)
      %dma_wait3A_89 = arith.constant 0 : i32
      %dma_wait3A_90 = arith.constant 0 : i32
      %dma_wait3A_91 = tpu.memref_slice %arg8[%dma_wait3A_89, %dma_wait3A_90] : memref<128x128xf32, #tpu.memory_space<vmem>> -> memref<128x128xf32, #tpu.memory_space<vmem>>
      %dma_wait3A_92 = arith.constant 0 : i32
      %dma_wait3A_93 = tpu.memref_slice %arg10[%add3A_67, %dma_wait3A_92] : memref<10240x128xf32, #tpu.memory_space<vmem_shared>> -> memref<128x128xf32, #tpu.memory_space<vmem_shared>>
      %dma_wait3A_94 = arith.constant 0 : i32
      %dma_wait3A_95 = arith.constant 0 : i32
      %dma_wait3A_96 = tpu.memref_slice %arg8[%dma_wait3A_94, %dma_wait3A_95] : memref<128x128xf32, #tpu.memory_space<vmem>> -> memref<128x128xf32, #tpu.memory_space<vmem>>
      %dma_wait3A_97 = arith.constant 0 : i32
      %dma_wait3A_98 = tpu.memref_slice %arg10[%add3A_67, %dma_wait3A_97] : memref<10240x128xf32, #tpu.memory_space<vmem_shared>> -> memref<128x128xf32, #tpu.memory_space<vmem_shared>>
      tpu.wait_dma2 semaphore(%run_scoped3A_78 : memref<!tpu.dma_semaphore, #tpu.memory_space<semaphore_mem>>) src(%dma_wait3A_98 : memref<128x128xf32, #tpu.memory_space<vmem_shared>>) dst(%dma_wait3A_96 : memref<128x128xf32, #tpu.memory_space<vmem>>)
      tpu.yield
    }) : () -> ()
    %add3A_68 = arith.constant 256 : i32
    %add3A_69 = arith.addi %mul3A_2, %add3A_68 : i32
    "tpu.region"() ({
      %run_scoped3A_78 = tpu.sem_alloc : memref<!tpu.dma_semaphore, #tpu.memory_space<semaphore_mem>>
      %dma_start3A_79 = arith.constant 0 : i32
      %dma_start3A_80 = arith.constant 0 : i32
      %dma_start3A_81 = tpu.memref_slice %arg8[%dma_start3A_79, %dma_start3A_80] : memref<128x128xf32, #tpu.memory_space<vmem>> -> memref<128x128xf32, #tpu.memory_space<vmem>>
      %dma_start3A_82 = arith.constant 0 : i32
      %dma_start3A_83 = tpu.memref_slice %arg5[%arg0, %add3A_69, %dma_start3A_82] : memref<2x10240x128xf32, #tpu.memory_space<hbm>> -> memref<1x128x128xf32, #tpu.memory_space<hbm>>
      %dma_start3A_84 = tpu.memref_squeeze %dma_start3A_83 : memref<1x128x128xf32, #tpu.memory_space<hbm>> -> memref<128x128xf32, #tpu.memory_space<hbm>>
      %dma_start3A_85 = arith.constant 0 : i32
      %dma_start3A_86 = tpu.memref_slice %arg5[%arg0, %add3A_69, %dma_start3A_85] : memref<2x10240x128xf32, #tpu.memory_space<hbm>> -> memref<1x128x128xf32, #tpu.memory_space<hbm>>
      %dma_start3A_87 = tpu.memref_squeeze %dma_start3A_86 : memref<1x128x128xf32, #tpu.memory_space<hbm>> -> memref<128x128xf32, #tpu.memory_space<hbm>>
      %dma_start3A_88 = arith.constant 0 : i32
      %dma_start3A_89 = arith.constant 0 : i32
      %dma_start3A_90 = tpu.memref_slice %arg8[%dma_start3A_88, %dma_start3A_89] : memref<128x128xf32, #tpu.memory_space<vmem>> -> memref<128x128xf32, #tpu.memory_space<vmem>>
      tpu.enqueue_dma source(%dma_start3A_90 : memref<128x128xf32, #tpu.memory_space<vmem>>) target(%dma_start3A_87 : memref<128x128xf32, #tpu.memory_space<hbm>>) target_semaphore(%run_scoped3A_78 : memref<!tpu.dma_semaphore, #tpu.memory_space<semaphore_mem>>)
      %dma_wait3A_91 = arith.constant 0 : i32
      %dma_wait3A_92 = arith.constant 0 : i32
      %dma_wait3A_93 = tpu.memref_slice %arg8[%dma_wait3A_91, %dma_wait3A_92] : memref<128x128xf32, #tpu.memory_space<vmem>> -> memref<128x128xf32, #tpu.memory_space<vmem>>
      %dma_wait3A_94 = arith.constant 0 : i32
      %dma_wait3A_95 = tpu.memref_slice %arg5[%arg0, %add3A_69, %dma_wait3A_94] : memref<2x10240x128xf32, #tpu.memory_space<hbm>> -> memref<1x128x128xf32, #tpu.memory_space<hbm>>
      %dma_wait3A_96 = tpu.memref_squeeze %dma_wait3A_95 : memref<1x128x128xf32, #tpu.memory_space<hbm>> -> memref<128x128xf32, #tpu.memory_space<hbm>>
      %dma_wait3A_97 = arith.constant 0 : i32
      %dma_wait3A_98 = tpu.memref_slice %arg5[%arg0, %add3A_69, %dma_wait3A_97] : memref<2x10240x128xf32, #tpu.memory_space<hbm>> -> memref<1x128x128xf32, #tpu.memory_space<hbm>>
      %dma_wait3A_99 = tpu.memref_squeeze %dma_wait3A_98 : memref<1x128x128xf32, #tpu.memory_space<hbm>> -> memref<128x128xf32, #tpu.memory_space<hbm>>
      %dma_wait3A_100 = arith.constant 0 : i32
      %dma_wait3A_101 = arith.constant 0 : i32
      %dma_wait3A_102 = tpu.memref_slice %arg8[%dma_wait3A_100, %dma_wait3A_101] : memref<128x128xf32, #tpu.memory_space<vmem>> -> memref<128x128xf32, #tpu.memory_space<vmem>>
      tpu.wait_dma2 semaphore(%run_scoped3A_78 : memref<!tpu.dma_semaphore, #tpu.memory_space<semaphore_mem>>) src(%dma_wait3A_102 : memref<128x128xf32, #tpu.memory_space<vmem>>) dst(%dma_wait3A_99 : memref<128x128xf32, #tpu.memory_space<hbm>>)
      tpu.yield
    }) : () -> ()
    %add3A_70 = arith.constant 384 : i32
    %add3A_71 = arith.addi %mul3A_2, %add3A_70 : i32
    "tpu.region"() ({
      %run_scoped3A_78 = tpu.sem_alloc : memref<!tpu.dma_semaphore, #tpu.memory_space<semaphore_mem>>
      %dma_start3A_79 = arith.constant 0 : i32
      %dma_start3A_80 = arith.constant 0 : i32
      %dma_start3A_81 = tpu.memref_slice %arg8[%dma_start3A_79, %dma_start3A_80] : memref<128x128xf32, #tpu.memory_space<vmem>> -> memref<128x128xf32, #tpu.memory_space<vmem>>
      %dma_start3A_82 = arith.constant 0 : i32
      %dma_start3A_83 = tpu.memref_slice %arg10[%add3A_71, %dma_start3A_82] : memref<10240x128xf32, #tpu.memory_space<vmem_shared>> -> memref<128x128xf32, #tpu.memory_space<vmem_shared>>
      %dma_start3A_84 = arith.constant 0 : i32
      %dma_start3A_85 = arith.constant 0 : i32
      %dma_start3A_86 = tpu.memref_slice %arg8[%dma_start3A_84, %dma_start3A_85] : memref<128x128xf32, #tpu.memory_space<vmem>> -> memref<128x128xf32, #tpu.memory_space<vmem>>
      %dma_start3A_87 = arith.constant 0 : i32
      %dma_start3A_88 = tpu.memref_slice %arg10[%add3A_71, %dma_start3A_87] : memref<10240x128xf32, #tpu.memory_space<vmem_shared>> -> memref<128x128xf32, #tpu.memory_space<vmem_shared>>
      tpu.enqueue_dma source(%dma_start3A_88 : memref<128x128xf32, #tpu.memory_space<vmem_shared>>) target(%dma_start3A_86 : memref<128x128xf32, #tpu.memory_space<vmem>>) target_semaphore(%run_scoped3A_78 : memref<!tpu.dma_semaphore, #tpu.memory_space<semaphore_mem>>)
      %dma_wait3A_89 = arith.constant 0 : i32
      %dma_wait3A_90 = arith.constant 0 : i32
      %dma_wait3A_91 = tpu.memref_slice %arg8[%dma_wait3A_89, %dma_wait3A_90] : memref<128x128xf32, #tpu.memory_space<vmem>> -> memref<128x128xf32, #tpu.memory_space<vmem>>
      %dma_wait3A_92 = arith.constant 0 : i32
      %dma_wait3A_93 = tpu.memref_slice %arg10[%add3A_71, %dma_wait3A_92] : memref<10240x128xf32, #tpu.memory_space<vmem_shared>> -> memref<128x128xf32, #tpu.memory_space<vmem_shared>>
      %dma_wait3A_94 = arith.constant 0 : i32
      %dma_wait3A_95 = arith.constant 0 : i32
      %dma_wait3A_96 = tpu.memref_slice %arg8[%dma_wait3A_94, %dma_wait3A_95] : memref<128x128xf32, #tpu.memory_space<vmem>> -> memref<128x128xf32, #tpu.memory_space<vmem>>
      %dma_wait3A_97 = arith.constant 0 : i32
      %dma_wait3A_98 = tpu.memref_slice %arg10[%add3A_71, %dma_wait3A_97] : memref<10240x128xf32, #tpu.memory_space<vmem_shared>> -> memref<128x128xf32, #tpu.memory_space<vmem_shared>>
      tpu.wait_dma2 semaphore(%run_scoped3A_78 : memref<!tpu.dma_semaphore, #tpu.memory_space<semaphore_mem>>) src(%dma_wait3A_98 : memref<128x128xf32, #tpu.memory_space<vmem_shared>>) dst(%dma_wait3A_96 : memref<128x128xf32, #tpu.memory_space<vmem>>)
      tpu.yield
    }) : () -> ()
    %add3A_72 = arith.constant 384 : i32
    %add3A_73 = arith.addi %mul3A_2, %add3A_72 : i32
    "tpu.region"() ({
      %run_scoped3A_78 = tpu.sem_alloc : memref<!tpu.dma_semaphore, #tpu.memory_space<semaphore_mem>>
      %dma_start3A_79 = arith.constant 0 : i32
      %dma_start3A_80 = arith.constant 0 : i32
      %dma_start3A_81 = tpu.memref_slice %arg8[%dma_start3A_79, %dma_start3A_80] : memref<128x128xf32, #tpu.memory_space<vmem>> -> memref<128x128xf32, #tpu.memory_space<vmem>>
      %dma_start3A_82 = arith.constant 0 : i32
      %dma_start3A_83 = tpu.memref_slice %arg5[%arg0, %add3A_73, %dma_start3A_82] : memref<2x10240x128xf32, #tpu.memory_space<hbm>> -> memref<1x128x128xf32, #tpu.memory_space<hbm>>
      %dma_start3A_84 = tpu.memref_squeeze %dma_start3A_83 : memref<1x128x128xf32, #tpu.memory_space<hbm>> -> memref<128x128xf32, #tpu.memory_space<hbm>>
      %dma_start3A_85 = arith.constant 0 : i32
      %dma_start3A_86 = tpu.memref_slice %arg5[%arg0, %add3A_73, %dma_start3A_85] : memref<2x10240x128xf32, #tpu.memory_space<hbm>> -> memref<1x128x128xf32, #tpu.memory_space<hbm>>
      %dma_start3A_87 = tpu.memref_squeeze %dma_start3A_86 : memref<1x128x128xf32, #tpu.memory_space<hbm>> -> memref<128x128xf32, #tpu.memory_space<hbm>>
      %dma_start3A_88 = arith.constant 0 : i32
      %dma_start3A_89 = arith.constant 0 : i32
      %dma_start3A_90 = tpu.memref_slice %arg8[%dma_start3A_88, %dma_start3A_89] : memref<128x128xf32, #tpu.memory_space<vmem>> -> memref<128x128xf32, #tpu.memory_space<vmem>>
      tpu.enqueue_dma source(%dma_start3A_90 : memref<128x128xf32, #tpu.memory_space<vmem>>) target(%dma_start3A_87 : memref<128x128xf32, #tpu.memory_space<hbm>>) target_semaphore(%run_scoped3A_78 : memref<!tpu.dma_semaphore, #tpu.memory_space<semaphore_mem>>)
      %dma_wait3A_91 = arith.constant 0 : i32
      %dma_wait3A_92 = arith.constant 0 : i32
      %dma_wait3A_93 = tpu.memref_slice %arg8[%dma_wait3A_91, %dma_wait3A_92] : memref<128x128xf32, #tpu.memory_space<vmem>> -> memref<128x128xf32, #tpu.memory_space<vmem>>
      %dma_wait3A_94 = arith.constant 0 : i32
      %dma_wait3A_95 = tpu.memref_slice %arg5[%arg0, %add3A_73, %dma_wait3A_94] : memref<2x10240x128xf32, #tpu.memory_space<hbm>> -> memref<1x128x128xf32, #tpu.memory_space<hbm>>
      %dma_wait3A_96 = tpu.memref_squeeze %dma_wait3A_95 : memref<1x128x128xf32, #tpu.memory_space<hbm>> -> memref<128x128xf32, #tpu.memory_space<hbm>>
      %dma_wait3A_97 = arith.constant 0 : i32
      %dma_wait3A_98 = tpu.memref_slice %arg5[%arg0, %add3A_73, %dma_wait3A_97] : memref<2x10240x128xf32, #tpu.memory_space<hbm>> -> memref<1x128x128xf32, #tpu.memory_space<hbm>>
      %dma_wait3A_99 = tpu.memref_squeeze %dma_wait3A_98 : memref<1x128x128xf32, #tpu.memory_space<hbm>> -> memref<128x128xf32, #tpu.memory_space<hbm>>
      %dma_wait3A_100 = arith.constant 0 : i32
      %dma_wait3A_101 = arith.constant 0 : i32
      %dma_wait3A_102 = tpu.memref_slice %arg8[%dma_wait3A_100, %dma_wait3A_101] : memref<128x128xf32, #tpu.memory_space<vmem>> -> memref<128x128xf32, #tpu.memory_space<vmem>>
      tpu.wait_dma2 semaphore(%run_scoped3A_78 : memref<!tpu.dma_semaphore, #tpu.memory_space<semaphore_mem>>) src(%dma_wait3A_102 : memref<128x128xf32, #tpu.memory_space<vmem>>) dst(%dma_wait3A_99 : memref<128x128xf32, #tpu.memory_space<hbm>>)
      tpu.yield
    }) : () -> ()
    %add3A_74 = arith.constant 512 : i32
    %add3A_75 = arith.addi %mul3A_2, %add3A_74 : i32
    "tpu.region"() ({
      %run_scoped3A_78 = tpu.sem_alloc : memref<!tpu.dma_semaphore, #tpu.memory_space<semaphore_mem>>
      %dma_start3A_79 = arith.constant 0 : i32
      %dma_start3A_80 = arith.constant 0 : i32
      %dma_start3A_81 = tpu.memref_slice %arg8[%dma_start3A_79, %dma_start3A_80] : memref<128x128xf32, #tpu.memory_space<vmem>> -> memref<128x128xf32, #tpu.memory_space<vmem>>
      %dma_start3A_82 = arith.constant 0 : i32
      %dma_start3A_83 = tpu.memref_slice %arg10[%add3A_75, %dma_start3A_82] : memref<10240x128xf32, #tpu.memory_space<vmem_shared>> -> memref<128x128xf32, #tpu.memory_space<vmem_shared>>
      %dma_start3A_84 = arith.constant 0 : i32
      %dma_start3A_85 = arith.constant 0 : i32
      %dma_start3A_86 = tpu.memref_slice %arg8[%dma_start3A_84, %dma_start3A_85] : memref<128x128xf32, #tpu.memory_space<vmem>> -> memref<128x128xf32, #tpu.memory_space<vmem>>
      %dma_start3A_87 = arith.constant 0 : i32
      %dma_start3A_88 = tpu.memref_slice %arg10[%add3A_75, %dma_start3A_87] : memref<10240x128xf32, #tpu.memory_space<vmem_shared>> -> memref<128x128xf32, #tpu.memory_space<vmem_shared>>
      tpu.enqueue_dma source(%dma_start3A_88 : memref<128x128xf32, #tpu.memory_space<vmem_shared>>) target(%dma_start3A_86 : memref<128x128xf32, #tpu.memory_space<vmem>>) target_semaphore(%run_scoped3A_78 : memref<!tpu.dma_semaphore, #tpu.memory_space<semaphore_mem>>)
      %dma_wait3A_89 = arith.constant 0 : i32
      %dma_wait3A_90 = arith.constant 0 : i32
      %dma_wait3A_91 = tpu.memref_slice %arg8[%dma_wait3A_89, %dma_wait3A_90] : memref<128x128xf32, #tpu.memory_space<vmem>> -> memref<128x128xf32, #tpu.memory_space<vmem>>
      %dma_wait3A_92 = arith.constant 0 : i32
      %dma_wait3A_93 = tpu.memref_slice %arg10[%add3A_75, %dma_wait3A_92] : memref<10240x128xf32, #tpu.memory_space<vmem_shared>> -> memref<128x128xf32, #tpu.memory_space<vmem_shared>>
      %dma_wait3A_94 = arith.constant 0 : i32
      %dma_wait3A_95 = arith.constant 0 : i32
      %dma_wait3A_96 = tpu.memref_slice %arg8[%dma_wait3A_94, %dma_wait3A_95] : memref<128x128xf32, #tpu.memory_space<vmem>> -> memref<128x128xf32, #tpu.memory_space<vmem>>
      %dma_wait3A_97 = arith.constant 0 : i32
      %dma_wait3A_98 = tpu.memref_slice %arg10[%add3A_75, %dma_wait3A_97] : memref<10240x128xf32, #tpu.memory_space<vmem_shared>> -> memref<128x128xf32, #tpu.memory_space<vmem_shared>>
      tpu.wait_dma2 semaphore(%run_scoped3A_78 : memref<!tpu.dma_semaphore, #tpu.memory_space<semaphore_mem>>) src(%dma_wait3A_98 : memref<128x128xf32, #tpu.memory_space<vmem_shared>>) dst(%dma_wait3A_96 : memref<128x128xf32, #tpu.memory_space<vmem>>)
      tpu.yield
    }) : () -> ()
    %add3A_76 = arith.constant 512 : i32
    %add3A_77 = arith.addi %mul3A_2, %add3A_76 : i32
    "tpu.region"() ({
      %run_scoped3A_78 = tpu.sem_alloc : memref<!tpu.dma_semaphore, #tpu.memory_space<semaphore_mem>>
      %dma_start3A_79 = arith.constant 0 : i32
      %dma_start3A_80 = arith.constant 0 : i32
      %dma_start3A_81 = tpu.memref_slice %arg8[%dma_start3A_79, %dma_start3A_80] : memref<128x128xf32, #tpu.memory_space<vmem>> -> memref<128x128xf32, #tpu.memory_space<vmem>>
      %dma_start3A_82 = arith.constant 0 : i32
      %dma_start3A_83 = tpu.memref_slice %arg5[%arg0, %add3A_77, %dma_start3A_82] : memref<2x10240x128xf32, #tpu.memory_space<hbm>> -> memref<1x128x128xf32, #tpu.memory_space<hbm>>
      %dma_start3A_84 = tpu.memref_squeeze %dma_start3A_83 : memref<1x128x128xf32, #tpu.memory_space<hbm>> -> memref<128x128xf32, #tpu.memory_space<hbm>>
      %dma_start3A_85 = arith.constant 0 : i32
      %dma_start3A_86 = tpu.memref_slice %arg5[%arg0, %add3A_77, %dma_start3A_85] : memref<2x10240x128xf32, #tpu.memory_space<hbm>> -> memref<1x128x128xf32, #tpu.memory_space<hbm>>
      %dma_start3A_87 = tpu.memref_squeeze %dma_start3A_86 : memref<1x128x128xf32, #tpu.memory_space<hbm>> -> memref<128x128xf32, #tpu.memory_space<hbm>>
      %dma_start3A_88 = arith.constant 0 : i32
      %dma_start3A_89 = arith.constant 0 : i32
      %dma_start3A_90 = tpu.memref_slice %arg8[%dma_start3A_88, %dma_start3A_89] : memref<128x128xf32, #tpu.memory_space<vmem>> -> memref<128x128xf32, #tpu.memory_space<vmem>>
      tpu.enqueue_dma source(%dma_start3A_90 : memref<128x128xf32, #tpu.memory_space<vmem>>) target(%dma_start3A_87 : memref<128x128xf32, #tpu.memory_space<hbm>>) target_semaphore(%run_scoped3A_78 : memref<!tpu.dma_semaphore, #tpu.memory_space<semaphore_mem>>)
      %dma_wait3A_91 = arith.constant 0 : i32
      %dma_wait3A_92 = arith.constant 0 : i32
      %dma_wait3A_93 = tpu.memref_slice %arg8[%dma_wait3A_91, %dma_wait3A_92] : memref<128x128xf32, #tpu.memory_space<vmem>> -> memref<128x128xf32, #tpu.memory_space<vmem>>
      %dma_wait3A_94 = arith.constant 0 : i32
      %dma_wait3A_95 = tpu.memref_slice %arg5[%arg0, %add3A_77, %dma_wait3A_94] : memref<2x10240x128xf32, #tpu.memory_space<hbm>> -> memref<1x128x128xf32, #tpu.memory_space<hbm>>
      %dma_wait3A_96 = tpu.memref_squeeze %dma_wait3A_95 : memref<1x128x128xf32, #tpu.memory_space<hbm>> -> memref<128x128xf32, #tpu.memory_space<hbm>>
      %dma_wait3A_97 = arith.constant 0 : i32
      %dma_wait3A_98 = tpu.memref_slice %arg5[%arg0, %add3A_77, %dma_wait3A_97] : memref<2x10240x128xf32, #tpu.memory_space<hbm>> -> memref<1x128x128xf32, #tpu.memory_space<hbm>>
      %dma_wait3A_99 = tpu.memref_squeeze %dma_wait3A_98 : memref<1x128x128xf32, #tpu.memory_space<hbm>> -> memref<128x128xf32, #tpu.memory_space<hbm>>
      %dma_wait3A_100 = arith.constant 0 : i32
      %dma_wait3A_101 = arith.constant 0 : i32
      %dma_wait3A_102 = tpu.memref_slice %arg8[%dma_wait3A_100, %dma_wait3A_101] : memref<128x128xf32, #tpu.memory_space<vmem>> -> memref<128x128xf32, #tpu.memory_space<vmem>>
      tpu.wait_dma2 semaphore(%run_scoped3A_78 : memref<!tpu.dma_semaphore, #tpu.memory_space<semaphore_mem>>) src(%dma_wait3A_102 : memref<128x128xf32, #tpu.memory_space<vmem>>) dst(%dma_wait3A_99 : memref<128x128xf32, #tpu.memory_space<hbm>>)
      tpu.yield
    }) : () -> ()
    return
  }
}

#map = affine_map<(d0, d1) -> (0, 0)>
#map1 = affine_map<(d0, d1) -> (0, 0, 0)>
module attributes {stable_mosaic.version = 14 : i64} {
  func.func @_prop_kernel(%arg0: i32, %arg1: i32, %arg2: memref<10240x128xf32, #tpu.memory_space<hbm>>, %arg3: memref<32x79x128xi32, #tpu.memory_space<hbm>>, %arg4: memref<32x79x128xi32, #tpu.memory_space<hbm>>, %arg5: memref<2x10240x128xf32, #tpu.memory_space<hbm>>, %arg6: memref<40x128xi32, #tpu.memory_space<vmem>>, %arg7: memref<40x128xi32, #tpu.memory_space<vmem>>, %arg8: memref<128x128xf32, #tpu.memory_space<vmem>>, %arg9: memref<128x128xf32, #tpu.memory_space<vmem>>, %arg10: memref<10240x128xf32, #tpu.memory_space<vmem_shared>>, %arg11: memref<!tpu.dma_semaphore, #tpu.memory_space<semaphore_mem>>, %arg12: memref<!tpu.dma_semaphore, #tpu.memory_space<semaphore_mem>>) attributes {dimension_semantics = [#tpu.dimension_semantics<core_parallel>, #tpu.dimension_semantics<subcore_parallel>], iteration_bounds = array<i64: 2, 16>, scalar_prefetch = 0 : i64, scratch_operands = 7 : i64, tpu.core_type = #tpu.core_type<sc_vector_subcore>, window_params = [{transform_indices = #map}, {transform_indices = #map1}, {transform_indices = #map1}, {transform_indices = #map1}]} {
    %mul3A = arith.constant 16 : i32
    %mul3A_0 = arith.muli %arg0, %mul3A : i32
    %add3A = arith.addi %mul3A_0, %arg1 : i32
    %mul3A_1 = arith.constant 640 : i32
    %mul3A_2 = arith.muli %arg1, %mul3A_1 : i32
    %scan3A = arith.constant 0 : i32
    %scan3A_3 = arith.constant 0 : i32
    %scan3A_4 = arith.constant 128 : i32
    %scan3A_5 = arith.addi %scan3A_3, %scan3A_4 : i32
    %scan3A_6 = arith.constant 1 : i32
    scf.for %scan3A_78 = %scan3A_3 to %scan3A_5 step %scan3A_6  : i32 {
      %broadcast_in_dim3A = arith.constant 0.000000e+00 : f32
      %broadcast_in_dim3A_79 = vector.broadcast %broadcast_in_dim3A : f32 to vector<16xf32>
      %swap3A = arith.index_cast %scan3A_78 : i32 to index
      %swap3A_80 = arith.constant 0 : index
      %swap3A_81 = tpu.vector_load %arg8[%swap3A, %swap3A_80] {strides = array<i32>} : memref<128x128xf32, #tpu.memory_space<vmem>>, vector<1x16xf32>,
      %swap3A_82 = vector.shape_cast %swap3A_81 : vector<1x16xf32> to vector<16xf32>
      %swap3A_83 = vector.shape_cast %broadcast_in_dim3A_79 : vector<16xf32> to vector<1x16xf32>
      tpu.vector_store %arg8[%swap3A, %swap3A_80], %swap3A_83 {strides = array<i32>} : memref<128x128xf32, #tpu.memory_space<vmem>>, vector<1x16xf32>,
      %broadcast_in_dim3A_84 = arith.constant 0.000000e+00 : f32
      %broadcast_in_dim3A_85 = vector.broadcast %broadcast_in_dim3A_84 : f32 to vector<16xf32>
      %swap3A_86 = arith.index_cast %scan3A_78 : i32 to index
      %swap3A_87 = arith.constant 16 : index
      %swap3A_88 = tpu.vector_load %arg8[%swap3A_86, %swap3A_87] {strides = array<i32>} : memref<128x128xf32, #tpu.memory_space<vmem>>, vector<1x16xf32>,
      %swap3A_89 = vector.shape_cast %swap3A_88 : vector<1x16xf32> to vector<16xf32>
      %swap3A_90 = vector.shape_cast %broadcast_in_dim3A_85 : vector<16xf32> to vector<1x16xf32>
      tpu.vector_store %arg8[%swap3A_86, %swap3A_87], %swap3A_90 {strides = array<i32>} : memref<128x128xf32, #tpu.memory_space<vmem>>, vector<1x16xf32>,
      %broadcast_in_dim3A_91 = arith.constant 0.000000e+00 : f32
      %broadcast_in_dim3A_92 = vector.broadcast %broadcast_in_dim3A_91 : f32 to vector<16xf32>
      %swap3A_93 = arith.index_cast %scan3A_78 : i32 to index
      %swap3A_94 = arith.constant 32 : index
      %swap3A_95 = tpu.vector_load %arg8[%swap3A_93, %swap3A_94] {strides = array<i32>} : memref<128x128xf32, #tpu.memory_space<vmem>>, vector<1x16xf32>,
      %swap3A_96 = vector.shape_cast %swap3A_95 : vector<1x16xf32> to vector<16xf32>
      %swap3A_97 = vector.shape_cast %broadcast_in_dim3A_92 : vector<16xf32> to vector<1x16xf32>
      tpu.vector_store %arg8[%swap3A_93, %swap3A_94], %swap3A_97 {strides = array<i32>} : memref<128x128xf32, #tpu.memory_space<vmem>>, vector<1x16xf32>,
      %broadcast_in_dim3A_98 = arith.constant 0.000000e+00 : f32
      %broadcast_in_dim3A_99 = vector.broadcast %broadcast_in_dim3A_98 : f32 to vector<16xf32>
      %swap3A_100 = arith.index_cast %scan3A_78 : i32 to index
      %swap3A_101 = arith.constant 48 : index
      %swap3A_102 = tpu.vector_load %arg8[%swap3A_100, %swap3A_101] {strides = array<i32>} : memref<128x128xf32, #tpu.memory_space<vmem>>, vector<1x16xf32>,
      %swap3A_103 = vector.shape_cast %swap3A_102 : vector<1x16xf32> to vector<16xf32>
      %swap3A_104 = vector.shape_cast %broadcast_in_dim3A_99 : vector<16xf32> to vector<1x16xf32>
      tpu.vector_store %arg8[%swap3A_100, %swap3A_101], %swap3A_104 {strides = array<i32>} : memref<128x128xf32, #tpu.memory_space<vmem>>, vector<1x16xf32>,
      %broadcast_in_dim3A_105 = arith.constant 0.000000e+00 : f32
      %broadcast_in_dim3A_106 = vector.broadcast %broadcast_in_dim3A_105 : f32 to vector<16xf32>
      %swap3A_107 = arith.index_cast %scan3A_78 : i32 to index
      %swap3A_108 = arith.constant 64 : index
      %swap3A_109 = tpu.vector_load %arg8[%swap3A_107, %swap3A_108] {strides = array<i32>} : memref<128x128xf32, #tpu.memory_space<vmem>>, vector<1x16xf32>,
      %swap3A_110 = vector.shape_cast %swap3A_109 : vector<1x16xf32> to vector<16xf32>
      %swap3A_111 = vector.shape_cast %broadcast_in_dim3A_106 : vector<16xf32> to vector<1x16xf32>
      tpu.vector_store %arg8[%swap3A_107, %swap3A_108], %swap3A_111 {strides = array<i32>} : memref<128x128xf32, #tpu.memory_space<vmem>>, vector<1x16xf32>,
      %broadcast_in_dim3A_112 = arith.constant 0.000000e+00 : f32
      %broadcast_in_dim3A_113 = vector.broadcast %broadcast_in_dim3A_112 : f32 to vector<16xf32>
      %swap3A_114 = arith.index_cast %scan3A_78 : i32 to index
      %swap3A_115 = arith.constant 80 : index
      %swap3A_116 = tpu.vector_load %arg8[%swap3A_114, %swap3A_115] {strides = array<i32>} : memref<128x128xf32, #tpu.memory_space<vmem>>, vector<1x16xf32>,
      %swap3A_117 = vector.shape_cast %swap3A_116 : vector<1x16xf32> to vector<16xf32>
      %swap3A_118 = vector.shape_cast %broadcast_in_dim3A_113 : vector<16xf32> to vector<1x16xf32>
      tpu.vector_store %arg8[%swap3A_114, %swap3A_115], %swap3A_118 {strides = array<i32>} : memref<128x128xf32, #tpu.memory_space<vmem>>, vector<1x16xf32>,
      %broadcast_in_dim3A_119 = arith.constant 0.000000e+00 : f32
      %broadcast_in_dim3A_120 = vector.broadcast %broadcast_in_dim3A_119 : f32 to vector<16xf32>
      %swap3A_121 = arith.index_cast %scan3A_78 : i32 to index
      %swap3A_122 = arith.constant 96 : index
      %swap3A_123 = tpu.vector_load %arg8[%swap3A_121, %swap3A_122] {strides = array<i32>} : memref<128x128xf32, #tpu.memory_space<vmem>>, vector<1x16xf32>,
      %swap3A_124 = vector.shape_cast %swap3A_123 : vector<1x16xf32> to vector<16xf32>
      %swap3A_125 = vector.shape_cast %broadcast_in_dim3A_120 : vector<16xf32> to vector<1x16xf32>
      tpu.vector_store %arg8[%swap3A_121, %swap3A_122], %swap3A_125 {strides = array<i32>} : memref<128x128xf32, #tpu.memory_space<vmem>>, vector<1x16xf32>,
      %broadcast_in_dim3A_126 = arith.constant 0.000000e+00 : f32
      %broadcast_in_dim3A_127 = vector.broadcast %broadcast_in_dim3A_126 : f32 to vector<16xf32>
      %swap3A_128 = arith.index_cast %scan3A_78 : i32 to index
      %swap3A_129 = arith.constant 112 : index
      %swap3A_130 = tpu.vector_load %arg8[%swap3A_128, %swap3A_129] {strides = array<i32>} : memref<128x128xf32, #tpu.memory_space<vmem>>, vector<1x16xf32>,
      %swap3A_131 = vector.shape_cast %swap3A_130 : vector<1x16xf32> to vector<16xf32>
      %swap3A_132 = vector.shape_cast %broadcast_in_dim3A_127 : vector<16xf32> to vector<1x16xf32>
      tpu.vector_store %arg8[%swap3A_128, %swap3A_129], %swap3A_132 {strides = array<i32>} : memref<128x128xf32, #tpu.memory_space<vmem>>, vector<1x16xf32>,
    }
    %scan3A_7 = arith.constant 128 : i32
    %add3A_8 = arith.constant 0 : i32
    %add3A_9 = arith.addi %mul3A_2, %add3A_8 : i32
    "tpu.region"() ({
      %run_scoped3A_78 = tpu.sem_alloc : memref<!tpu.dma_semaphore, #tpu.memory_space<semaphore_mem>>
      %dma_start3A_79 = arith.constant 0 : i32
      %dma_start3A_80 = arith.constant 0 : i32
      %dma_start3A_81 = tpu.memref_slice %arg8[%dma_start3A_79, %dma_start3A_80] : memref<128x128xf32, #tpu.memory_space<vmem>> -> memref<128x128xf32, #tpu.memory_space<vmem>>
      %dma_start3A_82 = arith.constant 0 : i32
      %dma_start3A_83 = tpu.memref_slice %arg10[%add3A_9, %dma_start3A_82] : memref<10240x128xf32, #tpu.memory_space<vmem_shared>> -> memref<128x128xf32, #tpu.memory_space<vmem_shared>>
      %dma_start3A_84 = arith.constant 0 : i32
      %dma_start3A_85 = tpu.memref_slice %arg10[%add3A_9, %dma_start3A_84] : memref<10240x128xf32, #tpu.memory_space<vmem_shared>> -> memref<128x128xf32, #tpu.memory_space<vmem_shared>>
      %dma_start3A_86 = arith.constant 0 : i32
      %dma_start3A_87 = arith.constant 0 : i32
      %dma_start3A_88 = tpu.memref_slice %arg8[%dma_start3A_86, %dma_start3A_87] : memref<128x128xf32, #tpu.memory_space<vmem>> -> memref<128x128xf32, #tpu.memory_space<vmem>>
      tpu.enqueue_dma source(%dma_start3A_88 : memref<128x128xf32, #tpu.memory_space<vmem>>) target(%dma_start3A_85 : memref<128x128xf32, #tpu.memory_space<vmem_shared>>) target_semaphore(%run_scoped3A_78 : memref<!tpu.dma_semaphore, #tpu.memory_space<semaphore_mem>>)
      %dma_wait3A_89 = arith.constant 0 : i32
      %dma_wait3A_90 = arith.constant 0 : i32
      %dma_wait3A_91 = tpu.memref_slice %arg8[%dma_wait3A_89, %dma_wait3A_90] : memref<128x128xf32, #tpu.memory_space<vmem>> -> memref<128x128xf32, #tpu.memory_space<vmem>>
      %dma_wait3A_92 = arith.constant 0 : i32
      %dma_wait3A_93 = tpu.memref_slice %arg10[%add3A_9, %dma_wait3A_92] : memref<10240x128xf32, #tpu.memory_space<vmem_shared>> -> memref<128x128xf32, #tpu.memory_space<vmem_shared>>
      %dma_wait3A_94 = arith.constant 0 : i32
      %dma_wait3A_95 = tpu.memref_slice %arg10[%add3A_9, %dma_wait3A_94] : memref<10240x128xf32, #tpu.memory_space<vmem_shared>> -> memref<128x128xf32, #tpu.memory_space<vmem_shared>>
      %dma_wait3A_96 = arith.constant 0 : i32
      %dma_wait3A_97 = arith.constant 0 : i32
      %dma_wait3A_98 = tpu.memref_slice %arg8[%dma_wait3A_96, %dma_wait3A_97] : memref<128x128xf32, #tpu.memory_space<vmem>> -> memref<128x128xf32, #tpu.memory_space<vmem>>
      tpu.wait_dma2 semaphore(%run_scoped3A_78 : memref<!tpu.dma_semaphore, #tpu.memory_space<semaphore_mem>>) src(%dma_wait3A_98 : memref<128x128xf32, #tpu.memory_space<vmem>>) dst(%dma_wait3A_95 : memref<128x128xf32, #tpu.memory_space<vmem_shared>>)
      tpu.yield
    }) : () -> ()
    %add3A_10 = arith.constant 128 : i32
    %add3A_11 = arith.addi %mul3A_2, %add3A_10 : i32
    "tpu.region"() ({
      %run_scoped3A_78 = tpu.sem_alloc : memref<!tpu.dma_semaphore, #tpu.memory_space<semaphore_mem>>
      %dma_start3A_79 = arith.constant 0 : i32
      %dma_start3A_80 = arith.constant 0 : i32
      %dma_start3A_81 = tpu.memref_slice %arg8[%dma_start3A_79, %dma_start3A_80] : memref<128x128xf32, #tpu.memory_space<vmem>> -> memref<128x128xf32, #tpu.memory_space<vmem>>
      %dma_start3A_82 = arith.constant 0 : i32
      %dma_start3A_83 = tpu.memref_slice %arg10[%add3A_11, %dma_start3A_82] : memref<10240x128xf32, #tpu.memory_space<vmem_shared>> -> memref<128x128xf32, #tpu.memory_space<vmem_shared>>
      %dma_start3A_84 = arith.constant 0 : i32
      %dma_start3A_85 = tpu.memref_slice %arg10[%add3A_11, %dma_start3A_84] : memref<10240x128xf32, #tpu.memory_space<vmem_shared>> -> memref<128x128xf32, #tpu.memory_space<vmem_shared>>
      %dma_start3A_86 = arith.constant 0 : i32
      %dma_start3A_87 = arith.constant 0 : i32
      %dma_start3A_88 = tpu.memref_slice %arg8[%dma_start3A_86, %dma_start3A_87] : memref<128x128xf32, #tpu.memory_space<vmem>> -> memref<128x128xf32, #tpu.memory_space<vmem>>
      tpu.enqueue_dma source(%dma_start3A_88 : memref<128x128xf32, #tpu.memory_space<vmem>>) target(%dma_start3A_85 : memref<128x128xf32, #tpu.memory_space<vmem_shared>>) target_semaphore(%run_scoped3A_78 : memref<!tpu.dma_semaphore, #tpu.memory_space<semaphore_mem>>)
      %dma_wait3A_89 = arith.constant 0 : i32
      %dma_wait3A_90 = arith.constant 0 : i32
      %dma_wait3A_91 = tpu.memref_slice %arg8[%dma_wait3A_89, %dma_wait3A_90] : memref<128x128xf32, #tpu.memory_space<vmem>> -> memref<128x128xf32, #tpu.memory_space<vmem>>
      %dma_wait3A_92 = arith.constant 0 : i32
      %dma_wait3A_93 = tpu.memref_slice %arg10[%add3A_11, %dma_wait3A_92] : memref<10240x128xf32, #tpu.memory_space<vmem_shared>> -> memref<128x128xf32, #tpu.memory_space<vmem_shared>>
      %dma_wait3A_94 = arith.constant 0 : i32
      %dma_wait3A_95 = tpu.memref_slice %arg10[%add3A_11, %dma_wait3A_94] : memref<10240x128xf32, #tpu.memory_space<vmem_shared>> -> memref<128x128xf32, #tpu.memory_space<vmem_shared>>
      %dma_wait3A_96 = arith.constant 0 : i32
      %dma_wait3A_97 = arith.constant 0 : i32
      %dma_wait3A_98 = tpu.memref_slice %arg8[%dma_wait3A_96, %dma_wait3A_97] : memref<128x128xf32, #tpu.memory_space<vmem>> -> memref<128x128xf32, #tpu.memory_space<vmem>>
      tpu.wait_dma2 semaphore(%run_scoped3A_78 : memref<!tpu.dma_semaphore, #tpu.memory_space<semaphore_mem>>) src(%dma_wait3A_98 : memref<128x128xf32, #tpu.memory_space<vmem>>) dst(%dma_wait3A_95 : memref<128x128xf32, #tpu.memory_space<vmem_shared>>)
      tpu.yield
    }) : () -> ()
    %add3A_12 = arith.constant 256 : i32
    %add3A_13 = arith.addi %mul3A_2, %add3A_12 : i32
    "tpu.region"() ({
      %run_scoped3A_78 = tpu.sem_alloc : memref<!tpu.dma_semaphore, #tpu.memory_space<semaphore_mem>>
      %dma_start3A_79 = arith.constant 0 : i32
      %dma_start3A_80 = arith.constant 0 : i32
      %dma_start3A_81 = tpu.memref_slice %arg8[%dma_start3A_79, %dma_start3A_80] : memref<128x128xf32, #tpu.memory_space<vmem>> -> memref<128x128xf32, #tpu.memory_space<vmem>>
      %dma_start3A_82 = arith.constant 0 : i32
      %dma_start3A_83 = tpu.memref_slice %arg10[%add3A_13, %dma_start3A_82] : memref<10240x128xf32, #tpu.memory_space<vmem_shared>> -> memref<128x128xf32, #tpu.memory_space<vmem_shared>>
      %dma_start3A_84 = arith.constant 0 : i32
      %dma_start3A_85 = tpu.memref_slice %arg10[%add3A_13, %dma_start3A_84] : memref<10240x128xf32, #tpu.memory_space<vmem_shared>> -> memref<128x128xf32, #tpu.memory_space<vmem_shared>>
      %dma_start3A_86 = arith.constant 0 : i32
      %dma_start3A_87 = arith.constant 0 : i32
      %dma_start3A_88 = tpu.memref_slice %arg8[%dma_start3A_86, %dma_start3A_87] : memref<128x128xf32, #tpu.memory_space<vmem>> -> memref<128x128xf32, #tpu.memory_space<vmem>>
      tpu.enqueue_dma source(%dma_start3A_88 : memref<128x128xf32, #tpu.memory_space<vmem>>) target(%dma_start3A_85 : memref<128x128xf32, #tpu.memory_space<vmem_shared>>) target_semaphore(%run_scoped3A_78 : memref<!tpu.dma_semaphore, #tpu.memory_space<semaphore_mem>>)
      %dma_wait3A_89 = arith.constant 0 : i32
      %dma_wait3A_90 = arith.constant 0 : i32
      %dma_wait3A_91 = tpu.memref_slice %arg8[%dma_wait3A_89, %dma_wait3A_90] : memref<128x128xf32, #tpu.memory_space<vmem>> -> memref<128x128xf32, #tpu.memory_space<vmem>>
      %dma_wait3A_92 = arith.constant 0 : i32
      %dma_wait3A_93 = tpu.memref_slice %arg10[%add3A_13, %dma_wait3A_92] : memref<10240x128xf32, #tpu.memory_space<vmem_shared>> -> memref<128x128xf32, #tpu.memory_space<vmem_shared>>
      %dma_wait3A_94 = arith.constant 0 : i32
      %dma_wait3A_95 = tpu.memref_slice %arg10[%add3A_13, %dma_wait3A_94] : memref<10240x128xf32, #tpu.memory_space<vmem_shared>> -> memref<128x128xf32, #tpu.memory_space<vmem_shared>>
      %dma_wait3A_96 = arith.constant 0 : i32
      %dma_wait3A_97 = arith.constant 0 : i32
      %dma_wait3A_98 = tpu.memref_slice %arg8[%dma_wait3A_96, %dma_wait3A_97] : memref<128x128xf32, #tpu.memory_space<vmem>> -> memref<128x128xf32, #tpu.memory_space<vmem>>
      tpu.wait_dma2 semaphore(%run_scoped3A_78 : memref<!tpu.dma_semaphore, #tpu.memory_space<semaphore_mem>>) src(%dma_wait3A_98 : memref<128x128xf32, #tpu.memory_space<vmem>>) dst(%dma_wait3A_95 : memref<128x128xf32, #tpu.memory_space<vmem_shared>>)
      tpu.yield
    }) : () -> ()
    %add3A_14 = arith.constant 384 : i32
    %add3A_15 = arith.addi %mul3A_2, %add3A_14 : i32
    "tpu.region"() ({
      %run_scoped3A_78 = tpu.sem_alloc : memref<!tpu.dma_semaphore, #tpu.memory_space<semaphore_mem>>
      %dma_start3A_79 = arith.constant 0 : i32
      %dma_start3A_80 = arith.constant 0 : i32
      %dma_start3A_81 = tpu.memref_slice %arg8[%dma_start3A_79, %dma_start3A_80] : memref<128x128xf32, #tpu.memory_space<vmem>> -> memref<128x128xf32, #tpu.memory_space<vmem>>
      %dma_start3A_82 = arith.constant 0 : i32
      %dma_start3A_83 = tpu.memref_slice %arg10[%add3A_15, %dma_start3A_82] : memref<10240x128xf32, #tpu.memory_space<vmem_shared>> -> memref<128x128xf32, #tpu.memory_space<vmem_shared>>
      %dma_start3A_84 = arith.constant 0 : i32
      %dma_start3A_85 = tpu.memref_slice %arg10[%add3A_15, %dma_start3A_84] : memref<10240x128xf32, #tpu.memory_space<vmem_shared>> -> memref<128x128xf32, #tpu.memory_space<vmem_shared>>
      %dma_start3A_86 = arith.constant 0 : i32
      %dma_start3A_87 = arith.constant 0 : i32
      %dma_start3A_88 = tpu.memref_slice %arg8[%dma_start3A_86, %dma_start3A_87] : memref<128x128xf32, #tpu.memory_space<vmem>> -> memref<128x128xf32, #tpu.memory_space<vmem>>
      tpu.enqueue_dma source(%dma_start3A_88 : memref<128x128xf32, #tpu.memory_space<vmem>>) target(%dma_start3A_85 : memref<128x128xf32, #tpu.memory_space<vmem_shared>>) target_semaphore(%run_scoped3A_78 : memref<!tpu.dma_semaphore, #tpu.memory_space<semaphore_mem>>)
      %dma_wait3A_89 = arith.constant 0 : i32
      %dma_wait3A_90 = arith.constant 0 : i32
      %dma_wait3A_91 = tpu.memref_slice %arg8[%dma_wait3A_89, %dma_wait3A_90] : memref<128x128xf32, #tpu.memory_space<vmem>> -> memref<128x128xf32, #tpu.memory_space<vmem>>
      %dma_wait3A_92 = arith.constant 0 : i32
      %dma_wait3A_93 = tpu.memref_slice %arg10[%add3A_15, %dma_wait3A_92] : memref<10240x128xf32, #tpu.memory_space<vmem_shared>> -> memref<128x128xf32, #tpu.memory_space<vmem_shared>>
      %dma_wait3A_94 = arith.constant 0 : i32
      %dma_wait3A_95 = tpu.memref_slice %arg10[%add3A_15, %dma_wait3A_94] : memref<10240x128xf32, #tpu.memory_space<vmem_shared>> -> memref<128x128xf32, #tpu.memory_space<vmem_shared>>
      %dma_wait3A_96 = arith.constant 0 : i32
      %dma_wait3A_97 = arith.constant 0 : i32
      %dma_wait3A_98 = tpu.memref_slice %arg8[%dma_wait3A_96, %dma_wait3A_97] : memref<128x128xf32, #tpu.memory_space<vmem>> -> memref<128x128xf32, #tpu.memory_space<vmem>>
      tpu.wait_dma2 semaphore(%run_scoped3A_78 : memref<!tpu.dma_semaphore, #tpu.memory_space<semaphore_mem>>) src(%dma_wait3A_98 : memref<128x128xf32, #tpu.memory_space<vmem>>) dst(%dma_wait3A_95 : memref<128x128xf32, #tpu.memory_space<vmem_shared>>)
      tpu.yield
    }) : () -> ()
    %add3A_16 = arith.constant 512 : i32
    %add3A_17 = arith.addi %mul3A_2, %add3A_16 : i32
    "tpu.region"() ({
      %run_scoped3A_78 = tpu.sem_alloc : memref<!tpu.dma_semaphore, #tpu.memory_space<semaphore_mem>>
      %dma_start3A_79 = arith.constant 0 : i32
      %dma_start3A_80 = arith.constant 0 : i32
      %dma_start3A_81 = tpu.memref_slice %arg8[%dma_start3A_79, %dma_start3A_80] : memref<128x128xf32, #tpu.memory_space<vmem>> -> memref<128x128xf32, #tpu.memory_space<vmem>>
      %dma_start3A_82 = arith.constant 0 : i32
      %dma_start3A_83 = tpu.memref_slice %arg10[%add3A_17, %dma_start3A_82] : memref<10240x128xf32, #tpu.memory_space<vmem_shared>> -> memref<128x128xf32, #tpu.memory_space<vmem_shared>>
      %dma_start3A_84 = arith.constant 0 : i32
      %dma_start3A_85 = tpu.memref_slice %arg10[%add3A_17, %dma_start3A_84] : memref<10240x128xf32, #tpu.memory_space<vmem_shared>> -> memref<128x128xf32, #tpu.memory_space<vmem_shared>>
      %dma_start3A_86 = arith.constant 0 : i32
      %dma_start3A_87 = arith.constant 0 : i32
      %dma_start3A_88 = tpu.memref_slice %arg8[%dma_start3A_86, %dma_start3A_87] : memref<128x128xf32, #tpu.memory_space<vmem>> -> memref<128x128xf32, #tpu.memory_space<vmem>>
      tpu.enqueue_dma source(%dma_start3A_88 : memref<128x128xf32, #tpu.memory_space<vmem>>) target(%dma_start3A_85 : memref<128x128xf32, #tpu.memory_space<vmem_shared>>) target_semaphore(%run_scoped3A_78 : memref<!tpu.dma_semaphore, #tpu.memory_space<semaphore_mem>>)
      %dma_wait3A_89 = arith.constant 0 : i32
      %dma_wait3A_90 = arith.constant 0 : i32
      %dma_wait3A_91 = tpu.memref_slice %arg8[%dma_wait3A_89, %dma_wait3A_90] : memref<128x128xf32, #tpu.memory_space<vmem>> -> memref<128x128xf32, #tpu.memory_space<vmem>>
      %dma_wait3A_92 = arith.constant 0 : i32
      %dma_wait3A_93 = tpu.memref_slice %arg10[%add3A_17, %dma_wait3A_92] : memref<10240x128xf32, #tpu.memory_space<vmem_shared>> -> memref<128x128xf32, #tpu.memory_space<vmem_shared>>
      %dma_wait3A_94 = arith.constant 0 : i32
      %dma_wait3A_95 = tpu.memref_slice %arg10[%add3A_17, %dma_wait3A_94] : memref<10240x128xf32, #tpu.memory_space<vmem_shared>> -> memref<128x128xf32, #tpu.memory_space<vmem_shared>>
      %dma_wait3A_96 = arith.constant 0 : i32
      %dma_wait3A_97 = arith.constant 0 : i32
      %dma_wait3A_98 = tpu.memref_slice %arg8[%dma_wait3A_96, %dma_wait3A_97] : memref<128x128xf32, #tpu.memory_space<vmem>> -> memref<128x128xf32, #tpu.memory_space<vmem>>
      tpu.wait_dma2 semaphore(%run_scoped3A_78 : memref<!tpu.dma_semaphore, #tpu.memory_space<semaphore_mem>>) src(%dma_wait3A_98 : memref<128x128xf32, #tpu.memory_space<vmem>>) dst(%dma_wait3A_95 : memref<128x128xf32, #tpu.memory_space<vmem_shared>>)
      tpu.yield
    }) : () -> ()
    %barrier3A = arith.constant 0 : index
    tpu.barrier barrier_id(%barrier3A)
    "tpu.region"() ({
      %run_scoped3A_78 = tpu.sem_alloc : memref<!tpu.dma_semaphore, #tpu.memory_space<semaphore_mem>>
      %dma_start3A_79 = arith.constant 0 : i32
      %dma_start3A_80 = arith.constant 0 : i32
      %dma_start3A_81 = tpu.memref_slice %arg6[%dma_start3A_79, %dma_start3A_80] : memref<40x128xi32, #tpu.memory_space<vmem>> -> memref<40x128xi32, #tpu.memory_space<vmem>>
      %dma_start3A_82 = arith.constant 0 : i32
      %dma_start3A_83 = arith.constant 0 : i32
      %dma_start3A_84 = tpu.memref_slice %arg3[%add3A, %dma_start3A_82, %dma_start3A_83] : memref<32x79x128xi32, #tpu.memory_space<hbm>> -> memref<1x40x128xi32, #tpu.memory_space<hbm>>
      %dma_start3A_85 = tpu.memref_squeeze %dma_start3A_84 : memref<1x40x128xi32, #tpu.memory_space<hbm>> -> memref<40x128xi32, #tpu.memory_space<hbm>>
      %dma_start3A_86 = arith.constant 0 : i32
      %dma_start3A_87 = arith.constant 0 : i32
      %dma_start3A_88 = tpu.memref_slice %arg6[%dma_start3A_86, %dma_start3A_87] : memref<40x128xi32, #tpu.memory_space<vmem>> -> memref<40x128xi32, #tpu.memory_space<vmem>>
      %dma_start3A_89 = arith.constant 0 : i32
      %dma_start3A_90 = arith.constant 0 : i32
      %dma_start3A_91 = tpu.memref_slice %arg3[%add3A, %dma_start3A_89, %dma_start3A_90] : memref<32x79x128xi32, #tpu.memory_space<hbm>> -> memref<1x40x128xi32, #tpu.memory_space<hbm>>
      %dma_start3A_92 = tpu.memref_squeeze %dma_start3A_91 : memref<1x40x128xi32, #tpu.memory_space<hbm>> -> memref<40x128xi32, #tpu.memory_space<hbm>>
      tpu.enqueue_dma source(%dma_start3A_92 : memref<40x128xi32, #tpu.memory_space<hbm>>) target(%dma_start3A_88 : memref<40x128xi32, #tpu.memory_space<vmem>>) target_semaphore(%run_scoped3A_78 : memref<!tpu.dma_semaphore, #tpu.memory_space<semaphore_mem>>)
      %dma_wait3A_93 = arith.constant 0 : i32
      %dma_wait3A_94 = arith.constant 0 : i32
      %dma_wait3A_95 = tpu.memref_slice %arg6[%dma_wait3A_93, %dma_wait3A_94] : memref<40x128xi32, #tpu.memory_space<vmem>> -> memref<40x128xi32, #tpu.memory_space<vmem>>
      %dma_wait3A_96 = arith.constant 0 : i32
      %dma_wait3A_97 = arith.constant 0 : i32
      %dma_wait3A_98 = tpu.memref_slice %arg3[%add3A, %dma_wait3A_96, %dma_wait3A_97] : memref<32x79x128xi32, #tpu.memory_space<hbm>> -> memref<1x40x128xi32, #tpu.memory_space<hbm>>
      %dma_wait3A_99 = tpu.memref_squeeze %dma_wait3A_98 : memref<1x40x128xi32, #tpu.memory_space<hbm>> -> memref<40x128xi32, #tpu.memory_space<hbm>>
      %dma_wait3A_100 = arith.constant 0 : i32
      %dma_wait3A_101 = arith.constant 0 : i32
      %dma_wait3A_102 = tpu.memref_slice %arg6[%dma_wait3A_100, %dma_wait3A_101] : memref<40x128xi32, #tpu.memory_space<vmem>> -> memref<40x128xi32, #tpu.memory_space<vmem>>
      %dma_wait3A_103 = arith.constant 0 : i32
      %dma_wait3A_104 = arith.constant 0 : i32
      %dma_wait3A_105 = tpu.memref_slice %arg3[%add3A, %dma_wait3A_103, %dma_wait3A_104] : memref<32x79x128xi32, #tpu.memory_space<hbm>> -> memref<1x40x128xi32, #tpu.memory_space<hbm>>
      %dma_wait3A_106 = tpu.memref_squeeze %dma_wait3A_105 : memref<1x40x128xi32, #tpu.memory_space<hbm>> -> memref<40x128xi32, #tpu.memory_space<hbm>>
      tpu.wait_dma2 semaphore(%run_scoped3A_78 : memref<!tpu.dma_semaphore, #tpu.memory_space<semaphore_mem>>) src(%dma_wait3A_106 : memref<40x128xi32, #tpu.memory_space<hbm>>) dst(%dma_wait3A_102 : memref<40x128xi32, #tpu.memory_space<vmem>>)
      tpu.yield
    }) : () -> ()
    "tpu.region"() ({
      %run_scoped3A_78 = tpu.sem_alloc : memref<!tpu.dma_semaphore, #tpu.memory_space<semaphore_mem>>
      %dma_start3A_79 = arith.constant 0 : i32
      %dma_start3A_80 = arith.constant 0 : i32
      %dma_start3A_81 = tpu.memref_slice %arg7[%dma_start3A_79, %dma_start3A_80] : memref<40x128xi32, #tpu.memory_space<vmem>> -> memref<40x128xi32, #tpu.memory_space<vmem>>
      %dma_start3A_82 = arith.constant 0 : i32
      %dma_start3A_83 = arith.constant 0 : i32
      %dma_start3A_84 = tpu.memref_slice %arg4[%add3A, %dma_start3A_82, %dma_start3A_83] : memref<32x79x128xi32, #tpu.memory_space<hbm>> -> memref<1x40x128xi32, #tpu.memory_space<hbm>>
      %dma_start3A_85 = tpu.memref_squeeze %dma_start3A_84 : memref<1x40x128xi32, #tpu.memory_space<hbm>> -> memref<40x128xi32, #tpu.memory_space<hbm>>
      %dma_start3A_86 = arith.constant 0 : i32
      %dma_start3A_87 = arith.constant 0 : i32
      %dma_start3A_88 = tpu.memref_slice %arg7[%dma_start3A_86, %dma_start3A_87] : memref<40x128xi32, #tpu.memory_space<vmem>> -> memref<40x128xi32, #tpu.memory_space<vmem>>
      %dma_start3A_89 = arith.constant 0 : i32
      %dma_start3A_90 = arith.constant 0 : i32
      %dma_start3A_91 = tpu.memref_slice %arg4[%add3A, %dma_start3A_89, %dma_start3A_90] : memref<32x79x128xi32, #tpu.memory_space<hbm>> -> memref<1x40x128xi32, #tpu.memory_space<hbm>>
      %dma_start3A_92 = tpu.memref_squeeze %dma_start3A_91 : memref<1x40x128xi32, #tpu.memory_space<hbm>> -> memref<40x128xi32, #tpu.memory_space<hbm>>
      tpu.enqueue_dma source(%dma_start3A_92 : memref<40x128xi32, #tpu.memory_space<hbm>>) target(%dma_start3A_88 : memref<40x128xi32, #tpu.memory_space<vmem>>) target_semaphore(%run_scoped3A_78 : memref<!tpu.dma_semaphore, #tpu.memory_space<semaphore_mem>>)
      %dma_wait3A_93 = arith.constant 0 : i32
      %dma_wait3A_94 = arith.constant 0 : i32
      %dma_wait3A_95 = tpu.memref_slice %arg7[%dma_wait3A_93, %dma_wait3A_94] : memref<40x128xi32, #tpu.memory_space<vmem>> -> memref<40x128xi32, #tpu.memory_space<vmem>>
      %dma_wait3A_96 = arith.constant 0 : i32
      %dma_wait3A_97 = arith.constant 0 : i32
      %dma_wait3A_98 = tpu.memref_slice %arg4[%add3A, %dma_wait3A_96, %dma_wait3A_97] : memref<32x79x128xi32, #tpu.memory_space<hbm>> -> memref<1x40x128xi32, #tpu.memory_space<hbm>>
      %dma_wait3A_99 = tpu.memref_squeeze %dma_wait3A_98 : memref<1x40x128xi32, #tpu.memory_space<hbm>> -> memref<40x128xi32, #tpu.memory_space<hbm>>
      %dma_wait3A_100 = arith.constant 0 : i32
      %dma_wait3A_101 = arith.constant 0 : i32
      %dma_wait3A_102 = tpu.memref_slice %arg7[%dma_wait3A_100, %dma_wait3A_101] : memref<40x128xi32, #tpu.memory_space<vmem>> -> memref<40x128xi32, #tpu.memory_space<vmem>>
      %dma_wait3A_103 = arith.constant 0 : i32
      %dma_wait3A_104 = arith.constant 0 : i32
      %dma_wait3A_105 = tpu.memref_slice %arg4[%add3A, %dma_wait3A_103, %dma_wait3A_104] : memref<32x79x128xi32, #tpu.memory_space<hbm>> -> memref<1x40x128xi32, #tpu.memory_space<hbm>>
      %dma_wait3A_106 = tpu.memref_squeeze %dma_wait3A_105 : memref<1x40x128xi32, #tpu.memory_space<hbm>> -> memref<40x128xi32, #tpu.memory_space<hbm>>
      tpu.wait_dma2 semaphore(%run_scoped3A_78 : memref<!tpu.dma_semaphore, #tpu.memory_space<semaphore_mem>>) src(%dma_wait3A_106 : memref<40x128xi32, #tpu.memory_space<hbm>>) dst(%dma_wait3A_102 : memref<40x128xi32, #tpu.memory_space<vmem>>)
      tpu.yield
    }) : () -> ()
    %dma_start3A = arith.constant 0 : i32
    %dma_start3A_18 = arith.constant 0 : i32
    %dma_start3A_19 = tpu.memref_slice %arg6[%dma_start3A, %dma_start3A_18] : memref<40x128xi32, #tpu.memory_space<vmem>> -> memref<1x128xi32, #tpu.memory_space<vmem>>
    %dma_start3A_20 = tpu.memref_squeeze %dma_start3A_19 : memref<1x128xi32, #tpu.memory_space<vmem>> -> memref<128xi32, #tpu.memory_space<vmem>>
    %dma_start3A_21 = arith.constant 0 : i32
    %dma_start3A_22 = arith.constant 0 : i32
    %dma_start3A_23 = tpu.memref_slice %arg2[%dma_start3A_21, %dma_start3A_22] : memref<10240x128xf32, #tpu.memory_space<hbm>> -> memref<10240x128xf32, #tpu.memory_space<hbm>>
    tpu.enqueue_indirect_dma source(%dma_start3A_23 : memref<10240x128xf32, #tpu.memory_space<hbm>>) target(%arg8 : memref<128x128xf32, #tpu.memory_space<vmem>>) offsets(%dma_start3A_20 : memref<128xi32, #tpu.memory_space<vmem>>) semaphore(%arg11 : memref<!tpu.dma_semaphore, #tpu.memory_space<semaphore_mem>>)
    %scan3A_24 = arith.constant 0 : i32
    %scan3A_25 = arith.constant 0 : i32
    %scan3A_26 = arith.constant 39 : i32
    %scan3A_27 = arith.addi %scan3A_25, %scan3A_26 : i32
    %scan3A_28 = arith.constant 1 : i32
    scf.for %scan3A_78 = %scan3A_25 to %scan3A_27 step %scan3A_28  : i32 {
      %jit3A = arith.constant 2 : i32
      %eq3A = arith.constant 0 : i32
      %eq3A_79 = arith.cmpi eq, %jit3A, %eq3A : i32
      %jit3A_80 = arith.constant 1 : i32
      %select_n3A = arith.select %eq3A_79, %jit3A_80, %jit3A : i32
      %rem3A = arith.remsi %scan3A_78, %select_n3A : i32
      %ne3A = arith.constant 0 : i32
      %ne3A_81 = arith.cmpi ne, %rem3A, %ne3A : i32
      %lt3A = arith.constant 0 : i32
      %lt3A_82 = arith.cmpi slt, %rem3A, %lt3A : i32
      %lt3A_83 = arith.constant 0 : i32
      %lt3A_84 = arith.cmpi slt, %select_n3A, %lt3A_83 : i32
      %ne3A_85 = arith.xori %lt3A_82, %lt3A_84 : i1
      %and3A = arith.andi %ne3A_85, %ne3A_81 : i1
      %add3A_86 = arith.addi %rem3A, %select_n3A : i32
      %select_n3A_87 = arith.select %and3A, %add3A_86, %rem3A : i32
      %eq3A_88 = arith.constant 0 : i32
      %eq3A_89 = arith.cmpi eq, %select_n3A_87, %eq3A_88 : i32
      %convert_element_type3A = arith.extui %eq3A_89 : i1 to i32
      %cond3A = arith.constant 0 : i32
      %cond3A_90 = arith.cmpi ne, %convert_element_type3A, %cond3A : i32
      scf.if %cond3A_90 {
        %add3A_112 = arith.constant 1 : i32
        %add3A_113 = arith.addi %scan3A_78, %add3A_112 : i32
        %dma_start3A_114 = arith.constant 0 : i32
        %dma_start3A_115 = tpu.memref_slice %arg6[%add3A_113, %dma_start3A_114] : memref<40x128xi32, #tpu.memory_space<vmem>> -> memref<1x128xi32, #tpu.memory_space<vmem>>
        %dma_start3A_116 = tpu.memref_squeeze %dma_start3A_115 : memref<1x128xi32, #tpu.memory_space<vmem>> -> memref<128xi32, #tpu.memory_space<vmem>>
        %dma_start3A_117 = arith.constant 0 : i32
        %dma_start3A_118 = arith.constant 0 : i32
        %dma_start3A_119 = tpu.memref_slice %arg2[%dma_start3A_117, %dma_start3A_118] : memref<10240x128xf32, #tpu.memory_space<hbm>> -> memref<10240x128xf32, #tpu.memory_space<hbm>>
        tpu.enqueue_indirect_dma source(%dma_start3A_119 : memref<10240x128xf32, #tpu.memory_space<hbm>>) target(%arg9 : memref<128x128xf32, #tpu.memory_space<vmem>>) offsets(%dma_start3A_116 : memref<128xi32, #tpu.memory_space<vmem>>) semaphore(%arg12 : memref<!tpu.dma_semaphore, #tpu.memory_space<semaphore_mem>>)
        %dma_wait3A_120 = arith.constant 0 : i32
        %dma_wait3A_121 = tpu.memref_slice %arg6[%scan3A_78, %dma_wait3A_120] : memref<40x128xi32, #tpu.memory_space<vmem>> -> memref<1x128xi32, #tpu.memory_space<vmem>>
        %dma_wait3A_122 = tpu.memref_squeeze %dma_wait3A_121 : memref<1x128xi32, #tpu.memory_space<vmem>> -> memref<128xi32, #tpu.memory_space<vmem>>
        %dma_wait3A_123 = arith.constant 0 : i32
        %dma_wait3A_124 = arith.constant 0 : i32
        %dma_wait3A_125 = tpu.memref_slice %arg2[%dma_wait3A_123, %dma_wait3A_124] : memref<10240x128xf32, #tpu.memory_space<hbm>> -> memref<10240x128xf32, #tpu.memory_space<hbm>>
        tpu.wait_indirect_dma semaphore(%arg11 : memref<!tpu.dma_semaphore, #tpu.memory_space<semaphore_mem>>) src(%dma_wait3A_125 : memref<10240x128xf32, #tpu.memory_space<hbm>>) dst(%arg8 : memref<128x128xf32, #tpu.memory_space<vmem>>)
        "tpu.region"() ({
          %run_scoped3A_126 = tpu.sem_alloc : memref<!tpu.dma_semaphore, #tpu.memory_space<semaphore_mem>>
          %dma_start3A_127 = arith.constant 0 : i32
          %dma_start3A_128 = tpu.memref_slice %arg7[%scan3A_78, %dma_start3A_127] : memref<40x128xi32, #tpu.memory_space<vmem>> -> memref<1x128xi32, #tpu.memory_space<vmem>>
          %dma_start3A_129 = tpu.memref_squeeze %dma_start3A_128 : memref<1x128xi32, #tpu.memory_space<vmem>> -> memref<128xi32, #tpu.memory_space<vmem>>
          %dma_start3A_130 = arith.constant 0 : i32
          %dma_start3A_131 = arith.constant 0 : i32
          %dma_start3A_132 = tpu.memref_slice %arg10[%dma_start3A_130, %dma_start3A_131] : memref<10240x128xf32, #tpu.memory_space<vmem_shared>> -> memref<10240x128xf32, #tpu.memory_space<vmem_shared>>
          tpu.enqueue_indirect_dma source(%arg8 : memref<128x128xf32, #tpu.memory_space<vmem>>) target(%dma_start3A_132 : memref<10240x128xf32, #tpu.memory_space<vmem_shared>>) offsets(%dma_start3A_129 : memref<128xi32, #tpu.memory_space<vmem>>) semaphore(%run_scoped3A_126 : memref<!tpu.dma_semaphore, #tpu.memory_space<semaphore_mem>>) {add = true}
          %dma_wait3A_133 = arith.constant 0 : i32
          %dma_wait3A_134 = tpu.memref_slice %arg7[%scan3A_78, %dma_wait3A_133] : memref<40x128xi32, #tpu.memory_space<vmem>> -> memref<1x128xi32, #tpu.memory_space<vmem>>
          %dma_wait3A_135 = tpu.memref_squeeze %dma_wait3A_134 : memref<1x128xi32, #tpu.memory_space<vmem>> -> memref<128xi32, #tpu.memory_space<vmem>>
          %dma_wait3A_136 = arith.constant 0 : i32
          %dma_wait3A_137 = arith.constant 0 : i32
          %dma_wait3A_138 = tpu.memref_slice %arg10[%dma_wait3A_136, %dma_wait3A_137] : memref<10240x128xf32, #tpu.memory_space<vmem_shared>> -> memref<10240x128xf32, #tpu.memory_space<vmem_shared>>
          tpu.wait_indirect_dma semaphore(%run_scoped3A_126 : memref<!tpu.dma_semaphore, #tpu.memory_space<semaphore_mem>>) src(%arg8 : memref<128x128xf32, #tpu.memory_space<vmem>>) dst(%dma_wait3A_138 : memref<10240x128xf32, #tpu.memory_space<vmem_shared>>)
          tpu.yield
        }) : () -> ()
      } else {
      }
      %jit3A_91 = arith.constant 2 : i32
      %eq3A_92 = arith.constant 0 : i32
      %eq3A_93 = arith.cmpi eq, %jit3A_91, %eq3A_92 : i32
      %jit3A_94 = arith.constant 1 : i32
      %select_n3A_95 = arith.select %eq3A_93, %jit3A_94, %jit3A_91 : i32
      %rem3A_96 = arith.remsi %scan3A_78, %select_n3A_95 : i32
      %ne3A_97 = arith.constant 0 : i32
      %ne3A_98 = arith.cmpi ne, %rem3A_96, %ne3A_97 : i32
      %lt3A_99 = arith.constant 0 : i32
      %lt3A_100 = arith.cmpi slt, %rem3A_96, %lt3A_99 : i32
      %lt3A_101 = arith.constant 0 : i32
      %lt3A_102 = arith.cmpi slt, %select_n3A_95, %lt3A_101 : i32
      %ne3A_103 = arith.xori %lt3A_100, %lt3A_102 : i1
      %and3A_104 = arith.andi %ne3A_103, %ne3A_98 : i1
      %add3A_105 = arith.addi %rem3A_96, %select_n3A_95 : i32
      %select_n3A_106 = arith.select %and3A_104, %add3A_105, %rem3A_96 : i32
      %eq3A_107 = arith.constant 1 : i32
      %eq3A_108 = arith.cmpi eq, %select_n3A_106, %eq3A_107 : i32
      %convert_element_type3A_109 = arith.extui %eq3A_108 : i1 to i32
      %cond3A_110 = arith.constant 0 : i32
      %cond3A_111 = arith.cmpi ne, %convert_element_type3A_109, %cond3A_110 : i32
      scf.if %cond3A_111 {
        %add3A_112 = arith.constant 1 : i32
        %add3A_113 = arith.addi %scan3A_78, %add3A_112 : i32
        %dma_start3A_114 = arith.constant 0 : i32
        %dma_start3A_115 = tpu.memref_slice %arg6[%add3A_113, %dma_start3A_114] : memref<40x128xi32, #tpu.memory_space<vmem>> -> memref<1x128xi32, #tpu.memory_space<vmem>>
        %dma_start3A_116 = tpu.memref_squeeze %dma_start3A_115 : memref<1x128xi32, #tpu.memory_space<vmem>> -> memref<128xi32, #tpu.memory_space<vmem>>
        %dma_start3A_117 = arith.constant 0 : i32
        %dma_start3A_118 = arith.constant 0 : i32
        %dma_start3A_119 = tpu.memref_slice %arg2[%dma_start3A_117, %dma_start3A_118] : memref<10240x128xf32, #tpu.memory_space<hbm>> -> memref<10240x128xf32, #tpu.memory_space<hbm>>
        tpu.enqueue_indirect_dma source(%dma_start3A_119 : memref<10240x128xf32, #tpu.memory_space<hbm>>) target(%arg8 : memref<128x128xf32, #tpu.memory_space<vmem>>) offsets(%dma_start3A_116 : memref<128xi32, #tpu.memory_space<vmem>>) semaphore(%arg11 : memref<!tpu.dma_semaphore, #tpu.memory_space<semaphore_mem>>)
        %dma_wait3A_120 = arith.constant 0 : i32
        %dma_wait3A_121 = tpu.memref_slice %arg6[%scan3A_78, %dma_wait3A_120] : memref<40x128xi32, #tpu.memory_space<vmem>> -> memref<1x128xi32, #tpu.memory_space<vmem>>
        %dma_wait3A_122 = tpu.memref_squeeze %dma_wait3A_121 : memref<1x128xi32, #tpu.memory_space<vmem>> -> memref<128xi32, #tpu.memory_space<vmem>>
        %dma_wait3A_123 = arith.constant 0 : i32
        %dma_wait3A_124 = arith.constant 0 : i32
        %dma_wait3A_125 = tpu.memref_slice %arg2[%dma_wait3A_123, %dma_wait3A_124] : memref<10240x128xf32, #tpu.memory_space<hbm>> -> memref<10240x128xf32, #tpu.memory_space<hbm>>
        tpu.wait_indirect_dma semaphore(%arg12 : memref<!tpu.dma_semaphore, #tpu.memory_space<semaphore_mem>>) src(%dma_wait3A_125 : memref<10240x128xf32, #tpu.memory_space<hbm>>) dst(%arg9 : memref<128x128xf32, #tpu.memory_space<vmem>>)
        "tpu.region"() ({
          %run_scoped3A_126 = tpu.sem_alloc : memref<!tpu.dma_semaphore, #tpu.memory_space<semaphore_mem>>
          %dma_start3A_127 = arith.constant 0 : i32
          %dma_start3A_128 = tpu.memref_slice %arg7[%scan3A_78, %dma_start3A_127] : memref<40x128xi32, #tpu.memory_space<vmem>> -> memref<1x128xi32, #tpu.memory_space<vmem>>
          %dma_start3A_129 = tpu.memref_squeeze %dma_start3A_128 : memref<1x128xi32, #tpu.memory_space<vmem>> -> memref<128xi32, #tpu.memory_space<vmem>>
          %dma_start3A_130 = arith.constant 0 : i32
          %dma_start3A_131 = arith.constant 0 : i32
          %dma_start3A_132 = tpu.memref_slice %arg10[%dma_start3A_130, %dma_start3A_131] : memref<10240x128xf32, #tpu.memory_space<vmem_shared>> -> memref<10240x128xf32, #tpu.memory_space<vmem_shared>>
          tpu.enqueue_indirect_dma source(%arg9 : memref<128x128xf32, #tpu.memory_space<vmem>>) target(%dma_start3A_132 : memref<10240x128xf32, #tpu.memory_space<vmem_shared>>) offsets(%dma_start3A_129 : memref<128xi32, #tpu.memory_space<vmem>>) semaphore(%run_scoped3A_126 : memref<!tpu.dma_semaphore, #tpu.memory_space<semaphore_mem>>) {add = true}
          %dma_wait3A_133 = arith.constant 0 : i32
          %dma_wait3A_134 = tpu.memref_slice %arg7[%scan3A_78, %dma_wait3A_133] : memref<40x128xi32, #tpu.memory_space<vmem>> -> memref<1x128xi32, #tpu.memory_space<vmem>>
          %dma_wait3A_135 = tpu.memref_squeeze %dma_wait3A_134 : memref<1x128xi32, #tpu.memory_space<vmem>> -> memref<128xi32, #tpu.memory_space<vmem>>
          %dma_wait3A_136 = arith.constant 0 : i32
          %dma_wait3A_137 = arith.constant 0 : i32
          %dma_wait3A_138 = tpu.memref_slice %arg10[%dma_wait3A_136, %dma_wait3A_137] : memref<10240x128xf32, #tpu.memory_space<vmem_shared>> -> memref<10240x128xf32, #tpu.memory_space<vmem_shared>>
          tpu.wait_indirect_dma semaphore(%run_scoped3A_126 : memref<!tpu.dma_semaphore, #tpu.memory_space<semaphore_mem>>) src(%arg9 : memref<128x128xf32, #tpu.memory_space<vmem>>) dst(%dma_wait3A_138 : memref<10240x128xf32, #tpu.memory_space<vmem_shared>>)
          tpu.yield
        }) : () -> ()
      } else {
      }
    }
    %scan3A_29 = arith.constant 39 : i32
    %dma_wait3A = arith.constant 39 : i32
    %dma_wait3A_30 = arith.constant 0 : i32
    %dma_wait3A_31 = tpu.memref_slice %arg6[%dma_wait3A, %dma_wait3A_30] : memref<40x128xi32, #tpu.memory_space<vmem>> -> memref<1x128xi32, #tpu.memory_space<vmem>>
    %dma_wait3A_32 = tpu.memref_squeeze %dma_wait3A_31 : memref<1x128xi32, #tpu.memory_space<vmem>> -> memref<128xi32, #tpu.memory_space<vmem>>
    %dma_wait3A_33 = arith.constant 0 : i32
    %dma_wait3A_34 = arith.constant 0 : i32
    %dma_wait3A_35 = tpu.memref_slice %arg2[%dma_wait3A_33, %dma_wait3A_34] : memref<10240x128xf32, #tpu.memory_space<hbm>> -> memref<10240x128xf32, #tpu.memory_space<hbm>>
    tpu.wait_indirect_dma semaphore(%arg12 : memref<!tpu.dma_semaphore, #tpu.memory_space<semaphore_mem>>) src(%dma_wait3A_35 : memref<10240x128xf32, #tpu.memory_space<hbm>>) dst(%arg9 : memref<128x128xf32, #tpu.memory_space<vmem>>)
    %run_scoped3A = arith.constant 39 : i32
    "tpu.region"() ({
      %run_scoped3A_78 = tpu.sem_alloc : memref<!tpu.dma_semaphore, #tpu.memory_space<semaphore_mem>>
      %dma_start3A_79 = arith.constant 0 : i32
      %dma_start3A_80 = tpu.memref_slice %arg7[%run_scoped3A, %dma_start3A_79] : memref<40x128xi32, #tpu.memory_space<vmem>> -> memref<1x128xi32, #tpu.memory_space<vmem>>
      %dma_start3A_81 = tpu.memref_squeeze %dma_start3A_80 : memref<1x128xi32, #tpu.memory_space<vmem>> -> memref<128xi32, #tpu.memory_space<vmem>>
      %dma_start3A_82 = arith.constant 0 : i32
      %dma_start3A_83 = arith.constant 0 : i32
      %dma_start3A_84 = tpu.memref_slice %arg10[%dma_start3A_82, %dma_start3A_83] : memref<10240x128xf32, #tpu.memory_space<vmem_shared>> -> memref<10240x128xf32, #tpu.memory_space<vmem_shared>>
      tpu.enqueue_indirect_dma source(%arg9 : memref<128x128xf32, #tpu.memory_space<vmem>>) target(%dma_start3A_84 : memref<10240x128xf32, #tpu.memory_space<vmem_shared>>) offsets(%dma_start3A_81 : memref<128xi32, #tpu.memory_space<vmem>>) semaphore(%run_scoped3A_78 : memref<!tpu.dma_semaphore, #tpu.memory_space<semaphore_mem>>) {add = true}
      %dma_wait3A_85 = arith.constant 0 : i32
      %dma_wait3A_86 = tpu.memref_slice %arg7[%run_scoped3A, %dma_wait3A_85] : memref<40x128xi32, #tpu.memory_space<vmem>> -> memref<1x128xi32, #tpu.memory_space<vmem>>
      %dma_wait3A_87 = tpu.memref_squeeze %dma_wait3A_86 : memref<1x128xi32, #tpu.memory_space<vmem>> -> memref<128xi32, #tpu.memory_space<vmem>>
      %dma_wait3A_88 = arith.constant 0 : i32
      %dma_wait3A_89 = arith.constant 0 : i32
      %dma_wait3A_90 = tpu.memref_slice %arg10[%dma_wait3A_88, %dma_wait3A_89] : memref<10240x128xf32, #tpu.memory_space<vmem_shared>> -> memref<10240x128xf32, #tpu.memory_space<vmem_shared>>
      tpu.wait_indirect_dma semaphore(%run_scoped3A_78 : memref<!tpu.dma_semaphore, #tpu.memory_space<semaphore_mem>>) src(%arg9 : memref<128x128xf32, #tpu.memory_space<vmem>>) dst(%dma_wait3A_90 : memref<10240x128xf32, #tpu.memory_space<vmem_shared>>)
      tpu.yield
    }) : () -> ()
    "tpu.region"() ({
      %run_scoped3A_78 = tpu.sem_alloc : memref<!tpu.dma_semaphore, #tpu.memory_space<semaphore_mem>>
      %dma_start3A_79 = arith.constant 0 : i32
      %dma_start3A_80 = arith.constant 0 : i32
      %dma_start3A_81 = tpu.memref_slice %arg6[%dma_start3A_79, %dma_start3A_80] : memref<40x128xi32, #tpu.memory_space<vmem>> -> memref<39x128xi32, #tpu.memory_space<vmem>>
      %dma_start3A_82 = arith.constant 40 : i32
      %dma_start3A_83 = arith.constant 0 : i32
      %dma_start3A_84 = tpu.memref_slice %arg3[%add3A, %dma_start3A_82, %dma_start3A_83] : memref<32x79x128xi32, #tpu.memory_space<hbm>> -> memref<1x39x128xi32, #tpu.memory_space<hbm>>
      %dma_start3A_85 = tpu.memref_squeeze %dma_start3A_84 : memref<1x39x128xi32, #tpu.memory_space<hbm>> -> memref<39x128xi32, #tpu.memory_space<hbm>>
      %dma_start3A_86 = arith.constant 0 : i32
      %dma_start3A_87 = arith.constant 0 : i32
      %dma_start3A_88 = tpu.memref_slice %arg6[%dma_start3A_86, %dma_start3A_87] : memref<40x128xi32, #tpu.memory_space<vmem>> -> memref<39x128xi32, #tpu.memory_space<vmem>>
      %dma_start3A_89 = arith.constant 40 : i32
      %dma_start3A_90 = arith.constant 0 : i32
      %dma_start3A_91 = tpu.memref_slice %arg3[%add3A, %dma_start3A_89, %dma_start3A_90] : memref<32x79x128xi32, #tpu.memory_space<hbm>> -> memref<1x39x128xi32, #tpu.memory_space<hbm>>
      %dma_start3A_92 = tpu.memref_squeeze %dma_start3A_91 : memref<1x39x128xi32, #tpu.memory_space<hbm>> -> memref<39x128xi32, #tpu.memory_space<hbm>>
      tpu.enqueue_dma source(%dma_start3A_92 : memref<39x128xi32, #tpu.memory_space<hbm>>) target(%dma_start3A_88 : memref<39x128xi32, #tpu.memory_space<vmem>>) target_semaphore(%run_scoped3A_78 : memref<!tpu.dma_semaphore, #tpu.memory_space<semaphore_mem>>)
      %dma_wait3A_93 = arith.constant 0 : i32
      %dma_wait3A_94 = arith.constant 0 : i32
      %dma_wait3A_95 = tpu.memref_slice %arg6[%dma_wait3A_93, %dma_wait3A_94] : memref<40x128xi32, #tpu.memory_space<vmem>> -> memref<39x128xi32, #tpu.memory_space<vmem>>
      %dma_wait3A_96 = arith.constant 40 : i32
      %dma_wait3A_97 = arith.constant 0 : i32
      %dma_wait3A_98 = tpu.memref_slice %arg3[%add3A, %dma_wait3A_96, %dma_wait3A_97] : memref<32x79x128xi32, #tpu.memory_space<hbm>> -> memref<1x39x128xi32, #tpu.memory_space<hbm>>
      %dma_wait3A_99 = tpu.memref_squeeze %dma_wait3A_98 : memref<1x39x128xi32, #tpu.memory_space<hbm>> -> memref<39x128xi32, #tpu.memory_space<hbm>>
      %dma_wait3A_100 = arith.constant 0 : i32
      %dma_wait3A_101 = arith.constant 0 : i32
      %dma_wait3A_102 = tpu.memref_slice %arg6[%dma_wait3A_100, %dma_wait3A_101] : memref<40x128xi32, #tpu.memory_space<vmem>> -> memref<39x128xi32, #tpu.memory_space<vmem>>
      %dma_wait3A_103 = arith.constant 40 : i32
      %dma_wait3A_104 = arith.constant 0 : i32
      %dma_wait3A_105 = tpu.memref_slice %arg3[%add3A, %dma_wait3A_103, %dma_wait3A_104] : memref<32x79x128xi32, #tpu.memory_space<hbm>> -> memref<1x39x128xi32, #tpu.memory_space<hbm>>
      %dma_wait3A_106 = tpu.memref_squeeze %dma_wait3A_105 : memref<1x39x128xi32, #tpu.memory_space<hbm>> -> memref<39x128xi32, #tpu.memory_space<hbm>>
      tpu.wait_dma2 semaphore(%run_scoped3A_78 : memref<!tpu.dma_semaphore, #tpu.memory_space<semaphore_mem>>) src(%dma_wait3A_106 : memref<39x128xi32, #tpu.memory_space<hbm>>) dst(%dma_wait3A_102 : memref<39x128xi32, #tpu.memory_space<vmem>>)
      tpu.yield
    }) : () -> ()
    "tpu.region"() ({
      %run_scoped3A_78 = tpu.sem_alloc : memref<!tpu.dma_semaphore, #tpu.memory_space<semaphore_mem>>
      %dma_start3A_79 = arith.constant 0 : i32
      %dma_start3A_80 = arith.constant 0 : i32
      %dma_start3A_81 = tpu.memref_slice %arg7[%dma_start3A_79, %dma_start3A_80] : memref<40x128xi32, #tpu.memory_space<vmem>> -> memref<39x128xi32, #tpu.memory_space<vmem>>
      %dma_start3A_82 = arith.constant 40 : i32
      %dma_start3A_83 = arith.constant 0 : i32
      %dma_start3A_84 = tpu.memref_slice %arg4[%add3A, %dma_start3A_82, %dma_start3A_83] : memref<32x79x128xi32, #tpu.memory_space<hbm>> -> memref<1x39x128xi32, #tpu.memory_space<hbm>>
      %dma_start3A_85 = tpu.memref_squeeze %dma_start3A_84 : memref<1x39x128xi32, #tpu.memory_space<hbm>> -> memref<39x128xi32, #tpu.memory_space<hbm>>
      %dma_start3A_86 = arith.constant 0 : i32
      %dma_start3A_87 = arith.constant 0 : i32
      %dma_start3A_88 = tpu.memref_slice %arg7[%dma_start3A_86, %dma_start3A_87] : memref<40x128xi32, #tpu.memory_space<vmem>> -> memref<39x128xi32, #tpu.memory_space<vmem>>
      %dma_start3A_89 = arith.constant 40 : i32
      %dma_start3A_90 = arith.constant 0 : i32
      %dma_start3A_91 = tpu.memref_slice %arg4[%add3A, %dma_start3A_89, %dma_start3A_90] : memref<32x79x128xi32, #tpu.memory_space<hbm>> -> memref<1x39x128xi32, #tpu.memory_space<hbm>>
      %dma_start3A_92 = tpu.memref_squeeze %dma_start3A_91 : memref<1x39x128xi32, #tpu.memory_space<hbm>> -> memref<39x128xi32, #tpu.memory_space<hbm>>
      tpu.enqueue_dma source(%dma_start3A_92 : memref<39x128xi32, #tpu.memory_space<hbm>>) target(%dma_start3A_88 : memref<39x128xi32, #tpu.memory_space<vmem>>) target_semaphore(%run_scoped3A_78 : memref<!tpu.dma_semaphore, #tpu.memory_space<semaphore_mem>>)
      %dma_wait3A_93 = arith.constant 0 : i32
      %dma_wait3A_94 = arith.constant 0 : i32
      %dma_wait3A_95 = tpu.memref_slice %arg7[%dma_wait3A_93, %dma_wait3A_94] : memref<40x128xi32, #tpu.memory_space<vmem>> -> memref<39x128xi32, #tpu.memory_space<vmem>>
      %dma_wait3A_96 = arith.constant 40 : i32
      %dma_wait3A_97 = arith.constant 0 : i32
      %dma_wait3A_98 = tpu.memref_slice %arg4[%add3A, %dma_wait3A_96, %dma_wait3A_97] : memref<32x79x128xi32, #tpu.memory_space<hbm>> -> memref<1x39x128xi32, #tpu.memory_space<hbm>>
      %dma_wait3A_99 = tpu.memref_squeeze %dma_wait3A_98 : memref<1x39x128xi32, #tpu.memory_space<hbm>> -> memref<39x128xi32, #tpu.memory_space<hbm>>
      %dma_wait3A_100 = arith.constant 0 : i32
      %dma_wait3A_101 = arith.constant 0 : i32
      %dma_wait3A_102 = tpu.memref_slice %arg7[%dma_wait3A_100, %dma_wait3A_101] : memref<40x128xi32, #tpu.memory_space<vmem>> -> memref<39x128xi32, #tpu.memory_space<vmem>>
      %dma_wait3A_103 = arith.constant 40 : i32
      %dma_wait3A_104 = arith.constant 0 : i32
      %dma_wait3A_105 = tpu.memref_slice %arg4[%add3A, %dma_wait3A_103, %dma_wait3A_104] : memref<32x79x128xi32, #tpu.memory_space<hbm>> -> memref<1x39x128xi32, #tpu.memory_space<hbm>>
      %dma_wait3A_106 = tpu.memref_squeeze %dma_wait3A_105 : memref<1x39x128xi32, #tpu.memory_space<hbm>> -> memref<39x128xi32, #tpu.memory_space<hbm>>
      tpu.wait_dma2 semaphore(%run_scoped3A_78 : memref<!tpu.dma_semaphore, #tpu.memory_space<semaphore_mem>>) src(%dma_wait3A_106 : memref<39x128xi32, #tpu.memory_space<hbm>>) dst(%dma_wait3A_102 : memref<39x128xi32, #tpu.memory_space<vmem>>)
      tpu.yield
    }) : () -> ()
    %dma_start3A_36 = arith.constant 0 : i32
    %dma_start3A_37 = arith.constant 0 : i32
    %dma_start3A_38 = tpu.memref_slice %arg6[%dma_start3A_36, %dma_start3A_37] : memref<40x128xi32, #tpu.memory_space<vmem>> -> memref<1x128xi32, #tpu.memory_space<vmem>>
    %dma_start3A_39 = tpu.memref_squeeze %dma_start3A_38 : memref<1x128xi32, #tpu.memory_space<vmem>> -> memref<128xi32, #tpu.memory_space<vmem>>
    %dma_start3A_40 = arith.constant 0 : i32
    %dma_start3A_41 = arith.constant 0 : i32
    %dma_start3A_42 = tpu.memref_slice %arg2[%dma_start3A_40, %dma_start3A_41] : memref<10240x128xf32, #tpu.memory_space<hbm>> -> memref<10240x128xf32, #tpu.memory_space<hbm>>
    tpu.enqueue_indirect_dma source(%dma_start3A_42 : memref<10240x128xf32, #tpu.memory_space<hbm>>) target(%arg8 : memref<128x128xf32, #tpu.memory_space<vmem>>) offsets(%dma_start3A_39 : memref<128xi32, #tpu.memory_space<vmem>>) semaphore(%arg11 : memref<!tpu.dma_semaphore, #tpu.memory_space<semaphore_mem>>)
    %scan3A_43 = arith.constant 0 : i32
    %scan3A_44 = arith.constant 0 : i32
    %scan3A_45 = arith.constant 38 : i32
    %scan3A_46 = arith.addi %scan3A_44, %scan3A_45 : i32
    %scan3A_47 = arith.constant 1 : i32
    scf.for %scan3A_78 = %scan3A_44 to %scan3A_46 step %scan3A_47  : i32 {
      %jit3A = arith.constant 2 : i32
      %eq3A = arith.constant 0 : i32
      %eq3A_79 = arith.cmpi eq, %jit3A, %eq3A : i32
      %jit3A_80 = arith.constant 1 : i32
      %select_n3A = arith.select %eq3A_79, %jit3A_80, %jit3A : i32
      %rem3A = arith.remsi %scan3A_78, %select_n3A : i32
      %ne3A = arith.constant 0 : i32
      %ne3A_81 = arith.cmpi ne, %rem3A, %ne3A : i32
      %lt3A = arith.constant 0 : i32
      %lt3A_82 = arith.cmpi slt, %rem3A, %lt3A : i32
      %lt3A_83 = arith.constant 0 : i32
      %lt3A_84 = arith.cmpi slt, %select_n3A, %lt3A_83 : i32
      %ne3A_85 = arith.xori %lt3A_82, %lt3A_84 : i1
      %and3A = arith.andi %ne3A_85, %ne3A_81 : i1
      %add3A_86 = arith.addi %rem3A, %select_n3A : i32
      %select_n3A_87 = arith.select %and3A, %add3A_86, %rem3A : i32
      %eq3A_88 = arith.constant 0 : i32
      %eq3A_89 = arith.cmpi eq, %select_n3A_87, %eq3A_88 : i32
      %convert_element_type3A = arith.extui %eq3A_89 : i1 to i32
      %cond3A = arith.constant 0 : i32
      %cond3A_90 = arith.cmpi ne, %convert_element_type3A, %cond3A : i32
      scf.if %cond3A_90 {
        %add3A_112 = arith.constant 1 : i32
        %add3A_113 = arith.addi %scan3A_78, %add3A_112 : i32
        %dma_start3A_114 = arith.constant 0 : i32
        %dma_start3A_115 = tpu.memref_slice %arg6[%add3A_113, %dma_start3A_114] : memref<40x128xi32, #tpu.memory_space<vmem>> -> memref<1x128xi32, #tpu.memory_space<vmem>>
        %dma_start3A_116 = tpu.memref_squeeze %dma_start3A_115 : memref<1x128xi32, #tpu.memory_space<vmem>> -> memref<128xi32, #tpu.memory_space<vmem>>
        %dma_start3A_117 = arith.constant 0 : i32
        %dma_start3A_118 = arith.constant 0 : i32
        %dma_start3A_119 = tpu.memref_slice %arg2[%dma_start3A_117, %dma_start3A_118] : memref<10240x128xf32, #tpu.memory_space<hbm>> -> memref<10240x128xf32, #tpu.memory_space<hbm>>
        tpu.enqueue_indirect_dma source(%dma_start3A_119 : memref<10240x128xf32, #tpu.memory_space<hbm>>) target(%arg9 : memref<128x128xf32, #tpu.memory_space<vmem>>) offsets(%dma_start3A_116 : memref<128xi32, #tpu.memory_space<vmem>>) semaphore(%arg12 : memref<!tpu.dma_semaphore, #tpu.memory_space<semaphore_mem>>)
        %dma_wait3A_120 = arith.constant 0 : i32
        %dma_wait3A_121 = tpu.memref_slice %arg6[%scan3A_78, %dma_wait3A_120] : memref<40x128xi32, #tpu.memory_space<vmem>> -> memref<1x128xi32, #tpu.memory_space<vmem>>
        %dma_wait3A_122 = tpu.memref_squeeze %dma_wait3A_121 : memref<1x128xi32, #tpu.memory_space<vmem>> -> memref<128xi32, #tpu.memory_space<vmem>>
        %dma_wait3A_123 = arith.constant 0 : i32
        %dma_wait3A_124 = arith.constant 0 : i32
        %dma_wait3A_125 = tpu.memref_slice %arg2[%dma_wait3A_123, %dma_wait3A_124] : memref<10240x128xf32, #tpu.memory_space<hbm>> -> memref<10240x128xf32, #tpu.memory_space<hbm>>
        tpu.wait_indirect_dma semaphore(%arg11 : memref<!tpu.dma_semaphore, #tpu.memory_space<semaphore_mem>>) src(%dma_wait3A_125 : memref<10240x128xf32, #tpu.memory_space<hbm>>) dst(%arg8 : memref<128x128xf32, #tpu.memory_space<vmem>>)
        "tpu.region"() ({
          %run_scoped3A_126 = tpu.sem_alloc : memref<!tpu.dma_semaphore, #tpu.memory_space<semaphore_mem>>
          %dma_start3A_127 = arith.constant 0 : i32
          %dma_start3A_128 = tpu.memref_slice %arg7[%scan3A_78, %dma_start3A_127] : memref<40x128xi32, #tpu.memory_space<vmem>> -> memref<1x128xi32, #tpu.memory_space<vmem>>
          %dma_start3A_129 = tpu.memref_squeeze %dma_start3A_128 : memref<1x128xi32, #tpu.memory_space<vmem>> -> memref<128xi32, #tpu.memory_space<vmem>>
          %dma_start3A_130 = arith.constant 0 : i32
          %dma_start3A_131 = arith.constant 0 : i32
          %dma_start3A_132 = tpu.memref_slice %arg10[%dma_start3A_130, %dma_start3A_131] : memref<10240x128xf32, #tpu.memory_space<vmem_shared>> -> memref<10240x128xf32, #tpu.memory_space<vmem_shared>>
          tpu.enqueue_indirect_dma source(%arg8 : memref<128x128xf32, #tpu.memory_space<vmem>>) target(%dma_start3A_132 : memref<10240x128xf32, #tpu.memory_space<vmem_shared>>) offsets(%dma_start3A_129 : memref<128xi32, #tpu.memory_space<vmem>>) semaphore(%run_scoped3A_126 : memref<!tpu.dma_semaphore, #tpu.memory_space<semaphore_mem>>) {add = true}
          %dma_wait3A_133 = arith.constant 0 : i32
          %dma_wait3A_134 = tpu.memref_slice %arg7[%scan3A_78, %dma_wait3A_133] : memref<40x128xi32, #tpu.memory_space<vmem>> -> memref<1x128xi32, #tpu.memory_space<vmem>>
          %dma_wait3A_135 = tpu.memref_squeeze %dma_wait3A_134 : memref<1x128xi32, #tpu.memory_space<vmem>> -> memref<128xi32, #tpu.memory_space<vmem>>
          %dma_wait3A_136 = arith.constant 0 : i32
          %dma_wait3A_137 = arith.constant 0 : i32
          %dma_wait3A_138 = tpu.memref_slice %arg10[%dma_wait3A_136, %dma_wait3A_137] : memref<10240x128xf32, #tpu.memory_space<vmem_shared>> -> memref<10240x128xf32, #tpu.memory_space<vmem_shared>>
          tpu.wait_indirect_dma semaphore(%run_scoped3A_126 : memref<!tpu.dma_semaphore, #tpu.memory_space<semaphore_mem>>) src(%arg8 : memref<128x128xf32, #tpu.memory_space<vmem>>) dst(%dma_wait3A_138 : memref<10240x128xf32, #tpu.memory_space<vmem_shared>>)
          tpu.yield
        }) : () -> ()
      } else {
      }
      %jit3A_91 = arith.constant 2 : i32
      %eq3A_92 = arith.constant 0 : i32
      %eq3A_93 = arith.cmpi eq, %jit3A_91, %eq3A_92 : i32
      %jit3A_94 = arith.constant 1 : i32
      %select_n3A_95 = arith.select %eq3A_93, %jit3A_94, %jit3A_91 : i32
      %rem3A_96 = arith.remsi %scan3A_78, %select_n3A_95 : i32
      %ne3A_97 = arith.constant 0 : i32
      %ne3A_98 = arith.cmpi ne, %rem3A_96, %ne3A_97 : i32
      %lt3A_99 = arith.constant 0 : i32
      %lt3A_100 = arith.cmpi slt, %rem3A_96, %lt3A_99 : i32
      %lt3A_101 = arith.constant 0 : i32
      %lt3A_102 = arith.cmpi slt, %select_n3A_95, %lt3A_101 : i32
      %ne3A_103 = arith.xori %lt3A_100, %lt3A_102 : i1
      %and3A_104 = arith.andi %ne3A_103, %ne3A_98 : i1
      %add3A_105 = arith.addi %rem3A_96, %select_n3A_95 : i32
      %select_n3A_106 = arith.select %and3A_104, %add3A_105, %rem3A_96 : i32
      %eq3A_107 = arith.constant 1 : i32
      %eq3A_108 = arith.cmpi eq, %select_n3A_106, %eq3A_107 : i32
      %convert_element_type3A_109 = arith.extui %eq3A_108 : i1 to i32
      %cond3A_110 = arith.constant 0 : i32
      %cond3A_111 = arith.cmpi ne, %convert_element_type3A_109, %cond3A_110 : i32
      scf.if %cond3A_111 {
        %add3A_112 = arith.constant 1 : i32
        %add3A_113 = arith.addi %scan3A_78, %add3A_112 : i32
        %dma_start3A_114 = arith.constant 0 : i32
        %dma_start3A_115 = tpu.memref_slice %arg6[%add3A_113, %dma_start3A_114] : memref<40x128xi32, #tpu.memory_space<vmem>> -> memref<1x128xi32, #tpu.memory_space<vmem>>
        %dma_start3A_116 = tpu.memref_squeeze %dma_start3A_115 : memref<1x128xi32, #tpu.memory_space<vmem>> -> memref<128xi32, #tpu.memory_space<vmem>>
        %dma_start3A_117 = arith.constant 0 : i32
        %dma_start3A_118 = arith.constant 0 : i32
        %dma_start3A_119 = tpu.memref_slice %arg2[%dma_start3A_117, %dma_start3A_118] : memref<10240x128xf32, #tpu.memory_space<hbm>> -> memref<10240x128xf32, #tpu.memory_space<hbm>>
        tpu.enqueue_indirect_dma source(%dma_start3A_119 : memref<10240x128xf32, #tpu.memory_space<hbm>>) target(%arg8 : memref<128x128xf32, #tpu.memory_space<vmem>>) offsets(%dma_start3A_116 : memref<128xi32, #tpu.memory_space<vmem>>) semaphore(%arg11 : memref<!tpu.dma_semaphore, #tpu.memory_space<semaphore_mem>>)
        %dma_wait3A_120 = arith.constant 0 : i32
        %dma_wait3A_121 = tpu.memref_slice %arg6[%scan3A_78, %dma_wait3A_120] : memref<40x128xi32, #tpu.memory_space<vmem>> -> memref<1x128xi32, #tpu.memory_space<vmem>>
        %dma_wait3A_122 = tpu.memref_squeeze %dma_wait3A_121 : memref<1x128xi32, #tpu.memory_space<vmem>> -> memref<128xi32, #tpu.memory_space<vmem>>
        %dma_wait3A_123 = arith.constant 0 : i32
        %dma_wait3A_124 = arith.constant 0 : i32
        %dma_wait3A_125 = tpu.memref_slice %arg2[%dma_wait3A_123, %dma_wait3A_124] : memref<10240x128xf32, #tpu.memory_space<hbm>> -> memref<10240x128xf32, #tpu.memory_space<hbm>>
        tpu.wait_indirect_dma semaphore(%arg12 : memref<!tpu.dma_semaphore, #tpu.memory_space<semaphore_mem>>) src(%dma_wait3A_125 : memref<10240x128xf32, #tpu.memory_space<hbm>>) dst(%arg9 : memref<128x128xf32, #tpu.memory_space<vmem>>)
        "tpu.region"() ({
          %run_scoped3A_126 = tpu.sem_alloc : memref<!tpu.dma_semaphore, #tpu.memory_space<semaphore_mem>>
          %dma_start3A_127 = arith.constant 0 : i32
          %dma_start3A_128 = tpu.memref_slice %arg7[%scan3A_78, %dma_start3A_127] : memref<40x128xi32, #tpu.memory_space<vmem>> -> memref<1x128xi32, #tpu.memory_space<vmem>>
          %dma_start3A_129 = tpu.memref_squeeze %dma_start3A_128 : memref<1x128xi32, #tpu.memory_space<vmem>> -> memref<128xi32, #tpu.memory_space<vmem>>
          %dma_start3A_130 = arith.constant 0 : i32
          %dma_start3A_131 = arith.constant 0 : i32
          %dma_start3A_132 = tpu.memref_slice %arg10[%dma_start3A_130, %dma_start3A_131] : memref<10240x128xf32, #tpu.memory_space<vmem_shared>> -> memref<10240x128xf32, #tpu.memory_space<vmem_shared>>
          tpu.enqueue_indirect_dma source(%arg9 : memref<128x128xf32, #tpu.memory_space<vmem>>) target(%dma_start3A_132 : memref<10240x128xf32, #tpu.memory_space<vmem_shared>>) offsets(%dma_start3A_129 : memref<128xi32, #tpu.memory_space<vmem>>) semaphore(%run_scoped3A_126 : memref<!tpu.dma_semaphore, #tpu.memory_space<semaphore_mem>>) {add = true}
          %dma_wait3A_133 = arith.constant 0 : i32
          %dma_wait3A_134 = tpu.memref_slice %arg7[%scan3A_78, %dma_wait3A_133] : memref<40x128xi32, #tpu.memory_space<vmem>> -> memref<1x128xi32, #tpu.memory_space<vmem>>
          %dma_wait3A_135 = tpu.memref_squeeze %dma_wait3A_134 : memref<1x128xi32, #tpu.memory_space<vmem>> -> memref<128xi32, #tpu.memory_space<vmem>>
          %dma_wait3A_136 = arith.constant 0 : i32
          %dma_wait3A_137 = arith.constant 0 : i32
          %dma_wait3A_138 = tpu.memref_slice %arg10[%dma_wait3A_136, %dma_wait3A_137] : memref<10240x128xf32, #tpu.memory_space<vmem_shared>> -> memref<10240x128xf32, #tpu.memory_space<vmem_shared>>
          tpu.wait_indirect_dma semaphore(%run_scoped3A_126 : memref<!tpu.dma_semaphore, #tpu.memory_space<semaphore_mem>>) src(%arg9 : memref<128x128xf32, #tpu.memory_space<vmem>>) dst(%dma_wait3A_138 : memref<10240x128xf32, #tpu.memory_space<vmem_shared>>)
          tpu.yield
        }) : () -> ()
      } else {
      }
    }
    %scan3A_48 = arith.constant 38 : i32
    %dma_wait3A_49 = arith.constant 38 : i32
    %dma_wait3A_50 = arith.constant 0 : i32
    %dma_wait3A_51 = tpu.memref_slice %arg6[%dma_wait3A_49, %dma_wait3A_50] : memref<40x128xi32, #tpu.memory_space<vmem>> -> memref<1x128xi32, #tpu.memory_space<vmem>>
    %dma_wait3A_52 = tpu.memref_squeeze %dma_wait3A_51 : memref<1x128xi32, #tpu.memory_space<vmem>> -> memref<128xi32, #tpu.memory_space<vmem>>
    %dma_wait3A_53 = arith.constant 0 : i32
    %dma_wait3A_54 = arith.constant 0 : i32
    %dma_wait3A_55 = tpu.memref_slice %arg2[%dma_wait3A_53, %dma_wait3A_54] : memref<10240x128xf32, #tpu.memory_space<hbm>> -> memref<10240x128xf32, #tpu.memory_space<hbm>>
    tpu.wait_indirect_dma semaphore(%arg11 : memref<!tpu.dma_semaphore, #tpu.memory_space<semaphore_mem>>) src(%dma_wait3A_55 : memref<10240x128xf32, #tpu.memory_space<hbm>>) dst(%arg8 : memref<128x128xf32, #tpu.memory_space<vmem>>)
    %run_scoped3A_56 = arith.constant 38 : i32
    "tpu.region"() ({
      %run_scoped3A_78 = tpu.sem_alloc : memref<!tpu.dma_semaphore, #tpu.memory_space<semaphore_mem>>
      %dma_start3A_79 = arith.constant 0 : i32
      %dma_start3A_80 = tpu.memref_slice %arg7[%run_scoped3A_56, %dma_start3A_79] : memref<40x128xi32, #tpu.memory_space<vmem>> -> memref<1x128xi32, #tpu.memory_space<vmem>>
      %dma_start3A_81 = tpu.memref_squeeze %dma_start3A_80 : memref<1x128xi32, #tpu.memory_space<vmem>> -> memref<128xi32, #tpu.memory_space<vmem>>
      %dma_start3A_82 = arith.constant 0 : i32
      %dma_start3A_83 = arith.constant 0 : i32
      %dma_start3A_84 = tpu.memref_slice %arg10[%dma_start3A_82, %dma_start3A_83] : memref<10240x128xf32, #tpu.memory_space<vmem_shared>> -> memref<10240x128xf32, #tpu.memory_space<vmem_shared>>
      tpu.enqueue_indirect_dma source(%arg8 : memref<128x128xf32, #tpu.memory_space<vmem>>) target(%dma_start3A_84 : memref<10240x128xf32, #tpu.memory_space<vmem_shared>>) offsets(%dma_start3A_81 : memref<128xi32, #tpu.memory_space<vmem>>) semaphore(%run_scoped3A_78 : memref<!tpu.dma_semaphore, #tpu.memory_space<semaphore_mem>>) {add = true}
      %dma_wait3A_85 = arith.constant 0 : i32
      %dma_wait3A_86 = tpu.memref_slice %arg7[%run_scoped3A_56, %dma_wait3A_85] : memref<40x128xi32, #tpu.memory_space<vmem>> -> memref<1x128xi32, #tpu.memory_space<vmem>>
      %dma_wait3A_87 = tpu.memref_squeeze %dma_wait3A_86 : memref<1x128xi32, #tpu.memory_space<vmem>> -> memref<128xi32, #tpu.memory_space<vmem>>
      %dma_wait3A_88 = arith.constant 0 : i32
      %dma_wait3A_89 = arith.constant 0 : i32
      %dma_wait3A_90 = tpu.memref_slice %arg10[%dma_wait3A_88, %dma_wait3A_89] : memref<10240x128xf32, #tpu.memory_space<vmem_shared>> -> memref<10240x128xf32, #tpu.memory_space<vmem_shared>>
      tpu.wait_indirect_dma semaphore(%run_scoped3A_78 : memref<!tpu.dma_semaphore, #tpu.memory_space<semaphore_mem>>) src(%arg8 : memref<128x128xf32, #tpu.memory_space<vmem>>) dst(%dma_wait3A_90 : memref<10240x128xf32, #tpu.memory_space<vmem_shared>>)
      tpu.yield
    }) : () -> ()
    %barrier3A_57 = arith.constant 0 : index
    tpu.barrier barrier_id(%barrier3A_57)
    %add3A_58 = arith.constant 0 : i32
    %add3A_59 = arith.addi %mul3A_2, %add3A_58 : i32
    "tpu.region"() ({
      %run_scoped3A_78 = tpu.sem_alloc : memref<!tpu.dma_semaphore, #tpu.memory_space<semaphore_mem>>
      %dma_start3A_79 = arith.constant 0 : i32
      %dma_start3A_80 = arith.constant 0 : i32
      %dma_start3A_81 = tpu.memref_slice %arg8[%dma_start3A_79, %dma_start3A_80] : memref<128x128xf32, #tpu.memory_space<vmem>> -> memref<128x128xf32, #tpu.memory_space<vmem>>
      %dma_start3A_82 = arith.constant 0 : i32
      %dma_start3A_83 = tpu.memref_slice %arg10[%add3A_59, %dma_start3A_82] : memref<10240x128xf32, #tpu.memory_space<vmem_shared>> -> memref<128x128xf32, #tpu.memory_space<vmem_shared>>
      %dma_start3A_84 = arith.constant 0 : i32
      %dma_start3A_85 = arith.constant 0 : i32
      %dma_start3A_86 = tpu.memref_slice %arg8[%dma_start3A_84, %dma_start3A_85] : memref<128x128xf32, #tpu.memory_space<vmem>> -> memref<128x128xf32, #tpu.memory_space<vmem>>
      %dma_start3A_87 = arith.constant 0 : i32
      %dma_start3A_88 = tpu.memref_slice %arg10[%add3A_59, %dma_start3A_87] : memref<10240x128xf32, #tpu.memory_space<vmem_shared>> -> memref<128x128xf32, #tpu.memory_space<vmem_shared>>
      tpu.enqueue_dma source(%dma_start3A_88 : memref<128x128xf32, #tpu.memory_space<vmem_shared>>) target(%dma_start3A_86 : memref<128x128xf32, #tpu.memory_space<vmem>>) target_semaphore(%run_scoped3A_78 : memref<!tpu.dma_semaphore, #tpu.memory_space<semaphore_mem>>)
      %dma_wait3A_89 = arith.constant 0 : i32
      %dma_wait3A_90 = arith.constant 0 : i32
      %dma_wait3A_91 = tpu.memref_slice %arg8[%dma_wait3A_89, %dma_wait3A_90] : memref<128x128xf32, #tpu.memory_space<vmem>> -> memref<128x128xf32, #tpu.memory_space<vmem>>
      %dma_wait3A_92 = arith.constant 0 : i32
      %dma_wait3A_93 = tpu.memref_slice %arg10[%add3A_59, %dma_wait3A_92] : memref<10240x128xf32, #tpu.memory_space<vmem_shared>> -> memref<128x128xf32, #tpu.memory_space<vmem_shared>>
      %dma_wait3A_94 = arith.constant 0 : i32
      %dma_wait3A_95 = arith.constant 0 : i32
      %dma_wait3A_96 = tpu.memref_slice %arg8[%dma_wait3A_94, %dma_wait3A_95] : memref<128x128xf32, #tpu.memory_space<vmem>> -> memref<128x128xf32, #tpu.memory_space<vmem>>
      %dma_wait3A_97 = arith.constant 0 : i32
      %dma_wait3A_98 = tpu.memref_slice %arg10[%add3A_59, %dma_wait3A_97] : memref<10240x128xf32, #tpu.memory_space<vmem_shared>> -> memref<128x128xf32, #tpu.memory_space<vmem_shared>>
      tpu.wait_dma2 semaphore(%run_scoped3A_78 : memref<!tpu.dma_semaphore, #tpu.memory_space<semaphore_mem>>) src(%dma_wait3A_98 : memref<128x128xf32, #tpu.memory_space<vmem_shared>>) dst(%dma_wait3A_96 : memref<128x128xf32, #tpu.memory_space<vmem>>)
      tpu.yield
    }) : () -> ()
    %add3A_60 = arith.constant 0 : i32
    %add3A_61 = arith.addi %mul3A_2, %add3A_60 : i32
    "tpu.region"() ({
      %run_scoped3A_78 = tpu.sem_alloc : memref<!tpu.dma_semaphore, #tpu.memory_space<semaphore_mem>>
      %dma_start3A_79 = arith.constant 0 : i32
      %dma_start3A_80 = arith.constant 0 : i32
      %dma_start3A_81 = tpu.memref_slice %arg8[%dma_start3A_79, %dma_start3A_80] : memref<128x128xf32, #tpu.memory_space<vmem>> -> memref<128x128xf32, #tpu.memory_space<vmem>>
      %dma_start3A_82 = arith.constant 0 : i32
      %dma_start3A_83 = tpu.memref_slice %arg5[%arg0, %add3A_61, %dma_start3A_82] : memref<2x10240x128xf32, #tpu.memory_space<hbm>> -> memref<1x128x128xf32, #tpu.memory_space<hbm>>
      %dma_start3A_84 = tpu.memref_squeeze %dma_start3A_83 : memref<1x128x128xf32, #tpu.memory_space<hbm>> -> memref<128x128xf32, #tpu.memory_space<hbm>>
      %dma_start3A_85 = arith.constant 0 : i32
      %dma_start3A_86 = tpu.memref_slice %arg5[%arg0, %add3A_61, %dma_start3A_85] : memref<2x10240x128xf32, #tpu.memory_space<hbm>> -> memref<1x128x128xf32, #tpu.memory_space<hbm>>
      %dma_start3A_87 = tpu.memref_squeeze %dma_start3A_86 : memref<1x128x128xf32, #tpu.memory_space<hbm>> -> memref<128x128xf32, #tpu.memory_space<hbm>>
      %dma_start3A_88 = arith.constant 0 : i32
      %dma_start3A_89 = arith.constant 0 : i32
      %dma_start3A_90 = tpu.memref_slice %arg8[%dma_start3A_88, %dma_start3A_89] : memref<128x128xf32, #tpu.memory_space<vmem>> -> memref<128x128xf32, #tpu.memory_space<vmem>>
      tpu.enqueue_dma source(%dma_start3A_90 : memref<128x128xf32, #tpu.memory_space<vmem>>) target(%dma_start3A_87 : memref<128x128xf32, #tpu.memory_space<hbm>>) target_semaphore(%run_scoped3A_78 : memref<!tpu.dma_semaphore, #tpu.memory_space<semaphore_mem>>)
      %dma_wait3A_91 = arith.constant 0 : i32
      %dma_wait3A_92 = arith.constant 0 : i32
      %dma_wait3A_93 = tpu.memref_slice %arg8[%dma_wait3A_91, %dma_wait3A_92] : memref<128x128xf32, #tpu.memory_space<vmem>> -> memref<128x128xf32, #tpu.memory_space<vmem>>
      %dma_wait3A_94 = arith.constant 0 : i32
      %dma_wait3A_95 = tpu.memref_slice %arg5[%arg0, %add3A_61, %dma_wait3A_94] : memref<2x10240x128xf32, #tpu.memory_space<hbm>> -> memref<1x128x128xf32, #tpu.memory_space<hbm>>
      %dma_wait3A_96 = tpu.memref_squeeze %dma_wait3A_95 : memref<1x128x128xf32, #tpu.memory_space<hbm>> -> memref<128x128xf32, #tpu.memory_space<hbm>>
      %dma_wait3A_97 = arith.constant 0 : i32
      %dma_wait3A_98 = tpu.memref_slice %arg5[%arg0, %add3A_61, %dma_wait3A_97] : memref<2x10240x128xf32, #tpu.memory_space<hbm>> -> memref<1x128x128xf32, #tpu.memory_space<hbm>>
      %dma_wait3A_99 = tpu.memref_squeeze %dma_wait3A_98 : memref<1x128x128xf32, #tpu.memory_space<hbm>> -> memref<128x128xf32, #tpu.memory_space<hbm>>
      %dma_wait3A_100 = arith.constant 0 : i32
      %dma_wait3A_101 = arith.constant 0 : i32
      %dma_wait3A_102 = tpu.memref_slice %arg8[%dma_wait3A_100, %dma_wait3A_101] : memref<128x128xf32, #tpu.memory_space<vmem>> -> memref<128x128xf32, #tpu.memory_space<vmem>>
      tpu.wait_dma2 semaphore(%run_scoped3A_78 : memref<!tpu.dma_semaphore, #tpu.memory_space<semaphore_mem>>) src(%dma_wait3A_102 : memref<128x128xf32, #tpu.memory_space<vmem>>) dst(%dma_wait3A_99 : memref<128x128xf32, #tpu.memory_space<hbm>>)
      tpu.yield
    }) : () -> ()
    %add3A_62 = arith.constant 128 : i32
    %add3A_63 = arith.addi %mul3A_2, %add3A_62 : i32
    "tpu.region"() ({
      %run_scoped3A_78 = tpu.sem_alloc : memref<!tpu.dma_semaphore, #tpu.memory_space<semaphore_mem>>
      %dma_start3A_79 = arith.constant 0 : i32
      %dma_start3A_80 = arith.constant 0 : i32
      %dma_start3A_81 = tpu.memref_slice %arg8[%dma_start3A_79, %dma_start3A_80] : memref<128x128xf32, #tpu.memory_space<vmem>> -> memref<128x128xf32, #tpu.memory_space<vmem>>
      %dma_start3A_82 = arith.constant 0 : i32
      %dma_start3A_83 = tpu.memref_slice %arg10[%add3A_63, %dma_start3A_82] : memref<10240x128xf32, #tpu.memory_space<vmem_shared>> -> memref<128x128xf32, #tpu.memory_space<vmem_shared>>
      %dma_start3A_84 = arith.constant 0 : i32
      %dma_start3A_85 = arith.constant 0 : i32
      %dma_start3A_86 = tpu.memref_slice %arg8[%dma_start3A_84, %dma_start3A_85] : memref<128x128xf32, #tpu.memory_space<vmem>> -> memref<128x128xf32, #tpu.memory_space<vmem>>
      %dma_start3A_87 = arith.constant 0 : i32
      %dma_start3A_88 = tpu.memref_slice %arg10[%add3A_63, %dma_start3A_87] : memref<10240x128xf32, #tpu.memory_space<vmem_shared>> -> memref<128x128xf32, #tpu.memory_space<vmem_shared>>
      tpu.enqueue_dma source(%dma_start3A_88 : memref<128x128xf32, #tpu.memory_space<vmem_shared>>) target(%dma_start3A_86 : memref<128x128xf32, #tpu.memory_space<vmem>>) target_semaphore(%run_scoped3A_78 : memref<!tpu.dma_semaphore, #tpu.memory_space<semaphore_mem>>)
      %dma_wait3A_89 = arith.constant 0 : i32
      %dma_wait3A_90 = arith.constant 0 : i32
      %dma_wait3A_91 = tpu.memref_slice %arg8[%dma_wait3A_89, %dma_wait3A_90] : memref<128x128xf32, #tpu.memory_space<vmem>> -> memref<128x128xf32, #tpu.memory_space<vmem>>
      %dma_wait3A_92 = arith.constant 0 : i32
      %dma_wait3A_93 = tpu.memref_slice %arg10[%add3A_63, %dma_wait3A_92] : memref<10240x128xf32, #tpu.memory_space<vmem_shared>> -> memref<128x128xf32, #tpu.memory_space<vmem_shared>>
      %dma_wait3A_94 = arith.constant 0 : i32
      %dma_wait3A_95 = arith.constant 0 : i32
      %dma_wait3A_96 = tpu.memref_slice %arg8[%dma_wait3A_94, %dma_wait3A_95] : memref<128x128xf32, #tpu.memory_space<vmem>> -> memref<128x128xf32, #tpu.memory_space<vmem>>
      %dma_wait3A_97 = arith.constant 0 : i32
      %dma_wait3A_98 = tpu.memref_slice %arg10[%add3A_63, %dma_wait3A_97] : memref<10240x128xf32, #tpu.memory_space<vmem_shared>> -> memref<128x128xf32, #tpu.memory_space<vmem_shared>>
      tpu.wait_dma2 semaphore(%run_scoped3A_78 : memref<!tpu.dma_semaphore, #tpu.memory_space<semaphore_mem>>) src(%dma_wait3A_98 : memref<128x128xf32, #tpu.memory_space<vmem_shared>>) dst(%dma_wait3A_96 : memref<128x128xf32, #tpu.memory_space<vmem>>)
      tpu.yield
    }) : () -> ()
    %add3A_64 = arith.constant 128 : i32
    %add3A_65 = arith.addi %mul3A_2, %add3A_64 : i32
    "tpu.region"() ({
      %run_scoped3A_78 = tpu.sem_alloc : memref<!tpu.dma_semaphore, #tpu.memory_space<semaphore_mem>>
      %dma_start3A_79 = arith.constant 0 : i32
      %dma_start3A_80 = arith.constant 0 : i32
      %dma_start3A_81 = tpu.memref_slice %arg8[%dma_start3A_79, %dma_start3A_80] : memref<128x128xf32, #tpu.memory_space<vmem>> -> memref<128x128xf32, #tpu.memory_space<vmem>>
      %dma_start3A_82 = arith.constant 0 : i32
      %dma_start3A_83 = tpu.memref_slice %arg5[%arg0, %add3A_65, %dma_start3A_82] : memref<2x10240x128xf32, #tpu.memory_space<hbm>> -> memref<1x128x128xf32, #tpu.memory_space<hbm>>
      %dma_start3A_84 = tpu.memref_squeeze %dma_start3A_83 : memref<1x128x128xf32, #tpu.memory_space<hbm>> -> memref<128x128xf32, #tpu.memory_space<hbm>>
      %dma_start3A_85 = arith.constant 0 : i32
      %dma_start3A_86 = tpu.memref_slice %arg5[%arg0, %add3A_65, %dma_start3A_85] : memref<2x10240x128xf32, #tpu.memory_space<hbm>> -> memref<1x128x128xf32, #tpu.memory_space<hbm>>
      %dma_start3A_87 = tpu.memref_squeeze %dma_start3A_86 : memref<1x128x128xf32, #tpu.memory_space<hbm>> -> memref<128x128xf32, #tpu.memory_space<hbm>>
      %dma_start3A_88 = arith.constant 0 : i32
      %dma_start3A_89 = arith.constant 0 : i32
      %dma_start3A_90 = tpu.memref_slice %arg8[%dma_start3A_88, %dma_start3A_89] : memref<128x128xf32, #tpu.memory_space<vmem>> -> memref<128x128xf32, #tpu.memory_space<vmem>>
      tpu.enqueue_dma source(%dma_start3A_90 : memref<128x128xf32, #tpu.memory_space<vmem>>) target(%dma_start3A_87 : memref<128x128xf32, #tpu.memory_space<hbm>>) target_semaphore(%run_scoped3A_78 : memref<!tpu.dma_semaphore, #tpu.memory_space<semaphore_mem>>)
      %dma_wait3A_91 = arith.constant 0 : i32
      %dma_wait3A_92 = arith.constant 0 : i32
      %dma_wait3A_93 = tpu.memref_slice %arg8[%dma_wait3A_91, %dma_wait3A_92] : memref<128x128xf32, #tpu.memory_space<vmem>> -> memref<128x128xf32, #tpu.memory_space<vmem>>
      %dma_wait3A_94 = arith.constant 0 : i32
      %dma_wait3A_95 = tpu.memref_slice %arg5[%arg0, %add3A_65, %dma_wait3A_94] : memref<2x10240x128xf32, #tpu.memory_space<hbm>> -> memref<1x128x128xf32, #tpu.memory_space<hbm>>
      %dma_wait3A_96 = tpu.memref_squeeze %dma_wait3A_95 : memref<1x128x128xf32, #tpu.memory_space<hbm>> -> memref<128x128xf32, #tpu.memory_space<hbm>>
      %dma_wait3A_97 = arith.constant 0 : i32
      %dma_wait3A_98 = tpu.memref_slice %arg5[%arg0, %add3A_65, %dma_wait3A_97] : memref<2x10240x128xf32, #tpu.memory_space<hbm>> -> memref<1x128x128xf32, #tpu.memory_space<hbm>>
      %dma_wait3A_99 = tpu.memref_squeeze %dma_wait3A_98 : memref<1x128x128xf32, #tpu.memory_space<hbm>> -> memref<128x128xf32, #tpu.memory_space<hbm>>
      %dma_wait3A_100 = arith.constant 0 : i32
      %dma_wait3A_101 = arith.constant 0 : i32
      %dma_wait3A_102 = tpu.memref_slice %arg8[%dma_wait3A_100, %dma_wait3A_101] : memref<128x128xf32, #tpu.memory_space<vmem>> -> memref<128x128xf32, #tpu.memory_space<vmem>>
      tpu.wait_dma2 semaphore(%run_scoped3A_78 : memref<!tpu.dma_semaphore, #tpu.memory_space<semaphore_mem>>) src(%dma_wait3A_102 : memref<128x128xf32, #tpu.memory_space<vmem>>) dst(%dma_wait3A_99 : memref<128x128xf32, #tpu.memory_space<hbm>>)
      tpu.yield
    }) : () -> ()
    %add3A_66 = arith.constant 256 : i32
    %add3A_67 = arith.addi %mul3A_2, %add3A_66 : i32
    "tpu.region"() ({
      %run_scoped3A_78 = tpu.sem_alloc : memref<!tpu.dma_semaphore, #tpu.memory_space<semaphore_mem>>
      %dma_start3A_79 = arith.constant 0 : i32
      %dma_start3A_80 = arith.constant 0 : i32
      %dma_start3A_81 = tpu.memref_slice %arg8[%dma_start3A_79, %dma_start3A_80] : memref<128x128xf32, #tpu.memory_space<vmem>> -> memref<128x128xf32, #tpu.memory_space<vmem>>
      %dma_start3A_82 = arith.constant 0 : i32
      %dma_start3A_83 = tpu.memref_slice %arg10[%add3A_67, %dma_start3A_82] : memref<10240x128xf32, #tpu.memory_space<vmem_shared>> -> memref<128x128xf32, #tpu.memory_space<vmem_shared>>
      %dma_start3A_84 = arith.constant 0 : i32
      %dma_start3A_85 = arith.constant 0 : i32
      %dma_start3A_86 = tpu.memref_slice %arg8[%dma_start3A_84, %dma_start3A_85] : memref<128x128xf32, #tpu.memory_space<vmem>> -> memref<128x128xf32, #tpu.memory_space<vmem>>
      %dma_start3A_87 = arith.constant 0 : i32
      %dma_start3A_88 = tpu.memref_slice %arg10[%add3A_67, %dma_start3A_87] : memref<10240x128xf32, #tpu.memory_space<vmem_shared>> -> memref<128x128xf32, #tpu.memory_space<vmem_shared>>
      tpu.enqueue_dma source(%dma_start3A_88 : memref<128x128xf32, #tpu.memory_space<vmem_shared>>) target(%dma_start3A_86 : memref<128x128xf32, #tpu.memory_space<vmem>>) target_semaphore(%run_scoped3A_78 : memref<!tpu.dma_semaphore, #tpu.memory_space<semaphore_mem>>)
      %dma_wait3A_89 = arith.constant 0 : i32
      %dma_wait3A_90 = arith.constant 0 : i32
      %dma_wait3A_91 = tpu.memref_slice %arg8[%dma_wait3A_89, %dma_wait3A_90] : memref<128x128xf32, #tpu.memory_space<vmem>> -> memref<128x128xf32, #tpu.memory_space<vmem>>
      %dma_wait3A_92 = arith.constant 0 : i32
      %dma_wait3A_93 = tpu.memref_slice %arg10[%add3A_67, %dma_wait3A_92] : memref<10240x128xf32, #tpu.memory_space<vmem_shared>> -> memref<128x128xf32, #tpu.memory_space<vmem_shared>>
      %dma_wait3A_94 = arith.constant 0 : i32
      %dma_wait3A_95 = arith.constant 0 : i32
      %dma_wait3A_96 = tpu.memref_slice %arg8[%dma_wait3A_94, %dma_wait3A_95] : memref<128x128xf32, #tpu.memory_space<vmem>> -> memref<128x128xf32, #tpu.memory_space<vmem>>
      %dma_wait3A_97 = arith.constant 0 : i32
      %dma_wait3A_98 = tpu.memref_slice %arg10[%add3A_67, %dma_wait3A_97] : memref<10240x128xf32, #tpu.memory_space<vmem_shared>> -> memref<128x128xf32, #tpu.memory_space<vmem_shared>>
      tpu.wait_dma2 semaphore(%run_scoped3A_78 : memref<!tpu.dma_semaphore, #tpu.memory_space<semaphore_mem>>) src(%dma_wait3A_98 : memref<128x128xf32, #tpu.memory_space<vmem_shared>>) dst(%dma_wait3A_96 : memref<128x128xf32, #tpu.memory_space<vmem>>)
      tpu.yield
    }) : () -> ()
    %add3A_68 = arith.constant 256 : i32
    %add3A_69 = arith.addi %mul3A_2, %add3A_68 : i32
    "tpu.region"() ({
      %run_scoped3A_78 = tpu.sem_alloc : memref<!tpu.dma_semaphore, #tpu.memory_space<semaphore_mem>>
      %dma_start3A_79 = arith.constant 0 : i32
      %dma_start3A_80 = arith.constant 0 : i32
      %dma_start3A_81 = tpu.memref_slice %arg8[%dma_start3A_79, %dma_start3A_80] : memref<128x128xf32, #tpu.memory_space<vmem>> -> memref<128x128xf32, #tpu.memory_space<vmem>>
      %dma_start3A_82 = arith.constant 0 : i32
      %dma_start3A_83 = tpu.memref_slice %arg5[%arg0, %add3A_69, %dma_start3A_82] : memref<2x10240x128xf32, #tpu.memory_space<hbm>> -> memref<1x128x128xf32, #tpu.memory_space<hbm>>
      %dma_start3A_84 = tpu.memref_squeeze %dma_start3A_83 : memref<1x128x128xf32, #tpu.memory_space<hbm>> -> memref<128x128xf32, #tpu.memory_space<hbm>>
      %dma_start3A_85 = arith.constant 0 : i32
      %dma_start3A_86 = tpu.memref_slice %arg5[%arg0, %add3A_69, %dma_start3A_85] : memref<2x10240x128xf32, #tpu.memory_space<hbm>> -> memref<1x128x128xf32, #tpu.memory_space<hbm>>
      %dma_start3A_87 = tpu.memref_squeeze %dma_start3A_86 : memref<1x128x128xf32, #tpu.memory_space<hbm>> -> memref<128x128xf32, #tpu.memory_space<hbm>>
      %dma_start3A_88 = arith.constant 0 : i32
      %dma_start3A_89 = arith.constant 0 : i32
      %dma_start3A_90 = tpu.memref_slice %arg8[%dma_start3A_88, %dma_start3A_89] : memref<128x128xf32, #tpu.memory_space<vmem>> -> memref<128x128xf32, #tpu.memory_space<vmem>>
      tpu.enqueue_dma source(%dma_start3A_90 : memref<128x128xf32, #tpu.memory_space<vmem>>) target(%dma_start3A_87 : memref<128x128xf32, #tpu.memory_space<hbm>>) target_semaphore(%run_scoped3A_78 : memref<!tpu.dma_semaphore, #tpu.memory_space<semaphore_mem>>)
      %dma_wait3A_91 = arith.constant 0 : i32
      %dma_wait3A_92 = arith.constant 0 : i32
      %dma_wait3A_93 = tpu.memref_slice %arg8[%dma_wait3A_91, %dma_wait3A_92] : memref<128x128xf32, #tpu.memory_space<vmem>> -> memref<128x128xf32, #tpu.memory_space<vmem>>
      %dma_wait3A_94 = arith.constant 0 : i32
      %dma_wait3A_95 = tpu.memref_slice %arg5[%arg0, %add3A_69, %dma_wait3A_94] : memref<2x10240x128xf32, #tpu.memory_space<hbm>> -> memref<1x128x128xf32, #tpu.memory_space<hbm>>
      %dma_wait3A_96 = tpu.memref_squeeze %dma_wait3A_95 : memref<1x128x128xf32, #tpu.memory_space<hbm>> -> memref<128x128xf32, #tpu.memory_space<hbm>>
      %dma_wait3A_97 = arith.constant 0 : i32
      %dma_wait3A_98 = tpu.memref_slice %arg5[%arg0, %add3A_69, %dma_wait3A_97] : memref<2x10240x128xf32, #tpu.memory_space<hbm>> -> memref<1x128x128xf32, #tpu.memory_space<hbm>>
      %dma_wait3A_99 = tpu.memref_squeeze %dma_wait3A_98 : memref<1x128x128xf32, #tpu.memory_space<hbm>> -> memref<128x128xf32, #tpu.memory_space<hbm>>
      %dma_wait3A_100 = arith.constant 0 : i32
      %dma_wait3A_101 = arith.constant 0 : i32
      %dma_wait3A_102 = tpu.memref_slice %arg8[%dma_wait3A_100, %dma_wait3A_101] : memref<128x128xf32, #tpu.memory_space<vmem>> -> memref<128x128xf32, #tpu.memory_space<vmem>>
      tpu.wait_dma2 semaphore(%run_scoped3A_78 : memref<!tpu.dma_semaphore, #tpu.memory_space<semaphore_mem>>) src(%dma_wait3A_102 : memref<128x128xf32, #tpu.memory_space<vmem>>) dst(%dma_wait3A_99 : memref<128x128xf32, #tpu.memory_space<hbm>>)
      tpu.yield
    }) : () -> ()
    %add3A_70 = arith.constant 384 : i32
    %add3A_71 = arith.addi %mul3A_2, %add3A_70 : i32
    "tpu.region"() ({
      %run_scoped3A_78 = tpu.sem_alloc : memref<!tpu.dma_semaphore, #tpu.memory_space<semaphore_mem>>
      %dma_start3A_79 = arith.constant 0 : i32
      %dma_start3A_80 = arith.constant 0 : i32
      %dma_start3A_81 = tpu.memref_slice %arg8[%dma_start3A_79, %dma_start3A_80] : memref<128x128xf32, #tpu.memory_space<vmem>> -> memref<128x128xf32, #tpu.memory_space<vmem>>
      %dma_start3A_82 = arith.constant 0 : i32
      %dma_start3A_83 = tpu.memref_slice %arg10[%add3A_71, %dma_start3A_82] : memref<10240x128xf32, #tpu.memory_space<vmem_shared>> -> memref<128x128xf32, #tpu.memory_space<vmem_shared>>
      %dma_start3A_84 = arith.constant 0 : i32
      %dma_start3A_85 = arith.constant 0 : i32
      %dma_start3A_86 = tpu.memref_slice %arg8[%dma_start3A_84, %dma_start3A_85] : memref<128x128xf32, #tpu.memory_space<vmem>> -> memref<128x128xf32, #tpu.memory_space<vmem>>
      %dma_start3A_87 = arith.constant 0 : i32
      %dma_start3A_88 = tpu.memref_slice %arg10[%add3A_71, %dma_start3A_87] : memref<10240x128xf32, #tpu.memory_space<vmem_shared>> -> memref<128x128xf32, #tpu.memory_space<vmem_shared>>
      tpu.enqueue_dma source(%dma_start3A_88 : memref<128x128xf32, #tpu.memory_space<vmem_shared>>) target(%dma_start3A_86 : memref<128x128xf32, #tpu.memory_space<vmem>>) target_semaphore(%run_scoped3A_78 : memref<!tpu.dma_semaphore, #tpu.memory_space<semaphore_mem>>)
      %dma_wait3A_89 = arith.constant 0 : i32
      %dma_wait3A_90 = arith.constant 0 : i32
      %dma_wait3A_91 = tpu.memref_slice %arg8[%dma_wait3A_89, %dma_wait3A_90] : memref<128x128xf32, #tpu.memory_space<vmem>> -> memref<128x128xf32, #tpu.memory_space<vmem>>
      %dma_wait3A_92 = arith.constant 0 : i32
      %dma_wait3A_93 = tpu.memref_slice %arg10[%add3A_71, %dma_wait3A_92] : memref<10240x128xf32, #tpu.memory_space<vmem_shared>> -> memref<128x128xf32, #tpu.memory_space<vmem_shared>>
      %dma_wait3A_94 = arith.constant 0 : i32
      %dma_wait3A_95 = arith.constant 0 : i32
      %dma_wait3A_96 = tpu.memref_slice %arg8[%dma_wait3A_94, %dma_wait3A_95] : memref<128x128xf32, #tpu.memory_space<vmem>> -> memref<128x128xf32, #tpu.memory_space<vmem>>
      %dma_wait3A_97 = arith.constant 0 : i32
      %dma_wait3A_98 = tpu.memref_slice %arg10[%add3A_71, %dma_wait3A_97] : memref<10240x128xf32, #tpu.memory_space<vmem_shared>> -> memref<128x128xf32, #tpu.memory_space<vmem_shared>>
      tpu.wait_dma2 semaphore(%run_scoped3A_78 : memref<!tpu.dma_semaphore, #tpu.memory_space<semaphore_mem>>) src(%dma_wait3A_98 : memref<128x128xf32, #tpu.memory_space<vmem_shared>>) dst(%dma_wait3A_96 : memref<128x128xf32, #tpu.memory_space<vmem>>)
      tpu.yield
    }) : () -> ()
    %add3A_72 = arith.constant 384 : i32
    %add3A_73 = arith.addi %mul3A_2, %add3A_72 : i32
    "tpu.region"() ({
      %run_scoped3A_78 = tpu.sem_alloc : memref<!tpu.dma_semaphore, #tpu.memory_space<semaphore_mem>>
      %dma_start3A_79 = arith.constant 0 : i32
      %dma_start3A_80 = arith.constant 0 : i32
      %dma_start3A_81 = tpu.memref_slice %arg8[%dma_start3A_79, %dma_start3A_80] : memref<128x128xf32, #tpu.memory_space<vmem>> -> memref<128x128xf32, #tpu.memory_space<vmem>>
      %dma_start3A_82 = arith.constant 0 : i32
      %dma_start3A_83 = tpu.memref_slice %arg5[%arg0, %add3A_73, %dma_start3A_82] : memref<2x10240x128xf32, #tpu.memory_space<hbm>> -> memref<1x128x128xf32, #tpu.memory_space<hbm>>
      %dma_start3A_84 = tpu.memref_squeeze %dma_start3A_83 : memref<1x128x128xf32, #tpu.memory_space<hbm>> -> memref<128x128xf32, #tpu.memory_space<hbm>>
      %dma_start3A_85 = arith.constant 0 : i32
      %dma_start3A_86 = tpu.memref_slice %arg5[%arg0, %add3A_73, %dma_start3A_85] : memref<2x10240x128xf32, #tpu.memory_space<hbm>> -> memref<1x128x128xf32, #tpu.memory_space<hbm>>
      %dma_start3A_87 = tpu.memref_squeeze %dma_start3A_86 : memref<1x128x128xf32, #tpu.memory_space<hbm>> -> memref<128x128xf32, #tpu.memory_space<hbm>>
      %dma_start3A_88 = arith.constant 0 : i32
      %dma_start3A_89 = arith.constant 0 : i32
      %dma_start3A_90 = tpu.memref_slice %arg8[%dma_start3A_88, %dma_start3A_89] : memref<128x128xf32, #tpu.memory_space<vmem>> -> memref<128x128xf32, #tpu.memory_space<vmem>>
      tpu.enqueue_dma source(%dma_start3A_90 : memref<128x128xf32, #tpu.memory_space<vmem>>) target(%dma_start3A_87 : memref<128x128xf32, #tpu.memory_space<hbm>>) target_semaphore(%run_scoped3A_78 : memref<!tpu.dma_semaphore, #tpu.memory_space<semaphore_mem>>)
      %dma_wait3A_91 = arith.constant 0 : i32
      %dma_wait3A_92 = arith.constant 0 : i32
      %dma_wait3A_93 = tpu.memref_slice %arg8[%dma_wait3A_91, %dma_wait3A_92] : memref<128x128xf32, #tpu.memory_space<vmem>> -> memref<128x128xf32, #tpu.memory_space<vmem>>
      %dma_wait3A_94 = arith.constant 0 : i32
      %dma_wait3A_95 = tpu.memref_slice %arg5[%arg0, %add3A_73, %dma_wait3A_94] : memref<2x10240x128xf32, #tpu.memory_space<hbm>> -> memref<1x128x128xf32, #tpu.memory_space<hbm>>
      %dma_wait3A_96 = tpu.memref_squeeze %dma_wait3A_95 : memref<1x128x128xf32, #tpu.memory_space<hbm>> -> memref<128x128xf32, #tpu.memory_space<hbm>>
      %dma_wait3A_97 = arith.constant 0 : i32
      %dma_wait3A_98 = tpu.memref_slice %arg5[%arg0, %add3A_73, %dma_wait3A_97] : memref<2x10240x128xf32, #tpu.memory_space<hbm>> -> memref<1x128x128xf32, #tpu.memory_space<hbm>>
      %dma_wait3A_99 = tpu.memref_squeeze %dma_wait3A_98 : memref<1x128x128xf32, #tpu.memory_space<hbm>> -> memref<128x128xf32, #tpu.memory_space<hbm>>
      %dma_wait3A_100 = arith.constant 0 : i32
      %dma_wait3A_101 = arith.constant 0 : i32
      %dma_wait3A_102 = tpu.memref_slice %arg8[%dma_wait3A_100, %dma_wait3A_101] : memref<128x128xf32, #tpu.memory_space<vmem>> -> memref<128x128xf32, #tpu.memory_space<vmem>>
      tpu.wait_dma2 semaphore(%run_scoped3A_78 : memref<!tpu.dma_semaphore, #tpu.memory_space<semaphore_mem>>) src(%dma_wait3A_102 : memref<128x128xf32, #tpu.memory_space<vmem>>) dst(%dma_wait3A_99 : memref<128x128xf32, #tpu.memory_space<hbm>>)
      tpu.yield
    }) : () -> ()
    %add3A_74 = arith.constant 512 : i32
    %add3A_75 = arith.addi %mul3A_2, %add3A_74 : i32
    "tpu.region"() ({
      %run_scoped3A_78 = tpu.sem_alloc : memref<!tpu.dma_semaphore, #tpu.memory_space<semaphore_mem>>
      %dma_start3A_79 = arith.constant 0 : i32
      %dma_start3A_80 = arith.constant 0 : i32
      %dma_start3A_81 = tpu.memref_slice %arg8[%dma_start3A_79, %dma_start3A_80] : memref<128x128xf32, #tpu.memory_space<vmem>> -> memref<128x128xf32, #tpu.memory_space<vmem>>
      %dma_start3A_82 = arith.constant 0 : i32
      %dma_start3A_83 = tpu.memref_slice %arg10[%add3A_75, %dma_start3A_82] : memref<10240x128xf32, #tpu.memory_space<vmem_shared>> -> memref<128x128xf32, #tpu.memory_space<vmem_shared>>
      %dma_start3A_84 = arith.constant 0 : i32
      %dma_start3A_85 = arith.constant 0 : i32
      %dma_start3A_86 = tpu.memref_slice %arg8[%dma_start3A_84, %dma_start3A_85] : memref<128x128xf32, #tpu.memory_space<vmem>> -> memref<128x128xf32, #tpu.memory_space<vmem>>
      %dma_start3A_87 = arith.constant 0 : i32
      %dma_start3A_88 = tpu.memref_slice %arg10[%add3A_75, %dma_start3A_87] : memref<10240x128xf32, #tpu.memory_space<vmem_shared>> -> memref<128x128xf32, #tpu.memory_space<vmem_shared>>
      tpu.enqueue_dma source(%dma_start3A_88 : memref<128x128xf32, #tpu.memory_space<vmem_shared>>) target(%dma_start3A_86 : memref<128x128xf32, #tpu.memory_space<vmem>>) target_semaphore(%run_scoped3A_78 : memref<!tpu.dma_semaphore, #tpu.memory_space<semaphore_mem>>)
      %dma_wait3A_89 = arith.constant 0 : i32
      %dma_wait3A_90 = arith.constant 0 : i32
      %dma_wait3A_91 = tpu.memref_slice %arg8[%dma_wait3A_89, %dma_wait3A_90] : memref<128x128xf32, #tpu.memory_space<vmem>> -> memref<128x128xf32, #tpu.memory_space<vmem>>
      %dma_wait3A_92 = arith.constant 0 : i32
      %dma_wait3A_93 = tpu.memref_slice %arg10[%add3A_75, %dma_wait3A_92] : memref<10240x128xf32, #tpu.memory_space<vmem_shared>> -> memref<128x128xf32, #tpu.memory_space<vmem_shared>>
      %dma_wait3A_94 = arith.constant 0 : i32
      %dma_wait3A_95 = arith.constant 0 : i32
      %dma_wait3A_96 = tpu.memref_slice %arg8[%dma_wait3A_94, %dma_wait3A_95] : memref<128x128xf32, #tpu.memory_space<vmem>> -> memref<128x128xf32, #tpu.memory_space<vmem>>
      %dma_wait3A_97 = arith.constant 0 : i32
      %dma_wait3A_98 = tpu.memref_slice %arg10[%add3A_75, %dma_wait3A_97] : memref<10240x128xf32, #tpu.memory_space<vmem_shared>> -> memref<128x128xf32, #tpu.memory_space<vmem_shared>>
      tpu.wait_dma2 semaphore(%run_scoped3A_78 : memref<!tpu.dma_semaphore, #tpu.memory_space<semaphore_mem>>) src(%dma_wait3A_98 : memref<128x128xf32, #tpu.memory_space<vmem_shared>>) dst(%dma_wait3A_96 : memref<128x128xf32, #tpu.memory_space<vmem>>)
      tpu.yield
    }) : () -> ()
    %add3A_76 = arith.constant 512 : i32
    %add3A_77 = arith.addi %mul3A_2, %add3A_76 : i32
    "tpu.region"() ({
      %run_scoped3A_78 = tpu.sem_alloc : memref<!tpu.dma_semaphore, #tpu.memory_space<semaphore_mem>>
      %dma_start3A_79 = arith.constant 0 : i32
      %dma_start3A_80 = arith.constant 0 : i32
      %dma_start3A_81 = tpu.memref_slice %arg8[%dma_start3A_79, %dma_start3A_80] : memref<128x128xf32, #tpu.memory_space<vmem>> -> memref<128x128xf32, #tpu.memory_space<vmem>>
      %dma_start3A_82 = arith.constant 0 : i32
      %dma_start3A_83 = tpu.memref_slice %arg5[%arg0, %add3A_77, %dma_start3A_82] : memref<2x10240x128xf32, #tpu.memory_space<hbm>> -> memref<1x128x128xf32, #tpu.memory_space<hbm>>
      %dma_start3A_84 = tpu.memref_squeeze %dma_start3A_83 : memref<1x128x128xf32, #tpu.memory_space<hbm>> -> memref<128x128xf32, #tpu.memory_space<hbm>>
      %dma_start3A_85 = arith.constant 0 : i32
      %dma_start3A_86 = tpu.memref_slice %arg5[%arg0, %add3A_77, %dma_start3A_85] : memref<2x10240x128xf32, #tpu.memory_space<hbm>> -> memref<1x128x128xf32, #tpu.memory_space<hbm>>
      %dma_start3A_87 = tpu.memref_squeeze %dma_start3A_86 : memref<1x128x128xf32, #tpu.memory_space<hbm>> -> memref<128x128xf32, #tpu.memory_space<hbm>>
      %dma_start3A_88 = arith.constant 0 : i32
      %dma_start3A_89 = arith.constant 0 : i32
      %dma_start3A_90 = tpu.memref_slice %arg8[%dma_start3A_88, %dma_start3A_89] : memref<128x128xf32, #tpu.memory_space<vmem>> -> memref<128x128xf32, #tpu.memory_space<vmem>>
      tpu.enqueue_dma source(%dma_start3A_90 : memref<128x128xf32, #tpu.memory_space<vmem>>) target(%dma_start3A_87 : memref<128x128xf32, #tpu.memory_space<hbm>>) target_semaphore(%run_scoped3A_78 : memref<!tpu.dma_semaphore, #tpu.memory_space<semaphore_mem>>)
      %dma_wait3A_91 = arith.constant 0 : i32
      %dma_wait3A_92 = arith.constant 0 : i32
      %dma_wait3A_93 = tpu.memref_slice %arg8[%dma_wait3A_91, %dma_wait3A_92] : memref<128x128xf32, #tpu.memory_space<vmem>> -> memref<128x128xf32, #tpu.memory_space<vmem>>
      %dma_wait3A_94 = arith.constant 0 : i32
      %dma_wait3A_95 = tpu.memref_slice %arg5[%arg0, %add3A_77, %dma_wait3A_94] : memref<2x10240x128xf32, #tpu.memory_space<hbm>> -> memref<1x128x128xf32, #tpu.memory_space<hbm>>
      %dma_wait3A_96 = tpu.memref_squeeze %dma_wait3A_95 : memref<1x128x128xf32, #tpu.memory_space<hbm>> -> memref<128x128xf32, #tpu.memory_space<hbm>>
      %dma_wait3A_97 = arith.constant 0 : i32
      %dma_wait3A_98 = tpu.memref_slice %arg5[%arg0, %add3A_77, %dma_wait3A_97] : memref<2x10240x128xf32, #tpu.memory_space<hbm>> -> memref<1x128x128xf32, #tpu.memory_space<hbm>>
      %dma_wait3A_99 = tpu.memref_squeeze %dma_wait3A_98 : memref<1x128x128xf32, #tpu.memory_space<hbm>> -> memref<128x128xf32, #tpu.memory_space<hbm>>
      %dma_wait3A_100 = arith.constant 0 : i32
      %dma_wait3A_101 = arith.constant 0 : i32
      %dma_wait3A_102 = tpu.memref_slice %arg8[%dma_wait3A_100, %dma_wait3A_101] : memref<128x128xf32, #tpu.memory_space<vmem>> -> memref<128x128xf32, #tpu.memory_space<vmem>>
      tpu.wait_dma2 semaphore(%run_scoped3A_78 : memref<!tpu.dma_semaphore, #tpu.memory_space<semaphore_mem>>) src(%dma_wait3A_102 : memref<128x128xf32, #tpu.memory_space<vmem>>) dst(%dma_wait3A_99 : memref<128x128xf32, #tpu.memory_space<hbm>>)
      tpu.yield
    }) : () -> ()
    return
  }
}

#map = affine_map<(d0, d1) -> (0, 0)>
#map1 = affine_map<(d0, d1) -> (0, 0, 0)>
module attributes {stable_mosaic.version = 14 : i64} {
  func.func @_prop_kernel(%arg0: i32, %arg1: i32, %arg2: memref<10240x128xf32, #tpu.memory_space<hbm>>, %arg3: memref<32x79x128xi32, #tpu.memory_space<hbm>>, %arg4: memref<32x79x128xi32, #tpu.memory_space<hbm>>, %arg5: memref<2x10240x128xf32, #tpu.memory_space<hbm>>, %arg6: memref<40x128xi32, #tpu.memory_space<vmem>>, %arg7: memref<40x128xi32, #tpu.memory_space<vmem>>, %arg8: memref<128x128xf32, #tpu.memory_space<vmem>>, %arg9: memref<128x128xf32, #tpu.memory_space<vmem>>, %arg10: memref<10240x128xf32, #tpu.memory_space<vmem_shared>>, %arg11: memref<!tpu.dma_semaphore, #tpu.memory_space<semaphore_mem>>, %arg12: memref<!tpu.dma_semaphore, #tpu.memory_space<semaphore_mem>>) attributes {dimension_semantics = [#tpu.dimension_semantics<core_parallel>, #tpu.dimension_semantics<subcore_parallel>], iteration_bounds = array<i64: 2, 16>, scalar_prefetch = 0 : i64, scratch_operands = 7 : i64, tpu.core_type = #tpu.core_type<sc_vector_subcore>, window_params = [{transform_indices = #map}, {transform_indices = #map1}, {transform_indices = #map1}, {transform_indices = #map1}]} {
    %mul3A = arith.constant 16 : i32
    %mul3A_0 = arith.muli %arg0, %mul3A : i32
    %add3A = arith.addi %mul3A_0, %arg1 : i32
    %mul3A_1 = arith.constant 640 : i32
    %mul3A_2 = arith.muli %arg1, %mul3A_1 : i32
    %scan3A = arith.constant 0 : i32
    %scan3A_3 = arith.constant 0 : i32
    %scan3A_4 = arith.constant 128 : i32
    %scan3A_5 = arith.addi %scan3A_3, %scan3A_4 : i32
    %scan3A_6 = arith.constant 1 : i32
    scf.for %scan3A_78 = %scan3A_3 to %scan3A_5 step %scan3A_6  : i32 {
      %broadcast_in_dim3A = arith.constant 0.000000e+00 : f32
      %broadcast_in_dim3A_79 = vector.broadcast %broadcast_in_dim3A : f32 to vector<16xf32>
      %swap3A = arith.index_cast %scan3A_78 : i32 to index
      %swap3A_80 = arith.constant 0 : index
      %swap3A_81 = tpu.vector_load %arg8[%swap3A, %swap3A_80] {strides = array<i32>} : memref<128x128xf32, #tpu.memory_space<vmem>>, vector<1x16xf32>,
      %swap3A_82 = vector.shape_cast %swap3A_81 : vector<1x16xf32> to vector<16xf32>
      %swap3A_83 = vector.shape_cast %broadcast_in_dim3A_79 : vector<16xf32> to vector<1x16xf32>
      tpu.vector_store %arg8[%swap3A, %swap3A_80], %swap3A_83 {strides = array<i32>} : memref<128x128xf32, #tpu.memory_space<vmem>>, vector<1x16xf32>,
      %broadcast_in_dim3A_84 = arith.constant 0.000000e+00 : f32
      %broadcast_in_dim3A_85 = vector.broadcast %broadcast_in_dim3A_84 : f32 to vector<16xf32>
      %swap3A_86 = arith.index_cast %scan3A_78 : i32 to index
      %swap3A_87 = arith.constant 16 : index
      %swap3A_88 = tpu.vector_load %arg8[%swap3A_86, %swap3A_87] {strides = array<i32>} : memref<128x128xf32, #tpu.memory_space<vmem>>, vector<1x16xf32>,
      %swap3A_89 = vector.shape_cast %swap3A_88 : vector<1x16xf32> to vector<16xf32>
      %swap3A_90 = vector.shape_cast %broadcast_in_dim3A_85 : vector<16xf32> to vector<1x16xf32>
      tpu.vector_store %arg8[%swap3A_86, %swap3A_87], %swap3A_90 {strides = array<i32>} : memref<128x128xf32, #tpu.memory_space<vmem>>, vector<1x16xf32>,
      %broadcast_in_dim3A_91 = arith.constant 0.000000e+00 : f32
      %broadcast_in_dim3A_92 = vector.broadcast %broadcast_in_dim3A_91 : f32 to vector<16xf32>
      %swap3A_93 = arith.index_cast %scan3A_78 : i32 to index
      %swap3A_94 = arith.constant 32 : index
      %swap3A_95 = tpu.vector_load %arg8[%swap3A_93, %swap3A_94] {strides = array<i32>} : memref<128x128xf32, #tpu.memory_space<vmem>>, vector<1x16xf32>,
      %swap3A_96 = vector.shape_cast %swap3A_95 : vector<1x16xf32> to vector<16xf32>
      %swap3A_97 = vector.shape_cast %broadcast_in_dim3A_92 : vector<16xf32> to vector<1x16xf32>
      tpu.vector_store %arg8[%swap3A_93, %swap3A_94], %swap3A_97 {strides = array<i32>} : memref<128x128xf32, #tpu.memory_space<vmem>>, vector<1x16xf32>,
      %broadcast_in_dim3A_98 = arith.constant 0.000000e+00 : f32
      %broadcast_in_dim3A_99 = vector.broadcast %broadcast_in_dim3A_98 : f32 to vector<16xf32>
      %swap3A_100 = arith.index_cast %scan3A_78 : i32 to index
      %swap3A_101 = arith.constant 48 : index
      %swap3A_102 = tpu.vector_load %arg8[%swap3A_100, %swap3A_101] {strides = array<i32>} : memref<128x128xf32, #tpu.memory_space<vmem>>, vector<1x16xf32>,
      %swap3A_103 = vector.shape_cast %swap3A_102 : vector<1x16xf32> to vector<16xf32>
      %swap3A_104 = vector.shape_cast %broadcast_in_dim3A_99 : vector<16xf32> to vector<1x16xf32>
      tpu.vector_store %arg8[%swap3A_100, %swap3A_101], %swap3A_104 {strides = array<i32>} : memref<128x128xf32, #tpu.memory_space<vmem>>, vector<1x16xf32>,
      %broadcast_in_dim3A_105 = arith.constant 0.000000e+00 : f32
      %broadcast_in_dim3A_106 = vector.broadcast %broadcast_in_dim3A_105 : f32 to vector<16xf32>
      %swap3A_107 = arith.index_cast %scan3A_78 : i32 to index
      %swap3A_108 = arith.constant 64 : index
      %swap3A_109 = tpu.vector_load %arg8[%swap3A_107, %swap3A_108] {strides = array<i32>} : memref<128x128xf32, #tpu.memory_space<vmem>>, vector<1x16xf32>,
      %swap3A_110 = vector.shape_cast %swap3A_109 : vector<1x16xf32> to vector<16xf32>
      %swap3A_111 = vector.shape_cast %broadcast_in_dim3A_106 : vector<16xf32> to vector<1x16xf32>
      tpu.vector_store %arg8[%swap3A_107, %swap3A_108], %swap3A_111 {strides = array<i32>} : memref<128x128xf32, #tpu.memory_space<vmem>>, vector<1x16xf32>,
      %broadcast_in_dim3A_112 = arith.constant 0.000000e+00 : f32
      %broadcast_in_dim3A_113 = vector.broadcast %broadcast_in_dim3A_112 : f32 to vector<16xf32>
      %swap3A_114 = arith.index_cast %scan3A_78 : i32 to index
      %swap3A_115 = arith.constant 80 : index
      %swap3A_116 = tpu.vector_load %arg8[%swap3A_114, %swap3A_115] {strides = array<i32>} : memref<128x128xf32, #tpu.memory_space<vmem>>, vector<1x16xf32>,
      %swap3A_117 = vector.shape_cast %swap3A_116 : vector<1x16xf32> to vector<16xf32>
      %swap3A_118 = vector.shape_cast %broadcast_in_dim3A_113 : vector<16xf32> to vector<1x16xf32>
      tpu.vector_store %arg8[%swap3A_114, %swap3A_115], %swap3A_118 {strides = array<i32>} : memref<128x128xf32, #tpu.memory_space<vmem>>, vector<1x16xf32>,
      %broadcast_in_dim3A_119 = arith.constant 0.000000e+00 : f32
      %broadcast_in_dim3A_120 = vector.broadcast %broadcast_in_dim3A_119 : f32 to vector<16xf32>
      %swap3A_121 = arith.index_cast %scan3A_78 : i32 to index
      %swap3A_122 = arith.constant 96 : index
      %swap3A_123 = tpu.vector_load %arg8[%swap3A_121, %swap3A_122] {strides = array<i32>} : memref<128x128xf32, #tpu.memory_space<vmem>>, vector<1x16xf32>,
      %swap3A_124 = vector.shape_cast %swap3A_123 : vector<1x16xf32> to vector<16xf32>
      %swap3A_125 = vector.shape_cast %broadcast_in_dim3A_120 : vector<16xf32> to vector<1x16xf32>
      tpu.vector_store %arg8[%swap3A_121, %swap3A_122], %swap3A_125 {strides = array<i32>} : memref<128x128xf32, #tpu.memory_space<vmem>>, vector<1x16xf32>,
      %broadcast_in_dim3A_126 = arith.constant 0.000000e+00 : f32
      %broadcast_in_dim3A_127 = vector.broadcast %broadcast_in_dim3A_126 : f32 to vector<16xf32>
      %swap3A_128 = arith.index_cast %scan3A_78 : i32 to index
      %swap3A_129 = arith.constant 112 : index
      %swap3A_130 = tpu.vector_load %arg8[%swap3A_128, %swap3A_129] {strides = array<i32>} : memref<128x128xf32, #tpu.memory_space<vmem>>, vector<1x16xf32>,
      %swap3A_131 = vector.shape_cast %swap3A_130 : vector<1x16xf32> to vector<16xf32>
      %swap3A_132 = vector.shape_cast %broadcast_in_dim3A_127 : vector<16xf32> to vector<1x16xf32>
      tpu.vector_store %arg8[%swap3A_128, %swap3A_129], %swap3A_132 {strides = array<i32>} : memref<128x128xf32, #tpu.memory_space<vmem>>, vector<1x16xf32>,
    }
    %scan3A_7 = arith.constant 128 : i32
    %add3A_8 = arith.constant 0 : i32
    %add3A_9 = arith.addi %mul3A_2, %add3A_8 : i32
    "tpu.region"() ({
      %run_scoped3A_78 = tpu.sem_alloc : memref<!tpu.dma_semaphore, #tpu.memory_space<semaphore_mem>>
      %dma_start3A_79 = arith.constant 0 : i32
      %dma_start3A_80 = arith.constant 0 : i32
      %dma_start3A_81 = tpu.memref_slice %arg8[%dma_start3A_79, %dma_start3A_80] : memref<128x128xf32, #tpu.memory_space<vmem>> -> memref<128x128xf32, #tpu.memory_space<vmem>>
      %dma_start3A_82 = arith.constant 0 : i32
      %dma_start3A_83 = tpu.memref_slice %arg10[%add3A_9, %dma_start3A_82] : memref<10240x128xf32, #tpu.memory_space<vmem_shared>> -> memref<128x128xf32, #tpu.memory_space<vmem_shared>>
      %dma_start3A_84 = arith.constant 0 : i32
      %dma_start3A_85 = tpu.memref_slice %arg10[%add3A_9, %dma_start3A_84] : memref<10240x128xf32, #tpu.memory_space<vmem_shared>> -> memref<128x128xf32, #tpu.memory_space<vmem_shared>>
      %dma_start3A_86 = arith.constant 0 : i32
      %dma_start3A_87 = arith.constant 0 : i32
      %dma_start3A_88 = tpu.memref_slice %arg8[%dma_start3A_86, %dma_start3A_87] : memref<128x128xf32, #tpu.memory_space<vmem>> -> memref<128x128xf32, #tpu.memory_space<vmem>>
      tpu.enqueue_dma source(%dma_start3A_88 : memref<128x128xf32, #tpu.memory_space<vmem>>) target(%dma_start3A_85 : memref<128x128xf32, #tpu.memory_space<vmem_shared>>) target_semaphore(%run_scoped3A_78 : memref<!tpu.dma_semaphore, #tpu.memory_space<semaphore_mem>>)
      %dma_wait3A_89 = arith.constant 0 : i32
      %dma_wait3A_90 = arith.constant 0 : i32
      %dma_wait3A_91 = tpu.memref_slice %arg8[%dma_wait3A_89, %dma_wait3A_90] : memref<128x128xf32, #tpu.memory_space<vmem>> -> memref<128x128xf32, #tpu.memory_space<vmem>>
      %dma_wait3A_92 = arith.constant 0 : i32
      %dma_wait3A_93 = tpu.memref_slice %arg10[%add3A_9, %dma_wait3A_92] : memref<10240x128xf32, #tpu.memory_space<vmem_shared>> -> memref<128x128xf32, #tpu.memory_space<vmem_shared>>
      %dma_wait3A_94 = arith.constant 0 : i32
      %dma_wait3A_95 = tpu.memref_slice %arg10[%add3A_9, %dma_wait3A_94] : memref<10240x128xf32, #tpu.memory_space<vmem_shared>> -> memref<128x128xf32, #tpu.memory_space<vmem_shared>>
      %dma_wait3A_96 = arith.constant 0 : i32
      %dma_wait3A_97 = arith.constant 0 : i32
      %dma_wait3A_98 = tpu.memref_slice %arg8[%dma_wait3A_96, %dma_wait3A_97] : memref<128x128xf32, #tpu.memory_space<vmem>> -> memref<128x128xf32, #tpu.memory_space<vmem>>
      tpu.wait_dma2 semaphore(%run_scoped3A_78 : memref<!tpu.dma_semaphore, #tpu.memory_space<semaphore_mem>>) src(%dma_wait3A_98 : memref<128x128xf32, #tpu.memory_space<vmem>>) dst(%dma_wait3A_95 : memref<128x128xf32, #tpu.memory_space<vmem_shared>>)
      tpu.yield
    }) : () -> ()
    %add3A_10 = arith.constant 128 : i32
    %add3A_11 = arith.addi %mul3A_2, %add3A_10 : i32
    "tpu.region"() ({
      %run_scoped3A_78 = tpu.sem_alloc : memref<!tpu.dma_semaphore, #tpu.memory_space<semaphore_mem>>
      %dma_start3A_79 = arith.constant 0 : i32
      %dma_start3A_80 = arith.constant 0 : i32
      %dma_start3A_81 = tpu.memref_slice %arg8[%dma_start3A_79, %dma_start3A_80] : memref<128x128xf32, #tpu.memory_space<vmem>> -> memref<128x128xf32, #tpu.memory_space<vmem>>
      %dma_start3A_82 = arith.constant 0 : i32
      %dma_start3A_83 = tpu.memref_slice %arg10[%add3A_11, %dma_start3A_82] : memref<10240x128xf32, #tpu.memory_space<vmem_shared>> -> memref<128x128xf32, #tpu.memory_space<vmem_shared>>
      %dma_start3A_84 = arith.constant 0 : i32
      %dma_start3A_85 = tpu.memref_slice %arg10[%add3A_11, %dma_start3A_84] : memref<10240x128xf32, #tpu.memory_space<vmem_shared>> -> memref<128x128xf32, #tpu.memory_space<vmem_shared>>
      %dma_start3A_86 = arith.constant 0 : i32
      %dma_start3A_87 = arith.constant 0 : i32
      %dma_start3A_88 = tpu.memref_slice %arg8[%dma_start3A_86, %dma_start3A_87] : memref<128x128xf32, #tpu.memory_space<vmem>> -> memref<128x128xf32, #tpu.memory_space<vmem>>
      tpu.enqueue_dma source(%dma_start3A_88 : memref<128x128xf32, #tpu.memory_space<vmem>>) target(%dma_start3A_85 : memref<128x128xf32, #tpu.memory_space<vmem_shared>>) target_semaphore(%run_scoped3A_78 : memref<!tpu.dma_semaphore, #tpu.memory_space<semaphore_mem>>)
      %dma_wait3A_89 = arith.constant 0 : i32
      %dma_wait3A_90 = arith.constant 0 : i32
      %dma_wait3A_91 = tpu.memref_slice %arg8[%dma_wait3A_89, %dma_wait3A_90] : memref<128x128xf32, #tpu.memory_space<vmem>> -> memref<128x128xf32, #tpu.memory_space<vmem>>
      %dma_wait3A_92 = arith.constant 0 : i32
      %dma_wait3A_93 = tpu.memref_slice %arg10[%add3A_11, %dma_wait3A_92] : memref<10240x128xf32, #tpu.memory_space<vmem_shared>> -> memref<128x128xf32, #tpu.memory_space<vmem_shared>>
      %dma_wait3A_94 = arith.constant 0 : i32
      %dma_wait3A_95 = tpu.memref_slice %arg10[%add3A_11, %dma_wait3A_94] : memref<10240x128xf32, #tpu.memory_space<vmem_shared>> -> memref<128x128xf32, #tpu.memory_space<vmem_shared>>
      %dma_wait3A_96 = arith.constant 0 : i32
      %dma_wait3A_97 = arith.constant 0 : i32
      %dma_wait3A_98 = tpu.memref_slice %arg8[%dma_wait3A_96, %dma_wait3A_97] : memref<128x128xf32, #tpu.memory_space<vmem>> -> memref<128x128xf32, #tpu.memory_space<vmem>>
      tpu.wait_dma2 semaphore(%run_scoped3A_78 : memref<!tpu.dma_semaphore, #tpu.memory_space<semaphore_mem>>) src(%dma_wait3A_98 : memref<128x128xf32, #tpu.memory_space<vmem>>) dst(%dma_wait3A_95 : memref<128x128xf32, #tpu.memory_space<vmem_shared>>)
      tpu.yield
    }) : () -> ()
    %add3A_12 = arith.constant 256 : i32
    %add3A_13 = arith.addi %mul3A_2, %add3A_12 : i32
    "tpu.region"() ({
      %run_scoped3A_78 = tpu.sem_alloc : memref<!tpu.dma_semaphore, #tpu.memory_space<semaphore_mem>>
      %dma_start3A_79 = arith.constant 0 : i32
      %dma_start3A_80 = arith.constant 0 : i32
      %dma_start3A_81 = tpu.memref_slice %arg8[%dma_start3A_79, %dma_start3A_80] : memref<128x128xf32, #tpu.memory_space<vmem>> -> memref<128x128xf32, #tpu.memory_space<vmem>>
      %dma_start3A_82 = arith.constant 0 : i32
      %dma_start3A_83 = tpu.memref_slice %arg10[%add3A_13, %dma_start3A_82] : memref<10240x128xf32, #tpu.memory_space<vmem_shared>> -> memref<128x128xf32, #tpu.memory_space<vmem_shared>>
      %dma_start3A_84 = arith.constant 0 : i32
      %dma_start3A_85 = tpu.memref_slice %arg10[%add3A_13, %dma_start3A_84] : memref<10240x128xf32, #tpu.memory_space<vmem_shared>> -> memref<128x128xf32, #tpu.memory_space<vmem_shared>>
      %dma_start3A_86 = arith.constant 0 : i32
      %dma_start3A_87 = arith.constant 0 : i32
      %dma_start3A_88 = tpu.memref_slice %arg8[%dma_start3A_86, %dma_start3A_87] : memref<128x128xf32, #tpu.memory_space<vmem>> -> memref<128x128xf32, #tpu.memory_space<vmem>>
      tpu.enqueue_dma source(%dma_start3A_88 : memref<128x128xf32, #tpu.memory_space<vmem>>) target(%dma_start3A_85 : memref<128x128xf32, #tpu.memory_space<vmem_shared>>) target_semaphore(%run_scoped3A_78 : memref<!tpu.dma_semaphore, #tpu.memory_space<semaphore_mem>>)
      %dma_wait3A_89 = arith.constant 0 : i32
      %dma_wait3A_90 = arith.constant 0 : i32
      %dma_wait3A_91 = tpu.memref_slice %arg8[%dma_wait3A_89, %dma_wait3A_90] : memref<128x128xf32, #tpu.memory_space<vmem>> -> memref<128x128xf32, #tpu.memory_space<vmem>>
      %dma_wait3A_92 = arith.constant 0 : i32
      %dma_wait3A_93 = tpu.memref_slice %arg10[%add3A_13, %dma_wait3A_92] : memref<10240x128xf32, #tpu.memory_space<vmem_shared>> -> memref<128x128xf32, #tpu.memory_space<vmem_shared>>
      %dma_wait3A_94 = arith.constant 0 : i32
      %dma_wait3A_95 = tpu.memref_slice %arg10[%add3A_13, %dma_wait3A_94] : memref<10240x128xf32, #tpu.memory_space<vmem_shared>> -> memref<128x128xf32, #tpu.memory_space<vmem_shared>>
      %dma_wait3A_96 = arith.constant 0 : i32
      %dma_wait3A_97 = arith.constant 0 : i32
      %dma_wait3A_98 = tpu.memref_slice %arg8[%dma_wait3A_96, %dma_wait3A_97] : memref<128x128xf32, #tpu.memory_space<vmem>> -> memref<128x128xf32, #tpu.memory_space<vmem>>
      tpu.wait_dma2 semaphore(%run_scoped3A_78 : memref<!tpu.dma_semaphore, #tpu.memory_space<semaphore_mem>>) src(%dma_wait3A_98 : memref<128x128xf32, #tpu.memory_space<vmem>>) dst(%dma_wait3A_95 : memref<128x128xf32, #tpu.memory_space<vmem_shared>>)
      tpu.yield
    }) : () -> ()
    %add3A_14 = arith.constant 384 : i32
    %add3A_15 = arith.addi %mul3A_2, %add3A_14 : i32
    "tpu.region"() ({
      %run_scoped3A_78 = tpu.sem_alloc : memref<!tpu.dma_semaphore, #tpu.memory_space<semaphore_mem>>
      %dma_start3A_79 = arith.constant 0 : i32
      %dma_start3A_80 = arith.constant 0 : i32
      %dma_start3A_81 = tpu.memref_slice %arg8[%dma_start3A_79, %dma_start3A_80] : memref<128x128xf32, #tpu.memory_space<vmem>> -> memref<128x128xf32, #tpu.memory_space<vmem>>
      %dma_start3A_82 = arith.constant 0 : i32
      %dma_start3A_83 = tpu.memref_slice %arg10[%add3A_15, %dma_start3A_82] : memref<10240x128xf32, #tpu.memory_space<vmem_shared>> -> memref<128x128xf32, #tpu.memory_space<vmem_shared>>
      %dma_start3A_84 = arith.constant 0 : i32
      %dma_start3A_85 = tpu.memref_slice %arg10[%add3A_15, %dma_start3A_84] : memref<10240x128xf32, #tpu.memory_space<vmem_shared>> -> memref<128x128xf32, #tpu.memory_space<vmem_shared>>
      %dma_start3A_86 = arith.constant 0 : i32
      %dma_start3A_87 = arith.constant 0 : i32
      %dma_start3A_88 = tpu.memref_slice %arg8[%dma_start3A_86, %dma_start3A_87] : memref<128x128xf32, #tpu.memory_space<vmem>> -> memref<128x128xf32, #tpu.memory_space<vmem>>
      tpu.enqueue_dma source(%dma_start3A_88 : memref<128x128xf32, #tpu.memory_space<vmem>>) target(%dma_start3A_85 : memref<128x128xf32, #tpu.memory_space<vmem_shared>>) target_semaphore(%run_scoped3A_78 : memref<!tpu.dma_semaphore, #tpu.memory_space<semaphore_mem>>)
      %dma_wait3A_89 = arith.constant 0 : i32
      %dma_wait3A_90 = arith.constant 0 : i32
      %dma_wait3A_91 = tpu.memref_slice %arg8[%dma_wait3A_89, %dma_wait3A_90] : memref<128x128xf32, #tpu.memory_space<vmem>> -> memref<128x128xf32, #tpu.memory_space<vmem>>
      %dma_wait3A_92 = arith.constant 0 : i32
      %dma_wait3A_93 = tpu.memref_slice %arg10[%add3A_15, %dma_wait3A_92] : memref<10240x128xf32, #tpu.memory_space<vmem_shared>> -> memref<128x128xf32, #tpu.memory_space<vmem_shared>>
      %dma_wait3A_94 = arith.constant 0 : i32
      %dma_wait3A_95 = tpu.memref_slice %arg10[%add3A_15, %dma_wait3A_94] : memref<10240x128xf32, #tpu.memory_space<vmem_shared>> -> memref<128x128xf32, #tpu.memory_space<vmem_shared>>
      %dma_wait3A_96 = arith.constant 0 : i32
      %dma_wait3A_97 = arith.constant 0 : i32
      %dma_wait3A_98 = tpu.memref_slice %arg8[%dma_wait3A_96, %dma_wait3A_97] : memref<128x128xf32, #tpu.memory_space<vmem>> -> memref<128x128xf32, #tpu.memory_space<vmem>>
      tpu.wait_dma2 semaphore(%run_scoped3A_78 : memref<!tpu.dma_semaphore, #tpu.memory_space<semaphore_mem>>) src(%dma_wait3A_98 : memref<128x128xf32, #tpu.memory_space<vmem>>) dst(%dma_wait3A_95 : memref<128x128xf32, #tpu.memory_space<vmem_shared>>)
      tpu.yield
    }) : () -> ()
    %add3A_16 = arith.constant 512 : i32
    %add3A_17 = arith.addi %mul3A_2, %add3A_16 : i32
    "tpu.region"() ({
      %run_scoped3A_78 = tpu.sem_alloc : memref<!tpu.dma_semaphore, #tpu.memory_space<semaphore_mem>>
      %dma_start3A_79 = arith.constant 0 : i32
      %dma_start3A_80 = arith.constant 0 : i32
      %dma_start3A_81 = tpu.memref_slice %arg8[%dma_start3A_79, %dma_start3A_80] : memref<128x128xf32, #tpu.memory_space<vmem>> -> memref<128x128xf32, #tpu.memory_space<vmem>>
      %dma_start3A_82 = arith.constant 0 : i32
      %dma_start3A_83 = tpu.memref_slice %arg10[%add3A_17, %dma_start3A_82] : memref<10240x128xf32, #tpu.memory_space<vmem_shared>> -> memref<128x128xf32, #tpu.memory_space<vmem_shared>>
      %dma_start3A_84 = arith.constant 0 : i32
      %dma_start3A_85 = tpu.memref_slice %arg10[%add3A_17, %dma_start3A_84] : memref<10240x128xf32, #tpu.memory_space<vmem_shared>> -> memref<128x128xf32, #tpu.memory_space<vmem_shared>>
      %dma_start3A_86 = arith.constant 0 : i32
      %dma_start3A_87 = arith.constant 0 : i32
      %dma_start3A_88 = tpu.memref_slice %arg8[%dma_start3A_86, %dma_start3A_87] : memref<128x128xf32, #tpu.memory_space<vmem>> -> memref<128x128xf32, #tpu.memory_space<vmem>>
      tpu.enqueue_dma source(%dma_start3A_88 : memref<128x128xf32, #tpu.memory_space<vmem>>) target(%dma_start3A_85 : memref<128x128xf32, #tpu.memory_space<vmem_shared>>) target_semaphore(%run_scoped3A_78 : memref<!tpu.dma_semaphore, #tpu.memory_space<semaphore_mem>>)
      %dma_wait3A_89 = arith.constant 0 : i32
      %dma_wait3A_90 = arith.constant 0 : i32
      %dma_wait3A_91 = tpu.memref_slice %arg8[%dma_wait3A_89, %dma_wait3A_90] : memref<128x128xf32, #tpu.memory_space<vmem>> -> memref<128x128xf32, #tpu.memory_space<vmem>>
      %dma_wait3A_92 = arith.constant 0 : i32
      %dma_wait3A_93 = tpu.memref_slice %arg10[%add3A_17, %dma_wait3A_92] : memref<10240x128xf32, #tpu.memory_space<vmem_shared>> -> memref<128x128xf32, #tpu.memory_space<vmem_shared>>
      %dma_wait3A_94 = arith.constant 0 : i32
      %dma_wait3A_95 = tpu.memref_slice %arg10[%add3A_17, %dma_wait3A_94] : memref<10240x128xf32, #tpu.memory_space<vmem_shared>> -> memref<128x128xf32, #tpu.memory_space<vmem_shared>>
      %dma_wait3A_96 = arith.constant 0 : i32
      %dma_wait3A_97 = arith.constant 0 : i32
      %dma_wait3A_98 = tpu.memref_slice %arg8[%dma_wait3A_96, %dma_wait3A_97] : memref<128x128xf32, #tpu.memory_space<vmem>> -> memref<128x128xf32, #tpu.memory_space<vmem>>
      tpu.wait_dma2 semaphore(%run_scoped3A_78 : memref<!tpu.dma_semaphore, #tpu.memory_space<semaphore_mem>>) src(%dma_wait3A_98 : memref<128x128xf32, #tpu.memory_space<vmem>>) dst(%dma_wait3A_95 : memref<128x128xf32, #tpu.memory_space<vmem_shared>>)
      tpu.yield
    }) : () -> ()
    %barrier3A = arith.constant 0 : index
    tpu.barrier barrier_id(%barrier3A)
    "tpu.region"() ({
      %run_scoped3A_78 = tpu.sem_alloc : memref<!tpu.dma_semaphore, #tpu.memory_space<semaphore_mem>>
      %dma_start3A_79 = arith.constant 0 : i32
      %dma_start3A_80 = arith.constant 0 : i32
      %dma_start3A_81 = tpu.memref_slice %arg6[%dma_start3A_79, %dma_start3A_80] : memref<40x128xi32, #tpu.memory_space<vmem>> -> memref<40x128xi32, #tpu.memory_space<vmem>>
      %dma_start3A_82 = arith.constant 0 : i32
      %dma_start3A_83 = arith.constant 0 : i32
      %dma_start3A_84 = tpu.memref_slice %arg3[%add3A, %dma_start3A_82, %dma_start3A_83] : memref<32x79x128xi32, #tpu.memory_space<hbm>> -> memref<1x40x128xi32, #tpu.memory_space<hbm>>
      %dma_start3A_85 = tpu.memref_squeeze %dma_start3A_84 : memref<1x40x128xi32, #tpu.memory_space<hbm>> -> memref<40x128xi32, #tpu.memory_space<hbm>>
      %dma_start3A_86 = arith.constant 0 : i32
      %dma_start3A_87 = arith.constant 0 : i32
      %dma_start3A_88 = tpu.memref_slice %arg6[%dma_start3A_86, %dma_start3A_87] : memref<40x128xi32, #tpu.memory_space<vmem>> -> memref<40x128xi32, #tpu.memory_space<vmem>>
      %dma_start3A_89 = arith.constant 0 : i32
      %dma_start3A_90 = arith.constant 0 : i32
      %dma_start3A_91 = tpu.memref_slice %arg3[%add3A, %dma_start3A_89, %dma_start3A_90] : memref<32x79x128xi32, #tpu.memory_space<hbm>> -> memref<1x40x128xi32, #tpu.memory_space<hbm>>
      %dma_start3A_92 = tpu.memref_squeeze %dma_start3A_91 : memref<1x40x128xi32, #tpu.memory_space<hbm>> -> memref<40x128xi32, #tpu.memory_space<hbm>>
      tpu.enqueue_dma source(%dma_start3A_92 : memref<40x128xi32, #tpu.memory_space<hbm>>) target(%dma_start3A_88 : memref<40x128xi32, #tpu.memory_space<vmem>>) target_semaphore(%run_scoped3A_78 : memref<!tpu.dma_semaphore, #tpu.memory_space<semaphore_mem>>)
      %dma_wait3A_93 = arith.constant 0 : i32
      %dma_wait3A_94 = arith.constant 0 : i32
      %dma_wait3A_95 = tpu.memref_slice %arg6[%dma_wait3A_93, %dma_wait3A_94] : memref<40x128xi32, #tpu.memory_space<vmem>> -> memref<40x128xi32, #tpu.memory_space<vmem>>
      %dma_wait3A_96 = arith.constant 0 : i32
      %dma_wait3A_97 = arith.constant 0 : i32
      %dma_wait3A_98 = tpu.memref_slice %arg3[%add3A, %dma_wait3A_96, %dma_wait3A_97] : memref<32x79x128xi32, #tpu.memory_space<hbm>> -> memref<1x40x128xi32, #tpu.memory_space<hbm>>
      %dma_wait3A_99 = tpu.memref_squeeze %dma_wait3A_98 : memref<1x40x128xi32, #tpu.memory_space<hbm>> -> memref<40x128xi32, #tpu.memory_space<hbm>>
      %dma_wait3A_100 = arith.constant 0 : i32
      %dma_wait3A_101 = arith.constant 0 : i32
      %dma_wait3A_102 = tpu.memref_slice %arg6[%dma_wait3A_100, %dma_wait3A_101] : memref<40x128xi32, #tpu.memory_space<vmem>> -> memref<40x128xi32, #tpu.memory_space<vmem>>
      %dma_wait3A_103 = arith.constant 0 : i32
      %dma_wait3A_104 = arith.constant 0 : i32
      %dma_wait3A_105 = tpu.memref_slice %arg3[%add3A, %dma_wait3A_103, %dma_wait3A_104] : memref<32x79x128xi32, #tpu.memory_space<hbm>> -> memref<1x40x128xi32, #tpu.memory_space<hbm>>
      %dma_wait3A_106 = tpu.memref_squeeze %dma_wait3A_105 : memref<1x40x128xi32, #tpu.memory_space<hbm>> -> memref<40x128xi32, #tpu.memory_space<hbm>>
      tpu.wait_dma2 semaphore(%run_scoped3A_78 : memref<!tpu.dma_semaphore, #tpu.memory_space<semaphore_mem>>) src(%dma_wait3A_106 : memref<40x128xi32, #tpu.memory_space<hbm>>) dst(%dma_wait3A_102 : memref<40x128xi32, #tpu.memory_space<vmem>>)
      tpu.yield
    }) : () -> ()
    "tpu.region"() ({
      %run_scoped3A_78 = tpu.sem_alloc : memref<!tpu.dma_semaphore, #tpu.memory_space<semaphore_mem>>
      %dma_start3A_79 = arith.constant 0 : i32
      %dma_start3A_80 = arith.constant 0 : i32
      %dma_start3A_81 = tpu.memref_slice %arg7[%dma_start3A_79, %dma_start3A_80] : memref<40x128xi32, #tpu.memory_space<vmem>> -> memref<40x128xi32, #tpu.memory_space<vmem>>
      %dma_start3A_82 = arith.constant 0 : i32
      %dma_start3A_83 = arith.constant 0 : i32
      %dma_start3A_84 = tpu.memref_slice %arg4[%add3A, %dma_start3A_82, %dma_start3A_83] : memref<32x79x128xi32, #tpu.memory_space<hbm>> -> memref<1x40x128xi32, #tpu.memory_space<hbm>>
      %dma_start3A_85 = tpu.memref_squeeze %dma_start3A_84 : memref<1x40x128xi32, #tpu.memory_space<hbm>> -> memref<40x128xi32, #tpu.memory_space<hbm>>
      %dma_start3A_86 = arith.constant 0 : i32
      %dma_start3A_87 = arith.constant 0 : i32
      %dma_start3A_88 = tpu.memref_slice %arg7[%dma_start3A_86, %dma_start3A_87] : memref<40x128xi32, #tpu.memory_space<vmem>> -> memref<40x128xi32, #tpu.memory_space<vmem>>
      %dma_start3A_89 = arith.constant 0 : i32
      %dma_start3A_90 = arith.constant 0 : i32
      %dma_start3A_91 = tpu.memref_slice %arg4[%add3A, %dma_start3A_89, %dma_start3A_90] : memref<32x79x128xi32, #tpu.memory_space<hbm>> -> memref<1x40x128xi32, #tpu.memory_space<hbm>>
      %dma_start3A_92 = tpu.memref_squeeze %dma_start3A_91 : memref<1x40x128xi32, #tpu.memory_space<hbm>> -> memref<40x128xi32, #tpu.memory_space<hbm>>
      tpu.enqueue_dma source(%dma_start3A_92 : memref<40x128xi32, #tpu.memory_space<hbm>>) target(%dma_start3A_88 : memref<40x128xi32, #tpu.memory_space<vmem>>) target_semaphore(%run_scoped3A_78 : memref<!tpu.dma_semaphore, #tpu.memory_space<semaphore_mem>>)
      %dma_wait3A_93 = arith.constant 0 : i32
      %dma_wait3A_94 = arith.constant 0 : i32
      %dma_wait3A_95 = tpu.memref_slice %arg7[%dma_wait3A_93, %dma_wait3A_94] : memref<40x128xi32, #tpu.memory_space<vmem>> -> memref<40x128xi32, #tpu.memory_space<vmem>>
      %dma_wait3A_96 = arith.constant 0 : i32
      %dma_wait3A_97 = arith.constant 0 : i32
      %dma_wait3A_98 = tpu.memref_slice %arg4[%add3A, %dma_wait3A_96, %dma_wait3A_97] : memref<32x79x128xi32, #tpu.memory_space<hbm>> -> memref<1x40x128xi32, #tpu.memory_space<hbm>>
      %dma_wait3A_99 = tpu.memref_squeeze %dma_wait3A_98 : memref<1x40x128xi32, #tpu.memory_space<hbm>> -> memref<40x128xi32, #tpu.memory_space<hbm>>
      %dma_wait3A_100 = arith.constant 0 : i32
      %dma_wait3A_101 = arith.constant 0 : i32
      %dma_wait3A_102 = tpu.memref_slice %arg7[%dma_wait3A_100, %dma_wait3A_101] : memref<40x128xi32, #tpu.memory_space<vmem>> -> memref<40x128xi32, #tpu.memory_space<vmem>>
      %dma_wait3A_103 = arith.constant 0 : i32
      %dma_wait3A_104 = arith.constant 0 : i32
      %dma_wait3A_105 = tpu.memref_slice %arg4[%add3A, %dma_wait3A_103, %dma_wait3A_104] : memref<32x79x128xi32, #tpu.memory_space<hbm>> -> memref<1x40x128xi32, #tpu.memory_space<hbm>>
      %dma_wait3A_106 = tpu.memref_squeeze %dma_wait3A_105 : memref<1x40x128xi32, #tpu.memory_space<hbm>> -> memref<40x128xi32, #tpu.memory_space<hbm>>
      tpu.wait_dma2 semaphore(%run_scoped3A_78 : memref<!tpu.dma_semaphore, #tpu.memory_space<semaphore_mem>>) src(%dma_wait3A_106 : memref<40x128xi32, #tpu.memory_space<hbm>>) dst(%dma_wait3A_102 : memref<40x128xi32, #tpu.memory_space<vmem>>)
      tpu.yield
    }) : () -> ()
    %dma_start3A = arith.constant 0 : i32
    %dma_start3A_18 = arith.constant 0 : i32
    %dma_start3A_19 = tpu.memref_slice %arg6[%dma_start3A, %dma_start3A_18] : memref<40x128xi32, #tpu.memory_space<vmem>> -> memref<1x128xi32, #tpu.memory_space<vmem>>
    %dma_start3A_20 = tpu.memref_squeeze %dma_start3A_19 : memref<1x128xi32, #tpu.memory_space<vmem>> -> memref<128xi32, #tpu.memory_space<vmem>>
    %dma_start3A_21 = arith.constant 0 : i32
    %dma_start3A_22 = arith.constant 0 : i32
    %dma_start3A_23 = tpu.memref_slice %arg2[%dma_start3A_21, %dma_start3A_22] : memref<10240x128xf32, #tpu.memory_space<hbm>> -> memref<10240x128xf32, #tpu.memory_space<hbm>>
    tpu.enqueue_indirect_dma source(%dma_start3A_23 : memref<10240x128xf32, #tpu.memory_space<hbm>>) target(%arg8 : memref<128x128xf32, #tpu.memory_space<vmem>>) offsets(%dma_start3A_20 : memref<128xi32, #tpu.memory_space<vmem>>) semaphore(%arg11 : memref<!tpu.dma_semaphore, #tpu.memory_space<semaphore_mem>>)
    %scan3A_24 = arith.constant 0 : i32
    %scan3A_25 = arith.constant 0 : i32
    %scan3A_26 = arith.constant 39 : i32
    %scan3A_27 = arith.addi %scan3A_25, %scan3A_26 : i32
    %scan3A_28 = arith.constant 1 : i32
    scf.for %scan3A_78 = %scan3A_25 to %scan3A_27 step %scan3A_28  : i32 {
      %jit3A = arith.constant 2 : i32
      %eq3A = arith.constant 0 : i32
      %eq3A_79 = arith.cmpi eq, %jit3A, %eq3A : i32
      %jit3A_80 = arith.constant 1 : i32
      %select_n3A = arith.select %eq3A_79, %jit3A_80, %jit3A : i32
      %rem3A = arith.remsi %scan3A_78, %select_n3A : i32
      %ne3A = arith.constant 0 : i32
      %ne3A_81 = arith.cmpi ne, %rem3A, %ne3A : i32
      %lt3A = arith.constant 0 : i32
      %lt3A_82 = arith.cmpi slt, %rem3A, %lt3A : i32
      %lt3A_83 = arith.constant 0 : i32
      %lt3A_84 = arith.cmpi slt, %select_n3A, %lt3A_83 : i32
      %ne3A_85 = arith.xori %lt3A_82, %lt3A_84 : i1
      %and3A = arith.andi %ne3A_85, %ne3A_81 : i1
      %add3A_86 = arith.addi %rem3A, %select_n3A : i32
      %select_n3A_87 = arith.select %and3A, %add3A_86, %rem3A : i32
      %eq3A_88 = arith.constant 0 : i32
      %eq3A_89 = arith.cmpi eq, %select_n3A_87, %eq3A_88 : i32
      %convert_element_type3A = arith.extui %eq3A_89 : i1 to i32
      %cond3A = arith.constant 0 : i32
      %cond3A_90 = arith.cmpi ne, %convert_element_type3A, %cond3A : i32
      scf.if %cond3A_90 {
        %add3A_112 = arith.constant 1 : i32
        %add3A_113 = arith.addi %scan3A_78, %add3A_112 : i32
        %dma_start3A_114 = arith.constant 0 : i32
        %dma_start3A_115 = tpu.memref_slice %arg6[%add3A_113, %dma_start3A_114] : memref<40x128xi32, #tpu.memory_space<vmem>> -> memref<1x128xi32, #tpu.memory_space<vmem>>
        %dma_start3A_116 = tpu.memref_squeeze %dma_start3A_115 : memref<1x128xi32, #tpu.memory_space<vmem>> -> memref<128xi32, #tpu.memory_space<vmem>>
        %dma_start3A_117 = arith.constant 0 : i32
        %dma_start3A_118 = arith.constant 0 : i32
        %dma_start3A_119 = tpu.memref_slice %arg2[%dma_start3A_117, %dma_start3A_118] : memref<10240x128xf32, #tpu.memory_space<hbm>> -> memref<10240x128xf32, #tpu.memory_space<hbm>>
        tpu.enqueue_indirect_dma source(%dma_start3A_119 : memref<10240x128xf32, #tpu.memory_space<hbm>>) target(%arg9 : memref<128x128xf32, #tpu.memory_space<vmem>>) offsets(%dma_start3A_116 : memref<128xi32, #tpu.memory_space<vmem>>) semaphore(%arg12 : memref<!tpu.dma_semaphore, #tpu.memory_space<semaphore_mem>>)
        %dma_wait3A_120 = arith.constant 0 : i32
        %dma_wait3A_121 = tpu.memref_slice %arg6[%scan3A_78, %dma_wait3A_120] : memref<40x128xi32, #tpu.memory_space<vmem>> -> memref<1x128xi32, #tpu.memory_space<vmem>>
        %dma_wait3A_122 = tpu.memref_squeeze %dma_wait3A_121 : memref<1x128xi32, #tpu.memory_space<vmem>> -> memref<128xi32, #tpu.memory_space<vmem>>
        %dma_wait3A_123 = arith.constant 0 : i32
        %dma_wait3A_124 = arith.constant 0 : i32
        %dma_wait3A_125 = tpu.memref_slice %arg2[%dma_wait3A_123, %dma_wait3A_124] : memref<10240x128xf32, #tpu.memory_space<hbm>> -> memref<10240x128xf32, #tpu.memory_space<hbm>>
        tpu.wait_indirect_dma semaphore(%arg11 : memref<!tpu.dma_semaphore, #tpu.memory_space<semaphore_mem>>) src(%dma_wait3A_125 : memref<10240x128xf32, #tpu.memory_space<hbm>>) dst(%arg8 : memref<128x128xf32, #tpu.memory_space<vmem>>)
        "tpu.region"() ({
          %run_scoped3A_126 = tpu.sem_alloc : memref<!tpu.dma_semaphore, #tpu.memory_space<semaphore_mem>>
          %dma_start3A_127 = arith.constant 0 : i32
          %dma_start3A_128 = tpu.memref_slice %arg7[%scan3A_78, %dma_start3A_127] : memref<40x128xi32, #tpu.memory_space<vmem>> -> memref<1x128xi32, #tpu.memory_space<vmem>>
          %dma_start3A_129 = tpu.memref_squeeze %dma_start3A_128 : memref<1x128xi32, #tpu.memory_space<vmem>> -> memref<128xi32, #tpu.memory_space<vmem>>
          %dma_start3A_130 = arith.constant 0 : i32
          %dma_start3A_131 = arith.constant 0 : i32
          %dma_start3A_132 = tpu.memref_slice %arg10[%dma_start3A_130, %dma_start3A_131] : memref<10240x128xf32, #tpu.memory_space<vmem_shared>> -> memref<10240x128xf32, #tpu.memory_space<vmem_shared>>
          tpu.enqueue_indirect_dma source(%arg8 : memref<128x128xf32, #tpu.memory_space<vmem>>) target(%dma_start3A_132 : memref<10240x128xf32, #tpu.memory_space<vmem_shared>>) offsets(%dma_start3A_129 : memref<128xi32, #tpu.memory_space<vmem>>) semaphore(%run_scoped3A_126 : memref<!tpu.dma_semaphore, #tpu.memory_space<semaphore_mem>>) {add = true}
          %dma_wait3A_133 = arith.constant 0 : i32
          %dma_wait3A_134 = tpu.memref_slice %arg7[%scan3A_78, %dma_wait3A_133] : memref<40x128xi32, #tpu.memory_space<vmem>> -> memref<1x128xi32, #tpu.memory_space<vmem>>
          %dma_wait3A_135 = tpu.memref_squeeze %dma_wait3A_134 : memref<1x128xi32, #tpu.memory_space<vmem>> -> memref<128xi32, #tpu.memory_space<vmem>>
          %dma_wait3A_136 = arith.constant 0 : i32
          %dma_wait3A_137 = arith.constant 0 : i32
          %dma_wait3A_138 = tpu.memref_slice %arg10[%dma_wait3A_136, %dma_wait3A_137] : memref<10240x128xf32, #tpu.memory_space<vmem_shared>> -> memref<10240x128xf32, #tpu.memory_space<vmem_shared>>
          tpu.wait_indirect_dma semaphore(%run_scoped3A_126 : memref<!tpu.dma_semaphore, #tpu.memory_space<semaphore_mem>>) src(%arg8 : memref<128x128xf32, #tpu.memory_space<vmem>>) dst(%dma_wait3A_138 : memref<10240x128xf32, #tpu.memory_space<vmem_shared>>)
          tpu.yield
        }) : () -> ()
      } else {
      }
      %jit3A_91 = arith.constant 2 : i32
      %eq3A_92 = arith.constant 0 : i32
      %eq3A_93 = arith.cmpi eq, %jit3A_91, %eq3A_92 : i32
      %jit3A_94 = arith.constant 1 : i32
      %select_n3A_95 = arith.select %eq3A_93, %jit3A_94, %jit3A_91 : i32
      %rem3A_96 = arith.remsi %scan3A_78, %select_n3A_95 : i32
      %ne3A_97 = arith.constant 0 : i32
      %ne3A_98 = arith.cmpi ne, %rem3A_96, %ne3A_97 : i32
      %lt3A_99 = arith.constant 0 : i32
      %lt3A_100 = arith.cmpi slt, %rem3A_96, %lt3A_99 : i32
      %lt3A_101 = arith.constant 0 : i32
      %lt3A_102 = arith.cmpi slt, %select_n3A_95, %lt3A_101 : i32
      %ne3A_103 = arith.xori %lt3A_100, %lt3A_102 : i1
      %and3A_104 = arith.andi %ne3A_103, %ne3A_98 : i1
      %add3A_105 = arith.addi %rem3A_96, %select_n3A_95 : i32
      %select_n3A_106 = arith.select %and3A_104, %add3A_105, %rem3A_96 : i32
      %eq3A_107 = arith.constant 1 : i32
      %eq3A_108 = arith.cmpi eq, %select_n3A_106, %eq3A_107 : i32
      %convert_element_type3A_109 = arith.extui %eq3A_108 : i1 to i32
      %cond3A_110 = arith.constant 0 : i32
      %cond3A_111 = arith.cmpi ne, %convert_element_type3A_109, %cond3A_110 : i32
      scf.if %cond3A_111 {
        %add3A_112 = arith.constant 1 : i32
        %add3A_113 = arith.addi %scan3A_78, %add3A_112 : i32
        %dma_start3A_114 = arith.constant 0 : i32
        %dma_start3A_115 = tpu.memref_slice %arg6[%add3A_113, %dma_start3A_114] : memref<40x128xi32, #tpu.memory_space<vmem>> -> memref<1x128xi32, #tpu.memory_space<vmem>>
        %dma_start3A_116 = tpu.memref_squeeze %dma_start3A_115 : memref<1x128xi32, #tpu.memory_space<vmem>> -> memref<128xi32, #tpu.memory_space<vmem>>
        %dma_start3A_117 = arith.constant 0 : i32
        %dma_start3A_118 = arith.constant 0 : i32
        %dma_start3A_119 = tpu.memref_slice %arg2[%dma_start3A_117, %dma_start3A_118] : memref<10240x128xf32, #tpu.memory_space<hbm>> -> memref<10240x128xf32, #tpu.memory_space<hbm>>
        tpu.enqueue_indirect_dma source(%dma_start3A_119 : memref<10240x128xf32, #tpu.memory_space<hbm>>) target(%arg8 : memref<128x128xf32, #tpu.memory_space<vmem>>) offsets(%dma_start3A_116 : memref<128xi32, #tpu.memory_space<vmem>>) semaphore(%arg11 : memref<!tpu.dma_semaphore, #tpu.memory_space<semaphore_mem>>)
        %dma_wait3A_120 = arith.constant 0 : i32
        %dma_wait3A_121 = tpu.memref_slice %arg6[%scan3A_78, %dma_wait3A_120] : memref<40x128xi32, #tpu.memory_space<vmem>> -> memref<1x128xi32, #tpu.memory_space<vmem>>
        %dma_wait3A_122 = tpu.memref_squeeze %dma_wait3A_121 : memref<1x128xi32, #tpu.memory_space<vmem>> -> memref<128xi32, #tpu.memory_space<vmem>>
        %dma_wait3A_123 = arith.constant 0 : i32
        %dma_wait3A_124 = arith.constant 0 : i32
        %dma_wait3A_125 = tpu.memref_slice %arg2[%dma_wait3A_123, %dma_wait3A_124] : memref<10240x128xf32, #tpu.memory_space<hbm>> -> memref<10240x128xf32, #tpu.memory_space<hbm>>
        tpu.wait_indirect_dma semaphore(%arg12 : memref<!tpu.dma_semaphore, #tpu.memory_space<semaphore_mem>>) src(%dma_wait3A_125 : memref<10240x128xf32, #tpu.memory_space<hbm>>) dst(%arg9 : memref<128x128xf32, #tpu.memory_space<vmem>>)
        "tpu.region"() ({
          %run_scoped3A_126 = tpu.sem_alloc : memref<!tpu.dma_semaphore, #tpu.memory_space<semaphore_mem>>
          %dma_start3A_127 = arith.constant 0 : i32
          %dma_start3A_128 = tpu.memref_slice %arg7[%scan3A_78, %dma_start3A_127] : memref<40x128xi32, #tpu.memory_space<vmem>> -> memref<1x128xi32, #tpu.memory_space<vmem>>
          %dma_start3A_129 = tpu.memref_squeeze %dma_start3A_128 : memref<1x128xi32, #tpu.memory_space<vmem>> -> memref<128xi32, #tpu.memory_space<vmem>>
          %dma_start3A_130 = arith.constant 0 : i32
          %dma_start3A_131 = arith.constant 0 : i32
          %dma_start3A_132 = tpu.memref_slice %arg10[%dma_start3A_130, %dma_start3A_131] : memref<10240x128xf32, #tpu.memory_space<vmem_shared>> -> memref<10240x128xf32, #tpu.memory_space<vmem_shared>>
          tpu.enqueue_indirect_dma source(%arg9 : memref<128x128xf32, #tpu.memory_space<vmem>>) target(%dma_start3A_132 : memref<10240x128xf32, #tpu.memory_space<vmem_shared>>) offsets(%dma_start3A_129 : memref<128xi32, #tpu.memory_space<vmem>>) semaphore(%run_scoped3A_126 : memref<!tpu.dma_semaphore, #tpu.memory_space<semaphore_mem>>) {add = true}
          %dma_wait3A_133 = arith.constant 0 : i32
          %dma_wait3A_134 = tpu.memref_slice %arg7[%scan3A_78, %dma_wait3A_133] : memref<40x128xi32, #tpu.memory_space<vmem>> -> memref<1x128xi32, #tpu.memory_space<vmem>>
          %dma_wait3A_135 = tpu.memref_squeeze %dma_wait3A_134 : memref<1x128xi32, #tpu.memory_space<vmem>> -> memref<128xi32, #tpu.memory_space<vmem>>
          %dma_wait3A_136 = arith.constant 0 : i32
          %dma_wait3A_137 = arith.constant 0 : i32
          %dma_wait3A_138 = tpu.memref_slice %arg10[%dma_wait3A_136, %dma_wait3A_137] : memref<10240x128xf32, #tpu.memory_space<vmem_shared>> -> memref<10240x128xf32, #tpu.memory_space<vmem_shared>>
          tpu.wait_indirect_dma semaphore(%run_scoped3A_126 : memref<!tpu.dma_semaphore, #tpu.memory_space<semaphore_mem>>) src(%arg9 : memref<128x128xf32, #tpu.memory_space<vmem>>) dst(%dma_wait3A_138 : memref<10240x128xf32, #tpu.memory_space<vmem_shared>>)
          tpu.yield
        }) : () -> ()
      } else {
      }
    }
    %scan3A_29 = arith.constant 39 : i32
    %dma_wait3A = arith.constant 39 : i32
    %dma_wait3A_30 = arith.constant 0 : i32
    %dma_wait3A_31 = tpu.memref_slice %arg6[%dma_wait3A, %dma_wait3A_30] : memref<40x128xi32, #tpu.memory_space<vmem>> -> memref<1x128xi32, #tpu.memory_space<vmem>>
    %dma_wait3A_32 = tpu.memref_squeeze %dma_wait3A_31 : memref<1x128xi32, #tpu.memory_space<vmem>> -> memref<128xi32, #tpu.memory_space<vmem>>
    %dma_wait3A_33 = arith.constant 0 : i32
    %dma_wait3A_34 = arith.constant 0 : i32
    %dma_wait3A_35 = tpu.memref_slice %arg2[%dma_wait3A_33, %dma_wait3A_34] : memref<10240x128xf32, #tpu.memory_space<hbm>> -> memref<10240x128xf32, #tpu.memory_space<hbm>>
    tpu.wait_indirect_dma semaphore(%arg12 : memref<!tpu.dma_semaphore, #tpu.memory_space<semaphore_mem>>) src(%dma_wait3A_35 : memref<10240x128xf32, #tpu.memory_space<hbm>>) dst(%arg9 : memref<128x128xf32, #tpu.memory_space<vmem>>)
    %run_scoped3A = arith.constant 39 : i32
    "tpu.region"() ({
      %run_scoped3A_78 = tpu.sem_alloc : memref<!tpu.dma_semaphore, #tpu.memory_space<semaphore_mem>>
      %dma_start3A_79 = arith.constant 0 : i32
      %dma_start3A_80 = tpu.memref_slice %arg7[%run_scoped3A, %dma_start3A_79] : memref<40x128xi32, #tpu.memory_space<vmem>> -> memref<1x128xi32, #tpu.memory_space<vmem>>
      %dma_start3A_81 = tpu.memref_squeeze %dma_start3A_80 : memref<1x128xi32, #tpu.memory_space<vmem>> -> memref<128xi32, #tpu.memory_space<vmem>>
      %dma_start3A_82 = arith.constant 0 : i32
      %dma_start3A_83 = arith.constant 0 : i32
      %dma_start3A_84 = tpu.memref_slice %arg10[%dma_start3A_82, %dma_start3A_83] : memref<10240x128xf32, #tpu.memory_space<vmem_shared>> -> memref<10240x128xf32, #tpu.memory_space<vmem_shared>>
      tpu.enqueue_indirect_dma source(%arg9 : memref<128x128xf32, #tpu.memory_space<vmem>>) target(%dma_start3A_84 : memref<10240x128xf32, #tpu.memory_space<vmem_shared>>) offsets(%dma_start3A_81 : memref<128xi32, #tpu.memory_space<vmem>>) semaphore(%run_scoped3A_78 : memref<!tpu.dma_semaphore, #tpu.memory_space<semaphore_mem>>) {add = true}
      %dma_wait3A_85 = arith.constant 0 : i32
      %dma_wait3A_86 = tpu.memref_slice %arg7[%run_scoped3A, %dma_wait3A_85] : memref<40x128xi32, #tpu.memory_space<vmem>> -> memref<1x128xi32, #tpu.memory_space<vmem>>
      %dma_wait3A_87 = tpu.memref_squeeze %dma_wait3A_86 : memref<1x128xi32, #tpu.memory_space<vmem>> -> memref<128xi32, #tpu.memory_space<vmem>>
      %dma_wait3A_88 = arith.constant 0 : i32
      %dma_wait3A_89 = arith.constant 0 : i32
      %dma_wait3A_90 = tpu.memref_slice %arg10[%dma_wait3A_88, %dma_wait3A_89] : memref<10240x128xf32, #tpu.memory_space<vmem_shared>> -> memref<10240x128xf32, #tpu.memory_space<vmem_shared>>
      tpu.wait_indirect_dma semaphore(%run_scoped3A_78 : memref<!tpu.dma_semaphore, #tpu.memory_space<semaphore_mem>>) src(%arg9 : memref<128x128xf32, #tpu.memory_space<vmem>>) dst(%dma_wait3A_90 : memref<10240x128xf32, #tpu.memory_space<vmem_shared>>)
      tpu.yield
    }) : () -> ()
    "tpu.region"() ({
      %run_scoped3A_78 = tpu.sem_alloc : memref<!tpu.dma_semaphore, #tpu.memory_space<semaphore_mem>>
      %dma_start3A_79 = arith.constant 0 : i32
      %dma_start3A_80 = arith.constant 0 : i32
      %dma_start3A_81 = tpu.memref_slice %arg6[%dma_start3A_79, %dma_start3A_80] : memref<40x128xi32, #tpu.memory_space<vmem>> -> memref<39x128xi32, #tpu.memory_space<vmem>>
      %dma_start3A_82 = arith.constant 40 : i32
      %dma_start3A_83 = arith.constant 0 : i32
      %dma_start3A_84 = tpu.memref_slice %arg3[%add3A, %dma_start3A_82, %dma_start3A_83] : memref<32x79x128xi32, #tpu.memory_space<hbm>> -> memref<1x39x128xi32, #tpu.memory_space<hbm>>
      %dma_start3A_85 = tpu.memref_squeeze %dma_start3A_84 : memref<1x39x128xi32, #tpu.memory_space<hbm>> -> memref<39x128xi32, #tpu.memory_space<hbm>>
      %dma_start3A_86 = arith.constant 0 : i32
      %dma_start3A_87 = arith.constant 0 : i32
      %dma_start3A_88 = tpu.memref_slice %arg6[%dma_start3A_86, %dma_start3A_87] : memref<40x128xi32, #tpu.memory_space<vmem>> -> memref<39x128xi32, #tpu.memory_space<vmem>>
      %dma_start3A_89 = arith.constant 40 : i32
      %dma_start3A_90 = arith.constant 0 : i32
      %dma_start3A_91 = tpu.memref_slice %arg3[%add3A, %dma_start3A_89, %dma_start3A_90] : memref<32x79x128xi32, #tpu.memory_space<hbm>> -> memref<1x39x128xi32, #tpu.memory_space<hbm>>
      %dma_start3A_92 = tpu.memref_squeeze %dma_start3A_91 : memref<1x39x128xi32, #tpu.memory_space<hbm>> -> memref<39x128xi32, #tpu.memory_space<hbm>>
      tpu.enqueue_dma source(%dma_start3A_92 : memref<39x128xi32, #tpu.memory_space<hbm>>) target(%dma_start3A_88 : memref<39x128xi32, #tpu.memory_space<vmem>>) target_semaphore(%run_scoped3A_78 : memref<!tpu.dma_semaphore, #tpu.memory_space<semaphore_mem>>)
      %dma_wait3A_93 = arith.constant 0 : i32
      %dma_wait3A_94 = arith.constant 0 : i32
      %dma_wait3A_95 = tpu.memref_slice %arg6[%dma_wait3A_93, %dma_wait3A_94] : memref<40x128xi32, #tpu.memory_space<vmem>> -> memref<39x128xi32, #tpu.memory_space<vmem>>
      %dma_wait3A_96 = arith.constant 40 : i32
      %dma_wait3A_97 = arith.constant 0 : i32
      %dma_wait3A_98 = tpu.memref_slice %arg3[%add3A, %dma_wait3A_96, %dma_wait3A_97] : memref<32x79x128xi32, #tpu.memory_space<hbm>> -> memref<1x39x128xi32, #tpu.memory_space<hbm>>
      %dma_wait3A_99 = tpu.memref_squeeze %dma_wait3A_98 : memref<1x39x128xi32, #tpu.memory_space<hbm>> -> memref<39x128xi32, #tpu.memory_space<hbm>>
      %dma_wait3A_100 = arith.constant 0 : i32
      %dma_wait3A_101 = arith.constant 0 : i32
      %dma_wait3A_102 = tpu.memref_slice %arg6[%dma_wait3A_100, %dma_wait3A_101] : memref<40x128xi32, #tpu.memory_space<vmem>> -> memref<39x128xi32, #tpu.memory_space<vmem>>
      %dma_wait3A_103 = arith.constant 40 : i32
      %dma_wait3A_104 = arith.constant 0 : i32
      %dma_wait3A_105 = tpu.memref_slice %arg3[%add3A, %dma_wait3A_103, %dma_wait3A_104] : memref<32x79x128xi32, #tpu.memory_space<hbm>> -> memref<1x39x128xi32, #tpu.memory_space<hbm>>
      %dma_wait3A_106 = tpu.memref_squeeze %dma_wait3A_105 : memref<1x39x128xi32, #tpu.memory_space<hbm>> -> memref<39x128xi32, #tpu.memory_space<hbm>>
      tpu.wait_dma2 semaphore(%run_scoped3A_78 : memref<!tpu.dma_semaphore, #tpu.memory_space<semaphore_mem>>) src(%dma_wait3A_106 : memref<39x128xi32, #tpu.memory_space<hbm>>) dst(%dma_wait3A_102 : memref<39x128xi32, #tpu.memory_space<vmem>>)
      tpu.yield
    }) : () -> ()
    "tpu.region"() ({
      %run_scoped3A_78 = tpu.sem_alloc : memref<!tpu.dma_semaphore, #tpu.memory_space<semaphore_mem>>
      %dma_start3A_79 = arith.constant 0 : i32
      %dma_start3A_80 = arith.constant 0 : i32
      %dma_start3A_81 = tpu.memref_slice %arg7[%dma_start3A_79, %dma_start3A_80] : memref<40x128xi32, #tpu.memory_space<vmem>> -> memref<39x128xi32, #tpu.memory_space<vmem>>
      %dma_start3A_82 = arith.constant 40 : i32
      %dma_start3A_83 = arith.constant 0 : i32
      %dma_start3A_84 = tpu.memref_slice %arg4[%add3A, %dma_start3A_82, %dma_start3A_83] : memref<32x79x128xi32, #tpu.memory_space<hbm>> -> memref<1x39x128xi32, #tpu.memory_space<hbm>>
      %dma_start3A_85 = tpu.memref_squeeze %dma_start3A_84 : memref<1x39x128xi32, #tpu.memory_space<hbm>> -> memref<39x128xi32, #tpu.memory_space<hbm>>
      %dma_start3A_86 = arith.constant 0 : i32
      %dma_start3A_87 = arith.constant 0 : i32
      %dma_start3A_88 = tpu.memref_slice %arg7[%dma_start3A_86, %dma_start3A_87] : memref<40x128xi32, #tpu.memory_space<vmem>> -> memref<39x128xi32, #tpu.memory_space<vmem>>
      %dma_start3A_89 = arith.constant 40 : i32
      %dma_start3A_90 = arith.constant 0 : i32
      %dma_start3A_91 = tpu.memref_slice %arg4[%add3A, %dma_start3A_89, %dma_start3A_90] : memref<32x79x128xi32, #tpu.memory_space<hbm>> -> memref<1x39x128xi32, #tpu.memory_space<hbm>>
      %dma_start3A_92 = tpu.memref_squeeze %dma_start3A_91 : memref<1x39x128xi32, #tpu.memory_space<hbm>> -> memref<39x128xi32, #tpu.memory_space<hbm>>
      tpu.enqueue_dma source(%dma_start3A_92 : memref<39x128xi32, #tpu.memory_space<hbm>>) target(%dma_start3A_88 : memref<39x128xi32, #tpu.memory_space<vmem>>) target_semaphore(%run_scoped3A_78 : memref<!tpu.dma_semaphore, #tpu.memory_space<semaphore_mem>>)
      %dma_wait3A_93 = arith.constant 0 : i32
      %dma_wait3A_94 = arith.constant 0 : i32
      %dma_wait3A_95 = tpu.memref_slice %arg7[%dma_wait3A_93, %dma_wait3A_94] : memref<40x128xi32, #tpu.memory_space<vmem>> -> memref<39x128xi32, #tpu.memory_space<vmem>>
      %dma_wait3A_96 = arith.constant 40 : i32
      %dma_wait3A_97 = arith.constant 0 : i32
      %dma_wait3A_98 = tpu.memref_slice %arg4[%add3A, %dma_wait3A_96, %dma_wait3A_97] : memref<32x79x128xi32, #tpu.memory_space<hbm>> -> memref<1x39x128xi32, #tpu.memory_space<hbm>>
      %dma_wait3A_99 = tpu.memref_squeeze %dma_wait3A_98 : memref<1x39x128xi32, #tpu.memory_space<hbm>> -> memref<39x128xi32, #tpu.memory_space<hbm>>
      %dma_wait3A_100 = arith.constant 0 : i32
      %dma_wait3A_101 = arith.constant 0 : i32
      %dma_wait3A_102 = tpu.memref_slice %arg7[%dma_wait3A_100, %dma_wait3A_101] : memref<40x128xi32, #tpu.memory_space<vmem>> -> memref<39x128xi32, #tpu.memory_space<vmem>>
      %dma_wait3A_103 = arith.constant 40 : i32
      %dma_wait3A_104 = arith.constant 0 : i32
      %dma_wait3A_105 = tpu.memref_slice %arg4[%add3A, %dma_wait3A_103, %dma_wait3A_104] : memref<32x79x128xi32, #tpu.memory_space<hbm>> -> memref<1x39x128xi32, #tpu.memory_space<hbm>>
      %dma_wait3A_106 = tpu.memref_squeeze %dma_wait3A_105 : memref<1x39x128xi32, #tpu.memory_space<hbm>> -> memref<39x128xi32, #tpu.memory_space<hbm>>
      tpu.wait_dma2 semaphore(%run_scoped3A_78 : memref<!tpu.dma_semaphore, #tpu.memory_space<semaphore_mem>>) src(%dma_wait3A_106 : memref<39x128xi32, #tpu.memory_space<hbm>>) dst(%dma_wait3A_102 : memref<39x128xi32, #tpu.memory_space<vmem>>)
      tpu.yield
    }) : () -> ()
    %dma_start3A_36 = arith.constant 0 : i32
    %dma_start3A_37 = arith.constant 0 : i32
    %dma_start3A_38 = tpu.memref_slice %arg6[%dma_start3A_36, %dma_start3A_37] : memref<40x128xi32, #tpu.memory_space<vmem>> -> memref<1x128xi32, #tpu.memory_space<vmem>>
    %dma_start3A_39 = tpu.memref_squeeze %dma_start3A_38 : memref<1x128xi32, #tpu.memory_space<vmem>> -> memref<128xi32, #tpu.memory_space<vmem>>
    %dma_start3A_40 = arith.constant 0 : i32
    %dma_start3A_41 = arith.constant 0 : i32
    %dma_start3A_42 = tpu.memref_slice %arg2[%dma_start3A_40, %dma_start3A_41] : memref<10240x128xf32, #tpu.memory_space<hbm>> -> memref<10240x128xf32, #tpu.memory_space<hbm>>
    tpu.enqueue_indirect_dma source(%dma_start3A_42 : memref<10240x128xf32, #tpu.memory_space<hbm>>) target(%arg8 : memref<128x128xf32, #tpu.memory_space<vmem>>) offsets(%dma_start3A_39 : memref<128xi32, #tpu.memory_space<vmem>>) semaphore(%arg11 : memref<!tpu.dma_semaphore, #tpu.memory_space<semaphore_mem>>)
    %scan3A_43 = arith.constant 0 : i32
    %scan3A_44 = arith.constant 0 : i32
    %scan3A_45 = arith.constant 38 : i32
    %scan3A_46 = arith.addi %scan3A_44, %scan3A_45 : i32
    %scan3A_47 = arith.constant 1 : i32
    scf.for %scan3A_78 = %scan3A_44 to %scan3A_46 step %scan3A_47  : i32 {
      %jit3A = arith.constant 2 : i32
      %eq3A = arith.constant 0 : i32
      %eq3A_79 = arith.cmpi eq, %jit3A, %eq3A : i32
      %jit3A_80 = arith.constant 1 : i32
      %select_n3A = arith.select %eq3A_79, %jit3A_80, %jit3A : i32
      %rem3A = arith.remsi %scan3A_78, %select_n3A : i32
      %ne3A = arith.constant 0 : i32
      %ne3A_81 = arith.cmpi ne, %rem3A, %ne3A : i32
      %lt3A = arith.constant 0 : i32
      %lt3A_82 = arith.cmpi slt, %rem3A, %lt3A : i32
      %lt3A_83 = arith.constant 0 : i32
      %lt3A_84 = arith.cmpi slt, %select_n3A, %lt3A_83 : i32
      %ne3A_85 = arith.xori %lt3A_82, %lt3A_84 : i1
      %and3A = arith.andi %ne3A_85, %ne3A_81 : i1
      %add3A_86 = arith.addi %rem3A, %select_n3A : i32
      %select_n3A_87 = arith.select %and3A, %add3A_86, %rem3A : i32
      %eq3A_88 = arith.constant 0 : i32
      %eq3A_89 = arith.cmpi eq, %select_n3A_87, %eq3A_88 : i32
      %convert_element_type3A = arith.extui %eq3A_89 : i1 to i32
      %cond3A = arith.constant 0 : i32
      %cond3A_90 = arith.cmpi ne, %convert_element_type3A, %cond3A : i32
      scf.if %cond3A_90 {
        %add3A_112 = arith.constant 1 : i32
        %add3A_113 = arith.addi %scan3A_78, %add3A_112 : i32
        %dma_start3A_114 = arith.constant 0 : i32
        %dma_start3A_115 = tpu.memref_slice %arg6[%add3A_113, %dma_start3A_114] : memref<40x128xi32, #tpu.memory_space<vmem>> -> memref<1x128xi32, #tpu.memory_space<vmem>>
        %dma_start3A_116 = tpu.memref_squeeze %dma_start3A_115 : memref<1x128xi32, #tpu.memory_space<vmem>> -> memref<128xi32, #tpu.memory_space<vmem>>
        %dma_start3A_117 = arith.constant 0 : i32
        %dma_start3A_118 = arith.constant 0 : i32
        %dma_start3A_119 = tpu.memref_slice %arg2[%dma_start3A_117, %dma_start3A_118] : memref<10240x128xf32, #tpu.memory_space<hbm>> -> memref<10240x128xf32, #tpu.memory_space<hbm>>
        tpu.enqueue_indirect_dma source(%dma_start3A_119 : memref<10240x128xf32, #tpu.memory_space<hbm>>) target(%arg9 : memref<128x128xf32, #tpu.memory_space<vmem>>) offsets(%dma_start3A_116 : memref<128xi32, #tpu.memory_space<vmem>>) semaphore(%arg12 : memref<!tpu.dma_semaphore, #tpu.memory_space<semaphore_mem>>)
        %dma_wait3A_120 = arith.constant 0 : i32
        %dma_wait3A_121 = tpu.memref_slice %arg6[%scan3A_78, %dma_wait3A_120] : memref<40x128xi32, #tpu.memory_space<vmem>> -> memref<1x128xi32, #tpu.memory_space<vmem>>
        %dma_wait3A_122 = tpu.memref_squeeze %dma_wait3A_121 : memref<1x128xi32, #tpu.memory_space<vmem>> -> memref<128xi32, #tpu.memory_space<vmem>>
        %dma_wait3A_123 = arith.constant 0 : i32
        %dma_wait3A_124 = arith.constant 0 : i32
        %dma_wait3A_125 = tpu.memref_slice %arg2[%dma_wait3A_123, %dma_wait3A_124] : memref<10240x128xf32, #tpu.memory_space<hbm>> -> memref<10240x128xf32, #tpu.memory_space<hbm>>
        tpu.wait_indirect_dma semaphore(%arg11 : memref<!tpu.dma_semaphore, #tpu.memory_space<semaphore_mem>>) src(%dma_wait3A_125 : memref<10240x128xf32, #tpu.memory_space<hbm>>) dst(%arg8 : memref<128x128xf32, #tpu.memory_space<vmem>>)
        "tpu.region"() ({
          %run_scoped3A_126 = tpu.sem_alloc : memref<!tpu.dma_semaphore, #tpu.memory_space<semaphore_mem>>
          %dma_start3A_127 = arith.constant 0 : i32
          %dma_start3A_128 = tpu.memref_slice %arg7[%scan3A_78, %dma_start3A_127] : memref<40x128xi32, #tpu.memory_space<vmem>> -> memref<1x128xi32, #tpu.memory_space<vmem>>
          %dma_start3A_129 = tpu.memref_squeeze %dma_start3A_128 : memref<1x128xi32, #tpu.memory_space<vmem>> -> memref<128xi32, #tpu.memory_space<vmem>>
          %dma_start3A_130 = arith.constant 0 : i32
          %dma_start3A_131 = arith.constant 0 : i32
          %dma_start3A_132 = tpu.memref_slice %arg10[%dma_start3A_130, %dma_start3A_131] : memref<10240x128xf32, #tpu.memory_space<vmem_shared>> -> memref<10240x128xf32, #tpu.memory_space<vmem_shared>>
          tpu.enqueue_indirect_dma source(%arg8 : memref<128x128xf32, #tpu.memory_space<vmem>>) target(%dma_start3A_132 : memref<10240x128xf32, #tpu.memory_space<vmem_shared>>) offsets(%dma_start3A_129 : memref<128xi32, #tpu.memory_space<vmem>>) semaphore(%run_scoped3A_126 : memref<!tpu.dma_semaphore, #tpu.memory_space<semaphore_mem>>) {add = true}
          %dma_wait3A_133 = arith.constant 0 : i32
          %dma_wait3A_134 = tpu.memref_slice %arg7[%scan3A_78, %dma_wait3A_133] : memref<40x128xi32, #tpu.memory_space<vmem>> -> memref<1x128xi32, #tpu.memory_space<vmem>>
          %dma_wait3A_135 = tpu.memref_squeeze %dma_wait3A_134 : memref<1x128xi32, #tpu.memory_space<vmem>> -> memref<128xi32, #tpu.memory_space<vmem>>
          %dma_wait3A_136 = arith.constant 0 : i32
          %dma_wait3A_137 = arith.constant 0 : i32
          %dma_wait3A_138 = tpu.memref_slice %arg10[%dma_wait3A_136, %dma_wait3A_137] : memref<10240x128xf32, #tpu.memory_space<vmem_shared>> -> memref<10240x128xf32, #tpu.memory_space<vmem_shared>>
          tpu.wait_indirect_dma semaphore(%run_scoped3A_126 : memref<!tpu.dma_semaphore, #tpu.memory_space<semaphore_mem>>) src(%arg8 : memref<128x128xf32, #tpu.memory_space<vmem>>) dst(%dma_wait3A_138 : memref<10240x128xf32, #tpu.memory_space<vmem_shared>>)
          tpu.yield
        }) : () -> ()
      } else {
      }
      %jit3A_91 = arith.constant 2 : i32
      %eq3A_92 = arith.constant 0 : i32
      %eq3A_93 = arith.cmpi eq, %jit3A_91, %eq3A_92 : i32
      %jit3A_94 = arith.constant 1 : i32
      %select_n3A_95 = arith.select %eq3A_93, %jit3A_94, %jit3A_91 : i32
      %rem3A_96 = arith.remsi %scan3A_78, %select_n3A_95 : i32
      %ne3A_97 = arith.constant 0 : i32
      %ne3A_98 = arith.cmpi ne, %rem3A_96, %ne3A_97 : i32
      %lt3A_99 = arith.constant 0 : i32
      %lt3A_100 = arith.cmpi slt, %rem3A_96, %lt3A_99 : i32
      %lt3A_101 = arith.constant 0 : i32
      %lt3A_102 = arith.cmpi slt, %select_n3A_95, %lt3A_101 : i32
      %ne3A_103 = arith.xori %lt3A_100, %lt3A_102 : i1
      %and3A_104 = arith.andi %ne3A_103, %ne3A_98 : i1
      %add3A_105 = arith.addi %rem3A_96, %select_n3A_95 : i32
      %select_n3A_106 = arith.select %and3A_104, %add3A_105, %rem3A_96 : i32
      %eq3A_107 = arith.constant 1 : i32
      %eq3A_108 = arith.cmpi eq, %select_n3A_106, %eq3A_107 : i32
      %convert_element_type3A_109 = arith.extui %eq3A_108 : i1 to i32
      %cond3A_110 = arith.constant 0 : i32
      %cond3A_111 = arith.cmpi ne, %convert_element_type3A_109, %cond3A_110 : i32
      scf.if %cond3A_111 {
        %add3A_112 = arith.constant 1 : i32
        %add3A_113 = arith.addi %scan3A_78, %add3A_112 : i32
        %dma_start3A_114 = arith.constant 0 : i32
        %dma_start3A_115 = tpu.memref_slice %arg6[%add3A_113, %dma_start3A_114] : memref<40x128xi32, #tpu.memory_space<vmem>> -> memref<1x128xi32, #tpu.memory_space<vmem>>
        %dma_start3A_116 = tpu.memref_squeeze %dma_start3A_115 : memref<1x128xi32, #tpu.memory_space<vmem>> -> memref<128xi32, #tpu.memory_space<vmem>>
        %dma_start3A_117 = arith.constant 0 : i32
        %dma_start3A_118 = arith.constant 0 : i32
        %dma_start3A_119 = tpu.memref_slice %arg2[%dma_start3A_117, %dma_start3A_118] : memref<10240x128xf32, #tpu.memory_space<hbm>> -> memref<10240x128xf32, #tpu.memory_space<hbm>>
        tpu.enqueue_indirect_dma source(%dma_start3A_119 : memref<10240x128xf32, #tpu.memory_space<hbm>>) target(%arg8 : memref<128x128xf32, #tpu.memory_space<vmem>>) offsets(%dma_start3A_116 : memref<128xi32, #tpu.memory_space<vmem>>) semaphore(%arg11 : memref<!tpu.dma_semaphore, #tpu.memory_space<semaphore_mem>>)
        %dma_wait3A_120 = arith.constant 0 : i32
        %dma_wait3A_121 = tpu.memref_slice %arg6[%scan3A_78, %dma_wait3A_120] : memref<40x128xi32, #tpu.memory_space<vmem>> -> memref<1x128xi32, #tpu.memory_space<vmem>>
        %dma_wait3A_122 = tpu.memref_squeeze %dma_wait3A_121 : memref<1x128xi32, #tpu.memory_space<vmem>> -> memref<128xi32, #tpu.memory_space<vmem>>
        %dma_wait3A_123 = arith.constant 0 : i32
        %dma_wait3A_124 = arith.constant 0 : i32
        %dma_wait3A_125 = tpu.memref_slice %arg2[%dma_wait3A_123, %dma_wait3A_124] : memref<10240x128xf32, #tpu.memory_space<hbm>> -> memref<10240x128xf32, #tpu.memory_space<hbm>>
        tpu.wait_indirect_dma semaphore(%arg12 : memref<!tpu.dma_semaphore, #tpu.memory_space<semaphore_mem>>) src(%dma_wait3A_125 : memref<10240x128xf32, #tpu.memory_space<hbm>>) dst(%arg9 : memref<128x128xf32, #tpu.memory_space<vmem>>)
        "tpu.region"() ({
          %run_scoped3A_126 = tpu.sem_alloc : memref<!tpu.dma_semaphore, #tpu.memory_space<semaphore_mem>>
          %dma_start3A_127 = arith.constant 0 : i32
          %dma_start3A_128 = tpu.memref_slice %arg7[%scan3A_78, %dma_start3A_127] : memref<40x128xi32, #tpu.memory_space<vmem>> -> memref<1x128xi32, #tpu.memory_space<vmem>>
          %dma_start3A_129 = tpu.memref_squeeze %dma_start3A_128 : memref<1x128xi32, #tpu.memory_space<vmem>> -> memref<128xi32, #tpu.memory_space<vmem>>
          %dma_start3A_130 = arith.constant 0 : i32
          %dma_start3A_131 = arith.constant 0 : i32
          %dma_start3A_132 = tpu.memref_slice %arg10[%dma_start3A_130, %dma_start3A_131] : memref<10240x128xf32, #tpu.memory_space<vmem_shared>> -> memref<10240x128xf32, #tpu.memory_space<vmem_shared>>
          tpu.enqueue_indirect_dma source(%arg9 : memref<128x128xf32, #tpu.memory_space<vmem>>) target(%dma_start3A_132 : memref<10240x128xf32, #tpu.memory_space<vmem_shared>>) offsets(%dma_start3A_129 : memref<128xi32, #tpu.memory_space<vmem>>) semaphore(%run_scoped3A_126 : memref<!tpu.dma_semaphore, #tpu.memory_space<semaphore_mem>>) {add = true}
          %dma_wait3A_133 = arith.constant 0 : i32
          %dma_wait3A_134 = tpu.memref_slice %arg7[%scan3A_78, %dma_wait3A_133] : memref<40x128xi32, #tpu.memory_space<vmem>> -> memref<1x128xi32, #tpu.memory_space<vmem>>
          %dma_wait3A_135 = tpu.memref_squeeze %dma_wait3A_134 : memref<1x128xi32, #tpu.memory_space<vmem>> -> memref<128xi32, #tpu.memory_space<vmem>>
          %dma_wait3A_136 = arith.constant 0 : i32
          %dma_wait3A_137 = arith.constant 0 : i32
          %dma_wait3A_138 = tpu.memref_slice %arg10[%dma_wait3A_136, %dma_wait3A_137] : memref<10240x128xf32, #tpu.memory_space<vmem_shared>> -> memref<10240x128xf32, #tpu.memory_space<vmem_shared>>
          tpu.wait_indirect_dma semaphore(%run_scoped3A_126 : memref<!tpu.dma_semaphore, #tpu.memory_space<semaphore_mem>>) src(%arg9 : memref<128x128xf32, #tpu.memory_space<vmem>>) dst(%dma_wait3A_138 : memref<10240x128xf32, #tpu.memory_space<vmem_shared>>)
          tpu.yield
        }) : () -> ()
      } else {
      }
    }
    %scan3A_48 = arith.constant 38 : i32
    %dma_wait3A_49 = arith.constant 38 : i32
    %dma_wait3A_50 = arith.constant 0 : i32
    %dma_wait3A_51 = tpu.memref_slice %arg6[%dma_wait3A_49, %dma_wait3A_50] : memref<40x128xi32, #tpu.memory_space<vmem>> -> memref<1x128xi32, #tpu.memory_space<vmem>>
    %dma_wait3A_52 = tpu.memref_squeeze %dma_wait3A_51 : memref<1x128xi32, #tpu.memory_space<vmem>> -> memref<128xi32, #tpu.memory_space<vmem>>
    %dma_wait3A_53 = arith.constant 0 : i32
    %dma_wait3A_54 = arith.constant 0 : i32
    %dma_wait3A_55 = tpu.memref_slice %arg2[%dma_wait3A_53, %dma_wait3A_54] : memref<10240x128xf32, #tpu.memory_space<hbm>> -> memref<10240x128xf32, #tpu.memory_space<hbm>>
    tpu.wait_indirect_dma semaphore(%arg11 : memref<!tpu.dma_semaphore, #tpu.memory_space<semaphore_mem>>) src(%dma_wait3A_55 : memref<10240x128xf32, #tpu.memory_space<hbm>>) dst(%arg8 : memref<128x128xf32, #tpu.memory_space<vmem>>)
    %run_scoped3A_56 = arith.constant 38 : i32
    "tpu.region"() ({
      %run_scoped3A_78 = tpu.sem_alloc : memref<!tpu.dma_semaphore, #tpu.memory_space<semaphore_mem>>
      %dma_start3A_79 = arith.constant 0 : i32
      %dma_start3A_80 = tpu.memref_slice %arg7[%run_scoped3A_56, %dma_start3A_79] : memref<40x128xi32, #tpu.memory_space<vmem>> -> memref<1x128xi32, #tpu.memory_space<vmem>>
      %dma_start3A_81 = tpu.memref_squeeze %dma_start3A_80 : memref<1x128xi32, #tpu.memory_space<vmem>> -> memref<128xi32, #tpu.memory_space<vmem>>
      %dma_start3A_82 = arith.constant 0 : i32
      %dma_start3A_83 = arith.constant 0 : i32
      %dma_start3A_84 = tpu.memref_slice %arg10[%dma_start3A_82, %dma_start3A_83] : memref<10240x128xf32, #tpu.memory_space<vmem_shared>> -> memref<10240x128xf32, #tpu.memory_space<vmem_shared>>
      tpu.enqueue_indirect_dma source(%arg8 : memref<128x128xf32, #tpu.memory_space<vmem>>) target(%dma_start3A_84 : memref<10240x128xf32, #tpu.memory_space<vmem_shared>>) offsets(%dma_start3A_81 : memref<128xi32, #tpu.memory_space<vmem>>) semaphore(%run_scoped3A_78 : memref<!tpu.dma_semaphore, #tpu.memory_space<semaphore_mem>>) {add = true}
      %dma_wait3A_85 = arith.constant 0 : i32
      %dma_wait3A_86 = tpu.memref_slice %arg7[%run_scoped3A_56, %dma_wait3A_85] : memref<40x128xi32, #tpu.memory_space<vmem>> -> memref<1x128xi32, #tpu.memory_space<vmem>>
      %dma_wait3A_87 = tpu.memref_squeeze %dma_wait3A_86 : memref<1x128xi32, #tpu.memory_space<vmem>> -> memref<128xi32, #tpu.memory_space<vmem>>
      %dma_wait3A_88 = arith.constant 0 : i32
      %dma_wait3A_89 = arith.constant 0 : i32
      %dma_wait3A_90 = tpu.memref_slice %arg10[%dma_wait3A_88, %dma_wait3A_89] : memref<10240x128xf32, #tpu.memory_space<vmem_shared>> -> memref<10240x128xf32, #tpu.memory_space<vmem_shared>>
      tpu.wait_indirect_dma semaphore(%run_scoped3A_78 : memref<!tpu.dma_semaphore, #tpu.memory_space<semaphore_mem>>) src(%arg8 : memref<128x128xf32, #tpu.memory_space<vmem>>) dst(%dma_wait3A_90 : memref<10240x128xf32, #tpu.memory_space<vmem_shared>>)
      tpu.yield
    }) : () -> ()
    %barrier3A_57 = arith.constant 0 : index
    tpu.barrier barrier_id(%barrier3A_57)
    %add3A_58 = arith.constant 0 : i32
    %add3A_59 = arith.addi %mul3A_2, %add3A_58 : i32
    "tpu.region"() ({
      %run_scoped3A_78 = tpu.sem_alloc : memref<!tpu.dma_semaphore, #tpu.memory_space<semaphore_mem>>
      %dma_start3A_79 = arith.constant 0 : i32
      %dma_start3A_80 = arith.constant 0 : i32
      %dma_start3A_81 = tpu.memref_slice %arg8[%dma_start3A_79, %dma_start3A_80] : memref<128x128xf32, #tpu.memory_space<vmem>> -> memref<128x128xf32, #tpu.memory_space<vmem>>
      %dma_start3A_82 = arith.constant 0 : i32
      %dma_start3A_83 = tpu.memref_slice %arg10[%add3A_59, %dma_start3A_82] : memref<10240x128xf32, #tpu.memory_space<vmem_shared>> -> memref<128x128xf32, #tpu.memory_space<vmem_shared>>
      %dma_start3A_84 = arith.constant 0 : i32
      %dma_start3A_85 = arith.constant 0 : i32
      %dma_start3A_86 = tpu.memref_slice %arg8[%dma_start3A_84, %dma_start3A_85] : memref<128x128xf32, #tpu.memory_space<vmem>> -> memref<128x128xf32, #tpu.memory_space<vmem>>
      %dma_start3A_87 = arith.constant 0 : i32
      %dma_start3A_88 = tpu.memref_slice %arg10[%add3A_59, %dma_start3A_87] : memref<10240x128xf32, #tpu.memory_space<vmem_shared>> -> memref<128x128xf32, #tpu.memory_space<vmem_shared>>
      tpu.enqueue_dma source(%dma_start3A_88 : memref<128x128xf32, #tpu.memory_space<vmem_shared>>) target(%dma_start3A_86 : memref<128x128xf32, #tpu.memory_space<vmem>>) target_semaphore(%run_scoped3A_78 : memref<!tpu.dma_semaphore, #tpu.memory_space<semaphore_mem>>)
      %dma_wait3A_89 = arith.constant 0 : i32
      %dma_wait3A_90 = arith.constant 0 : i32
      %dma_wait3A_91 = tpu.memref_slice %arg8[%dma_wait3A_89, %dma_wait3A_90] : memref<128x128xf32, #tpu.memory_space<vmem>> -> memref<128x128xf32, #tpu.memory_space<vmem>>
      %dma_wait3A_92 = arith.constant 0 : i32
      %dma_wait3A_93 = tpu.memref_slice %arg10[%add3A_59, %dma_wait3A_92] : memref<10240x128xf32, #tpu.memory_space<vmem_shared>> -> memref<128x128xf32, #tpu.memory_space<vmem_shared>>
      %dma_wait3A_94 = arith.constant 0 : i32
      %dma_wait3A_95 = arith.constant 0 : i32
      %dma_wait3A_96 = tpu.memref_slice %arg8[%dma_wait3A_94, %dma_wait3A_95] : memref<128x128xf32, #tpu.memory_space<vmem>> -> memref<128x128xf32, #tpu.memory_space<vmem>>
      %dma_wait3A_97 = arith.constant 0 : i32
      %dma_wait3A_98 = tpu.memref_slice %arg10[%add3A_59, %dma_wait3A_97] : memref<10240x128xf32, #tpu.memory_space<vmem_shared>> -> memref<128x128xf32, #tpu.memory_space<vmem_shared>>
      tpu.wait_dma2 semaphore(%run_scoped3A_78 : memref<!tpu.dma_semaphore, #tpu.memory_space<semaphore_mem>>) src(%dma_wait3A_98 : memref<128x128xf32, #tpu.memory_space<vmem_shared>>) dst(%dma_wait3A_96 : memref<128x128xf32, #tpu.memory_space<vmem>>)
      tpu.yield
    }) : () -> ()
    %add3A_60 = arith.constant 0 : i32
    %add3A_61 = arith.addi %mul3A_2, %add3A_60 : i32
    "tpu.region"() ({
      %run_scoped3A_78 = tpu.sem_alloc : memref<!tpu.dma_semaphore, #tpu.memory_space<semaphore_mem>>
      %dma_start3A_79 = arith.constant 0 : i32
      %dma_start3A_80 = arith.constant 0 : i32
      %dma_start3A_81 = tpu.memref_slice %arg8[%dma_start3A_79, %dma_start3A_80] : memref<128x128xf32, #tpu.memory_space<vmem>> -> memref<128x128xf32, #tpu.memory_space<vmem>>
      %dma_start3A_82 = arith.constant 0 : i32
      %dma_start3A_83 = tpu.memref_slice %arg5[%arg0, %add3A_61, %dma_start3A_82] : memref<2x10240x128xf32, #tpu.memory_space<hbm>> -> memref<1x128x128xf32, #tpu.memory_space<hbm>>
      %dma_start3A_84 = tpu.memref_squeeze %dma_start3A_83 : memref<1x128x128xf32, #tpu.memory_space<hbm>> -> memref<128x128xf32, #tpu.memory_space<hbm>>
      %dma_start3A_85 = arith.constant 0 : i32
      %dma_start3A_86 = tpu.memref_slice %arg5[%arg0, %add3A_61, %dma_start3A_85] : memref<2x10240x128xf32, #tpu.memory_space<hbm>> -> memref<1x128x128xf32, #tpu.memory_space<hbm>>
      %dma_start3A_87 = tpu.memref_squeeze %dma_start3A_86 : memref<1x128x128xf32, #tpu.memory_space<hbm>> -> memref<128x128xf32, #tpu.memory_space<hbm>>
      %dma_start3A_88 = arith.constant 0 : i32
      %dma_start3A_89 = arith.constant 0 : i32
      %dma_start3A_90 = tpu.memref_slice %arg8[%dma_start3A_88, %dma_start3A_89] : memref<128x128xf32, #tpu.memory_space<vmem>> -> memref<128x128xf32, #tpu.memory_space<vmem>>
      tpu.enqueue_dma source(%dma_start3A_90 : memref<128x128xf32, #tpu.memory_space<vmem>>) target(%dma_start3A_87 : memref<128x128xf32, #tpu.memory_space<hbm>>) target_semaphore(%run_scoped3A_78 : memref<!tpu.dma_semaphore, #tpu.memory_space<semaphore_mem>>)
      %dma_wait3A_91 = arith.constant 0 : i32
      %dma_wait3A_92 = arith.constant 0 : i32
      %dma_wait3A_93 = tpu.memref_slice %arg8[%dma_wait3A_91, %dma_wait3A_92] : memref<128x128xf32, #tpu.memory_space<vmem>> -> memref<128x128xf32, #tpu.memory_space<vmem>>
      %dma_wait3A_94 = arith.constant 0 : i32
      %dma_wait3A_95 = tpu.memref_slice %arg5[%arg0, %add3A_61, %dma_wait3A_94] : memref<2x10240x128xf32, #tpu.memory_space<hbm>> -> memref<1x128x128xf32, #tpu.memory_space<hbm>>
      %dma_wait3A_96 = tpu.memref_squeeze %dma_wait3A_95 : memref<1x128x128xf32, #tpu.memory_space<hbm>> -> memref<128x128xf32, #tpu.memory_space<hbm>>
      %dma_wait3A_97 = arith.constant 0 : i32
      %dma_wait3A_98 = tpu.memref_slice %arg5[%arg0, %add3A_61, %dma_wait3A_97] : memref<2x10240x128xf32, #tpu.memory_space<hbm>> -> memref<1x128x128xf32, #tpu.memory_space<hbm>>
      %dma_wait3A_99 = tpu.memref_squeeze %dma_wait3A_98 : memref<1x128x128xf32, #tpu.memory_space<hbm>> -> memref<128x128xf32, #tpu.memory_space<hbm>>
      %dma_wait3A_100 = arith.constant 0 : i32
      %dma_wait3A_101 = arith.constant 0 : i32
      %dma_wait3A_102 = tpu.memref_slice %arg8[%dma_wait3A_100, %dma_wait3A_101] : memref<128x128xf32, #tpu.memory_space<vmem>> -> memref<128x128xf32, #tpu.memory_space<vmem>>
      tpu.wait_dma2 semaphore(%run_scoped3A_78 : memref<!tpu.dma_semaphore, #tpu.memory_space<semaphore_mem>>) src(%dma_wait3A_102 : memref<128x128xf32, #tpu.memory_space<vmem>>) dst(%dma_wait3A_99 : memref<128x128xf32, #tpu.memory_space<hbm>>)
      tpu.yield
    }) : () -> ()
    %add3A_62 = arith.constant 128 : i32
    %add3A_63 = arith.addi %mul3A_2, %add3A_62 : i32
    "tpu.region"() ({
      %run_scoped3A_78 = tpu.sem_alloc : memref<!tpu.dma_semaphore, #tpu.memory_space<semaphore_mem>>
      %dma_start3A_79 = arith.constant 0 : i32
      %dma_start3A_80 = arith.constant 0 : i32
      %dma_start3A_81 = tpu.memref_slice %arg8[%dma_start3A_79, %dma_start3A_80] : memref<128x128xf32, #tpu.memory_space<vmem>> -> memref<128x128xf32, #tpu.memory_space<vmem>>
      %dma_start3A_82 = arith.constant 0 : i32
      %dma_start3A_83 = tpu.memref_slice %arg10[%add3A_63, %dma_start3A_82] : memref<10240x128xf32, #tpu.memory_space<vmem_shared>> -> memref<128x128xf32, #tpu.memory_space<vmem_shared>>
      %dma_start3A_84 = arith.constant 0 : i32
      %dma_start3A_85 = arith.constant 0 : i32
      %dma_start3A_86 = tpu.memref_slice %arg8[%dma_start3A_84, %dma_start3A_85] : memref<128x128xf32, #tpu.memory_space<vmem>> -> memref<128x128xf32, #tpu.memory_space<vmem>>
      %dma_start3A_87 = arith.constant 0 : i32
      %dma_start3A_88 = tpu.memref_slice %arg10[%add3A_63, %dma_start3A_87] : memref<10240x128xf32, #tpu.memory_space<vmem_shared>> -> memref<128x128xf32, #tpu.memory_space<vmem_shared>>
      tpu.enqueue_dma source(%dma_start3A_88 : memref<128x128xf32, #tpu.memory_space<vmem_shared>>) target(%dma_start3A_86 : memref<128x128xf32, #tpu.memory_space<vmem>>) target_semaphore(%run_scoped3A_78 : memref<!tpu.dma_semaphore, #tpu.memory_space<semaphore_mem>>)
      %dma_wait3A_89 = arith.constant 0 : i32
      %dma_wait3A_90 = arith.constant 0 : i32
      %dma_wait3A_91 = tpu.memref_slice %arg8[%dma_wait3A_89, %dma_wait3A_90] : memref<128x128xf32, #tpu.memory_space<vmem>> -> memref<128x128xf32, #tpu.memory_space<vmem>>
      %dma_wait3A_92 = arith.constant 0 : i32
      %dma_wait3A_93 = tpu.memref_slice %arg10[%add3A_63, %dma_wait3A_92] : memref<10240x128xf32, #tpu.memory_space<vmem_shared>> -> memref<128x128xf32, #tpu.memory_space<vmem_shared>>
      %dma_wait3A_94 = arith.constant 0 : i32
      %dma_wait3A_95 = arith.constant 0 : i32
      %dma_wait3A_96 = tpu.memref_slice %arg8[%dma_wait3A_94, %dma_wait3A_95] : memref<128x128xf32, #tpu.memory_space<vmem>> -> memref<128x128xf32, #tpu.memory_space<vmem>>
      %dma_wait3A_97 = arith.constant 0 : i32
      %dma_wait3A_98 = tpu.memref_slice %arg10[%add3A_63, %dma_wait3A_97] : memref<10240x128xf32, #tpu.memory_space<vmem_shared>> -> memref<128x128xf32, #tpu.memory_space<vmem_shared>>
      tpu.wait_dma2 semaphore(%run_scoped3A_78 : memref<!tpu.dma_semaphore, #tpu.memory_space<semaphore_mem>>) src(%dma_wait3A_98 : memref<128x128xf32, #tpu.memory_space<vmem_shared>>) dst(%dma_wait3A_96 : memref<128x128xf32, #tpu.memory_space<vmem>>)
      tpu.yield
    }) : () -> ()
    %add3A_64 = arith.constant 128 : i32
    %add3A_65 = arith.addi %mul3A_2, %add3A_64 : i32
    "tpu.region"() ({
      %run_scoped3A_78 = tpu.sem_alloc : memref<!tpu.dma_semaphore, #tpu.memory_space<semaphore_mem>>
      %dma_start3A_79 = arith.constant 0 : i32
      %dma_start3A_80 = arith.constant 0 : i32
      %dma_start3A_81 = tpu.memref_slice %arg8[%dma_start3A_79, %dma_start3A_80] : memref<128x128xf32, #tpu.memory_space<vmem>> -> memref<128x128xf32, #tpu.memory_space<vmem>>
      %dma_start3A_82 = arith.constant 0 : i32
      %dma_start3A_83 = tpu.memref_slice %arg5[%arg0, %add3A_65, %dma_start3A_82] : memref<2x10240x128xf32, #tpu.memory_space<hbm>> -> memref<1x128x128xf32, #tpu.memory_space<hbm>>
      %dma_start3A_84 = tpu.memref_squeeze %dma_start3A_83 : memref<1x128x128xf32, #tpu.memory_space<hbm>> -> memref<128x128xf32, #tpu.memory_space<hbm>>
      %dma_start3A_85 = arith.constant 0 : i32
      %dma_start3A_86 = tpu.memref_slice %arg5[%arg0, %add3A_65, %dma_start3A_85] : memref<2x10240x128xf32, #tpu.memory_space<hbm>> -> memref<1x128x128xf32, #tpu.memory_space<hbm>>
      %dma_start3A_87 = tpu.memref_squeeze %dma_start3A_86 : memref<1x128x128xf32, #tpu.memory_space<hbm>> -> memref<128x128xf32, #tpu.memory_space<hbm>>
      %dma_start3A_88 = arith.constant 0 : i32
      %dma_start3A_89 = arith.constant 0 : i32
      %dma_start3A_90 = tpu.memref_slice %arg8[%dma_start3A_88, %dma_start3A_89] : memref<128x128xf32, #tpu.memory_space<vmem>> -> memref<128x128xf32, #tpu.memory_space<vmem>>
      tpu.enqueue_dma source(%dma_start3A_90 : memref<128x128xf32, #tpu.memory_space<vmem>>) target(%dma_start3A_87 : memref<128x128xf32, #tpu.memory_space<hbm>>) target_semaphore(%run_scoped3A_78 : memref<!tpu.dma_semaphore, #tpu.memory_space<semaphore_mem>>)
      %dma_wait3A_91 = arith.constant 0 : i32
      %dma_wait3A_92 = arith.constant 0 : i32
      %dma_wait3A_93 = tpu.memref_slice %arg8[%dma_wait3A_91, %dma_wait3A_92] : memref<128x128xf32, #tpu.memory_space<vmem>> -> memref<128x128xf32, #tpu.memory_space<vmem>>
      %dma_wait3A_94 = arith.constant 0 : i32
      %dma_wait3A_95 = tpu.memref_slice %arg5[%arg0, %add3A_65, %dma_wait3A_94] : memref<2x10240x128xf32, #tpu.memory_space<hbm>> -> memref<1x128x128xf32, #tpu.memory_space<hbm>>
      %dma_wait3A_96 = tpu.memref_squeeze %dma_wait3A_95 : memref<1x128x128xf32, #tpu.memory_space<hbm>> -> memref<128x128xf32, #tpu.memory_space<hbm>>
      %dma_wait3A_97 = arith.constant 0 : i32
      %dma_wait3A_98 = tpu.memref_slice %arg5[%arg0, %add3A_65, %dma_wait3A_97] : memref<2x10240x128xf32, #tpu.memory_space<hbm>> -> memref<1x128x128xf32, #tpu.memory_space<hbm>>
      %dma_wait3A_99 = tpu.memref_squeeze %dma_wait3A_98 : memref<1x128x128xf32, #tpu.memory_space<hbm>> -> memref<128x128xf32, #tpu.memory_space<hbm>>
      %dma_wait3A_100 = arith.constant 0 : i32
      %dma_wait3A_101 = arith.constant 0 : i32
      %dma_wait3A_102 = tpu.memref_slice %arg8[%dma_wait3A_100, %dma_wait3A_101] : memref<128x128xf32, #tpu.memory_space<vmem>> -> memref<128x128xf32, #tpu.memory_space<vmem>>
      tpu.wait_dma2 semaphore(%run_scoped3A_78 : memref<!tpu.dma_semaphore, #tpu.memory_space<semaphore_mem>>) src(%dma_wait3A_102 : memref<128x128xf32, #tpu.memory_space<vmem>>) dst(%dma_wait3A_99 : memref<128x128xf32, #tpu.memory_space<hbm>>)
      tpu.yield
    }) : () -> ()
    %add3A_66 = arith.constant 256 : i32
    %add3A_67 = arith.addi %mul3A_2, %add3A_66 : i32
    "tpu.region"() ({
      %run_scoped3A_78 = tpu.sem_alloc : memref<!tpu.dma_semaphore, #tpu.memory_space<semaphore_mem>>
      %dma_start3A_79 = arith.constant 0 : i32
      %dma_start3A_80 = arith.constant 0 : i32
      %dma_start3A_81 = tpu.memref_slice %arg8[%dma_start3A_79, %dma_start3A_80] : memref<128x128xf32, #tpu.memory_space<vmem>> -> memref<128x128xf32, #tpu.memory_space<vmem>>
      %dma_start3A_82 = arith.constant 0 : i32
      %dma_start3A_83 = tpu.memref_slice %arg10[%add3A_67, %dma_start3A_82] : memref<10240x128xf32, #tpu.memory_space<vmem_shared>> -> memref<128x128xf32, #tpu.memory_space<vmem_shared>>
      %dma_start3A_84 = arith.constant 0 : i32
      %dma_start3A_85 = arith.constant 0 : i32
      %dma_start3A_86 = tpu.memref_slice %arg8[%dma_start3A_84, %dma_start3A_85] : memref<128x128xf32, #tpu.memory_space<vmem>> -> memref<128x128xf32, #tpu.memory_space<vmem>>
      %dma_start3A_87 = arith.constant 0 : i32
      %dma_start3A_88 = tpu.memref_slice %arg10[%add3A_67, %dma_start3A_87] : memref<10240x128xf32, #tpu.memory_space<vmem_shared>> -> memref<128x128xf32, #tpu.memory_space<vmem_shared>>
      tpu.enqueue_dma source(%dma_start3A_88 : memref<128x128xf32, #tpu.memory_space<vmem_shared>>) target(%dma_start3A_86 : memref<128x128xf32, #tpu.memory_space<vmem>>) target_semaphore(%run_scoped3A_78 : memref<!tpu.dma_semaphore, #tpu.memory_space<semaphore_mem>>)
      %dma_wait3A_89 = arith.constant 0 : i32
      %dma_wait3A_90 = arith.constant 0 : i32
      %dma_wait3A_91 = tpu.memref_slice %arg8[%dma_wait3A_89, %dma_wait3A_90] : memref<128x128xf32, #tpu.memory_space<vmem>> -> memref<128x128xf32, #tpu.memory_space<vmem>>
      %dma_wait3A_92 = arith.constant 0 : i32
      %dma_wait3A_93 = tpu.memref_slice %arg10[%add3A_67, %dma_wait3A_92] : memref<10240x128xf32, #tpu.memory_space<vmem_shared>> -> memref<128x128xf32, #tpu.memory_space<vmem_shared>>
      %dma_wait3A_94 = arith.constant 0 : i32
      %dma_wait3A_95 = arith.constant 0 : i32
      %dma_wait3A_96 = tpu.memref_slice %arg8[%dma_wait3A_94, %dma_wait3A_95] : memref<128x128xf32, #tpu.memory_space<vmem>> -> memref<128x128xf32, #tpu.memory_space<vmem>>
      %dma_wait3A_97 = arith.constant 0 : i32
      %dma_wait3A_98 = tpu.memref_slice %arg10[%add3A_67, %dma_wait3A_97] : memref<10240x128xf32, #tpu.memory_space<vmem_shared>> -> memref<128x128xf32, #tpu.memory_space<vmem_shared>>
      tpu.wait_dma2 semaphore(%run_scoped3A_78 : memref<!tpu.dma_semaphore, #tpu.memory_space<semaphore_mem>>) src(%dma_wait3A_98 : memref<128x128xf32, #tpu.memory_space<vmem_shared>>) dst(%dma_wait3A_96 : memref<128x128xf32, #tpu.memory_space<vmem>>)
      tpu.yield
    }) : () -> ()
    %add3A_68 = arith.constant 256 : i32
    %add3A_69 = arith.addi %mul3A_2, %add3A_68 : i32
    "tpu.region"() ({
      %run_scoped3A_78 = tpu.sem_alloc : memref<!tpu.dma_semaphore, #tpu.memory_space<semaphore_mem>>
      %dma_start3A_79 = arith.constant 0 : i32
      %dma_start3A_80 = arith.constant 0 : i32
      %dma_start3A_81 = tpu.memref_slice %arg8[%dma_start3A_79, %dma_start3A_80] : memref<128x128xf32, #tpu.memory_space<vmem>> -> memref<128x128xf32, #tpu.memory_space<vmem>>
      %dma_start3A_82 = arith.constant 0 : i32
      %dma_start3A_83 = tpu.memref_slice %arg5[%arg0, %add3A_69, %dma_start3A_82] : memref<2x10240x128xf32, #tpu.memory_space<hbm>> -> memref<1x128x128xf32, #tpu.memory_space<hbm>>
      %dma_start3A_84 = tpu.memref_squeeze %dma_start3A_83 : memref<1x128x128xf32, #tpu.memory_space<hbm>> -> memref<128x128xf32, #tpu.memory_space<hbm>>
      %dma_start3A_85 = arith.constant 0 : i32
      %dma_start3A_86 = tpu.memref_slice %arg5[%arg0, %add3A_69, %dma_start3A_85] : memref<2x10240x128xf32, #tpu.memory_space<hbm>> -> memref<1x128x128xf32, #tpu.memory_space<hbm>>
      %dma_start3A_87 = tpu.memref_squeeze %dma_start3A_86 : memref<1x128x128xf32, #tpu.memory_space<hbm>> -> memref<128x128xf32, #tpu.memory_space<hbm>>
      %dma_start3A_88 = arith.constant 0 : i32
      %dma_start3A_89 = arith.constant 0 : i32
      %dma_start3A_90 = tpu.memref_slice %arg8[%dma_start3A_88, %dma_start3A_89] : memref<128x128xf32, #tpu.memory_space<vmem>> -> memref<128x128xf32, #tpu.memory_space<vmem>>
      tpu.enqueue_dma source(%dma_start3A_90 : memref<128x128xf32, #tpu.memory_space<vmem>>) target(%dma_start3A_87 : memref<128x128xf32, #tpu.memory_space<hbm>>) target_semaphore(%run_scoped3A_78 : memref<!tpu.dma_semaphore, #tpu.memory_space<semaphore_mem>>)
      %dma_wait3A_91 = arith.constant 0 : i32
      %dma_wait3A_92 = arith.constant 0 : i32
      %dma_wait3A_93 = tpu.memref_slice %arg8[%dma_wait3A_91, %dma_wait3A_92] : memref<128x128xf32, #tpu.memory_space<vmem>> -> memref<128x128xf32, #tpu.memory_space<vmem>>
      %dma_wait3A_94 = arith.constant 0 : i32
      %dma_wait3A_95 = tpu.memref_slice %arg5[%arg0, %add3A_69, %dma_wait3A_94] : memref<2x10240x128xf32, #tpu.memory_space<hbm>> -> memref<1x128x128xf32, #tpu.memory_space<hbm>>
      %dma_wait3A_96 = tpu.memref_squeeze %dma_wait3A_95 : memref<1x128x128xf32, #tpu.memory_space<hbm>> -> memref<128x128xf32, #tpu.memory_space<hbm>>
      %dma_wait3A_97 = arith.constant 0 : i32
      %dma_wait3A_98 = tpu.memref_slice %arg5[%arg0, %add3A_69, %dma_wait3A_97] : memref<2x10240x128xf32, #tpu.memory_space<hbm>> -> memref<1x128x128xf32, #tpu.memory_space<hbm>>
      %dma_wait3A_99 = tpu.memref_squeeze %dma_wait3A_98 : memref<1x128x128xf32, #tpu.memory_space<hbm>> -> memref<128x128xf32, #tpu.memory_space<hbm>>
      %dma_wait3A_100 = arith.constant 0 : i32
      %dma_wait3A_101 = arith.constant 0 : i32
      %dma_wait3A_102 = tpu.memref_slice %arg8[%dma_wait3A_100, %dma_wait3A_101] : memref<128x128xf32, #tpu.memory_space<vmem>> -> memref<128x128xf32, #tpu.memory_space<vmem>>
      tpu.wait_dma2 semaphore(%run_scoped3A_78 : memref<!tpu.dma_semaphore, #tpu.memory_space<semaphore_mem>>) src(%dma_wait3A_102 : memref<128x128xf32, #tpu.memory_space<vmem>>) dst(%dma_wait3A_99 : memref<128x128xf32, #tpu.memory_space<hbm>>)
      tpu.yield
    }) : () -> ()
    %add3A_70 = arith.constant 384 : i32
    %add3A_71 = arith.addi %mul3A_2, %add3A_70 : i32
    "tpu.region"() ({
      %run_scoped3A_78 = tpu.sem_alloc : memref<!tpu.dma_semaphore, #tpu.memory_space<semaphore_mem>>
      %dma_start3A_79 = arith.constant 0 : i32
      %dma_start3A_80 = arith.constant 0 : i32
      %dma_start3A_81 = tpu.memref_slice %arg8[%dma_start3A_79, %dma_start3A_80] : memref<128x128xf32, #tpu.memory_space<vmem>> -> memref<128x128xf32, #tpu.memory_space<vmem>>
      %dma_start3A_82 = arith.constant 0 : i32
      %dma_start3A_83 = tpu.memref_slice %arg10[%add3A_71, %dma_start3A_82] : memref<10240x128xf32, #tpu.memory_space<vmem_shared>> -> memref<128x128xf32, #tpu.memory_space<vmem_shared>>
      %dma_start3A_84 = arith.constant 0 : i32
      %dma_start3A_85 = arith.constant 0 : i32
      %dma_start3A_86 = tpu.memref_slice %arg8[%dma_start3A_84, %dma_start3A_85] : memref<128x128xf32, #tpu.memory_space<vmem>> -> memref<128x128xf32, #tpu.memory_space<vmem>>
      %dma_start3A_87 = arith.constant 0 : i32
      %dma_start3A_88 = tpu.memref_slice %arg10[%add3A_71, %dma_start3A_87] : memref<10240x128xf32, #tpu.memory_space<vmem_shared>> -> memref<128x128xf32, #tpu.memory_space<vmem_shared>>
      tpu.enqueue_dma source(%dma_start3A_88 : memref<128x128xf32, #tpu.memory_space<vmem_shared>>) target(%dma_start3A_86 : memref<128x128xf32, #tpu.memory_space<vmem>>) target_semaphore(%run_scoped3A_78 : memref<!tpu.dma_semaphore, #tpu.memory_space<semaphore_mem>>)
      %dma_wait3A_89 = arith.constant 0 : i32
      %dma_wait3A_90 = arith.constant 0 : i32
      %dma_wait3A_91 = tpu.memref_slice %arg8[%dma_wait3A_89, %dma_wait3A_90] : memref<128x128xf32, #tpu.memory_space<vmem>> -> memref<128x128xf32, #tpu.memory_space<vmem>>
      %dma_wait3A_92 = arith.constant 0 : i32
      %dma_wait3A_93 = tpu.memref_slice %arg10[%add3A_71, %dma_wait3A_92] : memref<10240x128xf32, #tpu.memory_space<vmem_shared>> -> memref<128x128xf32, #tpu.memory_space<vmem_shared>>
      %dma_wait3A_94 = arith.constant 0 : i32
      %dma_wait3A_95 = arith.constant 0 : i32
      %dma_wait3A_96 = tpu.memref_slice %arg8[%dma_wait3A_94, %dma_wait3A_95] : memref<128x128xf32, #tpu.memory_space<vmem>> -> memref<128x128xf32, #tpu.memory_space<vmem>>
      %dma_wait3A_97 = arith.constant 0 : i32
      %dma_wait3A_98 = tpu.memref_slice %arg10[%add3A_71, %dma_wait3A_97] : memref<10240x128xf32, #tpu.memory_space<vmem_shared>> -> memref<128x128xf32, #tpu.memory_space<vmem_shared>>
      tpu.wait_dma2 semaphore(%run_scoped3A_78 : memref<!tpu.dma_semaphore, #tpu.memory_space<semaphore_mem>>) src(%dma_wait3A_98 : memref<128x128xf32, #tpu.memory_space<vmem_shared>>) dst(%dma_wait3A_96 : memref<128x128xf32, #tpu.memory_space<vmem>>)
      tpu.yield
    }) : () -> ()
    %add3A_72 = arith.constant 384 : i32
    %add3A_73 = arith.addi %mul3A_2, %add3A_72 : i32
    "tpu.region"() ({
      %run_scoped3A_78 = tpu.sem_alloc : memref<!tpu.dma_semaphore, #tpu.memory_space<semaphore_mem>>
      %dma_start3A_79 = arith.constant 0 : i32
      %dma_start3A_80 = arith.constant 0 : i32
      %dma_start3A_81 = tpu.memref_slice %arg8[%dma_start3A_79, %dma_start3A_80] : memref<128x128xf32, #tpu.memory_space<vmem>> -> memref<128x128xf32, #tpu.memory_space<vmem>>
      %dma_start3A_82 = arith.constant 0 : i32
      %dma_start3A_83 = tpu.memref_slice %arg5[%arg0, %add3A_73, %dma_start3A_82] : memref<2x10240x128xf32, #tpu.memory_space<hbm>> -> memref<1x128x128xf32, #tpu.memory_space<hbm>>
      %dma_start3A_84 = tpu.memref_squeeze %dma_start3A_83 : memref<1x128x128xf32, #tpu.memory_space<hbm>> -> memref<128x128xf32, #tpu.memory_space<hbm>>
      %dma_start3A_85 = arith.constant 0 : i32
      %dma_start3A_86 = tpu.memref_slice %arg5[%arg0, %add3A_73, %dma_start3A_85] : memref<2x10240x128xf32, #tpu.memory_space<hbm>> -> memref<1x128x128xf32, #tpu.memory_space<hbm>>
      %dma_start3A_87 = tpu.memref_squeeze %dma_start3A_86 : memref<1x128x128xf32, #tpu.memory_space<hbm>> -> memref<128x128xf32, #tpu.memory_space<hbm>>
      %dma_start3A_88 = arith.constant 0 : i32
      %dma_start3A_89 = arith.constant 0 : i32
      %dma_start3A_90 = tpu.memref_slice %arg8[%dma_start3A_88, %dma_start3A_89] : memref<128x128xf32, #tpu.memory_space<vmem>> -> memref<128x128xf32, #tpu.memory_space<vmem>>
      tpu.enqueue_dma source(%dma_start3A_90 : memref<128x128xf32, #tpu.memory_space<vmem>>) target(%dma_start3A_87 : memref<128x128xf32, #tpu.memory_space<hbm>>) target_semaphore(%run_scoped3A_78 : memref<!tpu.dma_semaphore, #tpu.memory_space<semaphore_mem>>)
      %dma_wait3A_91 = arith.constant 0 : i32
      %dma_wait3A_92 = arith.constant 0 : i32
      %dma_wait3A_93 = tpu.memref_slice %arg8[%dma_wait3A_91, %dma_wait3A_92] : memref<128x128xf32, #tpu.memory_space<vmem>> -> memref<128x128xf32, #tpu.memory_space<vmem>>
      %dma_wait3A_94 = arith.constant 0 : i32
      %dma_wait3A_95 = tpu.memref_slice %arg5[%arg0, %add3A_73, %dma_wait3A_94] : memref<2x10240x128xf32, #tpu.memory_space<hbm>> -> memref<1x128x128xf32, #tpu.memory_space<hbm>>
      %dma_wait3A_96 = tpu.memref_squeeze %dma_wait3A_95 : memref<1x128x128xf32, #tpu.memory_space<hbm>> -> memref<128x128xf32, #tpu.memory_space<hbm>>
      %dma_wait3A_97 = arith.constant 0 : i32
      %dma_wait3A_98 = tpu.memref_slice %arg5[%arg0, %add3A_73, %dma_wait3A_97] : memref<2x10240x128xf32, #tpu.memory_space<hbm>> -> memref<1x128x128xf32, #tpu.memory_space<hbm>>
      %dma_wait3A_99 = tpu.memref_squeeze %dma_wait3A_98 : memref<1x128x128xf32, #tpu.memory_space<hbm>> -> memref<128x128xf32, #tpu.memory_space<hbm>>
      %dma_wait3A_100 = arith.constant 0 : i32
      %dma_wait3A_101 = arith.constant 0 : i32
      %dma_wait3A_102 = tpu.memref_slice %arg8[%dma_wait3A_100, %dma_wait3A_101] : memref<128x128xf32, #tpu.memory_space<vmem>> -> memref<128x128xf32, #tpu.memory_space<vmem>>
      tpu.wait_dma2 semaphore(%run_scoped3A_78 : memref<!tpu.dma_semaphore, #tpu.memory_space<semaphore_mem>>) src(%dma_wait3A_102 : memref<128x128xf32, #tpu.memory_space<vmem>>) dst(%dma_wait3A_99 : memref<128x128xf32, #tpu.memory_space<hbm>>)
      tpu.yield
    }) : () -> ()
    %add3A_74 = arith.constant 512 : i32
    %add3A_75 = arith.addi %mul3A_2, %add3A_74 : i32
    "tpu.region"() ({
      %run_scoped3A_78 = tpu.sem_alloc : memref<!tpu.dma_semaphore, #tpu.memory_space<semaphore_mem>>
      %dma_start3A_79 = arith.constant 0 : i32
      %dma_start3A_80 = arith.constant 0 : i32
      %dma_start3A_81 = tpu.memref_slice %arg8[%dma_start3A_79, %dma_start3A_80] : memref<128x128xf32, #tpu.memory_space<vmem>> -> memref<128x128xf32, #tpu.memory_space<vmem>>
      %dma_start3A_82 = arith.constant 0 : i32
      %dma_start3A_83 = tpu.memref_slice %arg10[%add3A_75, %dma_start3A_82] : memref<10240x128xf32, #tpu.memory_space<vmem_shared>> -> memref<128x128xf32, #tpu.memory_space<vmem_shared>>
      %dma_start3A_84 = arith.constant 0 : i32
      %dma_start3A_85 = arith.constant 0 : i32
      %dma_start3A_86 = tpu.memref_slice %arg8[%dma_start3A_84, %dma_start3A_85] : memref<128x128xf32, #tpu.memory_space<vmem>> -> memref<128x128xf32, #tpu.memory_space<vmem>>
      %dma_start3A_87 = arith.constant 0 : i32
      %dma_start3A_88 = tpu.memref_slice %arg10[%add3A_75, %dma_start3A_87] : memref<10240x128xf32, #tpu.memory_space<vmem_shared>> -> memref<128x128xf32, #tpu.memory_space<vmem_shared>>
      tpu.enqueue_dma source(%dma_start3A_88 : memref<128x128xf32, #tpu.memory_space<vmem_shared>>) target(%dma_start3A_86 : memref<128x128xf32, #tpu.memory_space<vmem>>) target_semaphore(%run_scoped3A_78 : memref<!tpu.dma_semaphore, #tpu.memory_space<semaphore_mem>>)
      %dma_wait3A_89 = arith.constant 0 : i32
      %dma_wait3A_90 = arith.constant 0 : i32
      %dma_wait3A_91 = tpu.memref_slice %arg8[%dma_wait3A_89, %dma_wait3A_90] : memref<128x128xf32, #tpu.memory_space<vmem>> -> memref<128x128xf32, #tpu.memory_space<vmem>>
      %dma_wait3A_92 = arith.constant 0 : i32
      %dma_wait3A_93 = tpu.memref_slice %arg10[%add3A_75, %dma_wait3A_92] : memref<10240x128xf32, #tpu.memory_space<vmem_shared>> -> memref<128x128xf32, #tpu.memory_space<vmem_shared>>
      %dma_wait3A_94 = arith.constant 0 : i32
      %dma_wait3A_95 = arith.constant 0 : i32
      %dma_wait3A_96 = tpu.memref_slice %arg8[%dma_wait3A_94, %dma_wait3A_95] : memref<128x128xf32, #tpu.memory_space<vmem>> -> memref<128x128xf32, #tpu.memory_space<vmem>>
      %dma_wait3A_97 = arith.constant 0 : i32
      %dma_wait3A_98 = tpu.memref_slice %arg10[%add3A_75, %dma_wait3A_97] : memref<10240x128xf32, #tpu.memory_space<vmem_shared>> -> memref<128x128xf32, #tpu.memory_space<vmem_shared>>
      tpu.wait_dma2 semaphore(%run_scoped3A_78 : memref<!tpu.dma_semaphore, #tpu.memory_space<semaphore_mem>>) src(%dma_wait3A_98 : memref<128x128xf32, #tpu.memory_space<vmem_shared>>) dst(%dma_wait3A_96 : memref<128x128xf32, #tpu.memory_space<vmem>>)
      tpu.yield
    }) : () -> ()
    %add3A_76 = arith.constant 512 : i32
    %add3A_77 = arith.addi %mul3A_2, %add3A_76 : i32
    "tpu.region"() ({
      %run_scoped3A_78 = tpu.sem_alloc : memref<!tpu.dma_semaphore, #tpu.memory_space<semaphore_mem>>
      %dma_start3A_79 = arith.constant 0 : i32
      %dma_start3A_80 = arith.constant 0 : i32
      %dma_start3A_81 = tpu.memref_slice %arg8[%dma_start3A_79, %dma_start3A_80] : memref<128x128xf32, #tpu.memory_space<vmem>> -> memref<128x128xf32, #tpu.memory_space<vmem>>
      %dma_start3A_82 = arith.constant 0 : i32
      %dma_start3A_83 = tpu.memref_slice %arg5[%arg0, %add3A_77, %dma_start3A_82] : memref<2x10240x128xf32, #tpu.memory_space<hbm>> -> memref<1x128x128xf32, #tpu.memory_space<hbm>>
      %dma_start3A_84 = tpu.memref_squeeze %dma_start3A_83 : memref<1x128x128xf32, #tpu.memory_space<hbm>> -> memref<128x128xf32, #tpu.memory_space<hbm>>
      %dma_start3A_85 = arith.constant 0 : i32
      %dma_start3A_86 = tpu.memref_slice %arg5[%arg0, %add3A_77, %dma_start3A_85] : memref<2x10240x128xf32, #tpu.memory_space<hbm>> -> memref<1x128x128xf32, #tpu.memory_space<hbm>>
      %dma_start3A_87 = tpu.memref_squeeze %dma_start3A_86 : memref<1x128x128xf32, #tpu.memory_space<hbm>> -> memref<128x128xf32, #tpu.memory_space<hbm>>
      %dma_start3A_88 = arith.constant 0 : i32
      %dma_start3A_89 = arith.constant 0 : i32
      %dma_start3A_90 = tpu.memref_slice %arg8[%dma_start3A_88, %dma_start3A_89] : memref<128x128xf32, #tpu.memory_space<vmem>> -> memref<128x128xf32, #tpu.memory_space<vmem>>
      tpu.enqueue_dma source(%dma_start3A_90 : memref<128x128xf32, #tpu.memory_space<vmem>>) target(%dma_start3A_87 : memref<128x128xf32, #tpu.memory_space<hbm>>) target_semaphore(%run_scoped3A_78 : memref<!tpu.dma_semaphore, #tpu.memory_space<semaphore_mem>>)
      %dma_wait3A_91 = arith.constant 0 : i32
      %dma_wait3A_92 = arith.constant 0 : i32
      %dma_wait3A_93 = tpu.memref_slice %arg8[%dma_wait3A_91, %dma_wait3A_92] : memref<128x128xf32, #tpu.memory_space<vmem>> -> memref<128x128xf32, #tpu.memory_space<vmem>>
      %dma_wait3A_94 = arith.constant 0 : i32
      %dma_wait3A_95 = tpu.memref_slice %arg5[%arg0, %add3A_77, %dma_wait3A_94] : memref<2x10240x128xf32, #tpu.memory_space<hbm>> -> memref<1x128x128xf32, #tpu.memory_space<hbm>>
      %dma_wait3A_96 = tpu.memref_squeeze %dma_wait3A_95 : memref<1x128x128xf32, #tpu.memory_space<hbm>> -> memref<128x128xf32, #tpu.memory_space<hbm>>
      %dma_wait3A_97 = arith.constant 0 : i32
      %dma_wait3A_98 = tpu.memref_slice %arg5[%arg0, %add3A_77, %dma_wait3A_97] : memref<2x10240x128xf32, #tpu.memory_space<hbm>> -> memref<1x128x128xf32, #tpu.memory_space<hbm>>
      %dma_wait3A_99 = tpu.memref_squeeze %dma_wait3A_98 : memref<1x128x128xf32, #tpu.memory_space<hbm>> -> memref<128x128xf32, #tpu.memory_space<hbm>>
      %dma_wait3A_100 = arith.constant 0 : i32
      %dma_wait3A_101 = arith.constant 0 : i32
      %dma_wait3A_102 = tpu.memref_slice %arg8[%dma_wait3A_100, %dma_wait3A_101] : memref<128x128xf32, #tpu.memory_space<vmem>> -> memref<128x128xf32, #tpu.memory_space<vmem>>
      tpu.wait_dma2 semaphore(%run_scoped3A_78 : memref<!tpu.dma_semaphore, #tpu.memory_space<semaphore_mem>>) src(%dma_wait3A_102 : memref<128x128xf32, #tpu.memory_space<vmem>>) dst(%dma_wait3A_99 : memref<128x128xf32, #tpu.memory_space<hbm>>)
      tpu.yield
    }) : () -> ()
    return
  }
}

module attributes {stable_mosaic.version = 14 : i64} {
  func.func @_mm_first_body(%arg0: i32, %arg1: memref<2x2560x128xf32, #tpu.memory_space<vmem>>, %arg2: memref<2560x128xf32, #tpu.memory_space<vmem>>, %arg3: memref<128x128xf32, #tpu.memory_space<vmem>>, %arg4: memref<2560x128xf32, #tpu.memory_space<vmem>>) attributes {dimension_semantics = [#tpu.dimension_semantics<arbitrary>], iteration_bounds = array<i64: 4>, scalar_prefetch = 0 : i64, scratch_operands = 0 : i64, tpu.core_type = #tpu.core_type<tc>, window_params = [{transform_indices = @transform_0, window_bounds = array<i64: 2, 2560, 128>}, {transform_indices = @transform_1, window_bounds = array<i64: 2560, 128>}, {pipeline_mode = #tpu.pipeline_mode<synchronous>, transform_indices = @transform_2, window_bounds = array<i64: 128, 128>}, {transform_indices = @transform_3, window_bounds = array<i64: 2560, 128>}]} {
    %get3A = arith.constant 0 : index
    %get3A_0 = arith.constant 0 : index
    %get3A_1 = arith.constant 0 : index
    %get3A_2 = vector.load %arg1[%get3A, %get3A_0, %get3A_1] : memref<2x2560x128xf32, #tpu.memory_space<vmem>>, vector<1x2560x1xf32>
    %get3A_3 = vector.shape_cast %get3A_2 : vector<1x2560x1xf32> to vector<2560x1xf32>
    %get3A_4 = arith.constant 1 : index
    %get3A_5 = arith.constant 0 : index
    %get3A_6 = arith.constant 0 : index
    %get3A_7 = vector.load %arg1[%get3A_4, %get3A_5, %get3A_6] : memref<2x2560x128xf32, #tpu.memory_space<vmem>>, vector<1x2560x1xf32>
    %get3A_8 = vector.shape_cast %get3A_7 : vector<1x2560x1xf32> to vector<2560x1xf32>
    %add3A = arith.addf %get3A_3, %get3A_8 : vector<2560x1xf32>
    %add3A_9 = arith.constant 1.000000e+00 : f32
    %add3A_10 = vector.broadcast %add3A_9 : f32 to vector<2560x1xf32>
    %add3A_11 = arith.addf %add3A, %add3A_10 : vector<2560x1xf32>
    %rsqrt3A = math.rsqrt %add3A_11 : vector<2560x1xf32>
    %get3A_12 = arith.constant 0 : index
    %get3A_13 = arith.constant 0 : index
    %get3A_14 = vector.load %arg2[%get3A_12, %get3A_13] : memref<2560x128xf32, #tpu.memory_space<vmem>>, vector<2560x128xf32>
    %get3A_15 = arith.constant 0 : index
    %get3A_16 = arith.constant 0 : index
    %get3A_17 = vector.load %arg3[%get3A_15, %get3A_16] : memref<128x128xf32, #tpu.memory_space<vmem>>, vector<128x128xf32>
    %dot_general3A = arith.constant dense<0.000000e+00> : vector<2560x128xf32>
    %dot_general3A_18 = tpu.matmul %get3A_14, %get3A_17, %dot_general3A {dimension_numbers = #tpu.dot_dimension_numbers<[1], [0], [0], [1], [0, 0, 1, 1], [], []>, transpose_lhs_hint = false} : vector<2560x128xf32>, vector<128x128xf32>, vector<2560x128xf32> -> vector<2560x128xf32>
    %mul3A = vector.broadcast %rsqrt3A : vector<2560x1xf32> to vector<2560x128xf32>
    %mul3A_19 = arith.mulf %mul3A, %dot_general3A_18 : vector<2560x128xf32>
    %swap3A = arith.constant 0 : index
    %swap3A_20 = arith.constant 0 : index
    %swap3A_21 = vector.load %arg4[%swap3A, %swap3A_20] : memref<2560x128xf32, #tpu.memory_space<vmem>>, vector<2560x128xf32>
    tpu.vector_store %arg4[%swap3A, %swap3A_20], %mul3A_19 {strides = array<i32>} : memref<2560x128xf32, #tpu.memory_space<vmem>>, vector<2560x128xf32>,
    return
  }
  func.func @transform_0(%arg0: i32) -> (i32, i32, i32) {
    %c0_i32 = arith.constant 0 : i32
    %c0_i32_0 = arith.constant 0 : i32
    %c0_i32_1 = arith.constant 0 : i32
    return %c0_i32, %arg0, %c0_i32_0 : i32, i32, i32
  }
  func.func @transform_1(%arg0: i32) -> (i32, i32) {
    %c0_i32 = arith.constant 0 : i32
    %c0_i32_0 = arith.constant 0 : i32
    return %arg0, %c0_i32 : i32, i32
  }
  func.func @transform_2(%arg0: i32) -> (i32, i32) {
    %c0_i32 = arith.constant 0 : i32
    %c0_i32_0 = arith.constant 0 : i32
    %c0_i32_1 = arith.constant 0 : i32
    return %c0_i32, %c0_i32_0 : i32, i32
  }
  func.func @transform_3(%arg0: i32) -> (i32, i32) {
    %c0_i32 = arith.constant 0 : i32
    %c0_i32_0 = arith.constant 0 : i32
    return %arg0, %c0_i32 : i32, i32
  }
}

module attributes {stable_mosaic.version = 14 : i64} {
  func.func @_mm_mid_body(%arg0: i32, %arg1: memref<2x2560x128xf32, #tpu.memory_space<vmem>>, %arg2: memref<2560x128xf32, #tpu.memory_space<vmem>>, %arg3: memref<2560x128xf32, #tpu.memory_space<vmem>>, %arg4: memref<2560x128xf32, #tpu.memory_space<vmem>>, %arg5: memref<128x128xf32, #tpu.memory_space<vmem>>, %arg6: memref<1x128xf32, #tpu.memory_space<vmem>>, %arg7: memref<2560x128xf32, #tpu.memory_space<vmem>>) attributes {dimension_semantics = [#tpu.dimension_semantics<arbitrary>], iteration_bounds = array<i64: 4>, scalar_prefetch = 0 : i64, scratch_operands = 0 : i64, tpu.core_type = #tpu.core_type<tc>, window_params = [{transform_indices = @transform_0, window_bounds = array<i64: 2, 2560, 128>}, {transform_indices = @transform_1, window_bounds = array<i64: 2560, 128>}, {transform_indices = @transform_2, window_bounds = array<i64: 2560, 128>}, {transform_indices = @transform_3, window_bounds = array<i64: 2560, 128>}, {pipeline_mode = #tpu.pipeline_mode<synchronous>, transform_indices = @transform_4, window_bounds = array<i64: 128, 128>}, {pipeline_mode = #tpu.pipeline_mode<synchronous>, transform_indices = @transform_5, window_bounds = array<i64: 1, 128>}, {transform_indices = @transform_6, window_bounds = array<i64: 2560, 128>}]} {
    %get3A = arith.constant 0 : index
    %get3A_0 = arith.constant 0 : index
    %get3A_1 = arith.constant 0 : index
    %get3A_2 = vector.load %arg1[%get3A, %get3A_0, %get3A_1] : memref<2x2560x128xf32, #tpu.memory_space<vmem>>, vector<1x2560x1xf32>
    %get3A_3 = vector.shape_cast %get3A_2 : vector<1x2560x1xf32> to vector<2560x1xf32>
    %get3A_4 = arith.constant 1 : index
    %get3A_5 = arith.constant 0 : index
    %get3A_6 = arith.constant 0 : index
    %get3A_7 = vector.load %arg1[%get3A_4, %get3A_5, %get3A_6] : memref<2x2560x128xf32, #tpu.memory_space<vmem>>, vector<1x2560x1xf32>
    %get3A_8 = vector.shape_cast %get3A_7 : vector<1x2560x1xf32> to vector<2560x1xf32>
    %add3A = arith.addf %get3A_3, %get3A_8 : vector<2560x1xf32>
    %add3A_9 = arith.constant 1.000000e+00 : f32
    %add3A_10 = vector.broadcast %add3A_9 : f32 to vector<2560x1xf32>
    %add3A_11 = arith.addf %add3A, %add3A_10 : vector<2560x1xf32>
    %rsqrt3A = math.rsqrt %add3A_11 : vector<2560x1xf32>
    %get3A_12 = arith.constant 0 : index
    %get3A_13 = arith.constant 0 : index
    %get3A_14 = vector.load %arg2[%get3A_12, %get3A_13] : memref<2560x128xf32, #tpu.memory_space<vmem>>, vector<2560x128xf32>
    %get3A_15 = arith.constant 0 : index
    %get3A_16 = arith.constant 0 : index
    %get3A_17 = vector.load %arg3[%get3A_15, %get3A_16] : memref<2560x128xf32, #tpu.memory_space<vmem>>, vector<2560x128xf32>
    %add3A_18 = arith.addf %get3A_14, %get3A_17 : vector<2560x128xf32>
    %get3A_19 = arith.constant 0 : index
    %get3A_20 = arith.constant 0 : index
    %get3A_21 = vector.load %arg4[%get3A_19, %get3A_20] : memref<2560x128xf32, #tpu.memory_space<vmem>>, vector<2560x128xf32>
    %add3A_22 = arith.addf %add3A_18, %get3A_21 : vector<2560x128xf32>
    %mul3A = vector.broadcast %rsqrt3A : vector<2560x1xf32> to vector<2560x128xf32>
    %mul3A_23 = arith.mulf %mul3A, %add3A_22 : vector<2560x128xf32>
    %get3A_24 = arith.constant 0 : index
    %get3A_25 = arith.constant 0 : index
    %get3A_26 = vector.load %arg6[%get3A_24, %get3A_25] : memref<1x128xf32, #tpu.memory_space<vmem>>, vector<1x128xf32>
    %add3A_27 = vector.broadcast %get3A_26 : vector<1x128xf32> to vector<2560x128xf32>
    %add3A_28 = arith.addf %mul3A_23, %add3A_27 : vector<2560x128xf32>
    %max3A = arith.constant 0.000000e+00 : f32
    %max3A_29 = vector.broadcast %max3A : f32 to vector<2560x128xf32>
    %max3A_30 = arith.maximumf %add3A_28, %max3A_29 : vector<2560x128xf32>
    %get3A_31 = arith.constant 0 : index
    %get3A_32 = arith.constant 0 : index
    %get3A_33 = vector.load %arg5[%get3A_31, %get3A_32] : memref<128x128xf32, #tpu.memory_space<vmem>>, vector<128x128xf32>
    %dot_general3A = arith.constant dense<0.000000e+00> : vector<2560x128xf32>
    %dot_general3A_34 = tpu.matmul %max3A_30, %get3A_33, %dot_general3A {dimension_numbers = #tpu.dot_dimension_numbers<[1], [0], [0], [1], [0, 0, 1, 1], [], []>, transpose_lhs_hint = false} : vector<2560x128xf32>, vector<128x128xf32>, vector<2560x128xf32> -> vector<2560x128xf32>
    %mul3A_35 = vector.broadcast %rsqrt3A : vector<2560x1xf32> to vector<2560x128xf32>
    %mul3A_36 = arith.mulf %mul3A_35, %dot_general3A_34 : vector<2560x128xf32>
    %swap3A = arith.constant 0 : index
    %swap3A_37 = arith.constant 0 : index
    %swap3A_38 = vector.load %arg7[%swap3A, %swap3A_37] : memref<2560x128xf32, #tpu.memory_space<vmem>>, vector<2560x128xf32>
    tpu.vector_store %arg7[%swap3A, %swap3A_37], %mul3A_36 {strides = array<i32>} : memref<2560x128xf32, #tpu.memory_space<vmem>>, vector<2560x128xf32>,
    return
  }
  func.func @transform_0(%arg0: i32) -> (i32, i32, i32) {
    %c0_i32 = arith.constant 0 : i32
    %c0_i32_0 = arith.constant 0 : i32
    %c0_i32_1 = arith.constant 0 : i32
    return %c0_i32, %arg0, %c0_i32_0 : i32, i32, i32
  }
  func.func @transform_1(%arg0: i32) -> (i32, i32) {
    %c0_i32 = arith.constant 0 : i32
    %c0_i32_0 = arith.constant 0 : i32
    return %arg0, %c0_i32 : i32, i32
  }
  func.func @transform_2(%arg0: i32) -> (i32, i32) {
    %c0_i32 = arith.constant 0 : i32
    %c0_i32_0 = arith.constant 0 : i32
    return %arg0, %c0_i32 : i32, i32
  }
  func.func @transform_3(%arg0: i32) -> (i32, i32) {
    %c0_i32 = arith.constant 0 : i32
    %c0_i32_0 = arith.constant 0 : i32
    return %arg0, %c0_i32 : i32, i32
  }
  func.func @transform_4(%arg0: i32) -> (i32, i32) {
    %c0_i32 = arith.constant 0 : i32
    %c0_i32_0 = arith.constant 0 : i32
    %c0_i32_1 = arith.constant 0 : i32
    return %c0_i32, %c0_i32_0 : i32, i32
  }
  func.func @transform_5(%arg0: i32) -> (i32, i32) {
    %c0_i32 = arith.constant 0 : i32
    %c0_i32_0 = arith.constant 0 : i32
    %c0_i32_1 = arith.constant 0 : i32
    return %c0_i32, %c0_i32_0 : i32, i32
  }
  func.func @transform_6(%arg0: i32) -> (i32, i32) {
    %c0_i32 = arith.constant 0 : i32
    %c0_i32_0 = arith.constant 0 : i32
    return %arg0, %c0_i32 : i32, i32
  }
}

module attributes {stable_mosaic.version = 14 : i64} {
  func.func @_final_body(%arg0: i32, %arg1: memref<2x2560x128xf32, #tpu.memory_space<vmem>>, %arg2: memref<2560x128xf32, #tpu.memory_space<vmem>>, %arg3: memref<2560x128xf32, #tpu.memory_space<vmem>>, %arg4: memref<2560x128xf32, #tpu.memory_space<vmem>>, %arg5: memref<1x128xf32, #tpu.memory_space<vmem>>, %arg6: memref<2560x128xf32, #tpu.memory_space<vmem>>) attributes {dimension_semantics = [#tpu.dimension_semantics<arbitrary>], iteration_bounds = array<i64: 4>, scalar_prefetch = 0 : i64, scratch_operands = 0 : i64, tpu.core_type = #tpu.core_type<tc>, window_params = [{transform_indices = @transform_0, window_bounds = array<i64: 2, 2560, 128>}, {transform_indices = @transform_1, window_bounds = array<i64: 2560, 128>}, {transform_indices = @transform_2, window_bounds = array<i64: 2560, 128>}, {transform_indices = @transform_3, window_bounds = array<i64: 2560, 128>}, {pipeline_mode = #tpu.pipeline_mode<synchronous>, transform_indices = @transform_4, window_bounds = array<i64: 1, 128>}, {transform_indices = @transform_5, window_bounds = array<i64: 2560, 128>}]} {
    %get3A = arith.constant 0 : index
    %get3A_0 = arith.constant 0 : index
    %get3A_1 = arith.constant 0 : index
    %get3A_2 = vector.load %arg1[%get3A, %get3A_0, %get3A_1] : memref<2x2560x128xf32, #tpu.memory_space<vmem>>, vector<1x2560x1xf32>
    %get3A_3 = vector.shape_cast %get3A_2 : vector<1x2560x1xf32> to vector<2560x1xf32>
    %get3A_4 = arith.constant 1 : index
    %get3A_5 = arith.constant 0 : index
    %get3A_6 = arith.constant 0 : index
    %get3A_7 = vector.load %arg1[%get3A_4, %get3A_5, %get3A_6] : memref<2x2560x128xf32, #tpu.memory_space<vmem>>, vector<1x2560x1xf32>
    %get3A_8 = vector.shape_cast %get3A_7 : vector<1x2560x1xf32> to vector<2560x1xf32>
    %add3A = arith.addf %get3A_3, %get3A_8 : vector<2560x1xf32>
    %add3A_9 = arith.constant 1.000000e+00 : f32
    %add3A_10 = vector.broadcast %add3A_9 : f32 to vector<2560x1xf32>
    %add3A_11 = arith.addf %add3A, %add3A_10 : vector<2560x1xf32>
    %rsqrt3A = math.rsqrt %add3A_11 : vector<2560x1xf32>
    %get3A_12 = arith.constant 0 : index
    %get3A_13 = arith.constant 0 : index
    %get3A_14 = vector.load %arg2[%get3A_12, %get3A_13] : memref<2560x128xf32, #tpu.memory_space<vmem>>, vector<2560x128xf32>
    %get3A_15 = arith.constant 0 : index
    %get3A_16 = arith.constant 0 : index
    %get3A_17 = vector.load %arg3[%get3A_15, %get3A_16] : memref<2560x128xf32, #tpu.memory_space<vmem>>, vector<2560x128xf32>
    %add3A_18 = arith.addf %get3A_14, %get3A_17 : vector<2560x128xf32>
    %get3A_19 = arith.constant 0 : index
    %get3A_20 = arith.constant 0 : index
    %get3A_21 = vector.load %arg4[%get3A_19, %get3A_20] : memref<2560x128xf32, #tpu.memory_space<vmem>>, vector<2560x128xf32>
    %add3A_22 = arith.addf %add3A_18, %get3A_21 : vector<2560x128xf32>
    %mul3A = vector.broadcast %rsqrt3A : vector<2560x1xf32> to vector<2560x128xf32>
    %mul3A_23 = arith.mulf %mul3A, %add3A_22 : vector<2560x128xf32>
    %get3A_24 = arith.constant 0 : index
    %get3A_25 = arith.constant 0 : index
    %get3A_26 = vector.load %arg5[%get3A_24, %get3A_25] : memref<1x128xf32, #tpu.memory_space<vmem>>, vector<1x128xf32>
    %add3A_27 = vector.broadcast %get3A_26 : vector<1x128xf32> to vector<2560x128xf32>
    %add3A_28 = arith.addf %mul3A_23, %add3A_27 : vector<2560x128xf32>
    %swap3A = arith.constant 0 : index
    %swap3A_29 = arith.constant 0 : index
    %swap3A_30 = vector.load %arg6[%swap3A, %swap3A_29] : memref<2560x128xf32, #tpu.memory_space<vmem>>, vector<2560x128xf32>
    tpu.vector_store %arg6[%swap3A, %swap3A_29], %add3A_28 {strides = array<i32>} : memref<2560x128xf32, #tpu.memory_space<vmem>>, vector<2560x128xf32>,
    return
  }
  func.func @transform_0(%arg0: i32) -> (i32, i32, i32) {
    %c0_i32 = arith.constant 0 : i32
    %c0_i32_0 = arith.constant 0 : i32
    %c0_i32_1 = arith.constant 0 : i32
    return %c0_i32, %arg0, %c0_i32_0 : i32, i32, i32
  }
  func.func @transform_1(%arg0: i32) -> (i32, i32) {
    %c0_i32 = arith.constant 0 : i32
    %c0_i32_0 = arith.constant 0 : i32
    return %arg0, %c0_i32 : i32, i32
  }
  func.func @transform_2(%arg0: i32) -> (i32, i32) {
    %c0_i32 = arith.constant 0 : i32
    %c0_i32_0 = arith.constant 0 : i32
    return %arg0, %c0_i32 : i32, i32
  }
  func.func @transform_3(%arg0: i32) -> (i32, i32) {
    %c0_i32 = arith.constant 0 : i32
    %c0_i32_0 = arith.constant 0 : i32
    return %arg0, %c0_i32 : i32, i32
  }
  func.func @transform_4(%arg0: i32) -> (i32, i32) {
    %c0_i32 = arith.constant 0 : i32
    %c0_i32_0 = arith.constant 0 : i32
    %c0_i32_1 = arith.constant 0 : i32
    return %c0_i32, %c0_i32_0 : i32, i32
  }
  func.func @transform_5(%arg0: i32) -> (i32, i32) {
    %c0_i32 = arith.constant 0 : i32
    %c0_i32_0 = arith.constant 0 : i32
    return %arg0, %c0_i32 : i32, i32
  }
}

</mosaic_0001>

<sc_bundles>
// kernel: kernel.11.cloned.1.call-start
scs
__scs_entry_jumppad:
0x0: {  	(pc) =	sbr.rel $0x88, $3  }
0x1: {  	(tag) =	ssettag $0x0;
	lr =	simm.s32 $0x1  }
0x2: {  	[smem:$0x3F9B] =	sst lr;
	_ =	strace $0xD0000000  }
0x3: {  	_ = 	snop  }
0x4: {  	_ = 	snop  }
0x5: {  	_ = 	snop  }
0x6: {  	_ = 	snop  }
0x7: {  	_ = 	snop  }
__scs_overlays_trampoline_lowered:
0x8: {  	[smem:$0x3FAA] =	sst s0  }
0x9: {  	[smem:$0x3FAB] =	sst s1  }
0xa: {  	[smem:$0x3FAC] =	sst s2  }
0xb: {  	[smem:$0x3FAD] =	sst s3  }
0xc: {  	[smem:$0x3FAE] =	sst s4  }
0xd: {  	[smem:$0x3FAF] =	sst s5  }
0xe: {  	[smem:$0x3FB0] =	sst s6  }
0xf: {  	[smem:$0x3FB1] =	sst s7  }
0x10: {  	[smem:$0x3FB2] =	sst s8  }
0x11: {  	[smem:$0x3FB3] =	sst s9;
	s0 =	simm.s32 @!p0 $0x0  }
0x12: {  	s1 =	sld [smem:$0x3F99];
	s0 =	simm.s32 @p0 $0x1  }
0x13: {  	[smem:$0x3FB4] =	sst s0;
	s0 =	simm.s32 @!p1 $0x0  }
0x14: {  	s2 =	sld [smem:$0x3F98];
	s0 =	simm.s32 @p1 $0x1  }
0x15: {  	[smem:$0x3FB5] =	sst s0;
	s0 =	simm.s32 @!p2 $0x0  }
0x16: {  	s3 =	sld [smem:$0x3FDB];
	s0 =	simm.s32 @p2 $0x1  }
0x17: {  	s4 =	simm.s32 $0x1BF5;
	[smem:$0x3FB7] =	sst s0  }
0x18: {  	s0 =	sld [smem:$0x3F9A];
	_ =	swait.ge [sflag:s4], $0x0  }
0x19: {  	s7 =	sld [smem:$0x3F9B]  }
0x1a: {  	s8 =	sadd.s32 $0xFFFFE003, lr  }
0x1b: {  	s9 =	sadd.s32 $0xFFFFFEF7, lr;
	s5 =	simm.s32 $0xFFFFFFFF;
	p2 =	slt.u32 s8, $0xFFFFF086  }
0x1c: {  	p1 =	slt.u32 s9, $0xF7A;
	s5 =	simm.s32 @!p2 $0x0  }
0x1d: {  	s5 =	simm.s32 @p1 $0x1;
	p0 =	seq.s32 s7, s2  }
0x1e: {  	s7 =	smul.u32 @!p0 $0xF7A, s2;
	p2 =	seq.s32 @!p0 s5, $0x0  }
0x1f: {  	s9 =	smul.u32 $0xF7A, s1;
	s8 =	simm.s32 @!p0 $0x1BF5;
	p2 =	por !p2, p0  }
0x20: {  	[sflag:s8] =	ssyncset.s32 @!p0 $0xFFFFF086;
	s6 =	sadd.s32 @!p0 s3, s7;
	s7 =	simm.s32 @!p0 $0x108  }
0x21: {  	s3 =	sadd.s32 s3, s9;
	s6 =	sadd.s32 @!p0 $0x88, s6;
	s7 =	simm.s32 @p2 $0x1082  }
0x22: {  	[simem:s7], [sflag:s8] =	dma.local @!p0 [hbm:s6], $0xF7A  }
0x23: {  	s9 =	sor.u32 $0xD0000000, s2;
	s6 =	simm.s32 $0x108;
	_ =	swait.ge @!p0 [sflag:s8], $0x0  }
0x24: {  	s3 =	sadd.s32 $0x88, s3;
	s6 =	simm.s32 @!p1 $0x1082;
	[sflag:s4] =	ssyncset.s32 $0xFFFFF086  }
0x25: {  	[simem:s6], [sflag:s4] =	dma.local [hbm:s3], $0xF7A  }
0x26: {  	[smem:$0x3F9B] =	sst s1;
	(tag) =	ssettag s2;
	_ =	strace s9  }
0x27: {  	s1 =	sld [smem:$0x3FAB]  }
0x28: {  	s2 =	sld [smem:$0x3FAC]  }
0x29: {  	s4 =	sld [smem:$0x3FAE]  }
0x2a: {  	p0 =	seq.s32 s5, $0x0;
	s5 =	sld [smem:$0x3FAF]  }
0x2b: {  	s6 =	sld [smem:$0x3FB0]  }
0x2c: {  	s7 =	sld [smem:$0x3FB1]  }
0x2d: {  	s3 =	simm.s32 $0x108;
	s8 =	sld [smem:$0x3FB2]  }
0x2e: {  	s3 =	simm.s32 @!p0 $0x1082;
	s9 =	sld [smem:$0x3FB3]  }
0x2f: {  	lr =	sadd.s32 s0, s3;
	s0 =	sld [smem:$0x3FAA]  }
0x30: {  	s3 =	sld [smem:$0x3FAD]  }
0x31: {  	[smem:$0x3FB6] =	sst s10  }
0x32: {  	s10 =	sld [smem:$0x3FB4];
	_ =	sdelay $0x3  }
0x33: {  	p0 =	seq.s32 s10, $0x1;
	s10 =	sld [smem:$0x3FB6];
	_ =	sdelay $0x3  }
0x34: {  	[smem:$0x3FB6] =	sst s10  }
0x35: {  	s10 =	sld [smem:$0x3FB5];
	_ =	sdelay $0x3  }
0x36: {  	p1 =	seq.s32 s10, $0x1;
	s10 =	sld [smem:$0x3FB6];
	_ =	sdelay $0x3  }
0x37: {  	[smem:$0x3FB6] =	sst s10  }
0x38: {  	s10 =	sld [smem:$0x3FB7]  }
0x39: {  	_ = 	snop;
	(pc) =	sbr.ind lr, $3  }
0x3a: {  	_ = 	snop  }
0x3b: {  	_ = 	snop  }
0x3c: {  	p2 =	seq.s32 s10, $0x1;
	s10 =	sld [smem:$0x3FB6]  }
0x3d: {  	_ =	shalt  }
0x3e: {  	_ =	shalt  }
0x3f: {  	_ =	shalt  }
0x40: {  	_ =	shalt  }
0x41: {  	_ =	shalt  }
0x42: {  	_ =	shalt  }
0x43: {  	_ =	shalt  }
0x44: {  	_ =	shalt  }
0x45: {  	_ =	shalt  }
0x46: {  	_ =	shalt  }
0x47: {  	_ =	shalt  }
0x48: {  	_ =	shalt  }
0x49: {  	_ =	shalt  }
0x4a: {  	_ =	shalt  }
0x4b: {  	_ =	shalt  }
0x4c: {  	_ =	shalt  }
0x4d: {  	_ =	shalt  }
0x4e: {  	_ =	shalt  }
0x4f: {  	_ =	shalt  }
0x50: {  	_ =	shalt  }
0x51: {  	_ =	shalt  }
0x52: {  	_ =	shalt  }
0x53: {  	_ =	shalt  }
0x54: {  	_ =	shalt  }
0x55: {  	_ =	shalt  }
0x56: {  	_ =	shalt  }
0x57: {  	_ =	shalt  }
0x58: {  	_ =	shalt  }
0x59: {  	_ =	shalt  }
0x5a: {  	_ =	shalt  }
0x5b: {  	_ =	shalt  }
0x5c: {  	_ =	shalt  }
0x5d: {  	_ =	shalt  }
0x5e: {  	_ =	shalt  }
0x5f: {  	_ =	shalt  }
0x60: {  	_ =	shalt  }
0x61: {  	_ =	shalt  }
0x62: {  	_ =	shalt  }
0x63: {  	_ =	shalt  }
0x64: {  	_ =	shalt  }
0x65: {  	_ =	shalt  }
0x66: {  	_ =	shalt  }
0x67: {  	_ =	shalt  }
0x68: {  	_ =	shalt  }
0x69: {  	_ =	shalt  }
0x6a: {  	_ =	shalt  }
0x6b: {  	_ =	shalt  }
0x6c: {  	_ =	shalt  }
0x6d: {  	_ =	shalt  }
0x6e: {  	_ =	shalt  }
0x6f: {  	_ =	shalt  }
0x70: {  	_ =	shalt  }
0x71: {  	_ =	shalt  }
0x72: {  	_ =	shalt  }
0x73: {  	_ =	shalt  }
0x74: {  	_ =	shalt  }
0x75: {  	_ =	shalt  }
0x76: {  	_ =	shalt  }
0x77: {  	_ =	shalt  }
0x78: {  	_ =	shalt  }
0x79: {  	_ =	shalt  }
0x7a: {  	_ =	shalt  }
0x7b: {  	_ =	shalt  }
0x7c: {  	_ =	shalt  }
0x7d: {  	_ =	shalt  }
0x7e: {  	_ =	shalt  }
0x7f: {  	_ =	shalt  }
0x80: {  	_ =	shalt  }
0x81: {  	_ =	shalt  }
0x82: {  	_ =	shalt  }
0x83: {  	_ =	shalt  }
0x84: {  	_ =	shalt  }
0x85: {  	_ =	shalt  }
0x86: {  	_ =	shalt  }
0x87: {  	_ =	shalt  }
.Lfunc_end0:
.L_simem_size_0:
called_computation.1_lowered:
.L_overlay_start_0:
0x88: {  	s2 =	sld [smem:$0x3FD9]  }
0x89: {  	s3 =	sld [smem:$0x3FFE];
	_ =	sdelay $0x1  }
0x8a: {  	s1 =	srdreg.scid  }
0x8b: {  	s0 =	sand.u32 $0x1, s1  }
0x8c: {  	s17 =	sshll.u32 s0, $0xA;
	s2 =	sadd.s32 s3, s2  }
0x8d: {  	s2 =	sadd.s32 s2, s17  }
0x8e: {  	[smem:$0x3FC2] =	sst s2  }
0x8f: {  	_ = 	snop  }
0x90: {  	s2 =	sld [smem:$0x3FD0];
	(tm) =	ssettm $0x1  }
0x91: {  	s18 =	sld [smem:$0x3FFB];
	_ =	sdelay $0x3  }
0x92: {  	_ =	strace s18  }
0x93: {  	s3 =	sld [smem:$0x3FFC];
	_ =	sdelay $0x3  }
0x94: {  	_ =	strace s3  }
0x95: {  	s3 =	sld [smem:$0x3FFD];
	_ =	sdelay $0x3  }
0x96: {  	_ =	strace s3  }
0x97: {  	_ =	strace $0x8FFFFFFF  }
0x98: {  	s19 =	sld [smem:$0x3FDB];
	_ =	sdelay $0x1  }
0x99: {  	s4 =	simm.s32 $_scs_section_size  }
0x9a: {  	s5 =	simm.s32 $_size__tile_overlayer_lowered;
	s6 =	simm.s32 $_tile_overlayer_lowered  }
0x9b: {  	s22 =	simm.s32 $0x1BFF;
	s21 =	sshll.u32 s6, $0x1;
	s3 =	sadd.s32 s4, s19  }
0x9c: {  	s7 =	simm.s32 $0x0;
	s20 =	sshll.u32 s5, $0x1;
	s5 =	sadd.s32 s21, s3  }
0x9d: {  	[timem:s7], [sflag:s22] =	dma.local [hbm:s5], s20  }
0x9e: {  	_ =	swait.ge [sflag:s22], s20  }
0x9f: {  	s4 =	ssub.s32 $0x0, s20;
	[sflag:s22] =	ssyncset.done $0x0  }
0xa0: {  	[sflag:s22] =	ssyncadd.s32 s4;
	_ =	sdelay $0x1  }
0xa1: {  	s23 =	simm.s32 $0x1B8B  }
0xa2: {  	_ =	swait.ge [sflag:s23], $0x1  }
0xa3: {  	[sflag:s23] =	ssyncset.done $0x0  }
0xa4: {  	s25 =	simm.s32 $0x1B8E;
	s24 =	sld [smem:$0x3FFE];
	[sflag:s23] =	ssyncadd.s32 $0xFFFFFFFF  }
0xa5: {  	s26 =	simm.s32 $execute0_lowered;
	[smem:$0x3FD2] =	sst s25  }
0xa6: {  	s5 =	sshll.u32 s26, $0x1;
	_ =	strace $0x80000049;
	[dreg:$0x1] =	wrdreg $0xFFFFFFFF  }
0xa7: {  	s28 =	simm.s32 $_size_execute0_lowered;
	s3 =	sadd.s32 s3, s5;
	[dreg:$0x0] =	wrdreg $0x0  }
0xa8: {  	s5 =	sshll.u32 s28, $0x1;
	[dreg:$0x2] =	wrdreg s3  }
0xa9: {  	[dreg:$0x3] =	wrdreg s5  }
0xaa: {  	[dreg:$0x4] =	wrdreg $0xC0  }
0xab: {  	_ =	task [dreg:s7], $0x5FFFF  }
0xac: {  	[dreg:$0x1] =	wrdreg $0xFFFFFFFF  }
0xad: {  	[dreg:$0x0] =	wrdreg $0x60  }
0xae: {  	[dreg:$0x2] =	wrdreg s24  }
0xaf: {  	[dreg:$0x3] =	wrdreg s2  }
0xb0: {  	[dreg:$0x4] =	wrdreg $0xA8000  }
0xb1: {  	[dreg:$0x5] =	wrdreg $0x9  }
0xb2: {  	_ =	task.clear_ibuf [dreg:s7], $0x6FFFF;
	_ =	strace $0x90000049  }
0xb3: {  	s29 =	simm.s32 $0x9;
	_ =	strace $0x8000004B  }
0xb4: {  	_ =	swait.ge [sflag:s29], $0x1  }
0xb5: {  	[sflag:s29] =	ssyncadd.s32 $0xFFFFFFFF  }
0xb6: {  	_ =	strace $0x9000004B  }
0xb7: {  	_ =	sfence  }
0xb8: {  	s30 =	sld [smem:$0x0];
	_ =	sdelay $0x2  }
0xb9: {  	s31 =	sshll.u32 s1, $0xD;
	s1 =	sshrl.u32 s1, $0x2  }
0xba: {  	s3 =	sand.u32 $0x4000, s31;
	s1 =	sadd.s32 s1, s30  }
0xbb: {  	s0 =	sor.u32 s3, s0;
	s1 =	sshll.u32 s1, $0x11  }
0xbc: {  	s0 =	sor.u32 s1, s0  }
0xbd: {  	s0 =	sadd.s32 $0x8F2B, s0  }
0xbe: {  	[sflag:s0] =	ssyncadd.remote.s32 $0x1  }
0xbf: {  	_ =	sfence.sel $0xFFFF  }
0xc0: {  	[dreg:$0x0] =	wrdreg $0xFFFFFFFF;
	(pc) =	sbr.abs _section_cstart, $3  }
0xc1: {  	[dreg:$0x1] =	wrdreg $0xFFFFFFFF  }
0xc2: {  	_ =	task.clear_ibuf [dreg:s7], $0x2FFFF;
	_ =	strace $0x9FFFFFFF  }
0xc3: {  	(tm) =	ssettm $0x7FFFFFFF  }
tec
execute0_lowered:
.L_overlay_start_1:
0x0: {  	(tag) =	ssettag $0x1  }
0x1: {  	s0 =	rddreg [dreg:$0x0]  }
0x2: {  	s2 =	rddreg [dreg:$0x1]  }
0x3: {  	s1 =	rddreg [dreg:$0x2];
	s3 =	simm.s32 $0x0  }
0x4: {  	s4 =	srdreg.scid;
	s8 =	stileid.u32;
	s22 =	simm.s32 $0x2  }
0x5: {  	s29 =	simm.s32 $0x0;
	[smem:$0x7FF] =	sst s3;
	s6 =	smul.u32 $0x50000, s8  }
0x6: {  	s10 =	sand.u32 $0x1, s4;
	s4 =	sadd.s32 $0xC800, s0;
	s13 =	smul.u32 $0x14000, s8  }
0x7: {  	s14 =	sadd.s32 $0x2800, s0;
	s0 =	sadd.s32 $0x84800, s0;
	_ =	strace $0x8000004A  }
0x8: {  	s5 =	ssub.s32 $0x2, s10;
	s25 =	sshll.u32 s10, $0x4;
	s20 =	smul.u32 $0x140000, s10  }
0x9: {  	s7 =	sshrl.u32 s5, $0x1;
	s6 =	sshrl.u32 s6, $0x2;
	s15 =	sadd.s32 $0x4000, s13  }
0xa: {  	s26 =	sor.u32 s8, s25;
	s16 =	sadd.s32 $0x8000, s13;
	s17 =	sadd.s32 $0xC000, s13  }
0xb: {  	s18 =	sadd.s32 $0x10000, s13;
	s25 =	simm.s32 $0x1;
	s19 =	ssub.s32 s5, s7  }
0xc: {  	s5 =	sadd.s32 s6, s1;
	s6 =	sadd.s32 s15, s1;
	s11 =	smul.u32 $0x2800, s26  }
0xd: {  	s7 =	sadd.s32 s16, s1;
	s8 =	sadd.s32 s17, s1;
	s9 =	sadd.s32 s18, s1  }
0xe: {  	s28 =	sadd.s32 s13, s20;
	s15 =	sadd.s32 s20, s15;
	s30 =	sadd.s32 s20, s16  }
0xf: {  	s17 =	sadd.s32 s20, s17;
	s18 =	sadd.s32 s20, s18;
	s20 =	simm.s32 $0x2800  }
0x10: {  	s15 =	sshrl.u32 s15, $0x3;
	s31 =	sshrl.u32 s17, $0x3;
	s18 =	sshrl.u32 s18, $0x3  }
0x11: {  	s19 =	smax.u32 s19, $0x1;
	s12 =	sshrl.u32 s11, $0x3;
	s15 =	sadd.s32 s0, s15  }
0x12: {  	s17 =	sadd.s32 s0, s31;
	s10 =	sadd.s32 s2, s12;
	s21 =	sadd.s32 $0x280, s12  }
0x13: {  	s11 =	sadd.s32 s14, s12;
	s12 =	sadd.s32 s2, s21;
	s2 =	sshrl.u32 s28, $0x3  }
0x14: {  	s13 =	sadd.s32 s14, s21;
	s14 =	sadd.s32 s0, s2;
	s2 =	sshrl.u32 s30, $0x3  }
0x15: {  	v0 =	vimm.f32 $0.0e+00;
	s18 =	sadd.s32 s0, s18;
	s21 =	simm.s32 $0x3;
	s16 =	sadd.s32 s0, s2  }
.LBB2_1:
0x16: {  	s0 =	simm.s32 $0x0;
	s2 =	simm.s32 $0x200  }
.LBB2_2:
0x17: {  	p0 =	sne.s32 s2, $0xFE00;
	[tilespmem:s0+$0x2870] =	vst v0  }
0x18: {  	[tilespmem:s0+$0x2800] =	vst v0  }
0x19: {  	[tilespmem:s0+$0x2810] =	vst v0  }
.Ltmp0:
0x1a: {  	[tilespmem:s0+$0x2820] =	vst v0;
	(pc) =	sbr.rel @p0 .LBB2_2-.Ltmp0, $4  }
0x1b: {  	[tilespmem:s0+$0x2830] =	vst v0  }
0x1c: {  	[tilespmem:s0+$0x2840] =	vst v0  }
0x1d: {  	[tilespmem:s0+$0x2850] =	vst v0  }
0x1e: {  	[tilespmem:s0+$0x2860] =	vst v0;
	s0 =	sshra.s32 s2, $0x2;
	s2 =	sadd.s32 $0x200, s2  }
0x1f: {  	[tilespmem:s0+$0x2870] =	vst v0  }
0x20: {  	[tilespmem:s0+$0x2800] =	vst v0  }
0x21: {  	[tilespmem:s0+$0x2810] =	vst v0  }
0x22: {  	[tilespmem:s0+$0x2820] =	vst v0  }
0x23: {  	[tilespmem:s0+$0x2830] =	vst v0  }
0x24: {  	[tilespmem:s0+$0x2840] =	vst v0  }
0x25: {  	[tilespmem:s0+$0x2850] =	vst v0  }
0x26: {  	[tilespmem:s0+$0x2860] =	vst v0  }
0x27: {  	[spmem:s5] =	stream.linear.scatter [tilespmem:s20], [sflag:$0x3], $0x4000, $0x38;
	[tilespmem:$0x1E800] =	vst v63  }
0x28: {  	_ =	swait.ge [sflag:s21], $0x4000  }
0x29: {  	[sflag:s21] =	ssyncset.done $0x0  }
0x2a: {  	[sflag:s21] =	ssyncadd.s32 $0xFFFFC000  }
0x2b: {  	[spmem:s6] =	stream.linear.scatter [tilespmem:s20], [sflag:$0x3], $0x4000, $0x38;
	[tilespmem:$0x1E800] =	vst v63  }
0x2c: {  	_ =	swait.ge [sflag:s21], $0x4000  }
0x2d: {  	[sflag:s21] =	ssyncset.done $0x0  }
0x2e: {  	[sflag:s21] =	ssyncadd.s32 $0xFFFFC000  }
0x2f: {  	[spmem:s7] =	stream.linear.scatter [tilespmem:s20], [sflag:$0x3], $0x4000, $0x38;
	[tilespmem:$0x1E800] =	vst v63  }
0x30: {  	_ =	swait.ge [sflag:s21], $0x4000  }
0x31: {  	[sflag:s21] =	ssyncset.done $0x0  }
0x32: {  	[sflag:s21] =	ssyncadd.s32 $0xFFFFC000  }
0x33: {  	[spmem:s8] =	stream.linear.scatter [tilespmem:s20], [sflag:$0x3], $0x4000, $0x38;
	[tilespmem:$0x1E800] =	vst v63  }
0x34: {  	_ =	swait.ge [sflag:s21], $0x4000  }
0x35: {  	[sflag:s21] =	ssyncset.done $0x0  }
0x36: {  	[sflag:s21] =	ssyncadd.s32 $0xFFFFC000  }
0x37: {  	[spmem:s9] =	stream.linear.scatter [tilespmem:s20], [sflag:$0x3], $0x4000, $0x38;
	[tilespmem:$0x1E800] =	vst v63  }
0x38: {  	_ =	swait.ge [sflag:s21], $0x4000  }
0x39: {  	[sflag:s21] =	ssyncset.done $0x0  }
0x3a: {  	[sflag:s21] =	ssyncadd.s32 $0xFFFFC000  }
0x3b: {  	s28 =	simm.s32 $0x0;
	[bflag:$0x0] =	sbarrier.arrive $0xFFFF  }
0x3c: {  	[tilespmem:s28], [sflag:$0x3] =	stream.linear.gather [hbm4b:s10+s28], $0x1400, $0x38;
	[tilespmem:$0x1E800] =	vst v63  }
0x3d: {  	_ =	swait.ge [sflag:s21], $0x1400  }
0x3e: {  	[sflag:s21] =	ssyncset.done $0x0  }
0x3f: {  	s23 =	simm.s32 $0x1400;
	[sflag:s21] =	ssyncadd.s32 $0xFFFFEC00  }
0x40: {  	[tilespmem:s23], [sflag:$0x3] =	stream.linear.gather [hbm4b:s11+s28], $0x1400, $0x38;
	[tilespmem:$0x1E800] =	vst v63  }
0x41: {  	_ =	swait.ge [sflag:s21], $0x1400  }
0x42: {  	s0 =	sand.u32 $0x1, s28;
	[sflag:s21] =	ssyncset.done $0x0  }
0x43: {  	s2 =	simm.s32 $0x80;
	p0 =	seq.s32 s0, $0x1;
	[sflag:s21] =	ssyncadd.s32 $0xFFFFEC00  }
0x44: {  	[tilespmem:s20], [sflag:$0x1] =	stream.indirect.gather [hbm4b:s4+s2], $0x80, s28, s2, $0xb8;
	[tilespmem:$0x1E800] =	vst v63  }
0x45: {  	s0 =	simm.s32 @p0 $0x80;
	s30 =	simm.s32 @p0 $0x2800;
	s31 =	simm.s32 @p0 $0x2  }
0x46: {  	[tilespmem:s30], [sflag:$0x1] =	stream.indirect.gather @p0 [hbm4b:s4+s0], $0x80, s2, s0, $0xb8;
	[tilespmem:$0x1E800] =	vst v63  }
0x47: {  	_ =	swait.ge @p0 [sflag:s31], $0x4000  }
0x48: {  	[sflag:s31] =	ssyncset.done @p0 $0x0  }
0x49: {  	s30 =	simm.s32 @p0 $0x6800;
	[sflag:s31] =	ssyncadd.s32 @p0 $0xFFFFC000  }
0x4a: {  	[spmem:s1] =	stream.indirect.scatter.add.f32 @p0 [tilespmem:s30], [sflag:$0x3], $0x80, s23, s0, $0xb8;
	[tilespmem:$0x1E800] =	vst v63  }
0x4b: {  	s31 =	simm.s32 @!p0 $0x1;
	s0 =	simm.s32 @!p0 $0x80;
	s30 =	simm.s32 @!p0 $0x6800  }
0x4c: {  	[tilespmem:s30], [sflag:$0x2] =	stream.indirect.gather @!p0 [hbm4b:s4+s0], $0x80, s2, s0, $0xb8;
	[tilespmem:$0x1E800] =	vst v63  }
0x4d: {  	_ =	swait.ge @!p0 [sflag:s31], $0x4000  }
0x4e: {  	s30 =	simm.s32 $0x1;
	s2 =	simm.s32 @!p0 $0x4;
	[sflag:s31] =	ssyncset.done @!p0 $0x0  }
0x4f: {  	s2 =	simm.s32 @p0 $0x3;
	[sflag:s31] =	ssyncadd.s32 @!p0 $0xFFFFC000;
	s31 =	simm.s32 @!p0 $0x2800  }
0x50: {  	[spmem:s1] =	stream.indirect.scatter.add.f32 @!p0 [tilespmem:s31], [sflag:$0x4], $0x80, s23, s0, $0xb8;
	[tilespmem:$0x1E800] =	vst v63  }
0x51: {  	s0 =	simm.s32 $0x2;
	s31 =	simm.s32 $0x100;
	_ =	swait.ge [sflag:s2], $0x4000  }
0x52: {  	s23 =	sand.u32 $0x1, s30;
	s30 =	simm.s32 $0x1480;
	[sflag:s2] =	ssyncset.done $0x0  }
.LBB2_4:
0x53: {  	p0 =	seq.s32 s23, $0x1  }
0x54: {  	[sflag:s2] =	ssyncadd.s32 $0xFFFFC000;
	s23 =	smov.u32 s0;
	s0 =	sadd.s32 $0x1, s0  }
0x55: {  	s24 =	simm.s32 @p0 $0x80;
	s2 =	simm.s32 @p0 $0x2800;
	s26 =	simm.s32 @p0 $0x2  }
0x56: {  	[tilespmem:s2], [sflag:$0x1] =	stream.indirect.gather @p0 [hbm4b:s4+s24], $0x80, s31, s24, $0xb8;
	[tilespmem:$0x1E800] =	vst v63  }
0x57: {  	p1 =	sne.s32 s0, $0x27;
	s2 =	simm.s32 @!p0 $0x4;
	_ =	swait.ge @p0 [sflag:s26], $0x4000  }
0x58: {  	[sflag:s26] =	ssyncset.done @p0 $0x0  }
0x59: {  	[sflag:s26] =	ssyncadd.s32 @p0 $0xFFFFC000;
	s26 =	simm.s32 @p0 $0x6800  }
0x5a: {  	[spmem:s1] =	stream.indirect.scatter.add.f32 @p0 [tilespmem:s26], [sflag:$0x3], $0x80, s30, s24, $0xb8;
	[tilespmem:$0x1E800] =	vst v63  }
0x5b: {  	s28 =	simm.s32 @!p0 $0x1;
	s24 =	simm.s32 @!p0 $0x80;
	s26 =	simm.s32 @!p0 $0x6800  }
0x5c: {  	[tilespmem:s26], [sflag:$0x2] =	stream.indirect.gather @!p0 [hbm4b:s4+s24], $0x80, s31, s24, $0xb8;
	[tilespmem:$0x1E800] =	vst v63  }
0x5d: {  	_ =	swait.ge @!p0 [sflag:s28], $0x4000  }
.Ltmp1:
0x5e: {  	[sflag:s28] =	ssyncset.done @!p0 $0x0;
	(pc) =	sbr.rel @p1 .LBB2_4-.Ltmp1, $4  }
0x5f: {  	s2 =	simm.s32 @p0 $0x3;
	s26 =	simm.s32 @!p0 $0x2800;
	[sflag:s28] =	ssyncadd.s32 @!p0 $0xFFFFC000  }
0x60: {  	[spmem:s1] =	stream.indirect.scatter.add.f32 @!p0 [tilespmem:s26], [sflag:$0x4], $0x80, s30, s24, $0xb8;
	[tilespmem:$0x1E800] =	vst v63  }
0x61: {  	s31 =	sadd.s32 $0x80, s31;
	_ =	swait.ge [sflag:s2], $0x4000  }
0x62: {  	s23 =	sand.u32 $0x1, s23;
	s30 =	sadd.s32 $0x80, s30;
	[sflag:s2] =	ssyncset.done $0x0  }
0x63: {  	p0 =	seq.s32 s23, $0x1;
	[sflag:s2] =	ssyncadd.s32 $0xFFFFC000  }
0x64: {  	s0 =	simm.s32 @p0 $0x80;
	s2 =	simm.s32 @p0 $0x2800;
	s23 =	simm.s32 @p0 $0x2  }
0x65: {  	[tilespmem:s2], [sflag:$0x1] =	stream.indirect.gather @p0 [hbm4b:s4+s0], $0x80, s31, s0, $0xb8;
	[tilespmem:$0x1E800] =	vst v63  }
0x66: {  	_ =	swait.ge @p0 [sflag:s23], $0x4000  }
0x67: {  	[sflag:s23] =	ssyncset.done @p0 $0x0  }
0x68: {  	s2 =	simm.s32 @p0 $0x6800;
	[sflag:s23] =	ssyncadd.s32 @p0 $0xFFFFC000  }
0x69: {  	[spmem:s1] =	stream.indirect.scatter.add.f32 @p0 [tilespmem:s2], [sflag:$0x3], $0x80, s30, s0, $0xb8;
	[tilespmem:$0x1E800] =	vst v63  }
0x6a: {  	s23 =	simm.s32 @!p0 $0x1;
	s0 =	simm.s32 @!p0 $0x80;
	s2 =	simm.s32 @!p0 $0x6800  }
0x6b: {  	[tilespmem:s2], [sflag:$0x2] =	stream.indirect.gather @!p0 [hbm4b:s4+s0], $0x80, s31, s0, $0xb8;
	[tilespmem:$0x1E800] =	vst v63  }
0x6c: {  	_ =	swait.ge @!p0 [sflag:s23], $0x4000  }
0x6d: {  	s2 =	simm.s32 @!p0 $0x4;
	[sflag:s23] =	ssyncset.done @!p0 $0x0  }
0x6e: {  	s2 =	simm.s32 @p0 $0x3;
	[sflag:s23] =	ssyncadd.s32 @!p0 $0xFFFFC000;
	s23 =	simm.s32 @!p0 $0x2800  }
0x6f: {  	[spmem:s1] =	stream.indirect.scatter.add.f32 @!p0 [tilespmem:s23], [sflag:$0x4], $0x80, s30, s0, $0xb8;
	[tilespmem:$0x1E800] =	vst v63  }
0x70: {  	_ =	swait.ge [sflag:s2], $0x4000  }
0x71: {  	[sflag:s2] =	ssyncset.done $0x0  }
0x72: {  	[sflag:s2] =	ssyncadd.s32 $0xFFFFC000  }
0x73: {  	_ =	swait.ge [sflag:s22], $0x4000  }
0x74: {  	s24 =	simm.s32 $0x2780;
	[sflag:s22] =	ssyncset.done $0x0  }
0x75: {  	s26 =	simm.s32 $0x6800;
	s0 =	simm.s32 $0x80;
	[sflag:s22] =	ssyncadd.s32 $0xFFFFC000  }
0x76: {  	[spmem:s1] =	stream.indirect.scatter.add.f32 [tilespmem:s26], [sflag:$0x3], $0x80, s24, s0, $0xb8;
	[tilespmem:$0x1E800] =	vst v63  }
0x77: {  	_ =	swait.ge [sflag:s21], $0x4000  }
0x78: {  	[sflag:s21] =	ssyncset.done $0x0  }
0x79: {  	s28 =	simm.s32 $0x0;
	[sflag:s21] =	ssyncadd.s32 $0xFFFFC000  }
0x7a: {  	[tilespmem:s28], [sflag:$0x3] =	stream.linear.gather [hbm4b:s12+s28], $0x1380, $0x38;
	[tilespmem:$0x1E800] =	vst v63  }
0x7b: {  	_ =	swait.ge [sflag:s21], $0x1380  }
0x7c: {  	[sflag:s21] =	ssyncset.done $0x0  }
0x7d: {  	s23 =	simm.s32 $0x1400;
	[sflag:s21] =	ssyncadd.s32 $0xFFFFEC80  }
0x7e: {  	[tilespmem:s23], [sflag:$0x3] =	stream.linear.gather [hbm4b:s13+s28], $0x1380, $0x38;
	[tilespmem:$0x1E800] =	vst v63  }
0x7f: {  	_ =	swait.ge [sflag:s21], $0x1380  }
0x80: {  	s2 =	sand.u32 $0x1, s28;
	[sflag:s21] =	ssyncset.done $0x0  }
0x81: {  	p0 =	seq.s32 s2, $0x1;
	[sflag:s21] =	ssyncadd.s32 $0xFFFFEC80  }
0x82: {  	[tilespmem:s20], [sflag:$0x1] =	stream.indirect.gather [hbm4b:s4+s0], $0x80, s28, s0, $0xb8;
	[tilespmem:$0x1E800] =	vst v63  }
0x83: {  	s2 =	simm.s32 @p0 $0x80;
	s24 =	simm.s32 @p0 $0x2800;
	s26 =	simm.s32 @p0 $0x2  }
0x84: {  	[tilespmem:s24], [sflag:$0x1] =	stream.indirect.gather @p0 [hbm4b:s4+s2], $0x80, s0, s2, $0xb8;
	[tilespmem:$0x1E800] =	vst v63  }
0x85: {  	_ =	swait.ge @p0 [sflag:s26], $0x4000  }
0x86: {  	[sflag:s26] =	ssyncset.done @p0 $0x0  }
0x87: {  	s24 =	simm.s32 @p0 $0x6800;
	[sflag:s26] =	ssyncadd.s32 @p0 $0xFFFFC000  }
0x88: {  	[spmem:s1] =	stream.indirect.scatter.add.f32 @p0 [tilespmem:s24], [sflag:$0x3], $0x80, s23, s2, $0xb8;
	[tilespmem:$0x1E800] =	vst v63  }
0x89: {  	s26 =	simm.s32 @!p0 $0x1;
	s24 =	simm.s32 @!p0 $0x80;
	s2 =	simm.s32 @!p0 $0x6800  }
0x8a: {  	[tilespmem:s2], [sflag:$0x2] =	stream.indirect.gather @!p0 [hbm4b:s4+s24], $0x80, s0, s24, $0xb8;
	[tilespmem:$0x1E800] =	vst v63  }
0x8b: {  	_ =	swait.ge @!p0 [sflag:s26], $0x4000  }
0x8c: {  	s31 =	simm.s32 $0x100;
	s2 =	simm.s32 @!p0 $0x4;
	[sflag:s26] =	ssyncset.done @!p0 $0x0  }
0x8d: {  	s0 =	simm.s32 @!p0 $0x2800;
	s2 =	simm.s32 @p0 $0x3;
	[sflag:s26] =	ssyncadd.s32 @!p0 $0xFFFFC000  }
0x8e: {  	[spmem:s1] =	stream.indirect.scatter.add.f32 @!p0 [tilespmem:s0], [sflag:$0x4], $0x80, s23, s24, $0xb8;
	[tilespmem:$0x1E800] =	vst v63  }
0x8f: {  	s30 =	simm.s32 $0x1480;
	s28 =	simm.s32 $0x1;
	_ =	swait.ge [sflag:s2], $0x4000  }
0x90: {  	s0 =	simm.s32 $0x2;
	s23 =	sand.u32 $0x1, s28;
	[sflag:s2] =	ssyncset.done $0x0  }
.LBB2_6:
0x91: {  	p0 =	seq.s32 s23, $0x1  }
0x92: {  	[sflag:s2] =	ssyncadd.s32 $0xFFFFC000;
	s23 =	smov.u32 s0;
	s0 =	sadd.s32 $0x1, s0  }
0x93: {  	s24 =	simm.s32 @p0 $0x80;
	s2 =	simm.s32 @p0 $0x2800;
	s26 =	simm.s32 @p0 $0x2  }
0x94: {  	[tilespmem:s2], [sflag:$0x1] =	stream.indirect.gather @p0 [hbm4b:s4+s24], $0x80, s31, s24, $0xb8;
	[tilespmem:$0x1E800] =	vst v63  }
0x95: {  	p1 =	sne.s32 s0, $0x26;
	s2 =	simm.s32 @!p0 $0x4;
	_ =	swait.ge @p0 [sflag:s26], $0x4000  }
0x96: {  	[sflag:s26] =	ssyncset.done @p0 $0x0  }
0x97: {  	[sflag:s26] =	ssyncadd.s32 @p0 $0xFFFFC000;
	s26 =	simm.s32 @p0 $0x6800  }
0x98: {  	[spmem:s1] =	stream.indirect.scatter.add.f32 @p0 [tilespmem:s26], [sflag:$0x3], $0x80, s30, s24, $0xb8;
	[tilespmem:$0x1E800] =	vst v63  }
0x99: {  	s28 =	simm.s32 @!p0 $0x1;
	s24 =	simm.s32 @!p0 $0x80;
	s26 =	simm.s32 @!p0 $0x6800  }
0x9a: {  	[tilespmem:s26], [sflag:$0x2] =	stream.indirect.gather @!p0 [hbm4b:s4+s24], $0x80, s31, s24, $0xb8;
	[tilespmem:$0x1E800] =	vst v63  }
0x9b: {  	_ =	swait.ge @!p0 [sflag:s28], $0x4000  }
.Ltmp2:
0x9c: {  	[sflag:s28] =	ssyncset.done @!p0 $0x0;
	(pc) =	sbr.rel @p1 .LBB2_6-.Ltmp2, $4  }
0x9d: {  	s2 =	simm.s32 @p0 $0x3;
	s26 =	simm.s32 @!p0 $0x2800;
	[sflag:s28] =	ssyncadd.s32 @!p0 $0xFFFFC000  }
0x9e: {  	[spmem:s1] =	stream.indirect.scatter.add.f32 @!p0 [tilespmem:s26], [sflag:$0x4], $0x80, s30, s24, $0xb8;
	[tilespmem:$0x1E800] =	vst v63  }
0x9f: {  	s31 =	sadd.s32 $0x80, s31;
	_ =	swait.ge [sflag:s2], $0x4000  }
0xa0: {  	s23 =	sand.u32 $0x1, s23;
	s30 =	sadd.s32 $0x80, s30;
	[sflag:s2] =	ssyncset.done $0x0  }
0xa1: {  	p0 =	seq.s32 s23, $0x1;
	[sflag:s2] =	ssyncadd.s32 $0xFFFFC000  }
0xa2: {  	s0 =	simm.s32 @p0 $0x80;
	s2 =	simm.s32 @p0 $0x2800;
	s23 =	simm.s32 @p0 $0x2  }
0xa3: {  	[tilespmem:s2], [sflag:$0x1] =	stream.indirect.gather @p0 [hbm4b:s4+s0], $0x80, s31, s0, $0xb8;
	[tilespmem:$0x1E800] =	vst v63  }
0xa4: {  	_ =	swait.ge @p0 [sflag:s23], $0x4000  }
0xa5: {  	[sflag:s23] =	ssyncset.done @p0 $0x0  }
0xa6: {  	s2 =	simm.s32 @p0 $0x6800;
	[sflag:s23] =	ssyncadd.s32 @p0 $0xFFFFC000  }
0xa7: {  	[spmem:s1] =	stream.indirect.scatter.add.f32 @p0 [tilespmem:s2], [sflag:$0x3], $0x80, s30, s0, $0xb8;
	[tilespmem:$0x1E800] =	vst v63  }
0xa8: {  	s23 =	simm.s32 @!p0 $0x1;
	s0 =	simm.s32 @!p0 $0x80;
	s2 =	simm.s32 @!p0 $0x6800  }
0xa9: {  	[tilespmem:s2], [sflag:$0x2] =	stream.indirect.gather @!p0 [hbm4b:s4+s0], $0x80, s31, s0, $0xb8;
	[tilespmem:$0x1E800] =	vst v63  }
0xaa: {  	_ =	swait.ge @!p0 [sflag:s23], $0x4000  }
0xab: {  	s2 =	simm.s32 @!p0 $0x4;
	[sflag:s23] =	ssyncset.done @!p0 $0x0  }
0xac: {  	s2 =	simm.s32 @p0 $0x3;
	[sflag:s23] =	ssyncadd.s32 @!p0 $0xFFFFC000;
	s23 =	simm.s32 @!p0 $0x2800  }
0xad: {  	[spmem:s1] =	stream.indirect.scatter.add.f32 @!p0 [tilespmem:s23], [sflag:$0x4], $0x80, s30, s0, $0xb8;
	[tilespmem:$0x1E800] =	vst v63  }
0xae: {  	_ =	swait.ge [sflag:s2], $0x4000  }
0xaf: {  	[sflag:s2] =	ssyncset.done $0x0  }
0xb0: {  	[sflag:s2] =	ssyncadd.s32 $0xFFFFC000  }
0xb1: {  	_ =	swait.ge [sflag:s25], $0x4000  }
0xb2: {  	[sflag:s25] =	ssyncset.done $0x0  }
0xb3: {  	s31 =	simm.s32 $0x2700;
	s30 =	simm.s32 $0x80;
	[sflag:s25] =	ssyncadd.s32 $0xFFFFC000  }
0xb4: {  	[spmem:s1] =	stream.indirect.scatter.add.f32 [tilespmem:s20], [sflag:$0x3], $0x80, s31, s30, $0xb8;
	[tilespmem:$0x1E800] =	vst v63  }
0xb5: {  	_ =	swait.ge [sflag:s21], $0x4000  }
0xb6: {  	[sflag:s21] =	ssyncset.done $0x0  }
0xb7: {  	[sflag:s21] =	ssyncadd.s32 $0xFFFFC000  }
0xb8: {  	[bflag:$0x0] =	sbarrier.arrive $0xFFFF  }
0xb9: {  	[tilespmem:s20], [sflag:$0x3] =	stream.linear.gather [spmem:s5], $0x4000, $0x38;
	[tilespmem:$0x1E800] =	vst v63  }
0xba: {  	_ =	swait.ge [sflag:s21], $0x4000  }
0xbb: {  	[sflag:s21] =	ssyncset.done $0x0  }
0xbc: {  	[sflag:s21] =	ssyncadd.s32 $0xFFFFC000  }
0xbd: {  	[hbm4b:s14+s3] =	stream.linear.scatter [tilespmem:s20], [sflag:$0x3], $0x4000, $0x38;
	[tilespmem:$0x1E800] =	vst v63  }
0xbe: {  	_ =	swait.ge [sflag:s21], $0x4000  }
0xbf: {  	[sflag:s21] =	ssyncset.done $0x0  }
0xc0: {  	[sflag:s21] =	ssyncadd.s32 $0xFFFFC000  }
0xc1: {  	[tilespmem:s20], [sflag:$0x3] =	stream.linear.gather [spmem:s6], $0x4000, $0x38;
	[tilespmem:$0x1E800] =	vst v63  }
0xc2: {  	_ =	swait.ge [sflag:s21], $0x4000  }
0xc3: {  	[sflag:s21] =	ssyncset.done $0x0  }
0xc4: {  	[sflag:s21] =	ssyncadd.s32 $0xFFFFC000  }
0xc5: {  	[hbm4b:s15+s3] =	stream.linear.scatter [tilespmem:s20], [sflag:$0x3], $0x4000, $0x38;
	[tilespmem:$0x1E800] =	vst v63  }
0xc6: {  	_ =	swait.ge [sflag:s21], $0x4000  }
0xc7: {  	[sflag:s21] =	ssyncset.done $0x0  }
0xc8: {  	[sflag:s21] =	ssyncadd.s32 $0xFFFFC000  }
0xc9: {  	[tilespmem:s20], [sflag:$0x3] =	stream.linear.gather [spmem:s7], $0x4000, $0x38;
	[tilespmem:$0x1E800] =	vst v63  }
0xca: {  	_ =	swait.ge [sflag:s21], $0x4000  }
0xcb: {  	[sflag:s21] =	ssyncset.done $0x0  }
0xcc: {  	[sflag:s21] =	ssyncadd.s32 $0xFFFFC000  }
0xcd: {  	[hbm4b:s16+s3] =	stream.linear.scatter [tilespmem:s20], [sflag:$0x3], $0x4000, $0x38;
	[tilespmem:$0x1E800] =	vst v63  }
0xce: {  	_ =	swait.ge [sflag:s21], $0x4000  }
0xcf: {  	[sflag:s21] =	ssyncset.done $0x0  }
0xd0: {  	[sflag:s21] =	ssyncadd.s32 $0xFFFFC000  }
0xd1: {  	[tilespmem:s20], [sflag:$0x3] =	stream.linear.gather [spmem:s8], $0x4000, $0x38;
	[tilespmem:$0x1E800] =	vst v63  }
0xd2: {  	_ =	swait.ge [sflag:s21], $0x4000  }
0xd3: {  	[sflag:s21] =	ssyncset.done $0x0  }
0xd4: {  	[sflag:s21] =	ssyncadd.s32 $0xFFFFC000  }
0xd5: {  	[hbm4b:s17+s3] =	stream.linear.scatter [tilespmem:s20], [sflag:$0x3], $0x4000, $0x38;
	[tilespmem:$0x1E800] =	vst v63  }
0xd6: {  	_ =	swait.ge [sflag:s21], $0x4000  }
0xd7: {  	[sflag:s21] =	ssyncset.done $0x0  }
0xd8: {  	[sflag:s21] =	ssyncadd.s32 $0xFFFFC000  }
0xd9: {  	[tilespmem:s20], [sflag:$0x3] =	stream.linear.gather [spmem:s9], $0x4000, $0x38;
	[tilespmem:$0x1E800] =	vst v63  }
0xda: {  	s29 =	sadd.s32 $0x1, s29;
	_ =	swait.ge [sflag:s21], $0x4000  }
0xdb: {  	p0 =	sne.s32 s29, s19;
	[sflag:s21] =	ssyncset.done $0x0  }
.Ltmp3:
0xdc: {  	[sflag:s21] =	ssyncadd.s32 $0xFFFFC000;
	(pc) =	sbr.rel @p0 .LBB2_1-.Ltmp3, $4  }
0xdd: {  	[hbm4b:s18+s3] =	stream.linear.scatter [tilespmem:s20], [sflag:$0x3], $0x4000, $0x38;
	[tilespmem:$0x1E800] =	vst v63  }
0xde: {  	_ =	swait.ge [sflag:s21], $0x4000  }
0xdf: {  	[sflag:s21] =	ssyncset.done $0x0  }
0xe0: {  	[sflag:s21] =	ssyncadd.s32 $0xFFFFC000  }
0xe1: {  	_ =	sfence.sel $0x180000  }
0xe2: {  	[bflag:$0x0] =	sbarrier.arrive $0xFFFF  }
0xe3: {  	_ =	strace $0x9000004A  }
0xe4: {  	s0 =	stileid.u32;
	[bflag:$0x2] =	sbarrier.arrive $0xFFFF  }
0xe5: {  	p0 =	sne.s32 s0, $0x0;
	s0 =	rddreg [dreg:$0x3]  }
0xe6: {  	s0 =	sadd.s32 @!p0 $0x100000, s0  }
0xe7: {  	[sflag:s0] =	ssyncadd.tile.s32 @!p0 $0x1;
	_ =	shalt  }
.Lfunc_end2:
_tile_overlayer_lowered:
.L_overlay_start_2:
0xe8: {  	(tag) =	ssettag $0x2  }
0xe9: {  	s0 =	rddreg [dreg:$0x0];
	s2 =	stileid.u32  }
0xea: {  	s1 =	rddreg [dreg:$0x1];
	p0 =	sne.s32 s2, $0x0  }
0xeb: {  	s3 =	rddreg [dreg:$0x2];
	[bflag:$0x3] =	sbarrier.arrive $0xFFFF;
	s2 =	simm.s32 @!p0 $0x1C03  }
0xec: {  	[timem:s3], [sflag:s2] =	dma.local @!p0 [hbm:s0], s1  }
0xed: {  	s0 =	simm.s32 @!p0 $0x3  }
0xee: {  	_ =	swait.ge @!p0 [sflag:s0], s1  }
0xef: {  	s1 =	ssub.s32 @!p0 $0x0, s1;
	[sflag:s0] =	ssyncset.done @!p0 $0x0  }
0xf0: {  	[sflag:s0] =	ssyncadd.s32 @!p0 s1  }
0xf1: {  	[bflag:$0x3] =	sbarrier.arrive $0xFFFF  }
0xf2: {  	_ =	shalt  }

// kernel: kernel.14.cloned.1.call-start
scs
__scs_entry_jumppad:
0x0: {  	(pc) =	sbr.rel $0x88, $3  }
0x1: {  	(tag) =	ssettag $0x0;
	lr =	simm.s32 $0x1  }
0x2: {  	[smem:$0x3F9B] =	sst lr;
	_ =	strace $0xD0000000  }
0x3: {  	_ = 	snop  }
0x4: {  	_ = 	snop  }
0x5: {  	_ = 	snop  }
0x6: {  	_ = 	snop  }
0x7: {  	_ = 	snop  }
__scs_overlays_trampoline_lowered:
0x8: {  	[smem:$0x3FAA] =	sst s0  }
0x9: {  	[smem:$0x3FAB] =	sst s1  }
0xa: {  	[smem:$0x3FAC] =	sst s2  }
0xb: {  	[smem:$0x3FAD] =	sst s3  }
0xc: {  	[smem:$0x3FAE] =	sst s4  }
0xd: {  	[smem:$0x3FAF] =	sst s5  }
0xe: {  	[smem:$0x3FB0] =	sst s6  }
0xf: {  	[smem:$0x3FB1] =	sst s7  }
0x10: {  	[smem:$0x3FB2] =	sst s8  }
0x11: {  	[smem:$0x3FB3] =	sst s9;
	s0 =	simm.s32 @!p0 $0x0  }
0x12: {  	s1 =	sld [smem:$0x3F99];
	s0 =	simm.s32 @p0 $0x1  }
0x13: {  	[smem:$0x3FB4] =	sst s0;
	s0 =	simm.s32 @!p1 $0x0  }
0x14: {  	s2 =	sld [smem:$0x3F98];
	s0 =	simm.s32 @p1 $0x1  }
0x15: {  	[smem:$0x3FB5] =	sst s0;
	s0 =	simm.s32 @!p2 $0x0  }
0x16: {  	s3 =	sld [smem:$0x3FDB];
	s0 =	simm.s32 @p2 $0x1  }
0x17: {  	s4 =	simm.s32 $0x1BF5;
	[smem:$0x3FB7] =	sst s0  }
0x18: {  	s0 =	sld [smem:$0x3F9A];
	_ =	swait.ge [sflag:s4], $0x0  }
0x19: {  	s7 =	sld [smem:$0x3F9B]  }
0x1a: {  	s8 =	sadd.s32 $0xFFFFE003, lr  }
0x1b: {  	s9 =	sadd.s32 $0xFFFFFEF7, lr;
	s5 =	simm.s32 $0xFFFFFFFF;
	p2 =	slt.u32 s8, $0xFFFFF086  }
0x1c: {  	p1 =	slt.u32 s9, $0xF7A;
	s5 =	simm.s32 @!p2 $0x0  }
0x1d: {  	s5 =	simm.s32 @p1 $0x1;
	p0 =	seq.s32 s7, s2  }
0x1e: {  	s7 =	smul.u32 @!p0 $0xF7A, s2;
	p2 =	seq.s32 @!p0 s5, $0x0  }
0x1f: {  	s9 =	smul.u32 $0xF7A, s1;
	s8 =	simm.s32 @!p0 $0x1BF5;
	p2 =	por !p2, p0  }
0x20: {  	[sflag:s8] =	ssyncset.s32 @!p0 $0xFFFFF086;
	s6 =	sadd.s32 @!p0 s3, s7;
	s7 =	simm.s32 @!p0 $0x108  }
0x21: {  	s3 =	sadd.s32 s3, s9;
	s6 =	sadd.s32 @!p0 $0x88, s6;
	s7 =	simm.s32 @p2 $0x1082  }
0x22: {  	[simem:s7], [sflag:s8] =	dma.local @!p0 [hbm:s6], $0xF7A  }
0x23: {  	s9 =	sor.u32 $0xD0000000, s2;
	s6 =	simm.s32 $0x108;
	_ =	swait.ge @!p0 [sflag:s8], $0x0  }
0x24: {  	s3 =	sadd.s32 $0x88, s3;
	s6 =	simm.s32 @!p1 $0x1082;
	[sflag:s4] =	ssyncset.s32 $0xFFFFF086  }
0x25: {  	[simem:s6], [sflag:s4] =	dma.local [hbm:s3], $0xF7A  }
0x26: {  	[smem:$0x3F9B] =	sst s1;
	(tag) =	ssettag s2;
	_ =	strace s9  }
0x27: {  	s1 =	sld [smem:$0x3FAB]  }
0x28: {  	s2 =	sld [smem:$0x3FAC]  }
0x29: {  	s4 =	sld [smem:$0x3FAE]  }
0x2a: {  	p0 =	seq.s32 s5, $0x0;
	s5 =	sld [smem:$0x3FAF]  }
0x2b: {  	s6 =	sld [smem:$0x3FB0]  }
0x2c: {  	s7 =	sld [smem:$0x3FB1]  }
0x2d: {  	s3 =	simm.s32 $0x108;
	s8 =	sld [smem:$0x3FB2]  }
0x2e: {  	s3 =	simm.s32 @!p0 $0x1082;
	s9 =	sld [smem:$0x3FB3]  }
0x2f: {  	lr =	sadd.s32 s0, s3;
	s0 =	sld [smem:$0x3FAA]  }
0x30: {  	s3 =	sld [smem:$0x3FAD]  }
0x31: {  	[smem:$0x3FB6] =	sst s10  }
0x32: {  	s10 =	sld [smem:$0x3FB4];
	_ =	sdelay $0x3  }
0x33: {  	p0 =	seq.s32 s10, $0x1;
	s10 =	sld [smem:$0x3FB6];
	_ =	sdelay $0x3  }
0x34: {  	[smem:$0x3FB6] =	sst s10  }
0x35: {  	s10 =	sld [smem:$0x3FB5];
	_ =	sdelay $0x3  }
0x36: {  	p1 =	seq.s32 s10, $0x1;
	s10 =	sld [smem:$0x3FB6];
	_ =	sdelay $0x3  }
0x37: {  	[smem:$0x3FB6] =	sst s10  }
0x38: {  	s10 =	sld [smem:$0x3FB7]  }
0x39: {  	_ = 	snop;
	(pc) =	sbr.ind lr, $3  }
0x3a: {  	_ = 	snop  }
0x3b: {  	_ = 	snop  }
0x3c: {  	p2 =	seq.s32 s10, $0x1;
	s10 =	sld [smem:$0x3FB6]  }
0x3d: {  	_ =	shalt  }
0x3e: {  	_ =	shalt  }
0x3f: {  	_ =	shalt  }
0x40: {  	_ =	shalt  }
0x41: {  	_ =	shalt  }
0x42: {  	_ =	shalt  }
0x43: {  	_ =	shalt  }
0x44: {  	_ =	shalt  }
0x45: {  	_ =	shalt  }
0x46: {  	_ =	shalt  }
0x47: {  	_ =	shalt  }
0x48: {  	_ =	shalt  }
0x49: {  	_ =	shalt  }
0x4a: {  	_ =	shalt  }
0x4b: {  	_ =	shalt  }
0x4c: {  	_ =	shalt  }
0x4d: {  	_ =	shalt  }
0x4e: {  	_ =	shalt  }
0x4f: {  	_ =	shalt  }
0x50: {  	_ =	shalt  }
0x51: {  	_ =	shalt  }
0x52: {  	_ =	shalt  }
0x53: {  	_ =	shalt  }
0x54: {  	_ =	shalt  }
0x55: {  	_ =	shalt  }
0x56: {  	_ =	shalt  }
0x57: {  	_ =	shalt  }
0x58: {  	_ =	shalt  }
0x59: {  	_ =	shalt  }
0x5a: {  	_ =	shalt  }
0x5b: {  	_ =	shalt  }
0x5c: {  	_ =	shalt  }
0x5d: {  	_ =	shalt  }
0x5e: {  	_ =	shalt  }
0x5f: {  	_ =	shalt  }
0x60: {  	_ =	shalt  }
0x61: {  	_ =	shalt  }
0x62: {  	_ =	shalt  }
0x63: {  	_ =	shalt  }
0x64: {  	_ =	shalt  }
0x65: {  	_ =	shalt  }
0x66: {  	_ =	shalt  }
0x67: {  	_ =	shalt  }
0x68: {  	_ =	shalt  }
0x69: {  	_ =	shalt  }
0x6a: {  	_ =	shalt  }
0x6b: {  	_ =	shalt  }
0x6c: {  	_ =	shalt  }
0x6d: {  	_ =	shalt  }
0x6e: {  	_ =	shalt  }
0x6f: {  	_ =	shalt  }
0x70: {  	_ =	shalt  }
0x71: {  	_ =	shalt  }
0x72: {  	_ =	shalt  }
0x73: {  	_ =	shalt  }
0x74: {  	_ =	shalt  }
0x75: {  	_ =	shalt  }
0x76: {  	_ =	shalt  }
0x77: {  	_ =	shalt  }
0x78: {  	_ =	shalt  }
0x79: {  	_ =	shalt  }
0x7a: {  	_ =	shalt  }
0x7b: {  	_ =	shalt  }
0x7c: {  	_ =	shalt  }
0x7d: {  	_ =	shalt  }
0x7e: {  	_ =	shalt  }
0x7f: {  	_ =	shalt  }
0x80: {  	_ =	shalt  }
0x81: {  	_ =	shalt  }
0x82: {  	_ =	shalt  }
0x83: {  	_ =	shalt  }
0x84: {  	_ =	shalt  }
0x85: {  	_ =	shalt  }
0x86: {  	_ =	shalt  }
0x87: {  	_ =	shalt  }
.Lfunc_end0:
.L_simem_size_0:
called_computation.2_lowered:
.L_overlay_start_0:
0x88: {  	s2 =	sld [smem:$0x3FD9]  }
0x89: {  	s3 =	sld [smem:$0x3FFE];
	_ =	sdelay $0x1  }
0x8a: {  	s1 =	srdreg.scid  }
0x8b: {  	s0 =	sand.u32 $0x1, s1  }
0x8c: {  	s17 =	sshll.u32 s0, $0xA;
	s2 =	sadd.s32 s3, s2  }
0x8d: {  	s2 =	sadd.s32 s2, s17  }
0x8e: {  	[smem:$0x3FC2] =	sst s2  }
0x8f: {  	_ = 	snop  }
0x90: {  	s2 =	sld [smem:$0x3FD0];
	(tm) =	ssettm $0x1  }
0x91: {  	s18 =	sld [smem:$0x3FFB];
	_ =	sdelay $0x3  }
0x92: {  	_ =	strace s18  }
0x93: {  	s3 =	sld [smem:$0x3FFC];
	_ =	sdelay $0x3  }
0x94: {  	_ =	strace s3  }
0x95: {  	s3 =	sld [smem:$0x3FFD];
	_ =	sdelay $0x3  }
0x96: {  	_ =	strace s3  }
0x97: {  	_ =	strace $0x8FFFFFFF  }
0x98: {  	s19 =	sld [smem:$0x3FDB];
	_ =	sdelay $0x1  }
0x99: {  	s4 =	simm.s32 $_scs_section_size  }
0x9a: {  	s5 =	simm.s32 $_size__tile_overlayer_lowered;
	s6 =	simm.s32 $_tile_overlayer_lowered  }
0x9b: {  	s22 =	simm.s32 $0x1BFF;
	s21 =	sshll.u32 s6, $0x1;
	s3 =	sadd.s32 s4, s19  }
0x9c: {  	s7 =	simm.s32 $0x0;
	s20 =	sshll.u32 s5, $0x1;
	s5 =	sadd.s32 s21, s3  }
0x9d: {  	[timem:s7], [sflag:s22] =	dma.local [hbm:s5], s20  }
0x9e: {  	_ =	swait.ge [sflag:s22], s20  }
0x9f: {  	s4 =	ssub.s32 $0x0, s20;
	[sflag:s22] =	ssyncset.done $0x0  }
0xa0: {  	[sflag:s22] =	ssyncadd.s32 s4;
	_ =	sdelay $0x1  }
0xa1: {  	s23 =	simm.s32 $0x1B8B  }
0xa2: {  	_ =	swait.ge [sflag:s23], $0x1  }
0xa3: {  	[sflag:s23] =	ssyncset.done $0x0  }
0xa4: {  	s25 =	simm.s32 $0x1B8E;
	s24 =	sld [smem:$0x3FFE];
	[sflag:s23] =	ssyncadd.s32 $0xFFFFFFFF  }
0xa5: {  	s26 =	simm.s32 $execute0_lowered;
	[smem:$0x3FD2] =	sst s25  }
0xa6: {  	s5 =	sshll.u32 s26, $0x1;
	_ =	strace $0x8000004C;
	[dreg:$0x1] =	wrdreg $0xFFFFFFFF  }
0xa7: {  	s28 =	simm.s32 $_size_execute0_lowered;
	s3 =	sadd.s32 s3, s5;
	[dreg:$0x0] =	wrdreg $0x0  }
0xa8: {  	s5 =	sshll.u32 s28, $0x1;
	[dreg:$0x2] =	wrdreg s3  }
0xa9: {  	[dreg:$0x3] =	wrdreg s5  }
0xaa: {  	[dreg:$0x4] =	wrdreg $0xC0  }
0xab: {  	_ =	task [dreg:s7], $0x5FFFF  }
0xac: {  	[dreg:$0x1] =	wrdreg $0xFFFFFFFF  }
0xad: {  	[dreg:$0x0] =	wrdreg $0x60  }
0xae: {  	[dreg:$0x2] =	wrdreg s24  }
0xaf: {  	[dreg:$0x3] =	wrdreg s2  }
0xb0: {  	[dreg:$0x4] =	wrdreg $0xA8000  }
0xb1: {  	[dreg:$0x5] =	wrdreg $0x9  }
0xb2: {  	_ =	task.clear_ibuf [dreg:s7], $0x6FFFF;
	_ =	strace $0x9000004C  }
0xb3: {  	s29 =	simm.s32 $0x9;
	_ =	strace $0x8000004E  }
0xb4: {  	_ =	swait.ge [sflag:s29], $0x1  }
0xb5: {  	[sflag:s29] =	ssyncadd.s32 $0xFFFFFFFF  }
0xb6: {  	_ =	strace $0x9000004E  }
0xb7: {  	_ =	sfence  }
0xb8: {  	s30 =	sld [smem:$0x0];
	_ =	sdelay $0x2  }
0xb9: {  	s31 =	sshll.u32 s1, $0xD;
	s1 =	sshrl.u32 s1, $0x2  }
0xba: {  	s3 =	sand.u32 $0x4000, s31;
	s1 =	sadd.s32 s1, s30  }
0xbb: {  	s0 =	sor.u32 s3, s0;
	s1 =	sshll.u32 s1, $0x11  }
0xbc: {  	s0 =	sor.u32 s1, s0  }
0xbd: {  	s0 =	sadd.s32 $0x8F2B, s0  }
0xbe: {  	[sflag:s0] =	ssyncadd.remote.s32 $0x1  }
0xbf: {  	_ =	sfence.sel $0xFFFF  }
0xc0: {  	[dreg:$0x0] =	wrdreg $0xFFFFFFFF;
	(pc) =	sbr.abs _section_cstart, $3  }
0xc1: {  	[dreg:$0x1] =	wrdreg $0xFFFFFFFF  }
0xc2: {  	_ =	task.clear_ibuf [dreg:s7], $0x2FFFF;
	_ =	strace $0x9FFFFFFF  }
0xc3: {  	(tm) =	ssettm $0x7FFFFFFF  }
tec
execute0_lowered:
.L_overlay_start_1:
0x0: {  	(tag) =	ssettag $0x1  }
0x1: {  	s0 =	rddreg [dreg:$0x0]  }
0x2: {  	s2 =	rddreg [dreg:$0x1]  }
0x3: {  	s1 =	rddreg [dreg:$0x2];
	s3 =	simm.s32 $0x0  }
0x4: {  	s4 =	srdreg.scid;
	s8 =	stileid.u32;
	s22 =	simm.s32 $0x2  }
0x5: {  	s29 =	simm.s32 $0x0;
	[smem:$0x7FF] =	sst s3;
	s6 =	smul.u32 $0x50000, s8  }
0x6: {  	s10 =	sand.u32 $0x1, s4;
	s4 =	sadd.s32 $0xC800, s0;
	s13 =	smul.u32 $0x14000, s8  }
0x7: {  	s14 =	sadd.s32 $0x2800, s0;
	s0 =	sadd.s32 $0x84800, s0;
	_ =	strace $0x8000004D  }
0x8: {  	s5 =	ssub.s32 $0x2, s10;
	s25 =	sshll.u32 s10, $0x4;
	s20 =	smul.u32 $0x140000, s10  }
0x9: {  	s7 =	sshrl.u32 s5, $0x1;
	s6 =	sshrl.u32 s6, $0x2;
	s15 =	sadd.s32 $0x4000, s13  }
0xa: {  	s26 =	sor.u32 s8, s25;
	s16 =	sadd.s32 $0x8000, s13;
	s17 =	sadd.s32 $0xC000, s13  }
0xb: {  	s18 =	sadd.s32 $0x10000, s13;
	s25 =	simm.s32 $0x1;
	s19 =	ssub.s32 s5, s7  }
0xc: {  	s5 =	sadd.s32 s6, s1;
	s6 =	sadd.s32 s15, s1;
	s11 =	smul.u32 $0x2800, s26  }
0xd: {  	s7 =	sadd.s32 s16, s1;
	s8 =	sadd.s32 s17, s1;
	s9 =	sadd.s32 s18, s1  }
0xe: {  	s28 =	sadd.s32 s13, s20;
	s15 =	sadd.s32 s20, s15;
	s30 =	sadd.s32 s20, s16  }
0xf: {  	s17 =	sadd.s32 s20, s17;
	s18 =	sadd.s32 s20, s18;
	s20 =	simm.s32 $0x2800  }
0x10: {  	s15 =	sshrl.u32 s15, $0x3;
	s31 =	sshrl.u32 s17, $0x3;
	s18 =	sshrl.u32 s18, $0x3  }
0x11: {  	s19 =	smax.u32 s19, $0x1;
	s12 =	sshrl.u32 s11, $0x3;
	s15 =	sadd.s32 s0, s15  }
0x12: {  	s17 =	sadd.s32 s0, s31;
	s10 =	sadd.s32 s2, s12;
	s21 =	sadd.s32 $0x280, s12  }
0x13: {  	s11 =	sadd.s32 s14, s12;
	s12 =	sadd.s32 s2, s21;
	s2 =	sshrl.u32 s28, $0x3  }
0x14: {  	s13 =	sadd.s32 s14, s21;
	s14 =	sadd.s32 s0, s2;
	s2 =	sshrl.u32 s30, $0x3  }
0x15: {  	v0 =	vimm.f32 $0.0e+00;
	s18 =	sadd.s32 s0, s18;
	s21 =	simm.s32 $0x3;
	s16 =	sadd.s32 s0, s2  }
.LBB2_1:
0x16: {  	s0 =	simm.s32 $0x0;
	s2 =	simm.s32 $0x200  }
.LBB2_2:
0x17: {  	p0 =	sne.s32 s2, $0xFE00;
	[tilespmem:s0+$0x2870] =	vst v0  }
0x18: {  	[tilespmem:s0+$0x2800] =	vst v0  }
0x19: {  	[tilespmem:s0+$0x2810] =	vst v0  }
.Ltmp0:
0x1a: {  	[tilespmem:s0+$0x2820] =	vst v0;
	(pc) =	sbr.rel @p0 .LBB2_2-.Ltmp0, $4  }
0x1b: {  	[tilespmem:s0+$0x2830] =	vst v0  }
0x1c: {  	[tilespmem:s0+$0x2840] =	vst v0  }
0x1d: {  	[tilespmem:s0+$0x2850] =	vst v0  }
0x1e: {  	[tilespmem:s0+$0x2860] =	vst v0;
	s0 =	sshra.s32 s2, $0x2;
	s2 =	sadd.s32 $0x200, s2  }
0x1f: {  	[tilespmem:s0+$0x2870] =	vst v0  }
0x20: {  	[tilespmem:s0+$0x2800] =	vst v0  }
0x21: {  	[tilespmem:s0+$0x2810] =	vst v0  }
0x22: {  	[tilespmem:s0+$0x2820] =	vst v0  }
0x23: {  	[tilespmem:s0+$0x2830] =	vst v0  }
0x24: {  	[tilespmem:s0+$0x2840] =	vst v0  }
0x25: {  	[tilespmem:s0+$0x2850] =	vst v0  }
0x26: {  	[tilespmem:s0+$0x2860] =	vst v0  }
0x27: {  	[spmem:s5] =	stream.linear.scatter [tilespmem:s20], [sflag:$0x3], $0x4000, $0x38;
	[tilespmem:$0x1E800] =	vst v63  }
0x28: {  	_ =	swait.ge [sflag:s21], $0x4000  }
0x29: {  	[sflag:s21] =	ssyncset.done $0x0  }
0x2a: {  	[sflag:s21] =	ssyncadd.s32 $0xFFFFC000  }
0x2b: {  	[spmem:s6] =	stream.linear.scatter [tilespmem:s20], [sflag:$0x3], $0x4000, $0x38;
	[tilespmem:$0x1E800] =	vst v63  }
0x2c: {  	_ =	swait.ge [sflag:s21], $0x4000  }
0x2d: {  	[sflag:s21] =	ssyncset.done $0x0  }
0x2e: {  	[sflag:s21] =	ssyncadd.s32 $0xFFFFC000  }
0x2f: {  	[spmem:s7] =	stream.linear.scatter [tilespmem:s20], [sflag:$0x3], $0x4000, $0x38;
	[tilespmem:$0x1E800] =	vst v63  }
0x30: {  	_ =	swait.ge [sflag:s21], $0x4000  }
0x31: {  	[sflag:s21] =	ssyncset.done $0x0  }
0x32: {  	[sflag:s21] =	ssyncadd.s32 $0xFFFFC000  }
0x33: {  	[spmem:s8] =	stream.linear.scatter [tilespmem:s20], [sflag:$0x3], $0x4000, $0x38;
	[tilespmem:$0x1E800] =	vst v63  }
0x34: {  	_ =	swait.ge [sflag:s21], $0x4000  }
0x35: {  	[sflag:s21] =	ssyncset.done $0x0  }
0x36: {  	[sflag:s21] =	ssyncadd.s32 $0xFFFFC000  }
0x37: {  	[spmem:s9] =	stream.linear.scatter [tilespmem:s20], [sflag:$0x3], $0x4000, $0x38;
	[tilespmem:$0x1E800] =	vst v63  }
0x38: {  	_ =	swait.ge [sflag:s21], $0x4000  }
0x39: {  	[sflag:s21] =	ssyncset.done $0x0  }
0x3a: {  	[sflag:s21] =	ssyncadd.s32 $0xFFFFC000  }
0x3b: {  	s28 =	simm.s32 $0x0;
	[bflag:$0x0] =	sbarrier.arrive $0xFFFF  }
0x3c: {  	[tilespmem:s28], [sflag:$0x3] =	stream.linear.gather [hbm4b:s10+s28], $0x1400, $0x38;
	[tilespmem:$0x1E800] =	vst v63  }
0x3d: {  	_ =	swait.ge [sflag:s21], $0x1400  }
0x3e: {  	[sflag:s21] =	ssyncset.done $0x0  }
0x3f: {  	s23 =	simm.s32 $0x1400;
	[sflag:s21] =	ssyncadd.s32 $0xFFFFEC00  }
0x40: {  	[tilespmem:s23], [sflag:$0x3] =	stream.linear.gather [hbm4b:s11+s28], $0x1400, $0x38;
	[tilespmem:$0x1E800] =	vst v63  }
0x41: {  	_ =	swait.ge [sflag:s21], $0x1400  }
0x42: {  	s0 =	sand.u32 $0x1, s28;
	[sflag:s21] =	ssyncset.done $0x0  }
0x43: {  	s2 =	simm.s32 $0x80;
	p0 =	seq.s32 s0, $0x1;
	[sflag:s21] =	ssyncadd.s32 $0xFFFFEC00  }
0x44: {  	[tilespmem:s20], [sflag:$0x1] =	stream.indirect.gather [hbm4b:s4+s2], $0x80, s28, s2, $0xb8;
	[tilespmem:$0x1E800] =	vst v63  }
0x45: {  	s0 =	simm.s32 @p0 $0x80;
	s30 =	simm.s32 @p0 $0x2800;
	s31 =	simm.s32 @p0 $0x2  }
0x46: {  	[tilespmem:s30], [sflag:$0x1] =	stream.indirect.gather @p0 [hbm4b:s4+s0], $0x80, s2, s0, $0xb8;
	[tilespmem:$0x1E800] =	vst v63  }
0x47: {  	_ =	swait.ge @p0 [sflag:s31], $0x4000  }
0x48: {  	[sflag:s31] =	ssyncset.done @p0 $0x0  }
0x49: {  	s30 =	simm.s32 @p0 $0x6800;
	[sflag:s31] =	ssyncadd.s32 @p0 $0xFFFFC000  }
0x4a: {  	[spmem:s1] =	stream.indirect.scatter.add.f32 @p0 [tilespmem:s30], [sflag:$0x3], $0x80, s23, s0, $0xb8;
	[tilespmem:$0x1E800] =	vst v63  }
0x4b: {  	s31 =	simm.s32 @!p0 $0x1;
	s0 =	simm.s32 @!p0 $0x80;
	s30 =	simm.s32 @!p0 $0x6800  }
0x4c: {  	[tilespmem:s30], [sflag:$0x2] =	stream.indirect.gather @!p0 [hbm4b:s4+s0], $0x80, s2, s0, $0xb8;
	[tilespmem:$0x1E800] =	vst v63  }
0x4d: {  	_ =	swait.ge @!p0 [sflag:s31], $0x4000  }
0x4e: {  	s30 =	simm.s32 $0x1;
	s2 =	simm.s32 @!p0 $0x4;
	[sflag:s31] =	ssyncset.done @!p0 $0x0  }
0x4f: {  	s2 =	simm.s32 @p0 $0x3;
	[sflag:s31] =	ssyncadd.s32 @!p0 $0xFFFFC000;
	s31 =	simm.s32 @!p0 $0x2800  }
0x50: {  	[spmem:s1] =	stream.indirect.scatter.add.f32 @!p0 [tilespmem:s31], [sflag:$0x4], $0x80, s23, s0, $0xb8;
	[tilespmem:$0x1E800] =	vst v63  }
0x51: {  	s0 =	simm.s32 $0x2;
	s31 =	simm.s32 $0x100;
	_ =	swait.ge [sflag:s2], $0x4000  }
0x52: {  	s23 =	sand.u32 $0x1, s30;
	s30 =	simm.s32 $0x1480;
	[sflag:s2] =	ssyncset.done $0x0  }
.LBB2_4:
0x53: {  	p0 =	seq.s32 s23, $0x1  }
0x54: {  	[sflag:s2] =	ssyncadd.s32 $0xFFFFC000;
	s23 =	smov.u32 s0;
	s0 =	sadd.s32 $0x1, s0  }
0x55: {  	s24 =	simm.s32 @p0 $0x80;
	s2 =	simm.s32 @p0 $0x2800;
	s26 =	simm.s32 @p0 $0x2  }
0x56: {  	[tilespmem:s2], [sflag:$0x1] =	stream.indirect.gather @p0 [hbm4b:s4+s24], $0x80, s31, s24, $0xb8;
	[tilespmem:$0x1E800] =	vst v63  }
0x57: {  	p1 =	sne.s32 s0, $0x27;
	s2 =	simm.s32 @!p0 $0x4;
	_ =	swait.ge @p0 [sflag:s26], $0x4000  }
0x58: {  	[sflag:s26] =	ssyncset.done @p0 $0x0  }
0x59: {  	[sflag:s26] =	ssyncadd.s32 @p0 $0xFFFFC000;
	s26 =	simm.s32 @p0 $0x6800  }
0x5a: {  	[spmem:s1] =	stream.indirect.scatter.add.f32 @p0 [tilespmem:s26], [sflag:$0x3], $0x80, s30, s24, $0xb8;
	[tilespmem:$0x1E800] =	vst v63  }
0x5b: {  	s28 =	simm.s32 @!p0 $0x1;
	s24 =	simm.s32 @!p0 $0x80;
	s26 =	simm.s32 @!p0 $0x6800  }
0x5c: {  	[tilespmem:s26], [sflag:$0x2] =	stream.indirect.gather @!p0 [hbm4b:s4+s24], $0x80, s31, s24, $0xb8;
	[tilespmem:$0x1E800] =	vst v63  }
0x5d: {  	_ =	swait.ge @!p0 [sflag:s28], $0x4000  }
.Ltmp1:
0x5e: {  	[sflag:s28] =	ssyncset.done @!p0 $0x0;
	(pc) =	sbr.rel @p1 .LBB2_4-.Ltmp1, $4  }
0x5f: {  	s2 =	simm.s32 @p0 $0x3;
	s26 =	simm.s32 @!p0 $0x2800;
	[sflag:s28] =	ssyncadd.s32 @!p0 $0xFFFFC000  }
0x60: {  	[spmem:s1] =	stream.indirect.scatter.add.f32 @!p0 [tilespmem:s26], [sflag:$0x4], $0x80, s30, s24, $0xb8;
	[tilespmem:$0x1E800] =	vst v63  }
0x61: {  	s31 =	sadd.s32 $0x80, s31;
	_ =	swait.ge [sflag:s2], $0x4000  }
0x62: {  	s23 =	sand.u32 $0x1, s23;
	s30 =	sadd.s32 $0x80, s30;
	[sflag:s2] =	ssyncset.done $0x0  }
0x63: {  	p0 =	seq.s32 s23, $0x1;
	[sflag:s2] =	ssyncadd.s32 $0xFFFFC000  }
0x64: {  	s0 =	simm.s32 @p0 $0x80;
	s2 =	simm.s32 @p0 $0x2800;
	s23 =	simm.s32 @p0 $0x2  }
0x65: {  	[tilespmem:s2], [sflag:$0x1] =	stream.indirect.gather @p0 [hbm4b:s4+s0], $0x80, s31, s0, $0xb8;
	[tilespmem:$0x1E800] =	vst v63  }
0x66: {  	_ =	swait.ge @p0 [sflag:s23], $0x4000  }
0x67: {  	[sflag:s23] =	ssyncset.done @p0 $0x0  }
0x68: {  	s2 =	simm.s32 @p0 $0x6800;
	[sflag:s23] =	ssyncadd.s32 @p0 $0xFFFFC000  }
0x69: {  	[spmem:s1] =	stream.indirect.scatter.add.f32 @p0 [tilespmem:s2], [sflag:$0x3], $0x80, s30, s0, $0xb8;
	[tilespmem:$0x1E800] =	vst v63  }
0x6a: {  	s23 =	simm.s32 @!p0 $0x1;
	s0 =	simm.s32 @!p0 $0x80;
	s2 =	simm.s32 @!p0 $0x6800  }
0x6b: {  	[tilespmem:s2], [sflag:$0x2] =	stream.indirect.gather @!p0 [hbm4b:s4+s0], $0x80, s31, s0, $0xb8;
	[tilespmem:$0x1E800] =	vst v63  }
0x6c: {  	_ =	swait.ge @!p0 [sflag:s23], $0x4000  }
0x6d: {  	s2 =	simm.s32 @!p0 $0x4;
	[sflag:s23] =	ssyncset.done @!p0 $0x0  }
0x6e: {  	s2 =	simm.s32 @p0 $0x3;
	[sflag:s23] =	ssyncadd.s32 @!p0 $0xFFFFC000;
	s23 =	simm.s32 @!p0 $0x2800  }
0x6f: {  	[spmem:s1] =	stream.indirect.scatter.add.f32 @!p0 [tilespmem:s23], [sflag:$0x4], $0x80, s30, s0, $0xb8;
	[tilespmem:$0x1E800] =	vst v63  }
0x70: {  	_ =	swait.ge [sflag:s2], $0x4000  }
0x71: {  	[sflag:s2] =	ssyncset.done $0x0  }
0x72: {  	[sflag:s2] =	ssyncadd.s32 $0xFFFFC000  }
0x73: {  	_ =	swait.ge [sflag:s22], $0x4000  }
0x74: {  	s24 =	simm.s32 $0x2780;
	[sflag:s22] =	ssyncset.done $0x0  }
0x75: {  	s26 =	simm.s32 $0x6800;
	s0 =	simm.s32 $0x80;
	[sflag:s22] =	ssyncadd.s32 $0xFFFFC000  }
0x76: {  	[spmem:s1] =	stream.indirect.scatter.add.f32 [tilespmem:s26], [sflag:$0x3], $0x80, s24, s0, $0xb8;
	[tilespmem:$0x1E800] =	vst v63  }
0x77: {  	_ =	swait.ge [sflag:s21], $0x4000  }
0x78: {  	[sflag:s21] =	ssyncset.done $0x0  }
0x79: {  	s28 =	simm.s32 $0x0;
	[sflag:s21] =	ssyncadd.s32 $0xFFFFC000  }
0x7a: {  	[tilespmem:s28], [sflag:$0x3] =	stream.linear.gather [hbm4b:s12+s28], $0x1380, $0x38;
	[tilespmem:$0x1E800] =	vst v63  }
0x7b: {  	_ =	swait.ge [sflag:s21], $0x1380  }
0x7c: {  	[sflag:s21] =	ssyncset.done $0x0  }
0x7d: {  	s23 =	simm.s32 $0x1400;
	[sflag:s21] =	ssyncadd.s32 $0xFFFFEC80  }
0x7e: {  	[tilespmem:s23], [sflag:$0x3] =	stream.linear.gather [hbm4b:s13+s28], $0x1380, $0x38;
	[tilespmem:$0x1E800] =	vst v63  }
0x7f: {  	_ =	swait.ge [sflag:s21], $0x1380  }
0x80: {  	s2 =	sand.u32 $0x1, s28;
	[sflag:s21] =	ssyncset.done $0x0  }
0x81: {  	p0 =	seq.s32 s2, $0x1;
	[sflag:s21] =	ssyncadd.s32 $0xFFFFEC80  }
0x82: {  	[tilespmem:s20], [sflag:$0x1] =	stream.indirect.gather [hbm4b:s4+s0], $0x80, s28, s0, $0xb8;
	[tilespmem:$0x1E800] =	vst v63  }
0x83: {  	s2 =	simm.s32 @p0 $0x80;
	s24 =	simm.s32 @p0 $0x2800;
	s26 =	simm.s32 @p0 $0x2  }
0x84: {  	[tilespmem:s24], [sflag:$0x1] =	stream.indirect.gather @p0 [hbm4b:s4+s2], $0x80, s0, s2, $0xb8;
	[tilespmem:$0x1E800] =	vst v63  }
0x85: {  	_ =	swait.ge @p0 [sflag:s26], $0x4000  }
0x86: {  	[sflag:s26] =	ssyncset.done @p0 $0x0  }
0x87: {  	s24 =	simm.s32 @p0 $0x6800;
	[sflag:s26] =	ssyncadd.s32 @p0 $0xFFFFC000  }
0x88: {  	[spmem:s1] =	stream.indirect.scatter.add.f32 @p0 [tilespmem:s24], [sflag:$0x3], $0x80, s23, s2, $0xb8;
	[tilespmem:$0x1E800] =	vst v63  }
0x89: {  	s26 =	simm.s32 @!p0 $0x1;
	s24 =	simm.s32 @!p0 $0x80;
	s2 =	simm.s32 @!p0 $0x6800  }
0x8a: {  	[tilespmem:s2], [sflag:$0x2] =	stream.indirect.gather @!p0 [hbm4b:s4+s24], $0x80, s0, s24, $0xb8;
	[tilespmem:$0x1E800] =	vst v63  }
0x8b: {  	_ =	swait.ge @!p0 [sflag:s26], $0x4000  }
0x8c: {  	s31 =	simm.s32 $0x100;
	s2 =	simm.s32 @!p0 $0x4;
	[sflag:s26] =	ssyncset.done @!p0 $0x0  }
0x8d: {  	s0 =	simm.s32 @!p0 $0x2800;
	s2 =	simm.s32 @p0 $0x3;
	[sflag:s26] =	ssyncadd.s32 @!p0 $0xFFFFC000  }
0x8e: {  	[spmem:s1] =	stream.indirect.scatter.add.f32 @!p0 [tilespmem:s0], [sflag:$0x4], $0x80, s23, s24, $0xb8;
	[tilespmem:$0x1E800] =	vst v63  }
0x8f: {  	s30 =	simm.s32 $0x1480;
	s28 =	simm.s32 $0x1;
	_ =	swait.ge [sflag:s2], $0x4000  }
0x90: {  	s0 =	simm.s32 $0x2;
	s23 =	sand.u32 $0x1, s28;
	[sflag:s2] =	ssyncset.done $0x0  }
.LBB2_6:
0x91: {  	p0 =	seq.s32 s23, $0x1  }
0x92: {  	[sflag:s2] =	ssyncadd.s32 $0xFFFFC000;
	s23 =	smov.u32 s0;
	s0 =	sadd.s32 $0x1, s0  }
0x93: {  	s24 =	simm.s32 @p0 $0x80;
	s2 =	simm.s32 @p0 $0x2800;
	s26 =	simm.s32 @p0 $0x2  }
0x94: {  	[tilespmem:s2], [sflag:$0x1] =	stream.indirect.gather @p0 [hbm4b:s4+s24], $0x80, s31, s24, $0xb8;
	[tilespmem:$0x1E800] =	vst v63  }
0x95: {  	p1 =	sne.s32 s0, $0x26;
	s2 =	simm.s32 @!p0 $0x4;
	_ =	swait.ge @p0 [sflag:s26], $0x4000  }
0x96: {  	[sflag:s26] =	ssyncset.done @p0 $0x0  }
0x97: {  	[sflag:s26] =	ssyncadd.s32 @p0 $0xFFFFC000;
	s26 =	simm.s32 @p0 $0x6800  }
0x98: {  	[spmem:s1] =	stream.indirect.scatter.add.f32 @p0 [tilespmem:s26], [sflag:$0x3], $0x80, s30, s24, $0xb8;
	[tilespmem:$0x1E800] =	vst v63  }
0x99: {  	s28 =	simm.s32 @!p0 $0x1;
	s24 =	simm.s32 @!p0 $0x80;
	s26 =	simm.s32 @!p0 $0x6800  }
0x9a: {  	[tilespmem:s26], [sflag:$0x2] =	stream.indirect.gather @!p0 [hbm4b:s4+s24], $0x80, s31, s24, $0xb8;
	[tilespmem:$0x1E800] =	vst v63  }
0x9b: {  	_ =	swait.ge @!p0 [sflag:s28], $0x4000  }
.Ltmp2:
0x9c: {  	[sflag:s28] =	ssyncset.done @!p0 $0x0;
	(pc) =	sbr.rel @p1 .LBB2_6-.Ltmp2, $4  }
0x9d: {  	s2 =	simm.s32 @p0 $0x3;
	s26 =	simm.s32 @!p0 $0x2800;
	[sflag:s28] =	ssyncadd.s32 @!p0 $0xFFFFC000  }
0x9e: {  	[spmem:s1] =	stream.indirect.scatter.add.f32 @!p0 [tilespmem:s26], [sflag:$0x4], $0x80, s30, s24, $0xb8;
	[tilespmem:$0x1E800] =	vst v63  }
0x9f: {  	s31 =	sadd.s32 $0x80, s31;
	_ =	swait.ge [sflag:s2], $0x4000  }
0xa0: {  	s23 =	sand.u32 $0x1, s23;
	s30 =	sadd.s32 $0x80, s30;
	[sflag:s2] =	ssyncset.done $0x0  }
0xa1: {  	p0 =	seq.s32 s23, $0x1;
	[sflag:s2] =	ssyncadd.s32 $0xFFFFC000  }
0xa2: {  	s0 =	simm.s32 @p0 $0x80;
	s2 =	simm.s32 @p0 $0x2800;
	s23 =	simm.s32 @p0 $0x2  }
0xa3: {  	[tilespmem:s2], [sflag:$0x1] =	stream.indirect.gather @p0 [hbm4b:s4+s0], $0x80, s31, s0, $0xb8;
	[tilespmem:$0x1E800] =	vst v63  }
0xa4: {  	_ =	swait.ge @p0 [sflag:s23], $0x4000  }
0xa5: {  	[sflag:s23] =	ssyncset.done @p0 $0x0  }
0xa6: {  	s2 =	simm.s32 @p0 $0x6800;
	[sflag:s23] =	ssyncadd.s32 @p0 $0xFFFFC000  }
0xa7: {  	[spmem:s1] =	stream.indirect.scatter.add.f32 @p0 [tilespmem:s2], [sflag:$0x3], $0x80, s30, s0, $0xb8;
	[tilespmem:$0x1E800] =	vst v63  }
0xa8: {  	s23 =	simm.s32 @!p0 $0x1;
	s0 =	simm.s32 @!p0 $0x80;
	s2 =	simm.s32 @!p0 $0x6800  }
0xa9: {  	[tilespmem:s2], [sflag:$0x2] =	stream.indirect.gather @!p0 [hbm4b:s4+s0], $0x80, s31, s0, $0xb8;
	[tilespmem:$0x1E800] =	vst v63  }
0xaa: {  	_ =	swait.ge @!p0 [sflag:s23], $0x4000  }
0xab: {  	s2 =	simm.s32 @!p0 $0x4;
	[sflag:s23] =	ssyncset.done @!p0 $0x0  }
0xac: {  	s2 =	simm.s32 @p0 $0x3;
	[sflag:s23] =	ssyncadd.s32 @!p0 $0xFFFFC000;
	s23 =	simm.s32 @!p0 $0x2800  }
0xad: {  	[spmem:s1] =	stream.indirect.scatter.add.f32 @!p0 [tilespmem:s23], [sflag:$0x4], $0x80, s30, s0, $0xb8;
	[tilespmem:$0x1E800] =	vst v63  }
0xae: {  	_ =	swait.ge [sflag:s2], $0x4000  }
0xaf: {  	[sflag:s2] =	ssyncset.done $0x0  }
0xb0: {  	[sflag:s2] =	ssyncadd.s32 $0xFFFFC000  }
0xb1: {  	_ =	swait.ge [sflag:s25], $0x4000  }
0xb2: {  	[sflag:s25] =	ssyncset.done $0x0  }
0xb3: {  	s31 =	simm.s32 $0x2700;
	s30 =	simm.s32 $0x80;
	[sflag:s25] =	ssyncadd.s32 $0xFFFFC000  }
0xb4: {  	[spmem:s1] =	stream.indirect.scatter.add.f32 [tilespmem:s20], [sflag:$0x3], $0x80, s31, s30, $0xb8;
	[tilespmem:$0x1E800] =	vst v63  }
0xb5: {  	_ =	swait.ge [sflag:s21], $0x4000  }
0xb6: {  	[sflag:s21] =	ssyncset.done $0x0  }
0xb7: {  	[sflag:s21] =	ssyncadd.s32 $0xFFFFC000  }
0xb8: {  	[bflag:$0x0] =	sbarrier.arrive $0xFFFF  }
0xb9: {  	[tilespmem:s20], [sflag:$0x3] =	stream.linear.gather [spmem:s5], $0x4000, $0x38;
	[tilespmem:$0x1E800] =	vst v63  }
0xba: {  	_ =	swait.ge [sflag:s21], $0x4000  }
0xbb: {  	[sflag:s21] =	ssyncset.done $0x0  }
0xbc: {  	[sflag:s21] =	ssyncadd.s32 $0xFFFFC000  }
0xbd: {  	[hbm4b:s14+s3] =	stream.linear.scatter [tilespmem:s20], [sflag:$0x3], $0x4000, $0x38;
	[tilespmem:$0x1E800] =	vst v63  }
0xbe: {  	_ =	swait.ge [sflag:s21], $0x4000  }
0xbf: {  	[sflag:s21] =	ssyncset.done $0x0  }
0xc0: {  	[sflag:s21] =	ssyncadd.s32 $0xFFFFC000  }
0xc1: {  	[tilespmem:s20], [sflag:$0x3] =	stream.linear.gather [spmem:s6], $0x4000, $0x38;
	[tilespmem:$0x1E800] =	vst v63  }
0xc2: {  	_ =	swait.ge [sflag:s21], $0x4000  }
0xc3: {  	[sflag:s21] =	ssyncset.done $0x0  }
0xc4: {  	[sflag:s21] =	ssyncadd.s32 $0xFFFFC000  }
0xc5: {  	[hbm4b:s15+s3] =	stream.linear.scatter [tilespmem:s20], [sflag:$0x3], $0x4000, $0x38;
	[tilespmem:$0x1E800] =	vst v63  }
0xc6: {  	_ =	swait.ge [sflag:s21], $0x4000  }
0xc7: {  	[sflag:s21] =	ssyncset.done $0x0  }
0xc8: {  	[sflag:s21] =	ssyncadd.s32 $0xFFFFC000  }
0xc9: {  	[tilespmem:s20], [sflag:$0x3] =	stream.linear.gather [spmem:s7], $0x4000, $0x38;
	[tilespmem:$0x1E800] =	vst v63  }
0xca: {  	_ =	swait.ge [sflag:s21], $0x4000  }
0xcb: {  	[sflag:s21] =	ssyncset.done $0x0  }
0xcc: {  	[sflag:s21] =	ssyncadd.s32 $0xFFFFC000  }
0xcd: {  	[hbm4b:s16+s3] =	stream.linear.scatter [tilespmem:s20], [sflag:$0x3], $0x4000, $0x38;
	[tilespmem:$0x1E800] =	vst v63  }
0xce: {  	_ =	swait.ge [sflag:s21], $0x4000  }
0xcf: {  	[sflag:s21] =	ssyncset.done $0x0  }
0xd0: {  	[sflag:s21] =	ssyncadd.s32 $0xFFFFC000  }
0xd1: {  	[tilespmem:s20], [sflag:$0x3] =	stream.linear.gather [spmem:s8], $0x4000, $0x38;
	[tilespmem:$0x1E800] =	vst v63  }
0xd2: {  	_ =	swait.ge [sflag:s21], $0x4000  }
0xd3: {  	[sflag:s21] =	ssyncset.done $0x0  }
0xd4: {  	[sflag:s21] =	ssyncadd.s32 $0xFFFFC000  }
0xd5: {  	[hbm4b:s17+s3] =	stream.linear.scatter [tilespmem:s20], [sflag:$0x3], $0x4000, $0x38;
	[tilespmem:$0x1E800] =	vst v63  }
0xd6: {  	_ =	swait.ge [sflag:s21], $0x4000  }
0xd7: {  	[sflag:s21] =	ssyncset.done $0x0  }
0xd8: {  	[sflag:s21] =	ssyncadd.s32 $0xFFFFC000  }
0xd9: {  	[tilespmem:s20], [sflag:$0x3] =	stream.linear.gather [spmem:s9], $0x4000, $0x38;
	[tilespmem:$0x1E800] =	vst v63  }
0xda: {  	s29 =	sadd.s32 $0x1, s29;
	_ =	swait.ge [sflag:s21], $0x4000  }
0xdb: {  	p0 =	sne.s32 s29, s19;
	[sflag:s21] =	ssyncset.done $0x0  }
.Ltmp3:
0xdc: {  	[sflag:s21] =	ssyncadd.s32 $0xFFFFC000;
	(pc) =	sbr.rel @p0 .LBB2_1-.Ltmp3, $4  }
0xdd: {  	[hbm4b:s18+s3] =	stream.linear.scatter [tilespmem:s20], [sflag:$0x3], $0x4000, $0x38;
	[tilespmem:$0x1E800] =	vst v63  }
0xde: {  	_ =	swait.ge [sflag:s21], $0x4000  }
0xdf: {  	[sflag:s21] =	ssyncset.done $0x0  }
0xe0: {  	[sflag:s21] =	ssyncadd.s32 $0xFFFFC000  }
0xe1: {  	_ =	sfence.sel $0x180000  }
0xe2: {  	[bflag:$0x0] =	sbarrier.arrive $0xFFFF  }
0xe3: {  	_ =	strace $0x9000004D  }
0xe4: {  	s0 =	stileid.u32;
	[bflag:$0x2] =	sbarrier.arrive $0xFFFF  }
0xe5: {  	p0 =	sne.s32 s0, $0x0;
	s0 =	rddreg [dreg:$0x3]  }
0xe6: {  	s0 =	sadd.s32 @!p0 $0x100000, s0  }
0xe7: {  	[sflag:s0] =	ssyncadd.tile.s32 @!p0 $0x1;
	_ =	shalt  }
.Lfunc_end2:
_tile_overlayer_lowered:
.L_overlay_start_2:
0xe8: {  	(tag) =	ssettag $0x2  }
0xe9: {  	s0 =	rddreg [dreg:$0x0];
	s2 =	stileid.u32  }
0xea: {  	s1 =	rddreg [dreg:$0x1];
	p0 =	sne.s32 s2, $0x0  }
0xeb: {  	s3 =	rddreg [dreg:$0x2];
	[bflag:$0x3] =	sbarrier.arrive $0xFFFF;
	s2 =	simm.s32 @!p0 $0x1C03  }
0xec: {  	[timem:s3], [sflag:s2] =	dma.local @!p0 [hbm:s0], s1  }
0xed: {  	s0 =	simm.s32 @!p0 $0x3  }
0xee: {  	_ =	swait.ge @!p0 [sflag:s0], s1  }
0xef: {  	s1 =	ssub.s32 @!p0 $0x0, s1;
	[sflag:s0] =	ssyncset.done @!p0 $0x0  }
0xf0: {  	[sflag:s0] =	ssyncadd.s32 @!p0 s1  }
0xf1: {  	[bflag:$0x3] =	sbarrier.arrive $0xFFFF  }
0xf2: {  	_ =	shalt  }

// kernel: kernel.8.cloned.1.call-start
scs
__scs_entry_jumppad:
0x0: {  	(pc) =	sbr.rel $0x88, $3  }
0x1: {  	(tag) =	ssettag $0x0;
	lr =	simm.s32 $0x1  }
0x2: {  	[smem:$0x3F9B] =	sst lr;
	_ =	strace $0xD0000000  }
0x3: {  	_ = 	snop  }
0x4: {  	_ = 	snop  }
0x5: {  	_ = 	snop  }
0x6: {  	_ = 	snop  }
0x7: {  	_ = 	snop  }
__scs_overlays_trampoline_lowered:
0x8: {  	[smem:$0x3FAA] =	sst s0  }
0x9: {  	[smem:$0x3FAB] =	sst s1  }
0xa: {  	[smem:$0x3FAC] =	sst s2  }
0xb: {  	[smem:$0x3FAD] =	sst s3  }
0xc: {  	[smem:$0x3FAE] =	sst s4  }
0xd: {  	[smem:$0x3FAF] =	sst s5  }
0xe: {  	[smem:$0x3FB0] =	sst s6  }
0xf: {  	[smem:$0x3FB1] =	sst s7  }
0x10: {  	[smem:$0x3FB2] =	sst s8  }
0x11: {  	[smem:$0x3FB3] =	sst s9;
	s0 =	simm.s32 @!p0 $0x0  }
0x12: {  	s1 =	sld [smem:$0x3F99];
	s0 =	simm.s32 @p0 $0x1  }
0x13: {  	[smem:$0x3FB4] =	sst s0;
	s0 =	simm.s32 @!p1 $0x0  }
0x14: {  	s2 =	sld [smem:$0x3F98];
	s0 =	simm.s32 @p1 $0x1  }
0x15: {  	[smem:$0x3FB5] =	sst s0;
	s0 =	simm.s32 @!p2 $0x0  }
0x16: {  	s3 =	sld [smem:$0x3FDB];
	s0 =	simm.s32 @p2 $0x1  }
0x17: {  	s4 =	simm.s32 $0x1BF5;
	[smem:$0x3FB7] =	sst s0  }
0x18: {  	s0 =	sld [smem:$0x3F9A];
	_ =	swait.ge [sflag:s4], $0x0  }
0x19: {  	s7 =	sld [smem:$0x3F9B]  }
0x1a: {  	s8 =	sadd.s32 $0xFFFFE003, lr  }
0x1b: {  	s9 =	sadd.s32 $0xFFFFFEF7, lr;
	s5 =	simm.s32 $0xFFFFFFFF;
	p2 =	slt.u32 s8, $0xFFFFF086  }
0x1c: {  	p1 =	slt.u32 s9, $0xF7A;
	s5 =	simm.s32 @!p2 $0x0  }
0x1d: {  	s5 =	simm.s32 @p1 $0x1;
	p0 =	seq.s32 s7, s2  }
0x1e: {  	s7 =	smul.u32 @!p0 $0xF7A, s2;
	p2 =	seq.s32 @!p0 s5, $0x0  }
0x1f: {  	s9 =	smul.u32 $0xF7A, s1;
	s8 =	simm.s32 @!p0 $0x1BF5;
	p2 =	por !p2, p0  }
0x20: {  	[sflag:s8] =	ssyncset.s32 @!p0 $0xFFFFF086;
	s6 =	sadd.s32 @!p0 s3, s7;
	s7 =	simm.s32 @!p0 $0x108  }
0x21: {  	s3 =	sadd.s32 s3, s9;
	s6 =	sadd.s32 @!p0 $0x88, s6;
	s7 =	simm.s32 @p2 $0x1082  }
0x22: {  	[simem:s7], [sflag:s8] =	dma.local @!p0 [hbm:s6], $0xF7A  }
0x23: {  	s9 =	sor.u32 $0xD0000000, s2;
	s6 =	simm.s32 $0x108;
	_ =	swait.ge @!p0 [sflag:s8], $0x0  }
0x24: {  	s3 =	sadd.s32 $0x88, s3;
	s6 =	simm.s32 @!p1 $0x1082;
	[sflag:s4] =	ssyncset.s32 $0xFFFFF086  }
0x25: {  	[simem:s6], [sflag:s4] =	dma.local [hbm:s3], $0xF7A  }
0x26: {  	[smem:$0x3F9B] =	sst s1;
	(tag) =	ssettag s2;
	_ =	strace s9  }
0x27: {  	s1 =	sld [smem:$0x3FAB]  }
0x28: {  	s2 =	sld [smem:$0x3FAC]  }
0x29: {  	s4 =	sld [smem:$0x3FAE]  }
0x2a: {  	p0 =	seq.s32 s5, $0x0;
	s5 =	sld [smem:$0x3FAF]  }
0x2b: {  	s6 =	sld [smem:$0x3FB0]  }
0x2c: {  	s7 =	sld [smem:$0x3FB1]  }
0x2d: {  	s3 =	simm.s32 $0x108;
	s8 =	sld [smem:$0x3FB2]  }
0x2e: {  	s3 =	simm.s32 @!p0 $0x1082;
	s9 =	sld [smem:$0x3FB3]  }
0x2f: {  	lr =	sadd.s32 s0, s3;
	s0 =	sld [smem:$0x3FAA]  }
0x30: {  	s3 =	sld [smem:$0x3FAD]  }
0x31: {  	[smem:$0x3FB6] =	sst s10  }
0x32: {  	s10 =	sld [smem:$0x3FB4];
	_ =	sdelay $0x3  }
0x33: {  	p0 =	seq.s32 s10, $0x1;
	s10 =	sld [smem:$0x3FB6];
	_ =	sdelay $0x3  }
0x34: {  	[smem:$0x3FB6] =	sst s10  }
0x35: {  	s10 =	sld [smem:$0x3FB5];
	_ =	sdelay $0x3  }
0x36: {  	p1 =	seq.s32 s10, $0x1;
	s10 =	sld [smem:$0x3FB6];
	_ =	sdelay $0x3  }
0x37: {  	[smem:$0x3FB6] =	sst s10  }
0x38: {  	s10 =	sld [smem:$0x3FB7]  }
0x39: {  	_ = 	snop;
	(pc) =	sbr.ind lr, $3  }
0x3a: {  	_ = 	snop  }
0x3b: {  	_ = 	snop  }
0x3c: {  	p2 =	seq.s32 s10, $0x1;
	s10 =	sld [smem:$0x3FB6]  }
0x3d: {  	_ =	shalt  }
0x3e: {  	_ =	shalt  }
0x3f: {  	_ =	shalt  }
0x40: {  	_ =	shalt  }
0x41: {  	_ =	shalt  }
0x42: {  	_ =	shalt  }
0x43: {  	_ =	shalt  }
0x44: {  	_ =	shalt  }
0x45: {  	_ =	shalt  }
0x46: {  	_ =	shalt  }
0x47: {  	_ =	shalt  }
0x48: {  	_ =	shalt  }
0x49: {  	_ =	shalt  }
0x4a: {  	_ =	shalt  }
0x4b: {  	_ =	shalt  }
0x4c: {  	_ =	shalt  }
0x4d: {  	_ =	shalt  }
0x4e: {  	_ =	shalt  }
0x4f: {  	_ =	shalt  }
0x50: {  	_ =	shalt  }
0x51: {  	_ =	shalt  }
0x52: {  	_ =	shalt  }
0x53: {  	_ =	shalt  }
0x54: {  	_ =	shalt  }
0x55: {  	_ =	shalt  }
0x56: {  	_ =	shalt  }
0x57: {  	_ =	shalt  }
0x58: {  	_ =	shalt  }
0x59: {  	_ =	shalt  }
0x5a: {  	_ =	shalt  }
0x5b: {  	_ =	shalt  }
0x5c: {  	_ =	shalt  }
0x5d: {  	_ =	shalt  }
0x5e: {  	_ =	shalt  }
0x5f: {  	_ =	shalt  }
0x60: {  	_ =	shalt  }
0x61: {  	_ =	shalt  }
0x62: {  	_ =	shalt  }
0x63: {  	_ =	shalt  }
0x64: {  	_ =	shalt  }
0x65: {  	_ =	shalt  }
0x66: {  	_ =	shalt  }
0x67: {  	_ =	shalt  }
0x68: {  	_ =	shalt  }
0x69: {  	_ =	shalt  }
0x6a: {  	_ =	shalt  }
0x6b: {  	_ =	shalt  }
0x6c: {  	_ =	shalt  }
0x6d: {  	_ =	shalt  }
0x6e: {  	_ =	shalt  }
0x6f: {  	_ =	shalt  }
0x70: {  	_ =	shalt  }
0x71: {  	_ =	shalt  }
0x72: {  	_ =	shalt  }
0x73: {  	_ =	shalt  }
0x74: {  	_ =	shalt  }
0x75: {  	_ =	shalt  }
0x76: {  	_ =	shalt  }
0x77: {  	_ =	shalt  }
0x78: {  	_ =	shalt  }
0x79: {  	_ =	shalt  }
0x7a: {  	_ =	shalt  }
0x7b: {  	_ =	shalt  }
0x7c: {  	_ =	shalt  }
0x7d: {  	_ =	shalt  }
0x7e: {  	_ =	shalt  }
0x7f: {  	_ =	shalt  }
0x80: {  	_ =	shalt  }
0x81: {  	_ =	shalt  }
0x82: {  	_ =	shalt  }
0x83: {  	_ =	shalt  }
0x84: {  	_ =	shalt  }
0x85: {  	_ =	shalt  }
0x86: {  	_ =	shalt  }
0x87: {  	_ =	shalt  }
.Lfunc_end0:
.L_simem_size_0:
called_computation_lowered:
.L_overlay_start_0:
0x88: {  	s2 =	sld [smem:$0x3FD9]  }
0x89: {  	s3 =	sld [smem:$0x3FFE];
	_ =	sdelay $0x1  }
0x8a: {  	s1 =	srdreg.scid  }
0x8b: {  	s0 =	sand.u32 $0x1, s1  }
0x8c: {  	s17 =	sshll.u32 s0, $0xA;
	s2 =	sadd.s32 s3, s2  }
0x8d: {  	s2 =	sadd.s32 s2, s17  }
0x8e: {  	[smem:$0x3FC2] =	sst s2  }
0x8f: {  	_ = 	snop  }
0x90: {  	s2 =	sld [smem:$0x3FD0];
	(tm) =	ssettm $0x1  }
0x91: {  	s18 =	sld [smem:$0x3FFB];
	_ =	sdelay $0x3  }
0x92: {  	_ =	strace s18  }
0x93: {  	s3 =	sld [smem:$0x3FFC];
	_ =	sdelay $0x3  }
0x94: {  	_ =	strace s3  }
0x95: {  	s3 =	sld [smem:$0x3FFD];
	_ =	sdelay $0x3  }
0x96: {  	_ =	strace s3  }
0x97: {  	_ =	strace $0x8FFFFFFF  }
0x98: {  	s19 =	sld [smem:$0x3FDB];
	_ =	sdelay $0x1  }
0x99: {  	s4 =	simm.s32 $_scs_section_size  }
0x9a: {  	s5 =	simm.s32 $_size__tile_overlayer_lowered;
	s6 =	simm.s32 $_tile_overlayer_lowered  }
0x9b: {  	s22 =	simm.s32 $0x1BFF;
	s21 =	sshll.u32 s6, $0x1;
	s3 =	sadd.s32 s4, s19  }
0x9c: {  	s7 =	simm.s32 $0x0;
	s20 =	sshll.u32 s5, $0x1;
	s5 =	sadd.s32 s21, s3  }
0x9d: {  	[timem:s7], [sflag:s22] =	dma.local [hbm:s5], s20  }
0x9e: {  	_ =	swait.ge [sflag:s22], s20  }
0x9f: {  	s4 =	ssub.s32 $0x0, s20;
	[sflag:s22] =	ssyncset.done $0x0  }
0xa0: {  	[sflag:s22] =	ssyncadd.s32 s4;
	_ =	sdelay $0x1  }
0xa1: {  	s23 =	simm.s32 $0x1B8B  }
0xa2: {  	_ =	swait.ge [sflag:s23], $0x1  }
0xa3: {  	[sflag:s23] =	ssyncset.done $0x0  }
0xa4: {  	s25 =	simm.s32 $0x1B8E;
	s24 =	sld [smem:$0x3FFE];
	[sflag:s23] =	ssyncadd.s32 $0xFFFFFFFF  }
0xa5: {  	s26 =	simm.s32 $execute0_lowered;
	[smem:$0x3FD2] =	sst s25  }
0xa6: {  	s5 =	sshll.u32 s26, $0x1;
	_ =	strace $0x80000046;
	[dreg:$0x1] =	wrdreg $0xFFFFFFFF  }
0xa7: {  	s28 =	simm.s32 $_size_execute0_lowered;
	s3 =	sadd.s32 s3, s5;
	[dreg:$0x0] =	wrdreg $0x0  }
0xa8: {  	s5 =	sshll.u32 s28, $0x1;
	[dreg:$0x2] =	wrdreg s3  }
0xa9: {  	[dreg:$0x3] =	wrdreg s5  }
0xaa: {  	[dreg:$0x4] =	wrdreg $0xC0  }
0xab: {  	_ =	task [dreg:s7], $0x5FFFF  }
0xac: {  	[dreg:$0x1] =	wrdreg $0xFFFFFFFF  }
0xad: {  	[dreg:$0x0] =	wrdreg $0x60  }
0xae: {  	[dreg:$0x2] =	wrdreg s24  }
0xaf: {  	[dreg:$0x3] =	wrdreg s2  }
0xb0: {  	[dreg:$0x4] =	wrdreg $0xA8000  }
0xb1: {  	[dreg:$0x5] =	wrdreg $0x9  }
0xb2: {  	_ =	task.clear_ibuf [dreg:s7], $0x6FFFF;
	_ =	strace $0x90000046  }
0xb3: {  	s29 =	simm.s32 $0x9;
	_ =	strace $0x80000048  }
0xb4: {  	_ =	swait.ge [sflag:s29], $0x1  }
0xb5: {  	[sflag:s29] =	ssyncadd.s32 $0xFFFFFFFF  }
0xb6: {  	_ =	strace $0x90000048  }
0xb7: {  	_ =	sfence  }
0xb8: {  	s30 =	sld [smem:$0x0];
	_ =	sdelay $0x2  }
0xb9: {  	s31 =	sshll.u32 s1, $0xD;
	s1 =	sshrl.u32 s1, $0x2  }
0xba: {  	s3 =	sand.u32 $0x4000, s31;
	s1 =	sadd.s32 s1, s30  }
0xbb: {  	s0 =	sor.u32 s3, s0;
	s1 =	sshll.u32 s1, $0x11  }
0xbc: {  	s0 =	sor.u32 s1, s0  }
0xbd: {  	s0 =	sadd.s32 $0x8F2B, s0  }
0xbe: {  	[sflag:s0] =	ssyncadd.remote.s32 $0x1  }
0xbf: {  	_ =	sfence.sel $0xFFFF  }
0xc0: {  	[dreg:$0x0] =	wrdreg $0xFFFFFFFF;
	(pc) =	sbr.abs _section_cstart, $3  }
0xc1: {  	[dreg:$0x1] =	wrdreg $0xFFFFFFFF  }
0xc2: {  	_ =	task.clear_ibuf [dreg:s7], $0x2FFFF;
	_ =	strace $0x9FFFFFFF  }
0xc3: {  	(tm) =	ssettm $0x7FFFFFFF  }
tec
execute0_lowered:
.L_overlay_start_1:
0x0: {  	(tag) =	ssettag $0x1  }
0x1: {  	s0 =	rddreg [dreg:$0x0]  }
0x2: {  	s2 =	rddreg [dreg:$0x1]  }
0x3: {  	s1 =	rddreg [dreg:$0x2];
	s3 =	simm.s32 $0x0  }
0x4: {  	s4 =	srdreg.scid;
	s8 =	stileid.u32;
	s22 =	simm.s32 $0x2  }
0x5: {  	s29 =	simm.s32 $0x0;
	[smem:$0x7FF] =	sst s3;
	s6 =	smul.u32 $0x50000, s8  }
0x6: {  	s10 =	sand.u32 $0x1, s4;
	s4 =	sadd.s32 $0xC800, s0;
	s13 =	smul.u32 $0x14000, s8  }
0x7: {  	s14 =	sadd.s32 $0x2800, s0;
	s0 =	sadd.s32 $0x34800, s0;
	_ =	strace $0x80000047  }
0x8: {  	s5 =	ssub.s32 $0x2, s10;
	s25 =	sshll.u32 s10, $0x4;
	s20 =	smul.u32 $0x140000, s10  }
0x9: {  	s7 =	sshrl.u32 s5, $0x1;
	s6 =	sshrl.u32 s6, $0x2;
	s15 =	sadd.s32 $0x4000, s13  }
0xa: {  	s26 =	sor.u32 s8, s25;
	s16 =	sadd.s32 $0x8000, s13;
	s17 =	sadd.s32 $0xC000, s13  }
0xb: {  	s18 =	sadd.s32 $0x10000, s13;
	s25 =	simm.s32 $0x1;
	s19 =	ssub.s32 s5, s7  }
0xc: {  	s5 =	sadd.s32 s6, s1;
	s6 =	sadd.s32 s15, s1;
	s11 =	smul.u32 $0x2800, s26  }
0xd: {  	s7 =	sadd.s32 s16, s1;
	s8 =	sadd.s32 s17, s1;
	s9 =	sadd.s32 s18, s1  }
0xe: {  	s28 =	sadd.s32 s13, s20;
	s15 =	sadd.s32 s20, s15;
	s30 =	sadd.s32 s20, s16  }
0xf: {  	s17 =	sadd.s32 s20, s17;
	s18 =	sadd.s32 s20, s18;
	s20 =	simm.s32 $0x2800  }
0x10: {  	s15 =	sshrl.u32 s15, $0x3;
	s31 =	sshrl.u32 s17, $0x3;
	s18 =	sshrl.u32 s18, $0x3  }
0x11: {  	s19 =	smax.u32 s19, $0x1;
	s12 =	sshrl.u32 s11, $0x3;
	s15 =	sadd.s32 s0, s15  }
0x12: {  	s17 =	sadd.s32 s0, s31;
	s10 =	sadd.s32 s2, s12;
	s21 =	sadd.s32 $0x280, s12  }
0x13: {  	s11 =	sadd.s32 s14, s12;
	s12 =	sadd.s32 s2, s21;
	s2 =	sshrl.u32 s28, $0x3  }
0x14: {  	s13 =	sadd.s32 s14, s21;
	s14 =	sadd.s32 s0, s2;
	s2 =	sshrl.u32 s30, $0x3  }
0x15: {  	v0 =	vimm.f32 $0.0e+00;
	s18 =	sadd.s32 s0, s18;
	s21 =	simm.s32 $0x3;
	s16 =	sadd.s32 s0, s2  }
.LBB2_1:
0x16: {  	s0 =	simm.s32 $0x0;
	s2 =	simm.s32 $0x200  }
.LBB2_2:
0x17: {  	p0 =	sne.s32 s2, $0xFE00;
	[tilespmem:s0+$0x2870] =	vst v0  }
0x18: {  	[tilespmem:s0+$0x2800] =	vst v0  }
0x19: {  	[tilespmem:s0+$0x2810] =	vst v0  }
.Ltmp0:
0x1a: {  	[tilespmem:s0+$0x2820] =	vst v0;
	(pc) =	sbr.rel @p0 .LBB2_2-.Ltmp0, $4  }
0x1b: {  	[tilespmem:s0+$0x2830] =	vst v0  }
0x1c: {  	[tilespmem:s0+$0x2840] =	vst v0  }
0x1d: {  	[tilespmem:s0+$0x2850] =	vst v0  }
0x1e: {  	[tilespmem:s0+$0x2860] =	vst v0;
	s0 =	sshra.s32 s2, $0x2;
	s2 =	sadd.s32 $0x200, s2  }
0x1f: {  	[tilespmem:s0+$0x2870] =	vst v0  }
0x20: {  	[tilespmem:s0+$0x2800] =	vst v0  }
0x21: {  	[tilespmem:s0+$0x2810] =	vst v0  }
0x22: {  	[tilespmem:s0+$0x2820] =	vst v0  }
0x23: {  	[tilespmem:s0+$0x2830] =	vst v0  }
0x24: {  	[tilespmem:s0+$0x2840] =	vst v0  }
0x25: {  	[tilespmem:s0+$0x2850] =	vst v0  }
0x26: {  	[tilespmem:s0+$0x2860] =	vst v0  }
0x27: {  	[spmem:s5] =	stream.linear.scatter [tilespmem:s20], [sflag:$0x3], $0x4000, $0x38;
	[tilespmem:$0x1E800] =	vst v63  }
0x28: {  	_ =	swait.ge [sflag:s21], $0x4000  }
0x29: {  	[sflag:s21] =	ssyncset.done $0x0  }
0x2a: {  	[sflag:s21] =	ssyncadd.s32 $0xFFFFC000  }
0x2b: {  	[spmem:s6] =	stream.linear.scatter [tilespmem:s20], [sflag:$0x3], $0x4000, $0x38;
	[tilespmem:$0x1E800] =	vst v63  }
0x2c: {  	_ =	swait.ge [sflag:s21], $0x4000  }
0x2d: {  	[sflag:s21] =	ssyncset.done $0x0  }
0x2e: {  	[sflag:s21] =	ssyncadd.s32 $0xFFFFC000  }
0x2f: {  	[spmem:s7] =	stream.linear.scatter [tilespmem:s20], [sflag:$0x3], $0x4000, $0x38;
	[tilespmem:$0x1E800] =	vst v63  }
0x30: {  	_ =	swait.ge [sflag:s21], $0x4000  }
0x31: {  	[sflag:s21] =	ssyncset.done $0x0  }
0x32: {  	[sflag:s21] =	ssyncadd.s32 $0xFFFFC000  }
0x33: {  	[spmem:s8] =	stream.linear.scatter [tilespmem:s20], [sflag:$0x3], $0x4000, $0x38;
	[tilespmem:$0x1E800] =	vst v63  }
0x34: {  	_ =	swait.ge [sflag:s21], $0x4000  }
0x35: {  	[sflag:s21] =	ssyncset.done $0x0  }
0x36: {  	[sflag:s21] =	ssyncadd.s32 $0xFFFFC000  }
0x37: {  	[spmem:s9] =	stream.linear.scatter [tilespmem:s20], [sflag:$0x3], $0x4000, $0x38;
	[tilespmem:$0x1E800] =	vst v63  }
0x38: {  	_ =	swait.ge [sflag:s21], $0x4000  }
0x39: {  	[sflag:s21] =	ssyncset.done $0x0  }
0x3a: {  	[sflag:s21] =	ssyncadd.s32 $0xFFFFC000  }
0x3b: {  	s28 =	simm.s32 $0x0;
	[bflag:$0x0] =	sbarrier.arrive $0xFFFF  }
0x3c: {  	[tilespmem:s28], [sflag:$0x3] =	stream.linear.gather [hbm4b:s10+s28], $0x1400, $0x38;
	[tilespmem:$0x1E800] =	vst v63  }
0x3d: {  	_ =	swait.ge [sflag:s21], $0x1400  }
0x3e: {  	[sflag:s21] =	ssyncset.done $0x0  }
0x3f: {  	s23 =	simm.s32 $0x1400;
	[sflag:s21] =	ssyncadd.s32 $0xFFFFEC00  }
0x40: {  	[tilespmem:s23], [sflag:$0x3] =	stream.linear.gather [hbm4b:s11+s28], $0x1400, $0x38;
	[tilespmem:$0x1E800] =	vst v63  }
0x41: {  	_ =	swait.ge [sflag:s21], $0x1400  }
0x42: {  	s0 =	sand.u32 $0x1, s28;
	[sflag:s21] =	ssyncset.done $0x0  }
0x43: {  	s2 =	simm.s32 $0x80;
	p0 =	seq.s32 s0, $0x1;
	[sflag:s21] =	ssyncadd.s32 $0xFFFFEC00  }
0x44: {  	[tilespmem:s20], [sflag:$0x1] =	stream.indirect.gather [hbm4b:s4+s2], $0x80, s28, s2, $0xb8;
	[tilespmem:$0x1E800] =	vst v63  }
0x45: {  	s0 =	simm.s32 @p0 $0x80;
	s30 =	simm.s32 @p0 $0x2800;
	s31 =	simm.s32 @p0 $0x2  }
0x46: {  	[tilespmem:s30], [sflag:$0x1] =	stream.indirect.gather @p0 [hbm4b:s4+s0], $0x80, s2, s0, $0xb8;
	[tilespmem:$0x1E800] =	vst v63  }
0x47: {  	_ =	swait.ge @p0 [sflag:s31], $0x4000  }
0x48: {  	[sflag:s31] =	ssyncset.done @p0 $0x0  }
0x49: {  	s30 =	simm.s32 @p0 $0x6800;
	[sflag:s31] =	ssyncadd.s32 @p0 $0xFFFFC000  }
0x4a: {  	[spmem:s1] =	stream.indirect.scatter.add.f32 @p0 [tilespmem:s30], [sflag:$0x3], $0x80, s23, s0, $0xb8;
	[tilespmem:$0x1E800] =	vst v63  }
0x4b: {  	s31 =	simm.s32 @!p0 $0x1;
	s0 =	simm.s32 @!p0 $0x80;
	s30 =	simm.s32 @!p0 $0x6800  }
0x4c: {  	[tilespmem:s30], [sflag:$0x2] =	stream.indirect.gather @!p0 [hbm4b:s4+s0], $0x80, s2, s0, $0xb8;
	[tilespmem:$0x1E800] =	vst v63  }
0x4d: {  	_ =	swait.ge @!p0 [sflag:s31], $0x4000  }
0x4e: {  	s30 =	simm.s32 $0x1;
	s2 =	simm.s32 @!p0 $0x4;
	[sflag:s31] =	ssyncset.done @!p0 $0x0  }
0x4f: {  	s2 =	simm.s32 @p0 $0x3;
	[sflag:s31] =	ssyncadd.s32 @!p0 $0xFFFFC000;
	s31 =	simm.s32 @!p0 $0x2800  }
0x50: {  	[spmem:s1] =	stream.indirect.scatter.add.f32 @!p0 [tilespmem:s31], [sflag:$0x4], $0x80, s23, s0, $0xb8;
	[tilespmem:$0x1E800] =	vst v63  }
0x51: {  	s0 =	simm.s32 $0x2;
	s31 =	simm.s32 $0x100;
	_ =	swait.ge [sflag:s2], $0x4000  }
0x52: {  	s23 =	sand.u32 $0x1, s30;
	s30 =	simm.s32 $0x1480;
	[sflag:s2] =	ssyncset.done $0x0  }
.LBB2_4:
0x53: {  	p0 =	seq.s32 s23, $0x1  }
0x54: {  	[sflag:s2] =	ssyncadd.s32 $0xFFFFC000;
	s23 =	smov.u32 s0;
	s0 =	sadd.s32 $0x1, s0  }
0x55: {  	s24 =	simm.s32 @p0 $0x80;
	s2 =	simm.s32 @p0 $0x2800;
	s26 =	simm.s32 @p0 $0x2  }
0x56: {  	[tilespmem:s2], [sflag:$0x1] =	stream.indirect.gather @p0 [hbm4b:s4+s24], $0x80, s31, s24, $0xb8;
	[tilespmem:$0x1E800] =	vst v63  }
0x57: {  	p1 =	sne.s32 s0, $0x27;
	s2 =	simm.s32 @!p0 $0x4;
	_ =	swait.ge @p0 [sflag:s26], $0x4000  }
0x58: {  	[sflag:s26] =	ssyncset.done @p0 $0x0  }
0x59: {  	[sflag:s26] =	ssyncadd.s32 @p0 $0xFFFFC000;
	s26 =	simm.s32 @p0 $0x6800  }
0x5a: {  	[spmem:s1] =	stream.indirect.scatter.add.f32 @p0 [tilespmem:s26], [sflag:$0x3], $0x80, s30, s24, $0xb8;
	[tilespmem:$0x1E800] =	vst v63  }
0x5b: {  	s28 =	simm.s32 @!p0 $0x1;
	s24 =	simm.s32 @!p0 $0x80;
	s26 =	simm.s32 @!p0 $0x6800  }
0x5c: {  	[tilespmem:s26], [sflag:$0x2] =	stream.indirect.gather @!p0 [hbm4b:s4+s24], $0x80, s31, s24, $0xb8;
	[tilespmem:$0x1E800] =	vst v63  }
0x5d: {  	_ =	swait.ge @!p0 [sflag:s28], $0x4000  }
.Ltmp1:
0x5e: {  	[sflag:s28] =	ssyncset.done @!p0 $0x0;
	(pc) =	sbr.rel @p1 .LBB2_4-.Ltmp1, $4  }
0x5f: {  	s2 =	simm.s32 @p0 $0x3;
	s26 =	simm.s32 @!p0 $0x2800;
	[sflag:s28] =	ssyncadd.s32 @!p0 $0xFFFFC000  }
0x60: {  	[spmem:s1] =	stream.indirect.scatter.add.f32 @!p0 [tilespmem:s26], [sflag:$0x4], $0x80, s30, s24, $0xb8;
	[tilespmem:$0x1E800] =	vst v63  }
0x61: {  	s31 =	sadd.s32 $0x80, s31;
	_ =	swait.ge [sflag:s2], $0x4000  }
0x62: {  	s23 =	sand.u32 $0x1, s23;
	s30 =	sadd.s32 $0x80, s30;
	[sflag:s2] =	ssyncset.done $0x0  }
0x63: {  	p0 =	seq.s32 s23, $0x1;
	[sflag:s2] =	ssyncadd.s32 $0xFFFFC000  }
0x64: {  	s0 =	simm.s32 @p0 $0x80;
	s2 =	simm.s32 @p0 $0x2800;
	s23 =	simm.s32 @p0 $0x2  }
0x65: {  	[tilespmem:s2], [sflag:$0x1] =	stream.indirect.gather @p0 [hbm4b:s4+s0], $0x80, s31, s0, $0xb8;
	[tilespmem:$0x1E800] =	vst v63  }
0x66: {  	_ =	swait.ge @p0 [sflag:s23], $0x4000  }
0x67: {  	[sflag:s23] =	ssyncset.done @p0 $0x0  }
0x68: {  	s2 =	simm.s32 @p0 $0x6800;
	[sflag:s23] =	ssyncadd.s32 @p0 $0xFFFFC000  }
0x69: {  	[spmem:s1] =	stream.indirect.scatter.add.f32 @p0 [tilespmem:s2], [sflag:$0x3], $0x80, s30, s0, $0xb8;
	[tilespmem:$0x1E800] =	vst v63  }
0x6a: {  	s23 =	simm.s32 @!p0 $0x1;
	s0 =	simm.s32 @!p0 $0x80;
	s2 =	simm.s32 @!p0 $0x6800  }
0x6b: {  	[tilespmem:s2], [sflag:$0x2] =	stream.indirect.gather @!p0 [hbm4b:s4+s0], $0x80, s31, s0, $0xb8;
	[tilespmem:$0x1E800] =	vst v63  }
0x6c: {  	_ =	swait.ge @!p0 [sflag:s23], $0x4000  }
0x6d: {  	s2 =	simm.s32 @!p0 $0x4;
	[sflag:s23] =	ssyncset.done @!p0 $0x0  }
0x6e: {  	s2 =	simm.s32 @p0 $0x3;
	[sflag:s23] =	ssyncadd.s32 @!p0 $0xFFFFC000;
	s23 =	simm.s32 @!p0 $0x2800  }
0x6f: {  	[spmem:s1] =	stream.indirect.scatter.add.f32 @!p0 [tilespmem:s23], [sflag:$0x4], $0x80, s30, s0, $0xb8;
	[tilespmem:$0x1E800] =	vst v63  }
0x70: {  	_ =	swait.ge [sflag:s2], $0x4000  }
0x71: {  	[sflag:s2] =	ssyncset.done $0x0  }
0x72: {  	[sflag:s2] =	ssyncadd.s32 $0xFFFFC000  }
0x73: {  	_ =	swait.ge [sflag:s22], $0x4000  }
0x74: {  	s24 =	simm.s32 $0x2780;
	[sflag:s22] =	ssyncset.done $0x0  }
0x75: {  	s26 =	simm.s32 $0x6800;
	s0 =	simm.s32 $0x80;
	[sflag:s22] =	ssyncadd.s32 $0xFFFFC000  }
0x76: {  	[spmem:s1] =	stream.indirect.scatter.add.f32 [tilespmem:s26], [sflag:$0x3], $0x80, s24, s0, $0xb8;
	[tilespmem:$0x1E800] =	vst v63  }
0x77: {  	_ =	swait.ge [sflag:s21], $0x4000  }
0x78: {  	[sflag:s21] =	ssyncset.done $0x0  }
0x79: {  	s28 =	simm.s32 $0x0;
	[sflag:s21] =	ssyncadd.s32 $0xFFFFC000  }
0x7a: {  	[tilespmem:s28], [sflag:$0x3] =	stream.linear.gather [hbm4b:s12+s28], $0x1380, $0x38;
	[tilespmem:$0x1E800] =	vst v63  }
0x7b: {  	_ =	swait.ge [sflag:s21], $0x1380  }
0x7c: {  	[sflag:s21] =	ssyncset.done $0x0  }
0x7d: {  	s23 =	simm.s32 $0x1400;
	[sflag:s21] =	ssyncadd.s32 $0xFFFFEC80  }
0x7e: {  	[tilespmem:s23], [sflag:$0x3] =	stream.linear.gather [hbm4b:s13+s28], $0x1380, $0x38;
	[tilespmem:$0x1E800] =	vst v63  }
0x7f: {  	_ =	swait.ge [sflag:s21], $0x1380  }
0x80: {  	s2 =	sand.u32 $0x1, s28;
	[sflag:s21] =	ssyncset.done $0x0  }
0x81: {  	p0 =	seq.s32 s2, $0x1;
	[sflag:s21] =	ssyncadd.s32 $0xFFFFEC80  }
0x82: {  	[tilespmem:s20], [sflag:$0x1] =	stream.indirect.gather [hbm4b:s4+s0], $0x80, s28, s0, $0xb8;
	[tilespmem:$0x1E800] =	vst v63  }
0x83: {  	s2 =	simm.s32 @p0 $0x80;
	s24 =	simm.s32 @p0 $0x2800;
	s26 =	simm.s32 @p0 $0x2  }
0x84: {  	[tilespmem:s24], [sflag:$0x1] =	stream.indirect.gather @p0 [hbm4b:s4+s2], $0x80, s0, s2, $0xb8;
	[tilespmem:$0x1E800] =	vst v63  }
0x85: {  	_ =	swait.ge @p0 [sflag:s26], $0x4000  }
0x86: {  	[sflag:s26] =	ssyncset.done @p0 $0x0  }
0x87: {  	s24 =	simm.s32 @p0 $0x6800;
	[sflag:s26] =	ssyncadd.s32 @p0 $0xFFFFC000  }
0x88: {  	[spmem:s1] =	stream.indirect.scatter.add.f32 @p0 [tilespmem:s24], [sflag:$0x3], $0x80, s23, s2, $0xb8;
	[tilespmem:$0x1E800] =	vst v63  }
0x89: {  	s26 =	simm.s32 @!p0 $0x1;
	s24 =	simm.s32 @!p0 $0x80;
	s2 =	simm.s32 @!p0 $0x6800  }
0x8a: {  	[tilespmem:s2], [sflag:$0x2] =	stream.indirect.gather @!p0 [hbm4b:s4+s24], $0x80, s0, s24, $0xb8;
	[tilespmem:$0x1E800] =	vst v63  }
0x8b: {  	_ =	swait.ge @!p0 [sflag:s26], $0x4000  }
0x8c: {  	s31 =	simm.s32 $0x100;
	s2 =	simm.s32 @!p0 $0x4;
	[sflag:s26] =	ssyncset.done @!p0 $0x0  }
0x8d: {  	s0 =	simm.s32 @!p0 $0x2800;
	s2 =	simm.s32 @p0 $0x3;
	[sflag:s26] =	ssyncadd.s32 @!p0 $0xFFFFC000  }
0x8e: {  	[spmem:s1] =	stream.indirect.scatter.add.f32 @!p0 [tilespmem:s0], [sflag:$0x4], $0x80, s23, s24, $0xb8;
	[tilespmem:$0x1E800] =	vst v63  }
0x8f: {  	s30 =	simm.s32 $0x1480;
	s28 =	simm.s32 $0x1;
	_ =	swait.ge [sflag:s2], $0x4000  }
0x90: {  	s0 =	simm.s32 $0x2;
	s23 =	sand.u32 $0x1, s28;
	[sflag:s2] =	ssyncset.done $0x0  }
.LBB2_6:
0x91: {  	p0 =	seq.s32 s23, $0x1  }
0x92: {  	[sflag:s2] =	ssyncadd.s32 $0xFFFFC000;
	s23 =	smov.u32 s0;
	s0 =	sadd.s32 $0x1, s0  }
0x93: {  	s24 =	simm.s32 @p0 $0x80;
	s2 =	simm.s32 @p0 $0x2800;
	s26 =	simm.s32 @p0 $0x2  }
0x94: {  	[tilespmem:s2], [sflag:$0x1] =	stream.indirect.gather @p0 [hbm4b:s4+s24], $0x80, s31, s24, $0xb8;
	[tilespmem:$0x1E800] =	vst v63  }
0x95: {  	p1 =	sne.s32 s0, $0x26;
	s2 =	simm.s32 @!p0 $0x4;
	_ =	swait.ge @p0 [sflag:s26], $0x4000  }
0x96: {  	[sflag:s26] =	ssyncset.done @p0 $0x0  }
0x97: {  	[sflag:s26] =	ssyncadd.s32 @p0 $0xFFFFC000;
	s26 =	simm.s32 @p0 $0x6800  }
0x98: {  	[spmem:s1] =	stream.indirect.scatter.add.f32 @p0 [tilespmem:s26], [sflag:$0x3], $0x80, s30, s24, $0xb8;
	[tilespmem:$0x1E800] =	vst v63  }
0x99: {  	s28 =	simm.s32 @!p0 $0x1;
	s24 =	simm.s32 @!p0 $0x80;
	s26 =	simm.s32 @!p0 $0x6800  }
0x9a: {  	[tilespmem:s26], [sflag:$0x2] =	stream.indirect.gather @!p0 [hbm4b:s4+s24], $0x80, s31, s24, $0xb8;
	[tilespmem:$0x1E800] =	vst v63  }
0x9b: {  	_ =	swait.ge @!p0 [sflag:s28], $0x4000  }
.Ltmp2:
0x9c: {  	[sflag:s28] =	ssyncset.done @!p0 $0x0;
	(pc) =	sbr.rel @p1 .LBB2_6-.Ltmp2, $4  }
0x9d: {  	s2 =	simm.s32 @p0 $0x3;
	s26 =	simm.s32 @!p0 $0x2800;
	[sflag:s28] =	ssyncadd.s32 @!p0 $0xFFFFC000  }
0x9e: {  	[spmem:s1] =	stream.indirect.scatter.add.f32 @!p0 [tilespmem:s26], [sflag:$0x4], $0x80, s30, s24, $0xb8;
	[tilespmem:$0x1E800] =	vst v63  }
0x9f: {  	s31 =	sadd.s32 $0x80, s31;
	_ =	swait.ge [sflag:s2], $0x4000  }
0xa0: {  	s23 =	sand.u32 $0x1, s23;
	s30 =	sadd.s32 $0x80, s30;
	[sflag:s2] =	ssyncset.done $0x0  }
0xa1: {  	p0 =	seq.s32 s23, $0x1;
	[sflag:s2] =	ssyncadd.s32 $0xFFFFC000  }
0xa2: {  	s0 =	simm.s32 @p0 $0x80;
	s2 =	simm.s32 @p0 $0x2800;
	s23 =	simm.s32 @p0 $0x2  }
0xa3: {  	[tilespmem:s2], [sflag:$0x1] =	stream.indirect.gather @p0 [hbm4b:s4+s0], $0x80, s31, s0, $0xb8;
	[tilespmem:$0x1E800] =	vst v63  }
0xa4: {  	_ =	swait.ge @p0 [sflag:s23], $0x4000  }
0xa5: {  	[sflag:s23] =	ssyncset.done @p0 $0x0  }
0xa6: {  	s2 =	simm.s32 @p0 $0x6800;
	[sflag:s23] =	ssyncadd.s32 @p0 $0xFFFFC000  }
0xa7: {  	[spmem:s1] =	stream.indirect.scatter.add.f32 @p0 [tilespmem:s2], [sflag:$0x3], $0x80, s30, s0, $0xb8;
	[tilespmem:$0x1E800] =	vst v63  }
0xa8: {  	s23 =	simm.s32 @!p0 $0x1;
	s0 =	simm.s32 @!p0 $0x80;
	s2 =	simm.s32 @!p0 $0x6800  }
0xa9: {  	[tilespmem:s2], [sflag:$0x2] =	stream.indirect.gather @!p0 [hbm4b:s4+s0], $0x80, s31, s0, $0xb8;
	[tilespmem:$0x1E800] =	vst v63  }
0xaa: {  	_ =	swait.ge @!p0 [sflag:s23], $0x4000  }
0xab: {  	s2 =	simm.s32 @!p0 $0x4;
	[sflag:s23] =	ssyncset.done @!p0 $0x0  }
0xac: {  	s2 =	simm.s32 @p0 $0x3;
	[sflag:s23] =	ssyncadd.s32 @!p0 $0xFFFFC000;
	s23 =	simm.s32 @!p0 $0x2800  }
0xad: {  	[spmem:s1] =	stream.indirect.scatter.add.f32 @!p0 [tilespmem:s23], [sflag:$0x4], $0x80, s30, s0, $0xb8;
	[tilespmem:$0x1E800] =	vst v63  }
0xae: {  	_ =	swait.ge [sflag:s2], $0x4000  }
0xaf: {  	[sflag:s2] =	ssyncset.done $0x0  }
0xb0: {  	[sflag:s2] =	ssyncadd.s32 $0xFFFFC000  }
0xb1: {  	_ =	swait.ge [sflag:s25], $0x4000  }
0xb2: {  	[sflag:s25] =	ssyncset.done $0x0  }
0xb3: {  	s31 =	simm.s32 $0x2700;
	s30 =	simm.s32 $0x80;
	[sflag:s25] =	ssyncadd.s32 $0xFFFFC000  }
0xb4: {  	[spmem:s1] =	stream.indirect.scatter.add.f32 [tilespmem:s20], [sflag:$0x3], $0x80, s31, s30, $0xb8;
	[tilespmem:$0x1E800] =	vst v63  }
0xb5: {  	_ =	swait.ge [sflag:s21], $0x4000  }
0xb6: {  	[sflag:s21] =	ssyncset.done $0x0  }
0xb7: {  	[sflag:s21] =	ssyncadd.s32 $0xFFFFC000  }
0xb8: {  	[bflag:$0x0] =	sbarrier.arrive $0xFFFF  }
0xb9: {  	[tilespmem:s20], [sflag:$0x3] =	stream.linear.gather [spmem:s5], $0x4000, $0x38;
	[tilespmem:$0x1E800] =	vst v63  }
0xba: {  	_ =	swait.ge [sflag:s21], $0x4000  }
0xbb: {  	[sflag:s21] =	ssyncset.done $0x0  }
0xbc: {  	[sflag:s21] =	ssyncadd.s32 $0xFFFFC000  }
0xbd: {  	[hbm4b:s14+s3] =	stream.linear.scatter [tilespmem:s20], [sflag:$0x3], $0x4000, $0x38;
	[tilespmem:$0x1E800] =	vst v63  }
0xbe: {  	_ =	swait.ge [sflag:s21], $0x4000  }
0xbf: {  	[sflag:s21] =	ssyncset.done $0x0  }
0xc0: {  	[sflag:s21] =	ssyncadd.s32 $0xFFFFC000  }
0xc1: {  	[tilespmem:s20], [sflag:$0x3] =	stream.linear.gather [spmem:s6], $0x4000, $0x38;
	[tilespmem:$0x1E800] =	vst v63  }
0xc2: {  	_ =	swait.ge [sflag:s21], $0x4000  }
0xc3: {  	[sflag:s21] =	ssyncset.done $0x0  }
0xc4: {  	[sflag:s21] =	ssyncadd.s32 $0xFFFFC000  }
0xc5: {  	[hbm4b:s15+s3] =	stream.linear.scatter [tilespmem:s20], [sflag:$0x3], $0x4000, $0x38;
	[tilespmem:$0x1E800] =	vst v63  }
0xc6: {  	_ =	swait.ge [sflag:s21], $0x4000  }
0xc7: {  	[sflag:s21] =	ssyncset.done $0x0  }
0xc8: {  	[sflag:s21] =	ssyncadd.s32 $0xFFFFC000  }
0xc9: {  	[tilespmem:s20], [sflag:$0x3] =	stream.linear.gather [spmem:s7], $0x4000, $0x38;
	[tilespmem:$0x1E800] =	vst v63  }
0xca: {  	_ =	swait.ge [sflag:s21], $0x4000  }
0xcb: {  	[sflag:s21] =	ssyncset.done $0x0  }
0xcc: {  	[sflag:s21] =	ssyncadd.s32 $0xFFFFC000  }
0xcd: {  	[hbm4b:s16+s3] =	stream.linear.scatter [tilespmem:s20], [sflag:$0x3], $0x4000, $0x38;
	[tilespmem:$0x1E800] =	vst v63  }
0xce: {  	_ =	swait.ge [sflag:s21], $0x4000  }
0xcf: {  	[sflag:s21] =	ssyncset.done $0x0  }
0xd0: {  	[sflag:s21] =	ssyncadd.s32 $0xFFFFC000  }
0xd1: {  	[tilespmem:s20], [sflag:$0x3] =	stream.linear.gather [spmem:s8], $0x4000, $0x38;
	[tilespmem:$0x1E800] =	vst v63  }
0xd2: {  	_ =	swait.ge [sflag:s21], $0x4000  }
0xd3: {  	[sflag:s21] =	ssyncset.done $0x0  }
0xd4: {  	[sflag:s21] =	ssyncadd.s32 $0xFFFFC000  }
0xd5: {  	[hbm4b:s17+s3] =	stream.linear.scatter [tilespmem:s20], [sflag:$0x3], $0x4000, $0x38;
	[tilespmem:$0x1E800] =	vst v63  }
0xd6: {  	_ =	swait.ge [sflag:s21], $0x4000  }
0xd7: {  	[sflag:s21] =	ssyncset.done $0x0  }
0xd8: {  	[sflag:s21] =	ssyncadd.s32 $0xFFFFC000  }
0xd9: {  	[tilespmem:s20], [sflag:$0x3] =	stream.linear.gather [spmem:s9], $0x4000, $0x38;
	[tilespmem:$0x1E800] =	vst v63  }
0xda: {  	s29 =	sadd.s32 $0x1, s29;
	_ =	swait.ge [sflag:s21], $0x4000  }
0xdb: {  	p0 =	sne.s32 s29, s19;
	[sflag:s21] =	ssyncset.done $0x0  }
.Ltmp3:
0xdc: {  	[sflag:s21] =	ssyncadd.s32 $0xFFFFC000;
	(pc) =	sbr.rel @p0 .LBB2_1-.Ltmp3, $4  }
0xdd: {  	[hbm4b:s18+s3] =	stream.linear.scatter [tilespmem:s20], [sflag:$0x3], $0x4000, $0x38;
	[tilespmem:$0x1E800] =	vst v63  }
0xde: {  	_ =	swait.ge [sflag:s21], $0x4000  }
0xdf: {  	[sflag:s21] =	ssyncset.done $0x0  }
0xe0: {  	[sflag:s21] =	ssyncadd.s32 $0xFFFFC000  }
0xe1: {  	_ =	sfence.sel $0x180000  }
0xe2: {  	[bflag:$0x0] =	sbarrier.arrive $0xFFFF  }
0xe3: {  	_ =	strace $0x90000047  }
0xe4: {  	s0 =	stileid.u32;
	[bflag:$0x2] =	sbarrier.arrive $0xFFFF  }
0xe5: {  	p0 =	sne.s32 s0, $0x0;
	s0 =	rddreg [dreg:$0x3]  }
0xe6: {  	s0 =	sadd.s32 @!p0 $0x100000, s0  }
0xe7: {  	[sflag:s0] =	ssyncadd.tile.s32 @!p0 $0x1;
	_ =	shalt  }
.Lfunc_end2:
_tile_overlayer_lowered:
.L_overlay_start_2:
0xe8: {  	(tag) =	ssettag $0x2  }
0xe9: {  	s0 =	rddreg [dreg:$0x0];
	s2 =	stileid.u32  }
0xea: {  	s1 =	rddreg [dreg:$0x1];
	p0 =	sne.s32 s2, $0x0  }
0xeb: {  	s3 =	rddreg [dreg:$0x2];
	[bflag:$0x3] =	sbarrier.arrive $0xFFFF;
	s2 =	simm.s32 @!p0 $0x1C03  }
0xec: {  	[timem:s3], [sflag:s2] =	dma.local @!p0 [hbm:s0], s1  }
0xed: {  	s0 =	simm.s32 @!p0 $0x3  }
0xee: {  	_ =	swait.ge @!p0 [sflag:s0], s1  }
0xef: {  	s1 =	ssub.s32 @!p0 $0x0, s1;
	[sflag:s0] =	ssyncset.done @!p0 $0x0  }
0xf0: {  	[sflag:s0] =	ssyncadd.s32 @!p0 s1  }
0xf1: {  	[bflag:$0x3] =	sbarrier.arrive $0xFFFF  }
0xf2: {  	_ =	shalt  }

</sc_bundles>
